<compile_context>
chip_gen: v7x
topology: tpu7x:2x2x1
jax: 0.10.2.dev20260603
libtpu: 0.0.44.dev20260713+nightly
codegen_flags: <defaults>
</compile_context>

<pallas_src>
import jax
import jax.numpy as jnp
from jax.experimental.compute_on import compute_on
from jax.experimental import pallas as pl
from jax.experimental.pallas import tpu as pltpu

N = 10000
E = 320000
D = 128
R = 16
NB = 5
K = 5000
H = 128
NL = 3
HALF = D // 2


def _dense_a_body(num_ref, den_ref, x_ref, root_ref, bias_ref, gamma_ref,
                  beta_ref, w1a, b1a, w2a, b2a, w1b, b1b, w2b, b2b,
                  w1c, b1c, w2c, b2c, p_ref, xc_ref, score_ref):
    num = num_ref[...]
    den = den_ref[...]
    x = x_ref[...]
    agg = num / (den + 1e-6)
    x_l1 = agg + jnp.dot(x, root_ref[...]) + bias_ref[...]
    mu = jnp.sum(x_l1.T, axis=0, keepdims=True).T * (1.0 / D)
    var = jnp.sum(((x_l1 - mu) ** 2).T, axis=0, keepdims=True).T * (1.0 / D)
    xn = (x_l1 - mu) / jnp.sqrt(var + 1e-5) * gamma_ref[...] + beta_ref[...]
    xr = jnp.maximum(xn, 0.0)

    layers = ((w1a, b1a, w2a, b2a), (w1b, b1b, w2b, b2b), (w1c, b1c, w2c, b2c))
    xcur = xr
    for i, (w1, b1, w2, b2) in enumerate(layers):
        x1 = xcur[:, :HALF]
        x2 = xcur[:, HALF:]
        cond, trans = (x1, x2) if i % 2 == 0 else (x2, x1)
        h = jnp.maximum(jnp.dot(cond, w1[...]) + b1[...], 0.0)
        st = jnp.dot(h, w2[...]) + b2[...]
        s = st[:, :HALF]
        t = st[:, HALF:]
        trans = trans * jnp.exp(jnp.tanh(s)) + t
        if i % 2 == 0:
            xcur = jnp.concatenate([cond, trans], axis=1)
        else:
            xcur = jnp.concatenate([trans, cond], axis=1)

    xc_ref[...] = xcur
    p = p_ref[...]
    pn = jnp.sqrt(jnp.sum(p * p)) + 1e-12
    score_ref[...] = jnp.dot(xcur, p.reshape(D, 1)) / pn


def _dense_a(num, den, x, params):
    cf = params['coupling_forward']
    args = [num, den.reshape(N, 1), x,
            params['rgcn_l1']['root'], params['rgcn_l1']['bias'].reshape(1, D),
            params['norm_l1']['gamma'].reshape(1, D),
            params['norm_l1']['beta'].reshape(1, D)]
    for lp in cf:
        args += [lp['W1'], lp['b1'].reshape(1, H), lp['W2'], lp['b2'].reshape(1, D)]
    args.append(params['pool_p'].reshape(1, D))
    xc, score = pl.pallas_call(
        _dense_a_body,
        out_shape=(jax.ShapeDtypeStruct((N, D), jnp.float32),
                   jax.ShapeDtypeStruct((N, 1), jnp.float32)),
    )(*args)
    return xc, score.reshape(N)


NPAD = 10240
_BI = 256


def _rank_body(sall_ref, sblk_ref, rank_ref):
    i = pl.program_id(0)
    s_all = sall_ref[...]
    si = sblk_ref[...]
    j_idx = jax.lax.broadcasted_iota(jnp.int32, (1, NPAD), 1)
    i_idx = i * _BI + jax.lax.broadcasted_iota(jnp.int32, (_BI, 1), 0)
    gt = (s_all > si).astype(jnp.float32)
    eq_lt = ((s_all == si) & (j_idx < i_idx)).astype(jnp.float32)
    cnt = jnp.sum(gt, axis=1, keepdims=True) + jnp.sum(eq_lt, axis=1, keepdims=True)
    rank_ref[...] = cnt.astype(jnp.int32)


def _topk_rank(score):
    spad = jnp.pad(score, (0, NPAD - N), constant_values=-jnp.inf)
    rank = pl.pallas_call(
        _rank_body,
        grid=(NPAD // _BI,),
        in_specs=[pl.BlockSpec((1, NPAD), lambda i: (0, 0)),
                  pl.BlockSpec((_BI, 1), lambda i: (i, 0))],
        out_specs=pl.BlockSpec((_BI, 1), lambda i: (i, 0)),
        out_shape=jax.ShapeDtypeStruct((NPAD, 1), jnp.int32),
    )(spad.reshape(1, NPAD), spad.reshape(NPAD, 1))
    return rank.reshape(NPAD)[:N]


def _xproj_body(x_ref, w_ref, out_ref):
    out_ref[0] = jnp.dot(x_ref[...], w_ref[0])


def _xproj(x, W):
    return pl.pallas_call(
        _xproj_body,
        grid=(R,),
        in_specs=[pl.BlockSpec((N, D), lambda r: (0, 0)),
                  pl.BlockSpec((1, D, D), lambda r: (r, 0, 0))],
        out_specs=pl.BlockSpec((1, N, D), lambda r: (r, 0, 0)),
        out_shape=jax.ShapeDtypeStruct((R, N, D), jnp.float32),
    )(x, W)


def kernel(x, edge_index, edge_type, edge_attr, params):
    p1 = params['rgcn_l1']
    W = jnp.einsum('rb,bio->rio', p1['comb'], p1['bases'])
    x_proj = _xproj(x, W)
    src, dst = edge_index[0], edge_index[1]
    msg = x_proj[edge_type, src]
    wmsg = msg * edge_attr[:, None]
    num = jax.ops.segment_sum(wmsg, dst, num_segments=N)
    den = jax.ops.segment_sum(edge_attr, dst, num_segments=N)

    x_coupled, score = _dense_a(num, den, x, params)

    rank = _topk_rank(score)
    perm_full = jnp.zeros((N,), jnp.int32).at[rank].set(jnp.arange(N, dtype=jnp.int32))
    perm = perm_full[:K]
    top_vals = score[perm]
    gate = jnp.tanh(top_vals)
    x_pool = x_coupled[perm] * gate[:, None]
    node_map = jnp.where(rank < K, rank, -1).astype(jnp.int32)
    src_m = node_map[edge_index[0]]
    dst_m = node_map[edge_index[1]]
    valid = (src_m >= 0) & (dst_m >= 0)
    ei_abs = jnp.stack([jnp.where(valid, src_m, 0), jnp.where(valid, dst_m, 0)])
    ea_abs = edge_attr * valid.astype(edge_attr.dtype)

    p2 = params['rgcn_l2']
    W2_0 = jnp.einsum('b,bio->io', p2['comb'][0], p2['bases'])
    y2 = x_pool @ W2_0
    with compute_on('tpu_sparsecore'):
        msg2 = jnp.take(y2, ei_abs[0], axis=0)
    wmsg2 = msg2 * ea_abs[:, None]
    num2 = jax.ops.segment_sum(wmsg2, ei_abs[1], num_segments=K)
    den2 = jax.ops.segment_sum(ea_abs, ei_abs[1], num_segments=K)
    agg2 = num2 / (den2[:, None] + 1e-6)
    x_abs = agg2 + x_pool @ p2['root'] + p2['bias']
    mu = jnp.mean(x_abs, -1, keepdims=True)
    var = jnp.var(x_abs, -1, keepdims=True)
    x_abs = (x_abs - mu) / jnp.sqrt(var + 1e-5) * params['norm_l2']['gamma'] + params['norm_l2']['beta']
    x_abs = jax.nn.relu(x_abs)
    return x_abs, ei_abs, ea_abs, perm, score

# --- scband reference (transcript-rebuilt; emitter-appended) ---
"""Pipeline reference for scband-nsmmodel-86577950752887 (READ-ONLY COPY).

The authoritative reference and input builder live on the scoring server;
editing this copy changes nothing except your own understanding.
"""

import jax, jax.numpy as jnp
import numpy as np

N = 10000
E = 320000
D = 128
R = 16
NB = 5
K = 5000
H = 128
NL = 3


def _init_params(key):
    ks = jax.random.split(key, 64)
    i = iter(range(64))
    def nrm(k, shape, scale):
        return jax.random.normal(k, shape, jnp.float32) * scale
    params = {}
    for name in ('rgcn_l1', 'rgcn_l2'):
        params[name] = {
            'bases': nrm(ks[next(i)], (NB, D, D), 1.0 / np.sqrt(D)),
            'comb': nrm(ks[next(i)], (R, NB), 1.0 / np.sqrt(NB)),
            'root': nrm(ks[next(i)], (D, D), 1.0 / np.sqrt(D)),
            'bias': jnp.zeros((D,), jnp.float32),
        }
    for name in ('norm_l1', 'norm_l2'):
        params[name] = {'gamma': jnp.ones((D,), jnp.float32), 'beta': jnp.zeros((D,), jnp.float32)}
    layers = []
    half = D // 2
    for _ in range(NL):
        layers.append({
            'W1': nrm(ks[next(i)], (half, H), 1.0 / np.sqrt(half)),
            'b1': jnp.zeros((H,), jnp.float32),
            'W2': nrm(ks[next(i)], (H, D), 0.1 / np.sqrt(H)),
            'b2': jnp.zeros((D,), jnp.float32),
        })
    params['coupling_forward'] = layers
    params['pool_p'] = nrm(ks[next(i)], (D,), 1.0 / np.sqrt(D))
    return params


def setup_inputs(seed: int = 0):
    key = jax.random.key(seed)
    kx, ke, kt, ka, kp = jax.random.split(key, 5)
    x = jax.random.normal(kx, (N, D), jnp.float32)
    edge_index = jax.random.randint(ke, (2, E), 0, N)
    edge_type = jax.random.randint(kt, (E,), 0, R)
    edge_attr = jax.random.uniform(ka, (E,), jnp.float32)
    params = _init_params(kp)
    return {'x': x, 'edge_index': edge_index, 'edge_type': edge_type, 'edge_attr': edge_attr, 'params': params}


def _rgcn(x, edge_index, edge_type, conf, p, num_nodes):
    # basis-decomposed R-GCN with confidence-weighted mean aggregation
    W = jnp.einsum('rb,bio->rio', p['comb'], p['bases'])
    x_proj = jnp.einsum('nd,rdo->rno', x, W)
    src, dst = edge_index[0], edge_index[1]
    msg = x_proj[edge_type, src]
    wmsg = msg * conf[:, None]
    num = jax.ops.segment_sum(wmsg, dst, num_segments=num_nodes)
    den = jax.ops.segment_sum(conf, dst, num_segments=num_nodes)
    agg = num / (den[:, None] + 1e-6)
    return agg + x @ p['root'] + p['bias']


def _layernorm(x, p):
    mu = jnp.mean(x, -1, keepdims=True)
    var = jnp.var(x, -1, keepdims=True)
    return (x - mu) / jnp.sqrt(var + 1e-5) * p['gamma'] + p['beta']


def _coupling_forward(x, layers):
    half = D // 2
    for i, lp in enumerate(layers):
        x1, x2 = x[:, :half], x[:, half:]
        cond, trans = (x1, x2) if i % 2 == 0 else (x2, x1)
        h = jax.nn.relu(cond @ lp['W1'] + lp['b1'])
        st = h @ lp['W2'] + lp['b2']
        s, t = st[:, :half], st[:, half:]
        trans = trans * jnp.exp(jnp.tanh(s)) + t
        x = jnp.concatenate([cond, trans], axis=1) if i % 2 == 0 else jnp.concatenate([trans, cond], axis=1)
    return x


def _forward(x, edge_attr, params, edge_index, edge_type):
    # WHY operation (forward with return_cycle_loss=False, eval mode: dropout = identity)
    x_l1 = _rgcn(x, edge_index, edge_type, edge_attr, params['rgcn_l1'], N)
    x_l1 = _layernorm(x_l1, params['norm_l1'])
    x_l1 = jax.nn.relu(x_l1)
    x_coupled = _coupling_forward(x_l1, params['coupling_forward'])
    p = params['pool_p']
    score = (x_coupled @ p) / (jnp.linalg.norm(p) + 1e-12)
    top_vals, perm = jax.lax.top_k(score, K)
    gate = jnp.tanh(top_vals)
    x_pool = x_coupled[perm] * gate[:, None]
    # static-shape edge filtering: remap kept nodes, zero confidence on dropped edges
    node_map = jnp.full((N,), -1, dtype=jnp.int32).at[perm].set(jnp.arange(K, dtype=jnp.int32))
    src_m = node_map[edge_index[0]]
    dst_m = node_map[edge_index[1]]
    valid = (src_m >= 0) & (dst_m >= 0)
    ei_abs = jnp.stack([jnp.where(valid, src_m, 0), jnp.where(valid, dst_m, 0)])
    ea_abs = edge_attr * valid.astype(edge_attr.dtype)
    et_abs = jnp.zeros((E,), dtype=jnp.int32)
    x_abs = _rgcn(x_pool, ei_abs, et_abs, ea_abs, params['rgcn_l2'], K)
    x_abs = _layernorm(x_abs, params['norm_l2'])
    x_abs = jax.nn.relu(x_abs)
    return x_abs, ei_abs, ea_abs, perm, score


def reference(x, edge_index, edge_type, edge_attr, params):
    return _forward(x, edge_attr, params, edge_index, edge_type)

if __name__ == "__main__":
    import jax
    _d = setup_inputs()
    print(jax.jit(kernel)(*tuple(_d.values())))

</pallas_src>

<mosaic_0001>
module attributes {stable_mosaic.version = 14 : i64} {
  func.func @_xproj_body(%arg0: i32, %arg1: memref<10000x128xf32, #tpu.memory_space<vmem>>, %arg2: memref<1x128x128xf32, #tpu.memory_space<vmem>>, %arg3: memref<1x10000x128xf32, #tpu.memory_space<vmem>>) attributes {dimension_semantics = [#tpu.dimension_semantics<arbitrary>], iteration_bounds = array<i64: 16>, scalar_prefetch = 0 : i64, scratch_operands = 0 : i64, tpu.core_type = #tpu.core_type<tc>, window_params = [{pipeline_mode = #tpu.pipeline_mode<synchronous>, transform_indices = @transform_0, window_bounds = array<i64: 10000, 128>}, {transform_indices = @transform_1, window_bounds = array<i64: 1, 128, 128>}, {transform_indices = @transform_2, window_bounds = array<i64: 1, 10000, 128>}]} {
    %get3A = arith.constant 0 : index
    %get3A_0 = arith.constant 0 : index
    %get3A_1 = vector.load %arg1[%get3A, %get3A_0] : memref<10000x128xf32, #tpu.memory_space<vmem>>, vector<10000x128xf32>
    %get3A_2 = arith.constant 0 : index
    %get3A_3 = arith.constant 0 : index
    %get3A_4 = arith.constant 0 : index
    %get3A_5 = vector.load %arg2[%get3A_2, %get3A_3, %get3A_4] : memref<1x128x128xf32, #tpu.memory_space<vmem>>, vector<1x128x128xf32>
    %get3A_6 = vector.shape_cast %get3A_5 : vector<1x128x128xf32> to vector<128x128xf32>
    %dot_general3A = arith.constant dense<0.000000e+00> : vector<10000x128xf32>
    %dot_general3A_7 = tpu.matmul %get3A_1, %get3A_6, %dot_general3A {dimension_numbers = #tpu.dot_dimension_numbers<[1], [0], [0], [1], [0, 0, 1, 1], [], []>, transpose_lhs_hint = false} : vector<10000x128xf32>, vector<128x128xf32>, vector<10000x128xf32> -> vector<10000x128xf32>
    %swap3A = arith.constant 0 : index
    %swap3A_8 = arith.constant 0 : index
    %swap3A_9 = arith.constant 0 : index
    %swap3A_10 = vector.load %arg3[%swap3A, %swap3A_8, %swap3A_9] : memref<1x10000x128xf32, #tpu.memory_space<vmem>>, vector<1x10000x128xf32>
    %swap3A_11 = vector.shape_cast %swap3A_10 : vector<1x10000x128xf32> to vector<10000x128xf32>
    %swap3A_12 = vector.shape_cast %dot_general3A_7 : vector<10000x128xf32> to vector<1x10000x128xf32>
    tpu.vector_store %arg3[%swap3A, %swap3A_8, %swap3A_9], %swap3A_12 {strides = array<i32>} : memref<1x10000x128xf32, #tpu.memory_space<vmem>>, vector<1x10000x128xf32>,
    return
  }
  func.func @transform_0(%arg0: i32) -> (i32, i32) {
    %c0_i32 = arith.constant 0 : i32
    %c0_i32_0 = arith.constant 0 : i32
    %c0_i32_1 = arith.constant 0 : i32
    return %c0_i32, %c0_i32_0 : i32, i32
  }
  func.func @transform_1(%arg0: i32) -> (i32, i32, i32) {
    %c0_i32 = arith.constant 0 : i32
    %c0_i32_0 = arith.constant 0 : i32
    %c0_i32_1 = arith.constant 0 : i32
    return %arg0, %c0_i32, %c0_i32_0 : i32, i32, i32
  }
  func.func @transform_2(%arg0: i32) -> (i32, i32, i32) {
    %c0_i32 = arith.constant 0 : i32
    %c0_i32_0 = arith.constant 0 : i32
    %c0_i32_1 = arith.constant 0 : i32
    return %arg0, %c0_i32, %c0_i32_0 : i32, i32, i32
  }
}

module attributes {stable_mosaic.version = 14 : i64} {
  func.func @_dense_a_body(%arg0: memref<10000x128xf32, #tpu.memory_space<vmem>>, %arg1: memref<10000x1xf32, #tpu.memory_space<vmem>>, %arg2: memref<10000x128xf32, #tpu.memory_space<vmem>>, %arg3: memref<128x128xf32, #tpu.memory_space<vmem>>, %arg4: memref<1x128xf32, #tpu.memory_space<vmem>>, %arg5: memref<1x128xf32, #tpu.memory_space<vmem>>, %arg6: memref<1x128xf32, #tpu.memory_space<vmem>>, %arg7: memref<64x128xf32, #tpu.memory_space<vmem>>, %arg8: memref<1x128xf32, #tpu.memory_space<vmem>>, %arg9: memref<128x128xf32, #tpu.memory_space<vmem>>, %arg10: memref<1x128xf32, #tpu.memory_space<vmem>>, %arg11: memref<64x128xf32, #tpu.memory_space<vmem>>, %arg12: memref<1x128xf32, #tpu.memory_space<vmem>>, %arg13: memref<128x128xf32, #tpu.memory_space<vmem>>, %arg14: memref<1x128xf32, #tpu.memory_space<vmem>>, %arg15: memref<64x128xf32, #tpu.memory_space<vmem>>, %arg16: memref<1x128xf32, #tpu.memory_space<vmem>>, %arg17: memref<128x128xf32, #tpu.memory_space<vmem>>, %arg18: memref<1x128xf32, #tpu.memory_space<vmem>>, %arg19: memref<1x128xf32, #tpu.memory_space<vmem>>, %arg20: memref<10000x128xf32, #tpu.memory_space<vmem>>, %arg21: memref<10000x1xf32, #tpu.memory_space<vmem>>) attributes {dimension_semantics = [], scalar_prefetch = 0 : i64, scratch_operands = 0 : i64, tpu.core_type = #tpu.core_type<tc>} {
    %get3A = arith.constant 0 : index
    %get3A_0 = arith.constant 0 : index
    %get3A_1 = vector.load %arg0[%get3A, %get3A_0] : memref<10000x128xf32, #tpu.memory_space<vmem>>, vector<10000x128xf32>
    %get3A_2 = arith.constant 0 : index
    %get3A_3 = arith.constant 0 : index
    %get3A_4 = vector.load %arg1[%get3A_2, %get3A_3] : memref<10000x1xf32, #tpu.memory_space<vmem>>, vector<10000x1xf32>
    %get3A_5 = arith.constant 0 : index
    %get3A_6 = arith.constant 0 : index
    %get3A_7 = vector.load %arg2[%get3A_5, %get3A_6] : memref<10000x128xf32, #tpu.memory_space<vmem>>, vector<10000x128xf32>
    %add3A = arith.constant 9.99999997E-7 : f32
    %add3A_8 = vector.broadcast %add3A : f32 to vector<10000x1xf32>
    %add3A_9 = arith.addf %get3A_4, %add3A_8 : vector<10000x1xf32>
    %div3A = vector.broadcast %add3A_9 : vector<10000x1xf32> to vector<10000x128xf32>
    %div3A_10 = arith.divf %get3A_1, %div3A : vector<10000x128xf32>
    %get3A_11 = arith.constant 0 : index
    %get3A_12 = arith.constant 0 : index
    %get3A_13 = vector.load %arg3[%get3A_11, %get3A_12] : memref<128x128xf32, #tpu.memory_space<vmem>>, vector<128x128xf32>
    %dot_general3A = arith.constant dense<0.000000e+00> : vector<10000x128xf32>
    %dot_general3A_14 = tpu.matmul %get3A_7, %get3A_13, %dot_general3A {dimension_numbers = #tpu.dot_dimension_numbers<[1], [0], [0], [1], [0, 0, 1, 1], [], []>, transpose_lhs_hint = false} : vector<10000x128xf32>, vector<128x128xf32>, vector<10000x128xf32> -> vector<10000x128xf32>
    %add3A_15 = arith.addf %div3A_10, %dot_general3A_14 : vector<10000x128xf32>
    %get3A_16 = arith.constant 0 : index
    %get3A_17 = arith.constant 0 : index
    %get3A_18 = vector.load %arg4[%get3A_16, %get3A_17] : memref<1x128xf32, #tpu.memory_space<vmem>>, vector<1x128xf32>
    %add3A_19 = vector.broadcast %get3A_18 : vector<1x128xf32> to vector<10000x128xf32>
    %add3A_20 = arith.addf %add3A_15, %add3A_19 : vector<10000x128xf32>
    %transpose3A = tpu.transpose %add3A_20, [1, 0] : vector<10000x128xf32> -> vector<128x10000xf32>
    %reduce_sum3A = arith.constant dense<0.000000e+00> : vector<10000xf32>
    %reduce_sum3A_21 = vector.multi_reduction <add>, %transpose3A, %reduce_sum3A [0] : vector<128x10000xf32> to vector<10000xf32>
    %broadcast_in_dim3A = vector.shape_cast %reduce_sum3A_21 : vector<10000xf32> to vector<1x10000xf32>
    %transpose3A_22 = tpu.transpose %broadcast_in_dim3A, [1, 0] : vector<1x10000xf32> -> vector<10000x1xf32>
    %mul3A = arith.constant 7.812500e-03 : f32
    %mul3A_23 = vector.broadcast %mul3A : f32 to vector<10000x1xf32>
    %mul3A_24 = arith.mulf %transpose3A_22, %mul3A_23 : vector<10000x1xf32>
    %sub3A = vector.broadcast %mul3A_24 : vector<10000x1xf32> to vector<10000x128xf32>
    %sub3A_25 = arith.subf %add3A_20, %sub3A : vector<10000x128xf32>
    %integer_pow3A = arith.mulf %sub3A_25, %sub3A_25 : vector<10000x128xf32>
    %transpose3A_26 = tpu.transpose %integer_pow3A, [1, 0] : vector<10000x128xf32> -> vector<128x10000xf32>
    %reduce_sum3A_27 = arith.constant dense<0.000000e+00> : vector<10000xf32>
    %reduce_sum3A_28 = vector.multi_reduction <add>, %transpose3A_26, %reduce_sum3A_27 [0] : vector<128x10000xf32> to vector<10000xf32>
    %broadcast_in_dim3A_29 = vector.shape_cast %reduce_sum3A_28 : vector<10000xf32> to vector<1x10000xf32>
    %transpose3A_30 = tpu.transpose %broadcast_in_dim3A_29, [1, 0] : vector<1x10000xf32> -> vector<10000x1xf32>
    %mul3A_31 = arith.constant 7.812500e-03 : f32
    %mul3A_32 = vector.broadcast %mul3A_31 : f32 to vector<10000x1xf32>
    %mul3A_33 = arith.mulf %transpose3A_30, %mul3A_32 : vector<10000x1xf32>
    %sub3A_34 = vector.broadcast %mul3A_24 : vector<10000x1xf32> to vector<10000x128xf32>
    %sub3A_35 = arith.subf %add3A_20, %sub3A_34 : vector<10000x128xf32>
    %add3A_36 = arith.constant 9.99999974E-6 : f32
    %add3A_37 = vector.broadcast %add3A_36 : f32 to vector<10000x1xf32>
    %add3A_38 = arith.addf %mul3A_33, %add3A_37 : vector<10000x1xf32>
    %sqrt3A = math.sqrt %add3A_38 : vector<10000x1xf32>
    %div3A_39 = vector.broadcast %sqrt3A : vector<10000x1xf32> to vector<10000x128xf32>
    %div3A_40 = arith.divf %sub3A_35, %div3A_39 : vector<10000x128xf32>
    %get3A_41 = arith.constant 0 : index
    %get3A_42 = arith.constant 0 : index
    %get3A_43 = vector.load %arg5[%get3A_41, %get3A_42] : memref<1x128xf32, #tpu.memory_space<vmem>>, vector<1x128xf32>
    %mul3A_44 = vector.broadcast %get3A_43 : vector<1x128xf32> to vector<10000x128xf32>
    %mul3A_45 = arith.mulf %div3A_40, %mul3A_44 : vector<10000x128xf32>
    %get3A_46 = arith.constant 0 : index
    %get3A_47 = arith.constant 0 : index
    %get3A_48 = vector.load %arg6[%get3A_46, %get3A_47] : memref<1x128xf32, #tpu.memory_space<vmem>>, vector<1x128xf32>
    %add3A_49 = vector.broadcast %get3A_48 : vector<1x128xf32> to vector<10000x128xf32>
    %add3A_50 = arith.addf %mul3A_45, %add3A_49 : vector<10000x128xf32>
    %max3A = arith.constant 0.000000e+00 : f32
    %max3A_51 = vector.broadcast %max3A : f32 to vector<10000x128xf32>
    %max3A_52 = arith.maximumf %add3A_50, %max3A_51 : vector<10000x128xf32>
    %slice3A = vector.extract_strided_slice %max3A_52 {offsets = [0, 0], sizes = [10000, 64], strides = [1, 1]} : vector<10000x128xf32> to vector<10000x64xf32>
    %slice3A_53 = vector.extract_strided_slice %max3A_52 {offsets = [0, 64], sizes = [10000, 64], strides = [1, 1]} : vector<10000x128xf32> to vector<10000x64xf32>
    %get3A_54 = arith.constant 0 : index
    %get3A_55 = arith.constant 0 : index
    %get3A_56 = vector.load %arg7[%get3A_54, %get3A_55] : memref<64x128xf32, #tpu.memory_space<vmem>>, vector<64x128xf32>
    %dot_general3A_57 = arith.constant dense<0.000000e+00> : vector<10000x128xf32>
    %dot_general3A_58 = tpu.matmul %slice3A, %get3A_56, %dot_general3A_57 {dimension_numbers = #tpu.dot_dimension_numbers<[1], [0], [0], [1], [0, 0, 1, 1], [], []>, transpose_lhs_hint = false} : vector<10000x64xf32>, vector<64x128xf32>, vector<10000x128xf32> -> vector<10000x128xf32>
    %get3A_59 = arith.constant 0 : index
    %get3A_60 = arith.constant 0 : index
    %get3A_61 = vector.load %arg8[%get3A_59, %get3A_60] : memref<1x128xf32, #tpu.memory_space<vmem>>, vector<1x128xf32>
    %add3A_62 = vector.broadcast %get3A_61 : vector<1x128xf32> to vector<10000x128xf32>
    %add3A_63 = arith.addf %dot_general3A_58, %add3A_62 : vector<10000x128xf32>
    %max3A_64 = arith.constant 0.000000e+00 : f32
    %max3A_65 = vector.broadcast %max3A_64 : f32 to vector<10000x128xf32>
    %max3A_66 = arith.maximumf %add3A_63, %max3A_65 : vector<10000x128xf32>
    %get3A_67 = arith.constant 0 : index
    %get3A_68 = arith.constant 0 : index
    %get3A_69 = vector.load %arg9[%get3A_67, %get3A_68] : memref<128x128xf32, #tpu.memory_space<vmem>>, vector<128x128xf32>
    %dot_general3A_70 = arith.constant dense<0.000000e+00> : vector<10000x128xf32>
    %dot_general3A_71 = tpu.matmul %max3A_66, %get3A_69, %dot_general3A_70 {dimension_numbers = #tpu.dot_dimension_numbers<[1], [0], [0], [1], [0, 0, 1, 1], [], []>, transpose_lhs_hint = false} : vector<10000x128xf32>, vector<128x128xf32>, vector<10000x128xf32> -> vector<10000x128xf32>
    %get3A_72 = arith.constant 0 : index
    %get3A_73 = arith.constant 0 : index
    %get3A_74 = vector.load %arg10[%get3A_72, %get3A_73] : memref<1x128xf32, #tpu.memory_space<vmem>>, vector<1x128xf32>
    %add3A_75 = vector.broadcast %get3A_74 : vector<1x128xf32> to vector<10000x128xf32>
    %add3A_76 = arith.addf %dot_general3A_71, %add3A_75 : vector<10000x128xf32>
    %slice3A_77 = vector.extract_strided_slice %add3A_76 {offsets = [0, 0], sizes = [10000, 64], strides = [1, 1]} : vector<10000x128xf32> to vector<10000x64xf32>
    %slice3A_78 = vector.extract_strided_slice %add3A_76 {offsets = [0, 64], sizes = [10000, 64], strides = [1, 1]} : vector<10000x128xf32> to vector<10000x64xf32>
    %tanh3A = math.tanh %slice3A_77 : vector<10000x64xf32>
    %exp3A = math.exp %tanh3A : vector<10000x64xf32>
    %mul3A_79 = arith.mulf %slice3A_53, %exp3A : vector<10000x64xf32>
    %add3A_80 = arith.addf %mul3A_79, %slice3A_78 : vector<10000x64xf32>
    %concatenate3A = tpu.concatenate %slice3A, %add3A_80 in 1 : vector<10000x64xf32>, vector<10000x64xf32> -> vector<10000x128xf32>
    %slice3A_81 = vector.extract_strided_slice %concatenate3A {offsets = [0, 0], sizes = [10000, 64], strides = [1, 1]} : vector<10000x128xf32> to vector<10000x64xf32>
    %slice3A_82 = vector.extract_strided_slice %concatenate3A {offsets = [0, 64], sizes = [10000, 64], strides = [1, 1]} : vector<10000x128xf32> to vector<10000x64xf32>
    %get3A_83 = arith.constant 0 : index
    %get3A_84 = arith.constant 0 : index
    %get3A_85 = vector.load %arg11[%get3A_83, %get3A_84] : memref<64x128xf32, #tpu.memory_space<vmem>>, vector<64x128xf32>
    %dot_general3A_86 = arith.constant dense<0.000000e+00> : vector<10000x128xf32>
    %dot_general3A_87 = tpu.matmul %slice3A_82, %get3A_85, %dot_general3A_86 {dimension_numbers = #tpu.dot_dimension_numbers<[1], [0], [0], [1], [0, 0, 1, 1], [], []>, transpose_lhs_hint = false} : vector<10000x64xf32>, vector<64x128xf32>, vector<10000x128xf32> -> vector<10000x128xf32>
    %get3A_88 = arith.constant 0 : index
    %get3A_89 = arith.constant 0 : index
    %get3A_90 = vector.load %arg12[%get3A_88, %get3A_89] : memref<1x128xf32, #tpu.memory_space<vmem>>, vector<1x128xf32>
    %add3A_91 = vector.broadcast %get3A_90 : vector<1x128xf32> to vector<10000x128xf32>
    %add3A_92 = arith.addf %dot_general3A_87, %add3A_91 : vector<10000x128xf32>
    %max3A_93 = arith.constant 0.000000e+00 : f32
    %max3A_94 = vector.broadcast %max3A_93 : f32 to vector<10000x128xf32>
    %max3A_95 = arith.maximumf %add3A_92, %max3A_94 : vector<10000x128xf32>
    %get3A_96 = arith.constant 0 : index
    %get3A_97 = arith.constant 0 : index
    %get3A_98 = vector.load %arg13[%get3A_96, %get3A_97] : memref<128x128xf32, #tpu.memory_space<vmem>>, vector<128x128xf32>
    %dot_general3A_99 = arith.constant dense<0.000000e+00> : vector<10000x128xf32>
    %dot_general3A_100 = tpu.matmul %max3A_95, %get3A_98, %dot_general3A_99 {dimension_numbers = #tpu.dot_dimension_numbers<[1], [0], [0], [1], [0, 0, 1, 1], [], []>, transpose_lhs_hint = false} : vector<10000x128xf32>, vector<128x128xf32>, vector<10000x128xf32> -> vector<10000x128xf32>
    %get3A_101 = arith.constant 0 : index
    %get3A_102 = arith.constant 0 : index
    %get3A_103 = vector.load %arg14[%get3A_101, %get3A_102] : memref<1x128xf32, #tpu.memory_space<vmem>>, vector<1x128xf32>
    %add3A_104 = vector.broadcast %get3A_103 : vector<1x128xf32> to vector<10000x128xf32>
    %add3A_105 = arith.addf %dot_general3A_100, %add3A_104 : vector<10000x128xf32>
    %slice3A_106 = vector.extract_strided_slice %add3A_105 {offsets = [0, 0], sizes = [10000, 64], strides = [1, 1]} : vector<10000x128xf32> to vector<10000x64xf32>
    %slice3A_107 = vector.extract_strided_slice %add3A_105 {offsets = [0, 64], sizes = [10000, 64], strides = [1, 1]} : vector<10000x128xf32> to vector<10000x64xf32>
    %tanh3A_108 = math.tanh %slice3A_106 : vector<10000x64xf32>
    %exp3A_109 = math.exp %tanh3A_108 : vector<10000x64xf32>
    %mul3A_110 = arith.mulf %slice3A_81, %exp3A_109 : vector<10000x64xf32>
    %add3A_111 = arith.addf %mul3A_110, %slice3A_107 : vector<10000x64xf32>
    %concatenate3A_112 = tpu.concatenate %add3A_111, %slice3A_82 in 1 : vector<10000x64xf32>, vector<10000x64xf32> -> vector<10000x128xf32>
    %slice3A_113 = vector.extract_strided_slice %concatenate3A_112 {offsets = [0, 0], sizes = [10000, 64], strides = [1, 1]} : vector<10000x128xf32> to vector<10000x64xf32>
    %slice3A_114 = vector.extract_strided_slice %concatenate3A_112 {offsets = [0, 64], sizes = [10000, 64], strides = [1, 1]} : vector<10000x128xf32> to vector<10000x64xf32>
    %get3A_115 = arith.constant 0 : index
    %get3A_116 = arith.constant 0 : index
    %get3A_117 = vector.load %arg15[%get3A_115, %get3A_116] : memref<64x128xf32, #tpu.memory_space<vmem>>, vector<64x128xf32>
    %dot_general3A_118 = arith.constant dense<0.000000e+00> : vector<10000x128xf32>
    %dot_general3A_119 = tpu.matmul %slice3A_113, %get3A_117, %dot_general3A_118 {dimension_numbers = #tpu.dot_dimension_numbers<[1], [0], [0], [1], [0, 0, 1, 1], [], []>, transpose_lhs_hint = false} : vector<10000x64xf32>, vector<64x128xf32>, vector<10000x128xf32> -> vector<10000x128xf32>
    %get3A_120 = arith.constant 0 : index
    %get3A_121 = arith.constant 0 : index
    %get3A_122 = vector.load %arg16[%get3A_120, %get3A_121] : memref<1x128xf32, #tpu.memory_space<vmem>>, vector<1x128xf32>
    %add3A_123 = vector.broadcast %get3A_122 : vector<1x128xf32> to vector<10000x128xf32>
    %add3A_124 = arith.addf %dot_general3A_119, %add3A_123 : vector<10000x128xf32>
    %max3A_125 = arith.constant 0.000000e+00 : f32
    %max3A_126 = vector.broadcast %max3A_125 : f32 to vector<10000x128xf32>
    %max3A_127 = arith.maximumf %add3A_124, %max3A_126 : vector<10000x128xf32>
    %get3A_128 = arith.constant 0 : index
    %get3A_129 = arith.constant 0 : index
    %get3A_130 = vector.load %arg17[%get3A_128, %get3A_129] : memref<128x128xf32, #tpu.memory_space<vmem>>, vector<128x128xf32>
    %dot_general3A_131 = arith.constant dense<0.000000e+00> : vector<10000x128xf32>
    %dot_general3A_132 = tpu.matmul %max3A_127, %get3A_130, %dot_general3A_131 {dimension_numbers = #tpu.dot_dimension_numbers<[1], [0], [0], [1], [0, 0, 1, 1], [], []>, transpose_lhs_hint = false} : vector<10000x128xf32>, vector<128x128xf32>, vector<10000x128xf32> -> vector<10000x128xf32>
    %get3A_133 = arith.constant 0 : index
    %get3A_134 = arith.constant 0 : index
    %get3A_135 = vector.load %arg18[%get3A_133, %get3A_134] : memref<1x128xf32, #tpu.memory_space<vmem>>, vector<1x128xf32>
    %add3A_136 = vector.broadcast %get3A_135 : vector<1x128xf32> to vector<10000x128xf32>
    %add3A_137 = arith.addf %dot_general3A_132, %add3A_136 : vector<10000x128xf32>
    %slice3A_138 = vector.extract_strided_slice %add3A_137 {offsets = [0, 0], sizes = [10000, 64], strides = [1, 1]} : vector<10000x128xf32> to vector<10000x64xf32>
    %slice3A_139 = vector.extract_strided_slice %add3A_137 {offsets = [0, 64], sizes = [10000, 64], strides = [1, 1]} : vector<10000x128xf32> to vector<10000x64xf32>
    %tanh3A_140 = math.tanh %slice3A_138 : vector<10000x64xf32>
    %exp3A_141 = math.exp %tanh3A_140 : vector<10000x64xf32>
    %mul3A_142 = arith.mulf %slice3A_114, %exp3A_141 : vector<10000x64xf32>
    %add3A_143 = arith.addf %mul3A_142, %slice3A_139 : vector<10000x64xf32>
    %concatenate3A_144 = tpu.concatenate %slice3A_113, %add3A_143 in 1 : vector<10000x64xf32>, vector<10000x64xf32> -> vector<10000x128xf32>
    %swap3A = arith.constant 0 : index
    %swap3A_145 = arith.constant 0 : index
    %swap3A_146 = vector.load %arg20[%swap3A, %swap3A_145] : memref<10000x128xf32, #tpu.memory_space<vmem>>, vector<10000x128xf32>
    tpu.vector_store %arg20[%swap3A, %swap3A_145], %concatenate3A_144 {strides = array<i32>} : memref<10000x128xf32, #tpu.memory_space<vmem>>, vector<10000x128xf32>,
    %get3A_147 = arith.constant 0 : index
    %get3A_148 = arith.constant 0 : index
    %get3A_149 = vector.load %arg19[%get3A_147, %get3A_148] : memref<1x128xf32, #tpu.memory_space<vmem>>, vector<1x128xf32>
    %mul3A_150 = arith.mulf %get3A_149, %get3A_149 : vector<1x128xf32>
    %reduce_sum3A_151 = vector.shape_cast %mul3A_150 : vector<1x128xf32> to vector<1x1x128xf32>
    %reduce_sum3A_152 = arith.constant dense<0.000000e+00> : vector<1xf32>
    %reduce_sum3A_153 = vector.multi_reduction <add>, %reduce_sum3A_151, %reduce_sum3A_152 [1, 2] : vector<1x1x128xf32> to vector<1xf32>
    %reduce_sum3A_154 = vector.shape_cast %reduce_sum3A_153 : vector<1xf32> to vector<1x1x1xf32>
    %reduce_sum3A_155 = vector.extract %reduce_sum3A_154[0, 0, 0] : f32 from vector<1x1x1xf32>
    %sqrt3A_156 = math.sqrt %reduce_sum3A_155 : f32
    %add3A_157 = arith.constant 9.99999996E-13 : f32
    %add3A_158 = arith.addf %sqrt3A_156, %add3A_157 : f32
    %reshape3A = vector.shape_cast %get3A_149 : vector<1x128xf32> to vector<128x1xf32>
    %dot_general3A_159 = arith.constant dense<0.000000e+00> : vector<10000x1xf32>
    %dot_general3A_160 = tpu.matmul %concatenate3A_144, %reshape3A, %dot_general3A_159 {dimension_numbers = #tpu.dot_dimension_numbers<[1], [0], [0], [1], [0, 0, 1, 1], [], []>, transpose_lhs_hint = false} : vector<10000x128xf32>, vector<128x1xf32>, vector<10000x1xf32> -> vector<10000x1xf32>
    %div3A_161 = vector.broadcast %add3A_158 : f32 to vector<10000x1xf32>
    %div3A_162 = arith.divf %dot_general3A_160, %div3A_161 : vector<10000x1xf32>
    %swap3A_163 = arith.constant 0 : index
    %swap3A_164 = arith.constant 0 : index
    %swap3A_165 = vector.load %arg21[%swap3A_163, %swap3A_164] : memref<10000x1xf32, #tpu.memory_space<vmem>>, vector<10000x1xf32>
    tpu.vector_store %arg21[%swap3A_163, %swap3A_164], %div3A_162 {strides = array<i32>} : memref<10000x1xf32, #tpu.memory_space<vmem>>, vector<10000x1xf32>,
    return
  }
}

module attributes {stable_mosaic.version = 14 : i64} {
  func.func @_rank_body(%arg0: i32, %arg1: memref<1x10240xf32, #tpu.memory_space<vmem>>, %arg2: memref<256x1xf32, #tpu.memory_space<vmem>>, %arg3: memref<256x1xi32, #tpu.memory_space<vmem>>) attributes {dimension_semantics = [#tpu.dimension_semantics<arbitrary>], iteration_bounds = array<i64: 40>, scalar_prefetch = 0 : i64, scratch_operands = 0 : i64, tpu.core_type = #tpu.core_type<tc>, window_params = [{pipeline_mode = #tpu.pipeline_mode<synchronous>, transform_indices = @transform_0, window_bounds = array<i64: 1, 10240>}, {transform_indices = @transform_1, window_bounds = array<i64: 256, 1>}, {transform_indices = @transform_2, window_bounds = array<i64: 256, 1>}]} {
    %get3A = arith.constant 0 : index
    %get3A_0 = arith.constant 0 : index
    %get3A_1 = vector.load %arg1[%get3A, %get3A_0] : memref<1x10240xf32, #tpu.memory_space<vmem>>, vector<1x10240xf32>
    %get3A_2 = arith.constant 0 : index
    %get3A_3 = arith.constant 0 : index
    %get3A_4 = vector.load %arg2[%get3A_2, %get3A_3] : memref<256x1xf32, #tpu.memory_space<vmem>>, vector<256x1xf32>
    %iota3A = tpu.iota {dimensions = array<i32: 1>} : vector<1x10240xi32>
    %mul3A = arith.constant 256 : i32
    %mul3A_5 = arith.muli %arg0, %mul3A : i32
    %iota3A_6 = tpu.iota {dimensions = array<i32: 0>} : vector<256x1xi32>
    %add3A = vector.broadcast %mul3A_5 : i32 to vector<256x1xi32>
    %add3A_7 = arith.addi %add3A, %iota3A_6 : vector<256x1xi32>
    %gt3A = vector.broadcast %get3A_1 : vector<1x10240xf32> to vector<256x10240xf32>
    %gt3A_8 = vector.broadcast %get3A_4 : vector<256x1xf32> to vector<256x10240xf32>
    %gt3A_9 = arith.cmpf ogt, %gt3A, %gt3A_8 : vector<256x10240xf32>
    %convert_element_type3A = arith.extui %gt3A_9 : vector<256x10240xi1> to vector<256x10240xi32>
    %convert_element_type3A_10 = arith.sitofp %convert_element_type3A : vector<256x10240xi32> to vector<256x10240xf32>
    %eq3A = vector.broadcast %get3A_1 : vector<1x10240xf32> to vector<256x10240xf32>
    %eq3A_11 = vector.broadcast %get3A_4 : vector<256x1xf32> to vector<256x10240xf32>
    %eq3A_12 = arith.cmpf oeq, %eq3A, %eq3A_11 : vector<256x10240xf32>
    %lt3A = vector.broadcast %iota3A : vector<1x10240xi32> to vector<256x10240xi32>
    %lt3A_13 = vector.broadcast %add3A_7 : vector<256x1xi32> to vector<256x10240xi32>
    %lt3A_14 = arith.cmpi slt, %lt3A, %lt3A_13 : vector<256x10240xi32>
    %and3A = arith.andi %eq3A_12, %lt3A_14 : vector<256x10240xi1>
    %convert_element_type3A_15 = arith.extui %and3A : vector<256x10240xi1> to vector<256x10240xi32>
    %convert_element_type3A_16 = arith.sitofp %convert_element_type3A_15 : vector<256x10240xi32> to vector<256x10240xf32>
    %reduce_sum3A = arith.constant dense<0.000000e+00> : vector<256xf32>
    %reduce_sum3A_17 = vector.multi_reduction <add>, %convert_element_type3A_10, %reduce_sum3A [1] : vector<256x10240xf32> to vector<256xf32>
    %broadcast_in_dim3A = vector.shape_cast %reduce_sum3A_17 : vector<256xf32> to vector<256x1xf32>
    %reduce_sum3A_18 = arith.constant dense<0.000000e+00> : vector<256xf32>
    %reduce_sum3A_19 = vector.multi_reduction <add>, %convert_element_type3A_16, %reduce_sum3A_18 [1] : vector<256x10240xf32> to vector<256xf32>
    %broadcast_in_dim3A_20 = vector.shape_cast %reduce_sum3A_19 : vector<256xf32> to vector<256x1xf32>
    %add3A_21 = arith.addf %broadcast_in_dim3A, %broadcast_in_dim3A_20 : vector<256x1xf32>
    %convert_element_type3A_22 = arith.fptosi %add3A_21 : vector<256x1xf32> to vector<256x1xi32>
    %swap3A = arith.constant 0 : index
    %swap3A_23 = arith.constant 0 : index
    %swap3A_24 = vector.load %arg3[%swap3A, %swap3A_23] : memref<256x1xi32, #tpu.memory_space<vmem>>, vector<256x1xi32>
    tpu.vector_store %arg3[%swap3A, %swap3A_23], %convert_element_type3A_22 {strides = array<i32>} : memref<256x1xi32, #tpu.memory_space<vmem>>, vector<256x1xi32>,
    return
  }
  func.func @transform_0(%arg0: i32) -> (i32, i32) {
    %c0_i32 = arith.constant 0 : i32
    %c0_i32_0 = arith.constant 0 : i32
    %c0_i32_1 = arith.constant 0 : i32
    return %c0_i32, %c0_i32_0 : i32, i32
  }
  func.func @transform_1(%arg0: i32) -> (i32, i32) {
    %c0_i32 = arith.constant 0 : i32
    %c0_i32_0 = arith.constant 0 : i32
    return %arg0, %c0_i32 : i32, i32
  }
  func.func @transform_2(%arg0: i32) -> (i32, i32) {
    %c0_i32 = arith.constant 0 : i32
    %c0_i32_0 = arith.constant 0 : i32
    return %arg0, %c0_i32 : i32, i32
  }
}

</mosaic_0001>

<sc_bundles>
// kernel: gather_offload_async_start.1
scs
__scs_entry_jumppad:
0x0: {  	(pc) =	sbr.rel $0x88, $3  }
0x1: {  	(tag) =	ssettag $0x0;
	lr =	simm.s32 $0x1  }
0x2: {  	[smem:$0x3F84] =	sst lr;
	_ =	strace $0xD0000000  }
0x3: {  	_ = 	snop  }
0x4: {  	_ = 	snop  }
0x5: {  	_ = 	snop  }
0x6: {  	_ = 	snop  }
0x7: {  	_ = 	snop  }
__scs_overlays_trampoline_lowered:
0x8: {  	[smem:$0x3F93] =	sst s0  }
0x9: {  	[smem:$0x3F94] =	sst s1  }
0xa: {  	[smem:$0x3F95] =	sst s2  }
0xb: {  	[smem:$0x3F96] =	sst s3  }
0xc: {  	[smem:$0x3F97] =	sst s4  }
0xd: {  	[smem:$0x3F98] =	sst s5  }
0xe: {  	[smem:$0x3F99] =	sst s6  }
0xf: {  	[smem:$0x3F9A] =	sst s7  }
0x10: {  	[smem:$0x3F9B] =	sst s8  }
0x11: {  	[smem:$0x3F9C] =	sst s9;
	s0 =	simm.s32 @!p0 $0x0  }
0x12: {  	s1 =	sld [smem:$0x3F82];
	s0 =	simm.s32 @p0 $0x1  }
0x13: {  	[smem:$0x3F9D] =	sst s0;
	s0 =	simm.s32 @!p1 $0x0  }
0x14: {  	s2 =	sld [smem:$0x3F81];
	s0 =	simm.s32 @p1 $0x1  }
0x15: {  	[smem:$0x3F9E] =	sst s0;
	s0 =	simm.s32 @!p2 $0x0  }
0x16: {  	s3 =	sld [smem:$0x3FDB];
	s0 =	simm.s32 @p2 $0x1  }
0x17: {  	s4 =	simm.s32 $0x1BF5;
	[smem:$0x3FA0] =	sst s0  }
0x18: {  	s0 =	sld [smem:$0x3F83];
	_ =	swait.ge [sflag:s4], $0x0  }
0x19: {  	s7 =	sld [smem:$0x3F84]  }
0x1a: {  	s8 =	sadd.s32 $0xFFFFE003, lr  }
0x1b: {  	s9 =	sadd.s32 $0xFFFFFEF7, lr;
	s5 =	simm.s32 $0xFFFFFFFF;
	p2 =	slt.u32 s8, $0xFFFFF086  }
0x1c: {  	p1 =	slt.u32 s9, $0xF7A;
	s5 =	simm.s32 @!p2 $0x0  }
0x1d: {  	s5 =	simm.s32 @p1 $0x1;
	p0 =	seq.s32 s7, s2  }
0x1e: {  	s7 =	smul.u32 @!p0 $0xF7A, s2;
	p2 =	seq.s32 @!p0 s5, $0x0  }
0x1f: {  	s9 =	smul.u32 $0xF7A, s1;
	s8 =	simm.s32 @!p0 $0x1BF5;
	p2 =	por !p2, p0  }
0x20: {  	[sflag:s8] =	ssyncset.s32 @!p0 $0xFFFFF086;
	s6 =	sadd.s32 @!p0 s3, s7;
	s7 =	simm.s32 @!p0 $0x108  }
0x21: {  	s3 =	sadd.s32 s3, s9;
	s6 =	sadd.s32 @!p0 $0x88, s6;
	s7 =	simm.s32 @p2 $0x1082  }
0x22: {  	[simem:s7], [sflag:s8] =	dma.local @!p0 [hbm:s6], $0xF7A  }
0x23: {  	s9 =	sor.u32 $0xD0000000, s2;
	s6 =	simm.s32 $0x108;
	_ =	swait.ge @!p0 [sflag:s8], $0x0  }
0x24: {  	s3 =	sadd.s32 $0x88, s3;
	s6 =	simm.s32 @!p1 $0x1082;
	[sflag:s4] =	ssyncset.s32 $0xFFFFF086  }
0x25: {  	[simem:s6], [sflag:s4] =	dma.local [hbm:s3], $0xF7A  }
0x26: {  	[smem:$0x3F84] =	sst s1;
	(tag) =	ssettag s2;
	_ =	strace s9  }
0x27: {  	s1 =	sld [smem:$0x3F94]  }
0x28: {  	s2 =	sld [smem:$0x3F95]  }
0x29: {  	s4 =	sld [smem:$0x3F97]  }
0x2a: {  	p0 =	seq.s32 s5, $0x0;
	s5 =	sld [smem:$0x3F98]  }
0x2b: {  	s6 =	sld [smem:$0x3F99]  }
0x2c: {  	s7 =	sld [smem:$0x3F9A]  }
0x2d: {  	s3 =	simm.s32 $0x108;
	s8 =	sld [smem:$0x3F9B]  }
0x2e: {  	s3 =	simm.s32 @!p0 $0x1082;
	s9 =	sld [smem:$0x3F9C]  }
0x2f: {  	lr =	sadd.s32 s0, s3;
	s0 =	sld [smem:$0x3F93]  }
0x30: {  	s3 =	sld [smem:$0x3F96]  }
0x31: {  	[smem:$0x3F9F] =	sst s10  }
0x32: {  	s10 =	sld [smem:$0x3F9D];
	_ =	sdelay $0x3  }
0x33: {  	p0 =	seq.s32 s10, $0x1;
	s10 =	sld [smem:$0x3F9F];
	_ =	sdelay $0x3  }
0x34: {  	[smem:$0x3F9F] =	sst s10  }
0x35: {  	s10 =	sld [smem:$0x3F9E];
	_ =	sdelay $0x3  }
0x36: {  	p1 =	seq.s32 s10, $0x1;
	s10 =	sld [smem:$0x3F9F];
	_ =	sdelay $0x3  }
0x37: {  	[smem:$0x3F9F] =	sst s10  }
0x38: {  	s10 =	sld [smem:$0x3FA0]  }
0x39: {  	_ = 	snop;
	(pc) =	sbr.ind lr, $3  }
0x3a: {  	_ = 	snop  }
0x3b: {  	_ = 	snop  }
0x3c: {  	p2 =	seq.s32 s10, $0x1;
	s10 =	sld [smem:$0x3F9F]  }
0x3d: {  	_ =	shalt  }
0x3e: {  	_ =	shalt  }
0x3f: {  	_ =	shalt  }
0x40: {  	_ =	shalt  }
0x41: {  	_ =	shalt  }
0x42: {  	_ =	shalt  }
0x43: {  	_ =	shalt  }
0x44: {  	_ =	shalt  }
0x45: {  	_ =	shalt  }
0x46: {  	_ =	shalt  }
0x47: {  	_ =	shalt  }
0x48: {  	_ =	shalt  }
0x49: {  	_ =	shalt  }
0x4a: {  	_ =	shalt  }
0x4b: {  	_ =	shalt  }
0x4c: {  	_ =	shalt  }
0x4d: {  	_ =	shalt  }
0x4e: {  	_ =	shalt  }
0x4f: {  	_ =	shalt  }
0x50: {  	_ =	shalt  }
0x51: {  	_ =	shalt  }
0x52: {  	_ =	shalt  }
0x53: {  	_ =	shalt  }
0x54: {  	_ =	shalt  }
0x55: {  	_ =	shalt  }
0x56: {  	_ =	shalt  }
0x57: {  	_ =	shalt  }
0x58: {  	_ =	shalt  }
0x59: {  	_ =	shalt  }
0x5a: {  	_ =	shalt  }
0x5b: {  	_ =	shalt  }
0x5c: {  	_ =	shalt  }
0x5d: {  	_ =	shalt  }
0x5e: {  	_ =	shalt  }
0x5f: {  	_ =	shalt  }
0x60: {  	_ =	shalt  }
0x61: {  	_ =	shalt  }
0x62: {  	_ =	shalt  }
0x63: {  	_ =	shalt  }
0x64: {  	_ =	shalt  }
0x65: {  	_ =	shalt  }
0x66: {  	_ =	shalt  }
0x67: {  	_ =	shalt  }
0x68: {  	_ =	shalt  }
0x69: {  	_ =	shalt  }
0x6a: {  	_ =	shalt  }
0x6b: {  	_ =	shalt  }
0x6c: {  	_ =	shalt  }
0x6d: {  	_ =	shalt  }
0x6e: {  	_ =	shalt  }
0x6f: {  	_ =	shalt  }
0x70: {  	_ =	shalt  }
0x71: {  	_ =	shalt  }
0x72: {  	_ =	shalt  }
0x73: {  	_ =	shalt  }
0x74: {  	_ =	shalt  }
0x75: {  	_ =	shalt  }
0x76: {  	_ =	shalt  }
0x77: {  	_ =	shalt  }
0x78: {  	_ =	shalt  }
0x79: {  	_ =	shalt  }
0x7a: {  	_ =	shalt  }
0x7b: {  	_ =	shalt  }
0x7c: {  	_ =	shalt  }
0x7d: {  	_ =	shalt  }
0x7e: {  	_ =	shalt  }
0x7f: {  	_ =	shalt  }
0x80: {  	_ =	shalt  }
0x81: {  	_ =	shalt  }
0x82: {  	_ =	shalt  }
0x83: {  	_ =	shalt  }
0x84: {  	_ =	shalt  }
0x85: {  	_ =	shalt  }
0x86: {  	_ =	shalt  }
0x87: {  	_ =	shalt  }
.Lfunc_end0:
.L_simem_size_0:
called_computation.5_lowered:
.L_overlay_start_0:
0x88: {  	s0 =	sld [smem:$0x3FD9]  }
0x89: {  	s1 =	sld [smem:$0x3FFE];
	_ =	sdelay $0x3  }
0x8a: {  	s0 =	sadd.s32 s1, s0  }
0x8b: {  	[smem:$0x3FAB] =	sst s0  }
0x8c: {  	_ = 	snop  }
0x8d: {  	s0 =	sld [smem:$0x3FD0];
	_ =	sdelay $0x2  }
0x8e: {  	s14 =	simm.s32 $0xB;
	s2 =	simm.s32 $0x10  }
0x8f: {  	[smem:s2], [sflag:s14] =	dma.local [hbm:s0], $0x1  }
0x90: {  	_ =	swait.eq [sflag:s14], $0x1  }
0x91: {  	s15 =	sld [smem:$0x11];
	[sflag:s14] =	ssyncset.done $0x0  }
0x92: {  	s16 =	sld [smem:$0x12];
	[sflag:s14] =	ssyncadd.s32 $0xFFFFFFFF  }
0x93: {  	s17 =	sld [smem:$0x14];
	(tm) =	ssettm $0x1  }
0x94: {  	s3 =	sld [smem:$0x3FFB];
	_ =	sdelay $0x3  }
0x95: {  	_ =	strace s3  }
0x96: {  	s3 =	sld [smem:$0x3FFC];
	_ =	sdelay $0x3  }
0x97: {  	_ =	strace s3  }
0x98: {  	s3 =	sld [smem:$0x3FFD];
	_ =	sdelay $0x3  }
0x99: {  	_ =	strace s3  }
0x9a: {  	_ =	strace $0x8FFFFFFF  }
0x9b: {  	s18 =	sld [smem:$0x3FDB];
	_ =	sdelay $0x1  }
0x9c: {  	s4 =	simm.s32 $_scs_section_size  }
0x9d: {  	s5 =	simm.s32 $_size__tile_overlayer_lowered;
	s6 =	simm.s32 $_tile_overlayer_lowered  }
0x9e: {  	s21 =	simm.s32 $0x1BFF;
	s20 =	sshll.u32 s6, $0x1;
	s3 =	sadd.s32 s4, s18  }
0x9f: {  	s7 =	simm.s32 $0x0;
	s19 =	sshll.u32 s5, $0x1;
	s5 =	sadd.s32 s20, s3  }
0xa0: {  	[timem:s7], [sflag:s21] =	dma.local [hbm:s5], s19  }
0xa1: {  	_ =	swait.ge [sflag:s21], s19  }
0xa2: {  	s4 =	ssub.s32 $0x0, s19;
	[sflag:s21] =	ssyncset.done $0x0  }
0xa3: {  	[sflag:s21] =	ssyncadd.s32 s4;
	_ =	sdelay $0x1  }
0xa4: {  	s22 =	simm.s32 $0x1B8B  }
0xa5: {  	_ =	swait.ge [sflag:s22], $0x1  }
0xa6: {  	[sflag:s22] =	ssyncset.done $0x0  }
0xa7: {  	s23 =	simm.s32 $0x1B8E;
	[sflag:s22] =	ssyncadd.s32 $0xFFFFFFFF  }
0xa8: {  	s24 =	simm.s32 $execute0_lowered;
	[smem:$0x3FD2] =	sst s23  }
0xa9: {  	s4 =	sshll.u32 s24, $0x1;
	_ =	strace $0x8000004F;
	[dreg:$0x1] =	wrdreg $0xFFFFFFFF  }
0xaa: {  	s25 =	simm.s32 $_size_execute0_lowered;
	s3 =	sadd.s32 s3, s4;
	[dreg:$0x0] =	wrdreg $0x0  }
0xab: {  	s4 =	sshll.u32 s25, $0x1;
	[dreg:$0x2] =	wrdreg s3  }
0xac: {  	[dreg:$0x3] =	wrdreg s4  }
0xad: {  	[dreg:$0x4] =	wrdreg $0xC0  }
0xae: {  	_ =	task [dreg:s7], $0x5FFFF  }
0xaf: {  	[dreg:$0x1] =	wrdreg $0xFFFFFFFF  }
0xb0: {  	[dreg:$0x0] =	wrdreg $0x60  }
0xb1: {  	[dreg:$0x2] =	wrdreg s17  }
0xb2: {  	[dreg:$0x3] =	wrdreg s16  }
0xb3: {  	[dreg:$0x4] =	wrdreg s15  }
0xb4: {  	[dreg:$0x5] =	wrdreg $0x9  }
0xb5: {  	_ =	task.clear_ibuf [dreg:s7], $0x6FFFF;
	_ =	strace $0x9000004F  }
0xb6: {  	s26 =	simm.s32 $0x9;
	_ =	strace $0x80000051  }
0xb7: {  	_ =	swait.ge [sflag:s26], $0x1  }
0xb8: {  	[sflag:s26] =	ssyncadd.s32 $0xFFFFFFFF  }
0xb9: {  	_ =	strace $0x90000051  }
0xba: {  	_ =	sfence  }
0xbb: {  	s28 =	sld [smem:$0x0];
	_ =	sdelay $0x1  }
0xbc: {  	s29 =	srdreg.scid  }
0xbd: {  	s30 =	sshll.u32 s29, $0xD;
	s31 =	sshrl.u32 s29, $0x2  }
0xbe: {  	s1 =	sand.u32 $0x1, s29;
	s2 =	sand.u32 $0x4000, s30;
	s0 =	sadd.s32 s31, s28  }
0xbf: {  	s1 =	sor.u32 s2, s1;
	s0 =	sshll.u32 s0, $0x11  }
0xc0: {  	s0 =	sor.u32 s0, s1  }
0xc1: {  	s0 =	sadd.s32 $0x8F2B, s0  }
0xc2: {  	[sflag:s0] =	ssyncadd.remote.s32 $0x1  }
0xc3: {  	_ =	sfence.sel $0xFFFF  }
0xc4: {  	[dreg:$0x0] =	wrdreg $0xFFFFFFFF;
	(pc) =	sbr.abs _section_cstart, $3  }
0xc5: {  	[dreg:$0x1] =	wrdreg $0xFFFFFFFF  }
0xc6: {  	_ =	task.clear_ibuf [dreg:s7], $0x2FFFF;
	_ =	strace $0x9FFFFFFF  }
0xc7: {  	(tm) =	ssettm $0x7FFFFFFF  }
tec
execute0_lowered:
.L_overlay_start_1:
0x0: {  	(tag) =	ssettag $0x1  }
0x1: {  	s2 =	rddreg [dreg:$0x0]  }
0x2: {  	s3 =	rddreg [dreg:$0x1]  }
0x3: {  	s4 =	rddreg [dreg:$0x2];
	s1 =	stileid.u32  }
0x4: {  	s0 =	rddreg [dreg:$0x3];
	_ =	strace $0x80000050;
	s6 =	simm.s32 $0x1  }
0x5: {  	s8 =	simm.s32 $0x2;
	s30 =	simm.s32 $0x3;
	s5 =	sshll.u32 s1, $0x4  }
0x6: {  	s12 =	simm.s32 $0x0;
	s9 =	simm.s32 $0x0;
	s7 =	ssub.s32 $0x1380, s5  }
0x7: {  	s10 =	simm.s32 $0x0;
	[sflag:s6] =	ssyncpa.u1 $0x0;
	s6 =	sshrl.u32 s7, $0x8  }
0x8: {  	[sflag:s8] =	ssyncpa.u1 $0x0;
	s11 =	smov.u32 s5;
	s31 =	sshll.u32 s6, $0x4  }
0x9: {  	[sflag:s30] =	ssyncpa.u1 $0x0;
	s7 =	sadd.s32 $0x2, s6;
	s8 =	sadd.s32 $0x30, s31  }
.LBB2_1:
0xa: {  	p0 =	sgt.u32 s10, s6  }
0xb: {  	s13 =	sxor.u32 @!p0 $0xFFFFFFFF, s9;
	s14 =	sshrl.u32 @!p0 s11, $0x3  }
0xc: {  	s15 =	sand.u32 @!p0 $0x7, s11;
	s13 =	sand.u32 @!p0 $0x10, s13;
	s14 =	sadd.s32 @!p0 s3, s14  }
0xd: {  	[tilespmem:s13], [sflag:$0x2] =	stream.linear.gather @!p0 [hbm4b:s14+s15], $0x10, $0x38;
	[tilespmem:$0x40] =	vst v63  }
0xe: {  	p0 =	seq.s32 s9, $0x0  }
0xf: {  	p1 =	sge.u32 @!p0 s10, s7  }
0x10: {  	p0 =	por p1, p0  }
0x11: {  	s13 =	simm.s32 @!p0 $0x2  }
0x12: {  	_ =	swait.ge @!p0 [sflag:s13], $0x10  }
0x13: {  	[sflag:s13] =	ssyncset.done @!p0 $0x0  }
0x14: {  	[sflag:s13] =	ssyncadd.s32 @!p0 $0xFFFFFFF0;
	s13 =	sand.u32 @!p0 $0x10, s9  }
0x15: {  	(ifvalue) =	ssetifvalue @!p0 $0x7FFFFFFF;
	v0 =	vld.msk @!p0 [tilespmem:s13+$0x0 ss:$0x1], $0xffff;
	_ =	sdelay $0x4  }
0x16: {  	vm0 =	vgt.s32 @!p0 v0, $0x0  }
0x17: {  	v0 =	vnsel @!p0 vm0, $0x0, v0  }
0x18: {  	v0 =	vmin.u32 @!p0 v0, $0x270F;
	_ =	sdelay $0x3  }
0x19: {  	s14 =	simm.s32 @!p0 $0x0;
	s13 =	sor.u32 @!p0 $0x20, s13;
	(ifvalue) =	ssetifvalue @!p0 $0x7FFFFFFF;
	vm0 =	vmmov @!p0 $0xffff  }
0x1a: {  	[tilespmem:s13], [sflag:$0x1] =	stream.indirect_vreg.gather @!p0 [hbm4b:s2+s14], $0x1, v0, vm0, $0x4038;
	[tilespmem:$0x40] =	vst v63  }
0x1b: {  	s14 =	simm.s32 @!p0 $0x1  }
0x1c: {  	_ =	swait.ge @!p0 [sflag:s14], $0x10  }
0x1d: {  	s15 =	sshrl.u32 @!p0 s12, $0x3;
	[sflag:s14] =	ssyncset.done @!p0 $0x0  }
0x1e: {  	s12 =	sand.u32 @!p0 $0x7, s12;
	[sflag:s14] =	ssyncadd.s32 @!p0 $0xFFFFFFF0;
	s14 =	sadd.s32 @!p0 s4, s15  }
0x1f: {  	[hbm4b:s14+s12] =	stream.linear.scatter @!p0 [tilespmem:s13], [sflag:$0x3], $0x10, $0x38;
	[tilespmem:$0x40] =	vst v63  }
0x20: {  	s14 =	sadd.s32 $0x100, s11  }
0x21: {  	s9 =	sadd.s32 $0x10, s9;
	p1 =	sgt.s32 s14, $0x1387  }
0x22: {  	s14 =	smov.u32 @p1 s5;
	p1 =	sne.s32 s8, s9  }
.Ltmp0:
0x23: {  	p0 =	slt.u32 s10, $0x2;
	(pc) =	sbr.rel @p1 .LBB2_1-.Ltmp0, $4  }
0x24: {  	s13 =	simm.s32 @!p0 $0x3  }
0x25: {  	_ =	swait.ge @!p0 [sflag:s13], $0x10  }
0x26: {  	s12 =	smov.u32 s11;
	[sflag:s13] =	ssyncset.done @!p0 $0x0  }
0x27: {  	s10 =	sadd.s32 $0x1, s10;
	s11 =	smov.u32 s14;
	[sflag:s13] =	ssyncadd.s32 @!p0 $0xFFFFFFF0  }
0x28: {  	_ =	sfence.sel $0x180000  }
0x29: {  	s2 =	simm.s32 $0x2;
	[bflag:$0x0] =	sbarrier.arrive $0xFFFF  }
0x2a: {  	s30 =	simm.s32 $0x3;
	[sflag:s2] =	ssyncpa.u1 $0x1  }
0x2b: {  	s31 =	simm.s32 $0x1;
	[sflag:s30] =	ssyncpa.u1 $0x1  }
0x2c: {  	[sflag:s31] =	ssyncpa.u1 $0x1  }
0x2d: {  	p0 =	sne.s32 s1, $0x0;
	_ =	strace $0x90000050  }
0x2e: {  	s0 =	sadd.s32 @!p0 $0x100000, s0;
	[bflag:$0x2] =	sbarrier.arrive $0xFFFF  }
0x2f: {  	[sflag:s0] =	ssyncadd.tile.s32 @!p0 $0x1;
	_ =	shalt  }
.Lfunc_end2:
_tile_overlayer_lowered:
.L_overlay_start_2:
0x30: {  	(tag) =	ssettag $0x2  }
0x31: {  	s0 =	rddreg [dreg:$0x0];
	s2 =	stileid.u32  }
0x32: {  	s1 =	rddreg [dreg:$0x1];
	p0 =	sne.s32 s2, $0x0  }
0x33: {  	s3 =	rddreg [dreg:$0x2];
	[bflag:$0x3] =	sbarrier.arrive $0xFFFF;
	s2 =	simm.s32 @!p0 $0x1C01  }
0x34: {  	[timem:s3], [sflag:s2] =	dma.local @!p0 [hbm:s0], s1  }
0x35: {  	s0 =	simm.s32 @!p0 $0x1  }
0x36: {  	_ =	swait.ge @!p0 [sflag:s0], s1  }
0x37: {  	s1 =	ssub.s32 @!p0 $0x0, s1;
	[sflag:s0] =	ssyncset.done @!p0 $0x0  }
0x38: {  	[sflag:s0] =	ssyncadd.s32 @!p0 s1  }
0x39: {  	[bflag:$0x3] =	sbarrier.arrive $0xFFFF  }
0x3a: {  	_ =	shalt  }

// kernel: gather_offload_async_start.2
scs
__scs_entry_jumppad:
0x0: {  	(pc) =	sbr.rel $0x88, $3  }
0x1: {  	(tag) =	ssettag $0x0;
	lr =	simm.s32 $0x1  }
0x2: {  	[smem:$0x3F84] =	sst lr;
	_ =	strace $0xD0000000  }
0x3: {  	_ = 	snop  }
0x4: {  	_ = 	snop  }
0x5: {  	_ = 	snop  }
0x6: {  	_ = 	snop  }
0x7: {  	_ = 	snop  }
__scs_overlays_trampoline_lowered:
0x8: {  	[smem:$0x3F93] =	sst s0  }
0x9: {  	[smem:$0x3F94] =	sst s1  }
0xa: {  	[smem:$0x3F95] =	sst s2  }
0xb: {  	[smem:$0x3F96] =	sst s3  }
0xc: {  	[smem:$0x3F97] =	sst s4  }
0xd: {  	[smem:$0x3F98] =	sst s5  }
0xe: {  	[smem:$0x3F99] =	sst s6  }
0xf: {  	[smem:$0x3F9A] =	sst s7  }
0x10: {  	[smem:$0x3F9B] =	sst s8  }
0x11: {  	[smem:$0x3F9C] =	sst s9;
	s0 =	simm.s32 @!p0 $0x0  }
0x12: {  	s1 =	sld [smem:$0x3F82];
	s0 =	simm.s32 @p0 $0x1  }
0x13: {  	[smem:$0x3F9D] =	sst s0;
	s0 =	simm.s32 @!p1 $0x0  }
0x14: {  	s2 =	sld [smem:$0x3F81];
	s0 =	simm.s32 @p1 $0x1  }
0x15: {  	[smem:$0x3F9E] =	sst s0;
	s0 =	simm.s32 @!p2 $0x0  }
0x16: {  	s3 =	sld [smem:$0x3FDB];
	s0 =	simm.s32 @p2 $0x1  }
0x17: {  	s4 =	simm.s32 $0x1BF5;
	[smem:$0x3FA0] =	sst s0  }
0x18: {  	s0 =	sld [smem:$0x3F83];
	_ =	swait.ge [sflag:s4], $0x0  }
0x19: {  	s7 =	sld [smem:$0x3F84]  }
0x1a: {  	s8 =	sadd.s32 $0xFFFFE003, lr  }
0x1b: {  	s9 =	sadd.s32 $0xFFFFFEF7, lr;
	s5 =	simm.s32 $0xFFFFFFFF;
	p2 =	slt.u32 s8, $0xFFFFF086  }
0x1c: {  	p1 =	slt.u32 s9, $0xF7A;
	s5 =	simm.s32 @!p2 $0x0  }
0x1d: {  	s5 =	simm.s32 @p1 $0x1;
	p0 =	seq.s32 s7, s2  }
0x1e: {  	s7 =	smul.u32 @!p0 $0xF7A, s2;
	p2 =	seq.s32 @!p0 s5, $0x0  }
0x1f: {  	s9 =	smul.u32 $0xF7A, s1;
	s8 =	simm.s32 @!p0 $0x1BF5;
	p2 =	por !p2, p0  }
0x20: {  	[sflag:s8] =	ssyncset.s32 @!p0 $0xFFFFF086;
	s6 =	sadd.s32 @!p0 s3, s7;
	s7 =	simm.s32 @!p0 $0x108  }
0x21: {  	s3 =	sadd.s32 s3, s9;
	s6 =	sadd.s32 @!p0 $0x88, s6;
	s7 =	simm.s32 @p2 $0x1082  }
0x22: {  	[simem:s7], [sflag:s8] =	dma.local @!p0 [hbm:s6], $0xF7A  }
0x23: {  	s9 =	sor.u32 $0xD0000000, s2;
	s6 =	simm.s32 $0x108;
	_ =	swait.ge @!p0 [sflag:s8], $0x0  }
0x24: {  	s3 =	sadd.s32 $0x88, s3;
	s6 =	simm.s32 @!p1 $0x1082;
	[sflag:s4] =	ssyncset.s32 $0xFFFFF086  }
0x25: {  	[simem:s6], [sflag:s4] =	dma.local [hbm:s3], $0xF7A  }
0x26: {  	[smem:$0x3F84] =	sst s1;
	(tag) =	ssettag s2;
	_ =	strace s9  }
0x27: {  	s1 =	sld [smem:$0x3F94]  }
0x28: {  	s2 =	sld [smem:$0x3F95]  }
0x29: {  	s4 =	sld [smem:$0x3F97]  }
0x2a: {  	p0 =	seq.s32 s5, $0x0;
	s5 =	sld [smem:$0x3F98]  }
0x2b: {  	s6 =	sld [smem:$0x3F99]  }
0x2c: {  	s7 =	sld [smem:$0x3F9A]  }
0x2d: {  	s3 =	simm.s32 $0x108;
	s8 =	sld [smem:$0x3F9B]  }
0x2e: {  	s3 =	simm.s32 @!p0 $0x1082;
	s9 =	sld [smem:$0x3F9C]  }
0x2f: {  	lr =	sadd.s32 s0, s3;
	s0 =	sld [smem:$0x3F93]  }
0x30: {  	s3 =	sld [smem:$0x3F96]  }
0x31: {  	[smem:$0x3F9F] =	sst s10  }
0x32: {  	s10 =	sld [smem:$0x3F9D];
	_ =	sdelay $0x3  }
0x33: {  	p0 =	seq.s32 s10, $0x1;
	s10 =	sld [smem:$0x3F9F];
	_ =	sdelay $0x3  }
0x34: {  	[smem:$0x3F9F] =	sst s10  }
0x35: {  	s10 =	sld [smem:$0x3F9E];
	_ =	sdelay $0x3  }
0x36: {  	p1 =	seq.s32 s10, $0x1;
	s10 =	sld [smem:$0x3F9F];
	_ =	sdelay $0x3  }
0x37: {  	[smem:$0x3F9F] =	sst s10  }
0x38: {  	s10 =	sld [smem:$0x3FA0]  }
0x39: {  	_ = 	snop;
	(pc) =	sbr.ind lr, $3  }
0x3a: {  	_ = 	snop  }
0x3b: {  	_ = 	snop  }
0x3c: {  	p2 =	seq.s32 s10, $0x1;
	s10 =	sld [smem:$0x3F9F]  }
0x3d: {  	_ =	shalt  }
0x3e: {  	_ =	shalt  }
0x3f: {  	_ =	shalt  }
0x40: {  	_ =	shalt  }
0x41: {  	_ =	shalt  }
0x42: {  	_ =	shalt  }
0x43: {  	_ =	shalt  }
0x44: {  	_ =	shalt  }
0x45: {  	_ =	shalt  }
0x46: {  	_ =	shalt  }
0x47: {  	_ =	shalt  }
0x48: {  	_ =	shalt  }
0x49: {  	_ =	shalt  }
0x4a: {  	_ =	shalt  }
0x4b: {  	_ =	shalt  }
0x4c: {  	_ =	shalt  }
0x4d: {  	_ =	shalt  }
0x4e: {  	_ =	shalt  }
0x4f: {  	_ =	shalt  }
0x50: {  	_ =	shalt  }
0x51: {  	_ =	shalt  }
0x52: {  	_ =	shalt  }
0x53: {  	_ =	shalt  }
0x54: {  	_ =	shalt  }
0x55: {  	_ =	shalt  }
0x56: {  	_ =	shalt  }
0x57: {  	_ =	shalt  }
0x58: {  	_ =	shalt  }
0x59: {  	_ =	shalt  }
0x5a: {  	_ =	shalt  }
0x5b: {  	_ =	shalt  }
0x5c: {  	_ =	shalt  }
0x5d: {  	_ =	shalt  }
0x5e: {  	_ =	shalt  }
0x5f: {  	_ =	shalt  }
0x60: {  	_ =	shalt  }
0x61: {  	_ =	shalt  }
0x62: {  	_ =	shalt  }
0x63: {  	_ =	shalt  }
0x64: {  	_ =	shalt  }
0x65: {  	_ =	shalt  }
0x66: {  	_ =	shalt  }
0x67: {  	_ =	shalt  }
0x68: {  	_ =	shalt  }
0x69: {  	_ =	shalt  }
0x6a: {  	_ =	shalt  }
0x6b: {  	_ =	shalt  }
0x6c: {  	_ =	shalt  }
0x6d: {  	_ =	shalt  }
0x6e: {  	_ =	shalt  }
0x6f: {  	_ =	shalt  }
0x70: {  	_ =	shalt  }
0x71: {  	_ =	shalt  }
0x72: {  	_ =	shalt  }
0x73: {  	_ =	shalt  }
0x74: {  	_ =	shalt  }
0x75: {  	_ =	shalt  }
0x76: {  	_ =	shalt  }
0x77: {  	_ =	shalt  }
0x78: {  	_ =	shalt  }
0x79: {  	_ =	shalt  }
0x7a: {  	_ =	shalt  }
0x7b: {  	_ =	shalt  }
0x7c: {  	_ =	shalt  }
0x7d: {  	_ =	shalt  }
0x7e: {  	_ =	shalt  }
0x7f: {  	_ =	shalt  }
0x80: {  	_ =	shalt  }
0x81: {  	_ =	shalt  }
0x82: {  	_ =	shalt  }
0x83: {  	_ =	shalt  }
0x84: {  	_ =	shalt  }
0x85: {  	_ =	shalt  }
0x86: {  	_ =	shalt  }
0x87: {  	_ =	shalt  }
.Lfunc_end0:
.L_simem_size_0:
called_computation.6_lowered:
.L_overlay_start_0:
0x88: {  	s0 =	sld [smem:$0x3FD9]  }
0x89: {  	s1 =	sld [smem:$0x3FFE];
	_ =	sdelay $0x3  }
0x8a: {  	s0 =	sadd.s32 s1, s0  }
0x8b: {  	[smem:$0x3FAB] =	sst s0  }
0x8c: {  	_ = 	snop  }
0x8d: {  	s0 =	sld [smem:$0x3FD0];
	_ =	sdelay $0x2  }
0x8e: {  	s13 =	simm.s32 $0xB;
	s2 =	simm.s32 $0x10  }
0x8f: {  	[smem:s2], [sflag:s13] =	dma.local [hbm:s0], $0x1  }
0x90: {  	_ =	swait.eq [sflag:s13], $0x1  }
0x91: {  	[sflag:s13] =	ssyncset.done $0x0  }
0x92: {  	[sflag:s13] =	ssyncadd.s32 $0xFFFFFFFF  }
0x93: {  	s14 =	sld [smem:$0x12];
	(tm) =	ssettm $0x1  }
0x94: {  	s15 =	sld [smem:$0x3FFB];
	_ =	sdelay $0x3  }
0x95: {  	_ =	strace s15  }
0x96: {  	s1 =	sld [smem:$0x3FFC];
	_ =	sdelay $0x3  }
0x97: {  	_ =	strace s1  }
0x98: {  	s1 =	sld [smem:$0x3FFD];
	_ =	sdelay $0x3  }
0x99: {  	_ =	strace s1  }
0x9a: {  	_ =	strace $0x8FFFFFFF  }
0x9b: {  	s16 =	sld [smem:$0x3FDB];
	_ =	sdelay $0x1  }
0x9c: {  	s17 =	simm.s32 $_scs_section_size  }
0x9d: {  	s3 =	simm.s32 $_size__tile_overlayer_lowered;
	s4 =	simm.s32 $_tile_overlayer_lowered  }
0x9e: {  	s20 =	simm.s32 $0x1BFF;
	s19 =	sshll.u32 s4, $0x1;
	s1 =	sadd.s32 s17, s16  }
0x9f: {  	s5 =	simm.s32 $0x0;
	s18 =	sshll.u32 s3, $0x1;
	s3 =	sadd.s32 s19, s1  }
0xa0: {  	[timem:s5], [sflag:s20] =	dma.local [hbm:s3], s18  }
0xa1: {  	_ =	swait.ge [sflag:s20], s18  }
0xa2: {  	s2 =	ssub.s32 $0x0, s18;
	[sflag:s20] =	ssyncset.done $0x0  }
0xa3: {  	[sflag:s20] =	ssyncadd.s32 s2;
	_ =	sdelay $0x1  }
0xa4: {  	s21 =	simm.s32 $0x1B8B  }
0xa5: {  	_ =	swait.ge [sflag:s21], $0x1  }
0xa6: {  	[sflag:s21] =	ssyncset.done $0x0  }
0xa7: {  	s23 =	simm.s32 $0x1B8E;
	s22 =	sld [smem:$0x3FFE];
	[sflag:s21] =	ssyncadd.s32 $0xFFFFFFFF  }
0xa8: {  	s24 =	simm.s32 $execute0_lowered;
	[smem:$0x3FD2] =	sst s23  }
0xa9: {  	s3 =	sshll.u32 s24, $0x1;
	_ =	strace $0x80000052;
	[dreg:$0x1] =	wrdreg $0xFFFFFFFF  }
0xaa: {  	s25 =	simm.s32 $_size_execute0_lowered;
	s1 =	sadd.s32 s1, s3;
	[dreg:$0x0] =	wrdreg $0x0  }
0xab: {  	s3 =	sshll.u32 s25, $0x1;
	[dreg:$0x2] =	wrdreg s1  }
0xac: {  	[dreg:$0x3] =	wrdreg s3  }
0xad: {  	[dreg:$0x4] =	wrdreg $0xC0  }
0xae: {  	_ =	task [dreg:s5], $0x5FFFF  }
0xaf: {  	[dreg:$0x1] =	wrdreg $0xFFFFFFFF  }
0xb0: {  	[dreg:$0x0] =	wrdreg $0x60  }
0xb1: {  	[dreg:$0x2] =	wrdreg s22  }
0xb2: {  	[dreg:$0x3] =	wrdreg s14  }
0xb3: {  	[dreg:$0x4] =	wrdreg $0xA  }
0xb4: {  	_ =	task.clear_ibuf [dreg:s5], $0x5FFFF;
	_ =	strace $0x90000052  }
0xb5: {  	s26 =	simm.s32 $0xA;
	_ =	strace $0x80000054  }
0xb6: {  	_ =	swait.ge [sflag:s26], $0x1  }
0xb7: {  	[sflag:s26] =	ssyncadd.s32 $0xFFFFFFFF  }
0xb8: {  	_ =	strace $0x90000054  }
0xb9: {  	_ =	sfence  }
0xba: {  	s28 =	sld [smem:$0x0];
	_ =	sdelay $0x1  }
0xbb: {  	s29 =	srdreg.scid  }
0xbc: {  	s30 =	sshll.u32 s29, $0xD;
	s31 =	sshrl.u32 s29, $0x2  }
0xbd: {  	s2 =	sand.u32 $0x4000, s30;
	s1 =	sand.u32 $0x1, s29;
	s0 =	sadd.s32 s31, s28  }
0xbe: {  	s1 =	sor.u32 s2, s1;
	s0 =	sshll.u32 s0, $0x11  }
0xbf: {  	s0 =	sor.u32 s0, s1  }
0xc0: {  	s0 =	sadd.s32 $0x8F2B, s0  }
0xc1: {  	[sflag:s0] =	ssyncadd.remote.s32 $0x1  }
0xc2: {  	_ =	sfence.sel $0xFFFF  }
0xc3: {  	[dreg:$0x0] =	wrdreg $0xFFFFFFFF;
	(pc) =	sbr.abs _section_cstart, $3  }
0xc4: {  	[dreg:$0x1] =	wrdreg $0xFFFFFFFF  }
0xc5: {  	_ =	task.clear_ibuf [dreg:s5], $0x2FFFF;
	_ =	strace $0x9FFFFFFF  }
0xc6: {  	(tm) =	ssettm $0x7FFFFFFF  }
0xc7: {  	_ =	shalt  }
tec
execute0_lowered:
.L_overlay_start_1:
0x0: {  	(tag) =	ssettag $0x1  }
0x1: {  	s0 =	stileid.u32  }
0x2: {  	s1 =	smin.u32 s0, $0x9  }
0x3: {  	s1 =	sadd.s32 s0, s1  }
0x4: {  	s2 =	simm.s32 $0x190;
	p0 =	slt.u32 s0, $0x9;
	s1 =	smul.u32 $0xC8, s1  }
0x5: {  	s2 =	simm.s32 @!p0 $0xC8  }
0x6: {  	s2 =	sadd.s32 s2, s1  }
0x7: {  	s3 =	smin.u32 s2, $0x1388  }
0x8: {  	s7 =	ssub.s32 s3, s1  }
0x9: {  	p0 =	sgt.s32 s7, $0x0  }
0xa: {  	s7 =	simm.s32 @!p0 $0x0  }
0xb: {  	s31 =	sand.u32 $0xFFF8, s7  }
0xc: {  	s2 =	sshrl.u32 s31, $0x3  }
0xd: {  	s9 =	rddreg [dreg:$0x0];
	s2 =	smul.u32 $0x147B, s2  }
0xe: {  	s4 =	rddreg [dreg:$0x1];
	s6 =	simm.s32 $0x1  }
0xf: {  	s11 =	simm.s32 $0x3;
	s13 =	simm.s32 $0x0;
	s8 =	sshrl.u32 s2, $0x11  }
0x10: {  	s12 =	simm.s32 $0x0;
	s5 =	sadd.s32 $0x800, s9;
	s10 =	smul.u32 $0xC8, s8  }
.Ltmp0:
0x11: {  	s9 =	sadd.s32 $0x3B600, s9;
	s2 =	rddreg [dreg:$0x2];
	(pc) =	sbr.rel .LBB2_1-.Ltmp0, $4  }
0x12: {  	_ =	strace $0x80000053;
	p0 =	sne.s32 s7, s10;
	s10 =	simm.s32 $0x1  }
0x13: {  	[sflag:s6] =	ssyncpa.u1 $0x0;
	s7 =	simm.s32 $0x2;
	s10 =	simm.s32 @!p0 $0x0  }
0x14: {  	[sflag:s7] =	ssyncpa.u1 $0x0;
	p0 =	por $0x0, $0x0;
	s8 =	sadd.s32 s8, s10  }
0x15: {  	vm0 =	vmmov $0xff;
	vm1 =	vcmask $0x3F20;
	[sflag:s11] =	ssyncpa.u1 $0x0;
	s11 =	smov.u32 s1;
	s10 =	sadd.s32 $0x1, s8  }
.LBB2_6:
0x16: {  	[hbm:s17] =	stream.linear.scatter [tilespmem:s14], [sflag:$0x3], $0x400, $0x38;
	[tilespmem:$0xC990] =	vst v63  }
.LBB2_7:
0x17: {  	s13 =	sadd.s32 $0xC8, s11  }
0x18: {  	s15 =	smov.u32 s1;
	p2 =	slt.s32 s13, s3  }
0x19: {  	s15 =	smov.u32 @p2 s13;
	p2 =	sne.s32 s12, s10  }
.Ltmp1:
0x1a: {  	p1 =	slt.u32 s12, $0x2;
	(pc) =	sbr.rel @!p2 .LBB2_8-.Ltmp1, $4  }
0x1b: {  	s14 =	simm.s32 @!p1 $0x3  }
0x1c: {  	s16 =	sadd.s32 $0x1, s12;
	_ =	swait.ge @!p1 [sflag:s14], $0x6400  }
0x1d: {  	p0 =	por !p0, !p0;
	s13 =	smov.u32 s11;
	[sflag:s14] =	ssyncset.done @!p1 $0x0  }
0x1e: {  	s12 =	smov.u32 s16;
	s11 =	smov.u32 s15;
	[sflag:s14] =	ssyncadd.s32 @!p1 $0xFFFF9C00  }
.LBB2_1:
0x1f: {  	p1 =	sge.u32 s12, s8  }
0x20: {  	s14 =	sxor.u32 @!p1 $0xFFFFFFFF, s12  }
0x21: {  	s14 =	sand.u32 @!p1 $0x1, s14  }
0x22: {  	s14 =	smul.u32 @!p1 $0x320, s14  }
0x23: {  	s31 =	sadd.s32 $0xFFFFFFFF, s12;
	s15 =	sshrl.u32 @!p1 s11, $0x3  }
0x24: {  	s16 =	sand.u32 @!p1 $0x7, s11;
	s15 =	sadd.s32 @!p1 s4, s15;
	s14 =	sshrl.u32 @!p1 s14, $0x2  }
0x25: {  	[tilespmem:s14], [sflag:$0x2] =	stream.linear.gather @!p1 [hbm4b:s15+s16], $0xC8, $0x38;
	[tilespmem:$0xC990] =	vst v63  }
0x26: {  	p1 =	sge.u32 s31, s8  }
.Ltmp2:
0x27: {  	_ = 	snop;
	(pc) =	sbr.rel @p1 .LBB2_7-.Ltmp2, $1  }
0x28: {  	_ =	sdelay $0x3  }
0x29: {  	s14 =	simm.s32 $0x1  }
0x2a: {  	s14 =	simm.s32 @!p0 $0x0  }
0x2b: {  	s15 =	smul.u32 $0x320, s14  }
0x2c: {  	_ =	swait.ge [sflag:s7], $0xC8  }
0x2d: {  	[sflag:s7] =	ssyncset.done $0x0;
	s16 =	sshrl.u32 s15, $0x2  }
0x2e: {  	[sflag:s7] =	ssyncadd.s32 $0xFFFFFF38;
	s15 =	sadd.s32 $0x0, s16  }
0x2f: {  	v0 =	vld.msk [tilespmem:s15+$0x0 ss:$0x1], $0xffff;
	_ =	sdelay $0x4  }
0x30: {  	vm2 =	vgt.s32 v0, $0x0  }
0x31: {  	v0 =	vnsel vm2, $0x0, v0  }
0x32: {  	v0 =	vmin.u32 v0, $0x270F  }
0x33: {  	v0 =	vshll.u32 v0, $0x4  }
0x34: {  	s14 =	smul.u32 $0x19000, s14  }
0x35: {  	s31 =	sand.u32 $0x1, s12  }
0x36: {  	s17 =	smul.u32 $0x320, s31;
	s14 =	sshrl.u32 s14, $0x2  }
0x37: {  	s19 =	smul.u32 $0x19000, s31;
	s14 =	sor.u32 $0x190, s14  }
0x38: {  	[tilespmem:s14], [sflag:$0x1] =	stream.indirect_vreg.gather [hbm:s5], $0x80, v0, vm0, $0x38;
	[tilespmem:$0xC990] =	vst v63  }
0x39: {  	s18 =	sshrl.u32 s17, $0x2;
	s20 =	sadd.s32 $0x10, s16;
	s15 =	sadd.s32 $0x400, s14  }
0x3a: {  	[tilespmem:s15], [sflag:$0x1] =	stream.indirect_vreg.gather [hbm:s5], $0x80, v0, vm1, $0x38;
	[tilespmem:$0xC990] =	vst v63  }
0x3b: {  	s17 =	sshrl.u32 s19, $0x2;
	s19 =	smov.u32 s14;
	v0 =	vld.msk [tilespmem:s20+$0x0 ss:$0x1], $0xffff;
	s20 =	simm.s32 $0x80  }
.LBB2_3:
0x3c: {  	p1 =	sne.s32 s20, $0x2C0;
	_ =	sdelay $0x4  }
0x3d: {  	vm2 =	vgt.s32 v0, $0x0  }
0x3e: {  	v0 =	vnsel vm2, $0x0, v0  }
0x3f: {  	v0 =	vmin.u32 v0, $0x270F  }
0x40: {  	v0 =	vshll.u32 v0, $0x4;
	_ =	sdelay $0x3  }
.Ltmp3:
0x41: {  	s21 =	sshra.s32 s20, $0x2;
	s19 =	sadd.s32 $0x800, s19;
	(pc) =	sbr.rel @p1 .LBB2_3-.Ltmp3, $4  }
0x42: {  	[tilespmem:s19], [sflag:$0x1] =	stream.indirect_vreg.gather [hbm:s5], $0x80, v0, vm0, $0x38;
	[tilespmem:$0xC990] =	vst v63  }
0x43: {  	s21 =	sadd.s32 s21, s16;
	s22 =	sadd.s32 $0x400, s19  }
0x44: {  	[tilespmem:s22], [sflag:$0x1] =	stream.indirect_vreg.gather [hbm:s5], $0x80, v0, vm1, $0x38;
	[tilespmem:$0xC990] =	vst v63  }
0x45: {  	s20 =	sadd.s32 $0x40, s20;
	v0 =	vld.msk [tilespmem:s21+$0x0 ss:$0x1], $0xffff  }
0x46: {  	_ =	sdelay $0x3  }
0x47: {  	vm2 =	vgt.s32 v0, $0x0  }
0x48: {  	v0 =	vnsel vm2, $0x0, v0  }
0x49: {  	v0 =	vmin.u32 v0, $0x270F  }
0x4a: {  	v0 =	vshll.u32 v0, $0x4;
	_ =	sdelay $0x3  }
0x4b: {  	s16 =	sadd.s32 $0x800, s19  }
0x4c: {  	[tilespmem:s16], [sflag:$0x1] =	stream.indirect_vreg.gather [hbm:s5], $0x80, v0, vm0, $0x38;
	[tilespmem:$0xC990] =	vst v63  }
0x4d: {  	s16 =	sadd.s32 $0x400, s16  }
0x4e: {  	[tilespmem:s16], [sflag:$0x1] =	stream.indirect_vreg.gather [hbm:s5], $0x80, v0, vm1, $0x38;
	[tilespmem:$0xC990] =	vst v63  }
0x4f: {  	v0 =	vld.msk [tilespmem:s18+$0xC0 ss:$0x1], $0xff;
	_ =	sdelay $0x4  }
0x50: {  	vm2 =	vgt.s32 v0, $0x0  }
0x51: {  	v0 =	vnsel vm2, $0x0, v0  }
0x52: {  	v0 =	vmin.u32 v0, $0x270F  }
0x53: {  	v0 =	vshll.u32 v0, $0x4;
	_ =	sdelay $0x3  }
0x54: {  	s31 =	sadd.s32 $0x6190, s17  }
0x55: {  	[tilespmem:s31], [sflag:$0x1] =	stream.indirect_vreg.gather [hbm:s5], $0x80, v0, vm0, $0x38;
	[tilespmem:$0xC990] =	vst v63  }
0x56: {  	s13 =	sshll.u32 s13, $0x4;
	_ =	swait.ge [sflag:s6], $0x6400  }
0x57: {  	s13 =	sadd.s32 s13, s9;
	[sflag:s6] =	ssyncset.done $0x0  }
0x58: {  	s17 =	sadd.s32 $0x0, s13;
	s16 =	simm.s32 $0x80;
	[sflag:s6] =	ssyncadd.s32 $0xFFFF9C00  }
.LBB2_5:
0x59: {  	[hbm:s17] =	stream.linear.scatter [tilespmem:s14], [sflag:$0x3], $0x400, $0x38;
	[tilespmem:$0xC990] =	vst v63  }
0x5a: {  	s17 =	smov.u32 s16;
	s14 =	smov.u32 s15;
	p1 =	sne.s32 s16, $0xC00  }
.Ltmp4:
0x5b: {  	s16 =	sadd.s32 $0x80, s16;
	(pc) =	sbr.rel @p1 .LBB2_5-.Ltmp4, $2  }
0x5c: {  	_ =	sdelay $0x2  }
0x5d: {  	s15 =	sadd.s32 $0x400, s15;
	s17 =	sadd.s32 s17, s13  }
.Ltmp5:
0x5e: {  	_ = 	snop;
	(pc) =	sbr.rel .LBB2_6-.Ltmp5, $1  }
0x5f: {  	_ =	sdelay $0x3  }
.LBB2_8:
0x60: {  	_ =	sfence.sel $0x180000  }
0x61: {  	s1 =	simm.s32 $0x2;
	[bflag:$0x0] =	sbarrier.arrive $0xFFFF  }
0x62: {  	s30 =	simm.s32 $0x3;
	[sflag:s1] =	ssyncpa.u1 $0x1  }
0x63: {  	s31 =	simm.s32 $0x1;
	[sflag:s30] =	ssyncpa.u1 $0x1  }
0x64: {  	[sflag:s31] =	ssyncpa.u1 $0x1  }
0x65: {  	p0 =	sne.s32 s0, $0x0;
	_ =	strace $0x90000053  }
0x66: {  	s0 =	sadd.s32 @!p0 $0x100000, s2;
	[bflag:$0x2] =	sbarrier.arrive $0xFFFF  }
0x67: {  	[sflag:s0] =	ssyncadd.tile.s32 @!p0 $0x1;
	_ =	shalt  }
.Lfunc_end2:
_tile_overlayer_lowered:
.L_overlay_start_2:
0x68: {  	(tag) =	ssettag $0x2  }
0x69: {  	s0 =	rddreg [dreg:$0x0];
	s2 =	stileid.u32  }
0x6a: {  	s1 =	rddreg [dreg:$0x1];
	p0 =	sne.s32 s2, $0x0  }
0x6b: {  	s3 =	rddreg [dreg:$0x2];
	[bflag:$0x3] =	sbarrier.arrive $0xFFFF;
	s2 =	simm.s32 @!p0 $0x1C01  }
0x6c: {  	[timem:s3], [sflag:s2] =	dma.local @!p0 [hbm:s0], s1  }
0x6d: {  	s0 =	simm.s32 @!p0 $0x1  }
0x6e: {  	_ =	swait.ge @!p0 [sflag:s0], s1  }
0x6f: {  	s1 =	ssub.s32 @!p0 $0x0, s1;
	[sflag:s0] =	ssyncset.done @!p0 $0x0  }
0x70: {  	[sflag:s0] =	ssyncadd.s32 @!p0 s1  }
0x71: {  	[bflag:$0x3] =	sbarrier.arrive $0xFFFF  }
0x72: {  	_ =	shalt  }

// kernel: gather_offload_async_start.3
scs
__scs_entry_jumppad:
0x0: {  	(pc) =	sbr.rel $0x88, $3  }
0x1: {  	(tag) =	ssettag $0x0;
	lr =	simm.s32 $0x1  }
0x2: {  	[smem:$0x3F84] =	sst lr;
	_ =	strace $0xD0000000  }
0x3: {  	_ = 	snop  }
0x4: {  	_ = 	snop  }
0x5: {  	_ = 	snop  }
0x6: {  	_ = 	snop  }
0x7: {  	_ = 	snop  }
__scs_overlays_trampoline_lowered:
0x8: {  	[smem:$0x3F93] =	sst s0  }
0x9: {  	[smem:$0x3F94] =	sst s1  }
0xa: {  	[smem:$0x3F95] =	sst s2  }
0xb: {  	[smem:$0x3F96] =	sst s3  }
0xc: {  	[smem:$0x3F97] =	sst s4  }
0xd: {  	[smem:$0x3F98] =	sst s5  }
0xe: {  	[smem:$0x3F99] =	sst s6  }
0xf: {  	[smem:$0x3F9A] =	sst s7  }
0x10: {  	[smem:$0x3F9B] =	sst s8  }
0x11: {  	[smem:$0x3F9C] =	sst s9;
	s0 =	simm.s32 @!p0 $0x0  }
0x12: {  	s1 =	sld [smem:$0x3F82];
	s0 =	simm.s32 @p0 $0x1  }
0x13: {  	[smem:$0x3F9D] =	sst s0;
	s0 =	simm.s32 @!p1 $0x0  }
0x14: {  	s2 =	sld [smem:$0x3F81];
	s0 =	simm.s32 @p1 $0x1  }
0x15: {  	[smem:$0x3F9E] =	sst s0;
	s0 =	simm.s32 @!p2 $0x0  }
0x16: {  	s3 =	sld [smem:$0x3FDB];
	s0 =	simm.s32 @p2 $0x1  }
0x17: {  	s4 =	simm.s32 $0x1BF5;
	[smem:$0x3FA0] =	sst s0  }
0x18: {  	s0 =	sld [smem:$0x3F83];
	_ =	swait.ge [sflag:s4], $0x0  }
0x19: {  	s7 =	sld [smem:$0x3F84]  }
0x1a: {  	s8 =	sadd.s32 $0xFFFFE003, lr  }
0x1b: {  	s9 =	sadd.s32 $0xFFFFFEF7, lr;
	s5 =	simm.s32 $0xFFFFFFFF;
	p2 =	slt.u32 s8, $0xFFFFF086  }
0x1c: {  	p1 =	slt.u32 s9, $0xF7A;
	s5 =	simm.s32 @!p2 $0x0  }
0x1d: {  	s5 =	simm.s32 @p1 $0x1;
	p0 =	seq.s32 s7, s2  }
0x1e: {  	s7 =	smul.u32 @!p0 $0xF7A, s2;
	p2 =	seq.s32 @!p0 s5, $0x0  }
0x1f: {  	s9 =	smul.u32 $0xF7A, s1;
	s8 =	simm.s32 @!p0 $0x1BF5;
	p2 =	por !p2, p0  }
0x20: {  	[sflag:s8] =	ssyncset.s32 @!p0 $0xFFFFF086;
	s6 =	sadd.s32 @!p0 s3, s7;
	s7 =	simm.s32 @!p0 $0x108  }
0x21: {  	s3 =	sadd.s32 s3, s9;
	s6 =	sadd.s32 @!p0 $0x88, s6;
	s7 =	simm.s32 @p2 $0x1082  }
0x22: {  	[simem:s7], [sflag:s8] =	dma.local @!p0 [hbm:s6], $0xF7A  }
0x23: {  	s9 =	sor.u32 $0xD0000000, s2;
	s6 =	simm.s32 $0x108;
	_ =	swait.ge @!p0 [sflag:s8], $0x0  }
0x24: {  	s3 =	sadd.s32 $0x88, s3;
	s6 =	simm.s32 @!p1 $0x1082;
	[sflag:s4] =	ssyncset.s32 $0xFFFFF086  }
0x25: {  	[simem:s6], [sflag:s4] =	dma.local [hbm:s3], $0xF7A  }
0x26: {  	[smem:$0x3F84] =	sst s1;
	(tag) =	ssettag s2;
	_ =	strace s9  }
0x27: {  	s1 =	sld [smem:$0x3F94]  }
0x28: {  	s2 =	sld [smem:$0x3F95]  }
0x29: {  	s4 =	sld [smem:$0x3F97]  }
0x2a: {  	p0 =	seq.s32 s5, $0x0;
	s5 =	sld [smem:$0x3F98]  }
0x2b: {  	s6 =	sld [smem:$0x3F99]  }
0x2c: {  	s7 =	sld [smem:$0x3F9A]  }
0x2d: {  	s3 =	simm.s32 $0x108;
	s8 =	sld [smem:$0x3F9B]  }
0x2e: {  	s3 =	simm.s32 @!p0 $0x1082;
	s9 =	sld [smem:$0x3F9C]  }
0x2f: {  	lr =	sadd.s32 s0, s3;
	s0 =	sld [smem:$0x3F93]  }
0x30: {  	s3 =	sld [smem:$0x3F96]  }
0x31: {  	[smem:$0x3F9F] =	sst s10  }
0x32: {  	s10 =	sld [smem:$0x3F9D];
	_ =	sdelay $0x3  }
0x33: {  	p0 =	seq.s32 s10, $0x1;
	s10 =	sld [smem:$0x3F9F];
	_ =	sdelay $0x3  }
0x34: {  	[smem:$0x3F9F] =	sst s10  }
0x35: {  	s10 =	sld [smem:$0x3F9E];
	_ =	sdelay $0x3  }
0x36: {  	p1 =	seq.s32 s10, $0x1;
	s10 =	sld [smem:$0x3F9F];
	_ =	sdelay $0x3  }
0x37: {  	[smem:$0x3F9F] =	sst s10  }
0x38: {  	s10 =	sld [smem:$0x3FA0]  }
0x39: {  	_ = 	snop;
	(pc) =	sbr.ind lr, $3  }
0x3a: {  	_ = 	snop  }
0x3b: {  	_ = 	snop  }
0x3c: {  	p2 =	seq.s32 s10, $0x1;
	s10 =	sld [smem:$0x3F9F]  }
0x3d: {  	_ =	shalt  }
0x3e: {  	_ =	shalt  }
0x3f: {  	_ =	shalt  }
0x40: {  	_ =	shalt  }
0x41: {  	_ =	shalt  }
0x42: {  	_ =	shalt  }
0x43: {  	_ =	shalt  }
0x44: {  	_ =	shalt  }
0x45: {  	_ =	shalt  }
0x46: {  	_ =	shalt  }
0x47: {  	_ =	shalt  }
0x48: {  	_ =	shalt  }
0x49: {  	_ =	shalt  }
0x4a: {  	_ =	shalt  }
0x4b: {  	_ =	shalt  }
0x4c: {  	_ =	shalt  }
0x4d: {  	_ =	shalt  }
0x4e: {  	_ =	shalt  }
0x4f: {  	_ =	shalt  }
0x50: {  	_ =	shalt  }
0x51: {  	_ =	shalt  }
0x52: {  	_ =	shalt  }
0x53: {  	_ =	shalt  }
0x54: {  	_ =	shalt  }
0x55: {  	_ =	shalt  }
0x56: {  	_ =	shalt  }
0x57: {  	_ =	shalt  }
0x58: {  	_ =	shalt  }
0x59: {  	_ =	shalt  }
0x5a: {  	_ =	shalt  }
0x5b: {  	_ =	shalt  }
0x5c: {  	_ =	shalt  }
0x5d: {  	_ =	shalt  }
0x5e: {  	_ =	shalt  }
0x5f: {  	_ =	shalt  }
0x60: {  	_ =	shalt  }
0x61: {  	_ =	shalt  }
0x62: {  	_ =	shalt  }
0x63: {  	_ =	shalt  }
0x64: {  	_ =	shalt  }
0x65: {  	_ =	shalt  }
0x66: {  	_ =	shalt  }
0x67: {  	_ =	shalt  }
0x68: {  	_ =	shalt  }
0x69: {  	_ =	shalt  }
0x6a: {  	_ =	shalt  }
0x6b: {  	_ =	shalt  }
0x6c: {  	_ =	shalt  }
0x6d: {  	_ =	shalt  }
0x6e: {  	_ =	shalt  }
0x6f: {  	_ =	shalt  }
0x70: {  	_ =	shalt  }
0x71: {  	_ =	shalt  }
0x72: {  	_ =	shalt  }
0x73: {  	_ =	shalt  }
0x74: {  	_ =	shalt  }
0x75: {  	_ =	shalt  }
0x76: {  	_ =	shalt  }
0x77: {  	_ =	shalt  }
0x78: {  	_ =	shalt  }
0x79: {  	_ =	shalt  }
0x7a: {  	_ =	shalt  }
0x7b: {  	_ =	shalt  }
0x7c: {  	_ =	shalt  }
0x7d: {  	_ =	shalt  }
0x7e: {  	_ =	shalt  }
0x7f: {  	_ =	shalt  }
0x80: {  	_ =	shalt  }
0x81: {  	_ =	shalt  }
0x82: {  	_ =	shalt  }
0x83: {  	_ =	shalt  }
0x84: {  	_ =	shalt  }
0x85: {  	_ =	shalt  }
0x86: {  	_ =	shalt  }
0x87: {  	_ =	shalt  }
.Lfunc_end0:
.L_simem_size_0:
called_computation.7_lowered:
.L_overlay_start_0:
0x88: {  	s2 =	sld [smem:$0x3FD9]  }
0x89: {  	s3 =	sld [smem:$0x3FFE];
	_ =	sdelay $0x1  }
0x8a: {  	s1 =	srdreg.scid  }
0x8b: {  	s0 =	sand.u32 $0x1, s1  }
0x8c: {  	s14 =	sshll.u32 s0, $0xA;
	s2 =	sadd.s32 s3, s2  }
0x8d: {  	s2 =	sadd.s32 s2, s14  }
0x8e: {  	[smem:$0x3FAB] =	sst s2  }
0x8f: {  	_ = 	snop  }
0x90: {  	s2 =	sld [smem:$0x3FD0];
	_ =	sdelay $0x2  }
0x91: {  	s15 =	simm.s32 $0xB;
	s4 =	simm.s32 $0x10  }
0x92: {  	[smem:s4], [sflag:s15] =	dma.local [hbm:s2], $0x1  }
0x93: {  	_ =	swait.eq [sflag:s15], $0x1  }
0x94: {  	[sflag:s15] =	ssyncset.done $0x0  }
0x95: {  	[sflag:s15] =	ssyncadd.s32 $0xFFFFFFFF  }
0x96: {  	s16 =	sld [smem:$0x11];
	(tm) =	ssettm $0x1  }
0x97: {  	s17 =	sld [smem:$0x3FFB];
	_ =	sdelay $0x3  }
0x98: {  	_ =	strace s17  }
0x99: {  	s3 =	sld [smem:$0x3FFC];
	_ =	sdelay $0x3  }
0x9a: {  	_ =	strace s3  }
0x9b: {  	s3 =	sld [smem:$0x3FFD];
	_ =	sdelay $0x3  }
0x9c: {  	_ =	strace s3  }
0x9d: {  	_ =	strace $0x8FFFFFFF  }
0x9e: {  	s18 =	sld [smem:$0x3FDB];
	_ =	sdelay $0x1  }
0x9f: {  	s19 =	simm.s32 $_scs_section_size  }
0xa0: {  	s5 =	simm.s32 $_size__tile_overlayer_lowered;
	s6 =	simm.s32 $_tile_overlayer_lowered  }
0xa1: {  	s22 =	simm.s32 $0x1BFF;
	s21 =	sshll.u32 s6, $0x1;
	s3 =	sadd.s32 s19, s18  }
0xa2: {  	s7 =	simm.s32 $0x0;
	s20 =	sshll.u32 s5, $0x1;
	s5 =	sadd.s32 s21, s3  }
0xa3: {  	[timem:s7], [sflag:s22] =	dma.local [hbm:s5], s20  }
0xa4: {  	_ =	swait.ge [sflag:s22], s20  }
0xa5: {  	s4 =	ssub.s32 $0x0, s20;
	[sflag:s22] =	ssyncset.done $0x0  }
0xa6: {  	[sflag:s22] =	ssyncadd.s32 s4;
	_ =	sdelay $0x1  }
0xa7: {  	s23 =	simm.s32 $0x1B8B  }
0xa8: {  	_ =	swait.ge [sflag:s23], $0x1  }
0xa9: {  	[sflag:s23] =	ssyncset.done $0x0  }
0xaa: {  	s25 =	simm.s32 $0x1B8E;
	s24 =	sld [smem:$0x3FFE];
	[sflag:s23] =	ssyncadd.s32 $0xFFFFFFFF  }
0xab: {  	s26 =	simm.s32 $execute0_lowered;
	[smem:$0x3FD2] =	sst s25  }
0xac: {  	s5 =	sshll.u32 s26, $0x1;
	_ =	strace $0x80000055;
	[dreg:$0x1] =	wrdreg $0xFFFFFFFF  }
0xad: {  	s28 =	simm.s32 $_size_execute0_lowered;
	s3 =	sadd.s32 s3, s5;
	[dreg:$0x0] =	wrdreg $0x0  }
0xae: {  	s5 =	sshll.u32 s28, $0x1;
	[dreg:$0x2] =	wrdreg s3  }
0xaf: {  	[dreg:$0x3] =	wrdreg s5  }
0xb0: {  	[dreg:$0x4] =	wrdreg $0xC0  }
0xb1: {  	_ =	task [dreg:s7], $0x5FFFF  }
0xb2: {  	[dreg:$0x1] =	wrdreg $0xFFFFFFFF  }
0xb3: {  	[dreg:$0x0] =	wrdreg $0x60  }
0xb4: {  	[dreg:$0x2] =	wrdreg s16  }
0xb5: {  	[dreg:$0x3] =	wrdreg s24  }
0xb6: {  	[dreg:$0x4] =	wrdreg $0x9  }
0xb7: {  	_ =	task.clear_ibuf [dreg:s7], $0x5FFFF;
	_ =	strace $0x90000055  }
0xb8: {  	s29 =	simm.s32 $0x9;
	_ =	strace $0x80000057  }
0xb9: {  	_ =	swait.ge [sflag:s29], $0x1  }
0xba: {  	[sflag:s29] =	ssyncadd.s32 $0xFFFFFFFF  }
0xbb: {  	_ =	strace $0x90000057  }
0xbc: {  	_ =	sfence  }
0xbd: {  	s30 =	sld [smem:$0x0];
	_ =	sdelay $0x2  }
0xbe: {  	s31 =	sshll.u32 s1, $0xD;
	s1 =	sshrl.u32 s1, $0x2  }
0xbf: {  	s3 =	sand.u32 $0x4000, s31;
	s1 =	sadd.s32 s1, s30  }
0xc0: {  	s0 =	sor.u32 s3, s0;
	s1 =	sshll.u32 s1, $0x11  }
0xc1: {  	s0 =	sor.u32 s1, s0  }
0xc2: {  	s0 =	sadd.s32 $0x8F2B, s0  }
0xc3: {  	[sflag:s0] =	ssyncadd.remote.s32 $0x1  }
0xc4: {  	_ =	sfence.sel $0xFFFF  }
0xc5: {  	[dreg:$0x0] =	wrdreg $0xFFFFFFFF;
	(pc) =	sbr.abs _section_cstart, $3  }
0xc6: {  	[dreg:$0x1] =	wrdreg $0xFFFFFFFF  }
0xc7: {  	_ =	task.clear_ibuf [dreg:s7], $0x2FFFF;
	_ =	strace $0x9FFFFFFF  }
0xc8: {  	(tm) =	ssettm $0x7FFFFFFF  }
0xc9: {  	_ =	shalt  }
tec
execute0_lowered:
.L_overlay_start_1:
0x0: {  	(tag) =	ssettag $0x1  }
0x1: {  	s2 =	rddreg [dreg:$0x0]  }
0x2: {  	s8 =	rddreg [dreg:$0x1]  }
0x3: {  	s1 =	srdreg.scid;
	s0 =	rddreg [dreg:$0x2]  }
0x4: {  	_ =	strace $0x80000056;
	s4 =	simm.s32 $0x1;
	s6 =	simm.s32 $0x2  }
0x5: {  	s10 =	simm.s32 $0x3;
	p3 =	por $0x0, $0x0;
	s3 =	sshll.u32 s1, $0x4  }
.Ltmp0:
0x6: {  	s1 =	stileid.u32;
	s5 =	sand.u32 $0x10, s3;
	(pc) =	sbr.rel .LBB2_1-.Ltmp0, $4  }
0x7: {  	s11 =	simm.s32 $0x80;
	[sflag:s4] =	ssyncpa.u1 $0x0;
	s5 =	sor.u32 s1, s5  }
0x8: {  	s7 =	sadd.s32 $0x63000, s8;
	[sflag:s6] =	ssyncpa.u1 $0x0;
	s5 =	smul.u32 $0x2710, s5  }
0x9: {  	s3 =	sadd.s32 $0x4F000, s8;
	s8 =	sadd.s32 $0x58E00, s8;
	[sflag:s10] =	ssyncpa.u1 $0x0  }
0xa: {  	v0 =	vlaneseq.u32;
	s10 =	simm.s32 $0x0;
	s9 =	sadd.s32 $0x2710, s5;
	s12 =	smov.u32 s5  }
.LBB2_6:
0xb: {  	s15 =	sadd.s32 s17, s15  }
0xc: {  	v2 =	vld.msk [tilespmem:s15+$0x0 ss:$0x1], $0x1  }
0xd: {  	(v2sf) =	vpush v1, $0x1  }
0xe: {  	(v2sf) =	vpush v1, $0x0;
	_ =	sdelay $0x2  }
0xf: {  	(v2sf) =	vpush v2, $0x0;
	_ =	sdelay $0xa  }
0x10: {  	p1 =	seq.s32 s18, $0x63C;
	s15 =	simm.s32 $0x1;
	s18 =	spop (v2sf)  }
0x11: {  	s15 =	simm.s32 @!p1 $0x2;
	s18 =	simm.s32 @p0 $0xFFFFFFFF;
	s19 =	spop (v2sf)  }
0x12: {  	v1 =	vmov s15;
	s15 =	simm.s32 $0x1;
	p0 =	sne.s32 s19, s18  }
0x13: {  	vm0 =	vgt.u32 v1, v0;
	s15 =	simm.s32 @!p0 $0x0  }
0x14: {  	s15 =	sadd.s32 s15, s16;
	s26 =	spop (v2sf)  }
0x15: {  	s15 =	sshll.u32 s15, $0x9;
	s28 =	sshll.u32 s26, $0x4  }
0x16: {  	s15 =	sshra.s32 s15, $0x2;
	s16 =	sand.u32 $0x1FFFFFF0, s28  }
0x17: {  	s13 =	sadd.s32 s17, s13;
	s14 =	sadd.s32 s15, s14;
	s29 =	sadd.s32 s7, s16  }
0x18: {  	[hbm:s29] =	stream.strided.scatter [tilespmem:s14], [sflag:$0x3], $0x80, s11, s11, $0x38;
	[tilespmem:$0x19640] =	vst v63  }
0x19: {  	v1 =	vld.msk [tilespmem:s13+$0x0 ss:$0x1], vm0;
	_ =	sdelay $0x4  }
0x1a: {  	(v2sf) =	vpush v1, $0x1  }
0x1b: {  	(v2sf) =	vpush v1, $0x0;
	_ =	sdelay $0xb  }
0x1c: {  	s13 =	sld [smem:$0x7FB];
	_ =	sdelay $0x1  }
0x1d: {  	s30 =	spop (v2sf)  }
0x1e: {  	p3 =	seq.s32 s13, $0x1;
	s31 =	spop (v2sf)  }
.LBB2_7:
0x1f: {  	p0 =	slt.u32 s10, $0x2;
	s10 =	sadd.s32 $0x1, s10  }
0x20: {  	p2 =	sne.s32 s10, $0x1B  }
.Ltmp1:
0x21: {  	_ = 	snop;
	(pc) =	sbr.rel @!p2 .LBB2_8-.Ltmp1, $4  }
0x22: {  	s13 =	simm.s32 @!p0 $0x3  }
0x23: {  	s14 =	sadd.s32 $0x190, s12;
	_ =	swait.ge @!p0 [sflag:s13], $0xC800  }
0x24: {  	s12 =	smov.u32 s5;
	p1 =	slt.s32 s14, s9;
	[sflag:s13] =	ssyncset.done @!p0 $0x0  }
0x25: {  	p3 =	por !p3, !p3;
	s12 =	smov.u32 @p1 s14;
	[sflag:s13] =	ssyncadd.s32 @!p0 $0xFFFF3800  }
.LBB2_1:
0x26: {  	p0 =	sgt.u32 s10, $0x18  }
0x27: {  	s13 =	sxor.u32 @!p0 $0xFFFFFFFF, s10  }
0x28: {  	s13 =	sand.u32 @!p0 $0x1, s13  }
0x29: {  	s14 =	sshrl.u32 @!p0 s12, $0x3;
	s13 =	smul.u32 @!p0 $0x190, s13  }
0x2a: {  	s16 =	sand.u32 @!p0 $0x7, s12;
	s15 =	sadd.s32 @!p0 s3, s14  }
0x2b: {  	[tilespmem:s13], [sflag:$0x2] =	stream.linear.gather @!p0 [hbm4b:s15+s16], $0x190, $0x38;
	[tilespmem:$0x19640] =	vst v63  }
0x2c: {  	s31 =	sadd.s32 $0xFFFFFFFF, s10;
	s14 =	sadd.s32 @!p0 s8, s14;
	s13 =	sadd.s32 @!p0 $0x320, s13  }
0x2d: {  	[tilespmem:s13], [sflag:$0x2] =	stream.linear.gather @!p0 [hbm4b:s14+s16], $0x190, $0x38;
	[tilespmem:$0x19640] =	vst v63  }
0x2e: {  	p0 =	sgt.u32 s31, $0x18  }
.Ltmp2:
0x2f: {  	_ = 	snop;
	(pc) =	sbr.rel @p0 .LBB2_7-.Ltmp2, $1  }
0x30: {  	_ =	sdelay $0x3  }
0x31: {  	p0 =	por $0x0, $0x0  }
0x32: {  	s13 =	simm.s32 $0x1;
	p0 =	por p0, p0  }
0x33: {  	s13 =	simm.s32 @!p0 $0x2  }
0x34: {  	v1 =	vmov s13  }
0x35: {  	s14 =	simm.s32 @!p3 $0x0;
	s13 =	simm.s32 $0x1;
	vm0 =	vgt.u32 v1, v0  }
0x36: {  	s14 =	simm.s32 @p3 $0x1;
	s13 =	simm.s32 @!p3 $0x0  }
0x37: {  	[smem:$0x7FB] =	sst s14;
	s13 =	smul.u32 $0x640, s13  }
0x38: {  	_ =	swait.ge [sflag:s6], $0x320  }
0x39: {  	[sflag:s6] =	ssyncset.done $0x0;
	s13 =	sshrl.u32 s13, $0x2  }
0x3a: {  	[sflag:s6] =	ssyncadd.s32 $0xFFFFFCE0;
	s25 =	sadd.s32 $0x0, s13  }
0x3b: {  	p1 =	por $0x0, $0x0;
	v1 =	vld.msk [tilespmem:s25+$0x0 ss:$0x1], vm0  }
0x3c: {  	p1 =	por p1, p1;
	s14 =	simm.s32 $0x1  }
0x3d: {  	s14 =	simm.s32 @!p1 $0x2  }
0x3e: {  	v2 =	vmov s14  }
0x3f: {  	vm0 =	vgt.u32 v2, v0  }
0x40: {  	(v2sf) =	vpush v1, $0x1  }
0x41: {  	(v2sf) =	vpush v1, $0x0  }
0x42: {  	p2 =	por $0x0, $0x0  }
0x43: {  	p2 =	por p2, p2;
	s14 =	simm.s32 $0x1  }
0x44: {  	s14 =	simm.s32 @!p2 $0x2;
	s26 =	sadd.s32 $0x1, s13  }
0x45: {  	v2 =	vmov s14;
	v3 =	vld.msk [tilespmem:s26+$0x0 ss:$0x1], vm0  }
0x46: {  	vm1 =	vgt.u32 v2, v0;
	_ =	sdelay $0x3  }
0x47: {  	(v2sf) =	vpush v3, $0x1  }
0x48: {  	s28 =	sadd.s32 $0x2, s13;
	(v2sf) =	vpush v3, $0x0  }
0x49: {  	v4 =	vld.msk [tilespmem:s28+$0x0 ss:$0x1], vm1  }
0x4a: {  	p0 =	por p0, p0  }
0x4b: {  	p0 =	por p0, p0  }
0x4c: {  	s29 =	sand.u32 $0x1, s10;
	p0 =	por p0, p0;
	s14 =	spop (v2sf)  }
0x4d: {  	p5 =	por $0x0, $0x0;
	s14 =	simm.s32 @p0 $0xFFFFFFFF;
	s15 =	spop (v2sf)  }
0x4e: {  	s16 =	simm.s32 $0x1;
	s17 =	simm.s32 $0x0;
	(v2sf) =	vpush v4, $0x1;
	p0 =	seq.s32 s15, s14  }
0x4f: {  	p6 =	por $0x0, $0x0;
	s24 =	simm.s32 $0x1;
	p1 =	por p1, p1;
	vm0 =	vgt.s32 @!p0 v1, $0x0  }
0x50: {  	p3 =	por p5, p5;
	p4 =	por p1, p1;
	p2 =	por p2, p2;
	(v2sf) =	vpush v4, $0x0;
	v1 =	vnsel @!p0 vm0, $0x0, v1  }
0x51: {  	p1 =	por p6, p6;
	s16 =	simm.s32 @!p3 $0x2;
	p2 =	por p2, p2;
	v1 =	vmin.u32 @!p0 v1, $0x1387  }
0x52: {  	p6 =	por p4, p4;
	p5 =	por p3, p3;
	p2 =	por p2, p2;
	(v2sf) =	vpush @!p0 v1, $0x0  }
0x53: {  	s19 =	sadd.s32 $0x3, s13;
	s30 =	sadd.s32 $0x4, s13;
	s14 =	smul.u32 $0x32000, s29;
	v1 =	vmov s16  }
0x54: {  	s15 =	sadd.s32 $0x320, s13;
	s18 =	simm.s32 @!p0 $0x1;
	s16 =	simm.s32 $0x1;
	vm0 =	vgt.u32 v1, v0  }
0x55: {  	p4 =	por p0, p0;
	s14 =	sshrl.u32 s14, $0x2;
	s16 =	simm.s32 @!p1 $0x2  }
0x56: {  	s18 =	smov.u32 @p0 s17;
	s17 =	simm.s32 $0x18;
	s20 =	spop (v2sf);
	v1 =	vmov s16  }
0x57: {  	s14 =	sor.u32 $0x640, s14;
	s20 =	simm.s32 @p6 $0xFFFFFFFF;
	s21 =	spop (v2sf);
	vm1 =	vgt.u32 v1, v0  }
0x58: {  	p6 =	por p5, p5;
	p1 =	por p1, p1;
	p3 =	seq.s32 s21, s20  }
0x59: {  	p5 =	por $0x0, $0x0;
	s16 =	sadd.s32 @!p0 $0x0, s14;
	s23 =	sadd.s32 @!p3 $0x1, s18  }
0x5a: {  	s23 =	smov.u32 @p3 s18;
	v2 =	vld.msk [tilespmem:s19+$0x0 ss:$0x1], vm0;
	s19 =	sshll.u32 @!p3 s18, $0x9;
	s18 =	simm.s32 @!p1 $0x0  }
0x5b: {  	p5 =	por p5, p5;
	s21 =	simm.s32 $0x1C;
	s18 =	simm.s32 @p1 $0x1  }
0x5c: {  	s24 =	simm.s32 @!p5 $0x2;
	s19 =	sshra.s32 @!p3 s19, $0x2;
	[smem:$0x7FC] =	sst s18  }
0x5d: {  	p1 =	por $0x0, $0x0;
	s22 =	spop (v2sf);
	s18 =	simm.s32 @!p5 $0x0;
	v1 =	vld.msk [tilespmem:s30+$0x0 ss:$0x1], vm1  }
0x5e: {  	vm0 =	vgt.s32 @!p3 v3, $0x0;
	s22 =	simm.s32 @p2 $0xFFFFFFFF;
	s18 =	simm.s32 @p5 $0x1;
	p5 =	por p4, p4  }
0x5f: {  	v3 =	vnsel @!p3 vm0, $0x0, v3;
	s31 =	spop (v2sf);
	p2 =	por p6, p6;
	[smem:$0x7FD] =	sst s18;
	(v2sf) =	vpush v2, $0x1  }
0x60: {  	v3 =	vmin.u32 @!p3 v3, $0x1387;
	s18 =	sadd.s32 @!p3 s19, s14;
	p4 =	seq.s32 s31, s22;
	s22 =	simm.s32 @!p5 $0x80;
	(v2sf) =	vpush v2, $0x0  }
0x61: {  	vm0 =	vgt.s32 @!p4 v4, $0x0;
	s19 =	sshll.u32 @!p4 s23, $0x9;
	s20 =	sadd.s32 @!p4 $0x1, s23;
	(v2sf) =	vpush @!p3 v3, $0x0;
	v3 =	vmov s24;
	s25 =	spop @!p0 (v2sf)  }
0x62: {  	v4 =	vnsel @!p4 vm0, $0x0, v4;
	s19 =	sshra.s32 @!p4 s19, $0x2;
	s20 =	smov.u32 @p4 s23;
	(v2sf) =	vpush v1, $0x1;
	vm0 =	vgt.u32 v3, v0;
	s25 =	sshll.u32 @!p5 s25, $0x4  }
0x63: {  	s24 =	sadd.s32 $0x5, s13;
	v3 =	vmin.u32 @!p4 v4, $0x1387;
	p0 =	por p3, p3;
	(v2sf) =	vpush v1, $0x0;
	s23 =	sadd.s32 @!p5 s2, s25  }
.LBB2_3:
0x64: {  	_ =	sdelay $0x1  }
0x65: {  	s26 =	sld [smem:$0x7FC]  }
0x66: {  	s25 =	simm.s32 @!p3 $0x0;
	s28 =	sld [smem:$0x7FD]  }
0x67: {  	v4 =	vld.msk [tilespmem:s24+$0x0 ss:$0x1], vm0;
	[tilespmem:s16], [sflag:$0x1] =	stream.strided.gather @!p5 [hbm:s23], $0x80, s22, s22, $0x38;
	[tilespmem:$0x19640] =	vst v63  }
0x68: {  	s31 =	smov.u32 s17;
	s17 =	smov.u32 s21;
	s25 =	simm.s32 @p3 $0x1  }
0x69: {  	(v2sf) =	vpush @!p4 v3, $0x0;
	p3 =	por p4, p4;
	p5 =	seq.s32 s26, $0x1;
	p4 =	seq.s32 s28, $0x1  }
0x6a: {  	s16 =	smov.u32 s18;
	p6 =	por p5, p5;
	p5 =	por p4, p4  }
0x6b: {  	s21 =	sadd.s32 $0x4, s21;
	[smem:$0x7F9] =	sst s25;
	s18 =	simm.s32 @!p5 $0x0  }
0x6c: {  	s25 =	smov.u32 s20;
	p4 =	por p1, p1;
	s18 =	simm.s32 @p5 $0x1  }
0x6d: {  	s20 =	simm.s32 @!p4 $0x0;
	[smem:$0x7FC] =	sst s18;
	s18 =	simm.s32 $0x1  }
0x6e: {  	s20 =	simm.s32 @p4 $0x1;
	s18 =	simm.s32 @!p4 $0x2;
	p4 =	sne.s32 s21, $0x640  }
0x6f: {  	[smem:$0x7FD] =	sst s20;
	s20 =	simm.s32 @!p4 $0x0  }
0x70: {  	s30 =	sld [smem:$0x7F9];
	s20 =	simm.s32 @p4 $0x1  }
0x71: {  	s23 =	sshra.s32 s31, $0x2;
	[smem:$0x7FA] =	sst s20  }
0x72: {  	v3 =	vmov s18;
	s18 =	sadd.s32 @!p3 s19, s14;
	s19 =	spop (v2sf);
	s31 =	sld [smem:$0x7FA]  }
0x73: {  	s19 =	simm.s32 @p2 $0xFFFFFFFF  }
0x74: {  	s29 =	spop (v2sf);
	p2 =	por p6, p6;
	p6 =	seq.s32 s30, $0x1  }
0x75: {  	s24 =	spop @!p6 (v2sf);
	p6 =	seq.s32 s31, $0x1  }
.Ltmp3:
0x76: {  	_ = 	snop;
	(pc) =	sbr.rel @p6 .LBB2_3-.Ltmp3, $4  }
0x77: {  	p1 =	seq.s32 s17, $0x63C;
	p5 =	por p0, p0;
	p4 =	seq.s32 s29, s19  }
0x78: {  	p0 =	por p3, p3;
	s22 =	simm.s32 @!p5 $0x80;
	vm1 =	vgt.s32 @!p4 v2, $0x0;
	s19 =	sshll.u32 @!p4 s25, $0x9  }
0x79: {  	vm0 =	vgt.u32 v3, v0;
	(v2sf) =	vpush v4, $0x1;
	s20 =	sadd.s32 @!p4 $0x1, s25;
	s26 =	sshll.u32 @!p5 s24, $0x4;
	s24 =	sadd.s32 s23, s13;
	v3 =	vnsel @!p4 vm1, $0x0, v2  }
0x7a: {  	(v2sf) =	vpush v4, $0x0;
	s19 =	sshra.s32 @!p4 s19, $0x2;
	v2 =	vmovc v1;
	v1 =	vmov v4;
	s20 =	smov.u32 @p4 s25;
	s23 =	sadd.s32 @!p5 s2, s26;
	v3 =	vmin.u32 @!p4 v3, $0x1387  }
0x7b: {  	_ = 	snop  }
0x7c: {  	p6 =	por p1, p1;
	s21 =	simm.s32 $0x1  }
0x7d: {  	s21 =	simm.s32 @!p6 $0x2  }
0x7e: {  	v4 =	vmov s21  }
0x7f: {  	vm1 =	vgt.u32 v4, v0  }
0x80: {  	v4 =	vld.msk [tilespmem:s24+$0x0 ss:$0x1], vm0;
	_ =	sdelay $0x2  }
0x81: {  	s17 =	sshra.s32 s17, $0x2;
	s21 =	spop (v2sf)  }
0x82: {  	s17 =	sadd.s32 s17, s13;
	(v2sf) =	vpush @!p4 v3, $0x0;
	s21 =	simm.s32 @p2 $0xFFFFFFFF;
	s31 =	spop (v2sf)  }
0x83: {  	p2 =	seq.s32 s31, s21;
	(v2sf) =	vpush v4, $0x1;
	v3 =	vld.msk [tilespmem:s17+$0x0 ss:$0x1], vm1  }
0x84: {  	vm0 =	vgt.s32 @!p2 v2, $0x0;
	(v2sf) =	vpush v4, $0x0  }
0x85: {  	v2 =	vnsel @!p2 vm0, $0x0, v2  }
0x86: {  	[tilespmem:s16], [sflag:$0x1] =	stream.strided.gather @!p5 [hbm:s23], $0x80, s22, s22, $0x38;
	v2 =	vmin.u32 @!p2 v2, $0x1387;
	[tilespmem:$0x19640] =	vst v63  }
0x87: {  	s22 =	sld [smem:$0x7FC];
	(v2sf) =	vpush @!p2 v2, $0x0  }
0x88: {  	(v2sf) =	vpush v3, $0x1  }
0x89: {  	p0 =	por p0, p0;
	(v2sf) =	vpush v3, $0x0  }
0x8a: {  	s17 =	spop @!p3 (v2sf);
	p3 =	seq.s32 s22, $0x1;
	s22 =	sld [smem:$0x7FD]  }
0x8b: {  	p1 =	por p3, p3;
	s17 =	sshll.u32 @!p0 s17, $0x4  }
0x8c: {  	p1 =	por p1, p1;
	s17 =	sadd.s32 @!p0 s2, s17  }
0x8d: {  	p5 =	seq.s32 s22, $0x1;
	s22 =	simm.s32 @!p0 $0x80;
	s16 =	spop (v2sf)  }
0x8e: {  	[tilespmem:s18], [sflag:$0x1] =	stream.strided.gather @!p0 [hbm:s17], $0x80, s22, s22, $0x38;
	[tilespmem:$0x19640] =	vst v63  }
0x8f: {  	s23 =	spop (v2sf);
	s16 =	simm.s32 @p1 $0xFFFFFFFF  }
0x90: {  	p3 =	por p5, p5;
	p1 =	seq.s32 s23, s16  }
0x91: {  	p3 =	por p3, p3;
	vm0 =	vgt.s32 @!p1 v1, $0x0;
	s16 =	spop @!p4 (v2sf)  }
0x92: {  	p0 =	por p3, p3;
	v1 =	vnsel @!p1 vm0, $0x0, v1;
	s17 =	spop (v2sf)  }
0x93: {  	v1 =	vmin.u32 @!p1 v1, $0x1387;
	s17 =	simm.s32 @p0 $0xFFFFFFFF;
	s24 =	spop (v2sf)  }
0x94: {  	(v2sf) =	vpush @!p1 v1, $0x0;
	p0 =	seq.s32 s24, s17  }
0x95: {  	p5 =	por p6, p6;
	vm0 =	vgt.s32 @!p0 v4, $0x0  }
0x96: {  	p3 =	por p5, p5;
	s17 =	spop @!p2 (v2sf);
	v1 =	vnsel @!p0 vm0, $0x0, v4  }
0x97: {  	p3 =	por p3, p3;
	v1 =	vmin.u32 @!p0 v1, $0x1387;
	s18 =	spop (v2sf)  }
0x98: {  	p6 =	por p4, p4;
	(v2sf) =	vpush @!p0 v1, $0x0;
	s18 =	simm.s32 @p3 $0xFFFFFFFF;
	s25 =	spop (v2sf)  }
0x99: {  	p5 =	por p6, p6;
	p3 =	seq.s32 s25, s18  }
0x9a: {  	p6 =	por p2, p2;
	s16 =	sshll.u32 @!p5 s16, $0x4;
	vm0 =	vgt.s32 @!p3 v3, $0x0  }
0x9b: {  	s16 =	sadd.s32 @!p5 s2, s16;
	s18 =	sadd.s32 @!p4 s19, s14;
	s19 =	simm.s32 @!p5 $0x80;
	v1 =	vnsel @!p3 vm0, $0x0, v3  }
0x9c: {  	[tilespmem:s18], [sflag:$0x1] =	stream.strided.gather @!p5 [hbm:s16], $0x80, s19, s19, $0x38;
	v1 =	vmin.u32 @!p3 v1, $0x1387;
	[tilespmem:$0x19640] =	vst v63  }
0x9d: {  	p4 =	por p6, p6;
	s16 =	sshll.u32 @!p2 s20, $0x9;
	(v2sf) =	vpush @!p3 v1, $0x0  }
0x9e: {  	s18 =	sadd.s32 @!p2 $0x1, s20;
	s17 =	sshll.u32 @!p4 s17, $0x4;
	s19 =	simm.s32 @!p4 $0x80  }
0x9f: {  	p5 =	por p0, p0;
	p6 =	por p3, p3;
	s16 =	sshra.s32 @!p2 s16, $0x2  }
0xa0: {  	s18 =	smov.u32 @p2 s20;
	s17 =	sadd.s32 @!p4 s2, s17;
	s16 =	sadd.s32 @!p2 s16, s14  }
0xa1: {  	[tilespmem:s16], [sflag:$0x1] =	stream.strided.gather @!p4 [hbm:s17], $0x80, s19, s19, $0x38;
	[tilespmem:$0x19640] =	vst v63  }
0xa2: {  	s16 =	sshll.u32 @!p1 s18, $0x9;
	p4 =	por p1, p1;
	s17 =	sadd.s32 @!p1 $0x1, s18  }
0xa3: {  	s19 =	spop @!p1 (v2sf);
	p2 =	por p4, p4;
	s16 =	sshra.s32 @!p1 s16, $0x2  }
0xa4: {  	s17 =	smov.u32 @p1 s18;
	s18 =	sshll.u32 @!p2 s19, $0x4;
	s16 =	sadd.s32 @!p1 s16, s14  }
0xa5: {  	s19 =	simm.s32 @!p2 $0x80;
	p1 =	por p5, p5;
	s18 =	sadd.s32 @!p2 s2, s18  }
0xa6: {  	[tilespmem:s16], [sflag:$0x1] =	stream.strided.gather @!p2 [hbm:s18], $0x80, s19, s19, $0x38;
	[tilespmem:$0x19640] =	vst v63  }
0xa7: {  	s16 =	sshll.u32 @!p0 s17, $0x9;
	s18 =	sadd.s32 @!p0 $0x1, s17;
	s19 =	spop @!p0 (v2sf)  }
0xa8: {  	s16 =	sshra.s32 @!p0 s16, $0x2;
	s18 =	smov.u32 @p0 s17;
	s17 =	sshll.u32 @!p1 s19, $0x4  }
0xa9: {  	s16 =	sadd.s32 @!p0 s16, s14;
	s19 =	simm.s32 @!p1 $0x80;
	s17 =	sadd.s32 @!p1 s2, s17  }
0xaa: {  	[tilespmem:s16], [sflag:$0x1] =	stream.strided.gather @!p1 [hbm:s17], $0x80, s19, s19, $0x38;
	[tilespmem:$0x19640] =	vst v63  }
0xab: {  	p0 =	por p6, p6;
	s16 =	sshll.u32 @!p3 s18, $0x9  }
0xac: {  	s17 =	sadd.s32 @!p3 $0x1, s18;
	s16 =	sshra.s32 @!p3 s16, $0x2;
	s19 =	spop @!p3 (v2sf)  }
0xad: {  	s17 =	smov.u32 @p3 s18;
	s16 =	sadd.s32 @!p3 s16, s14;
	s18 =	sshll.u32 @!p0 s19, $0x4  }
0xae: {  	s26 =	sshll.u32 s17, $0x7;
	s19 =	simm.s32 @!p0 $0x80;
	s18 =	sadd.s32 @!p0 s2, s18  }
0xaf: {  	[tilespmem:s16], [sflag:$0x1] =	stream.strided.gather @!p0 [hbm:s18], $0x80, s19, s19, $0x38;
	[tilespmem:$0x19640] =	vst v63  }
0xb0: {  	s16 =	sand.u32 $0x3FFFFF80, s26  }
0xb1: {  	_ =	swait.ge [sflag:s4], s16  }
0xb2: {  	s16 =	ssub.s32 $0x0, s16;
	[sflag:s4] =	ssyncset.done $0x0  }
0xb3: {  	s28 =	sadd.s32 $0x0, s15;
	[sflag:s4] =	ssyncadd.s32 s16  }
0xb4: {  	v1 =	vld.msk [tilespmem:s28+$0x0 ss:$0x1], $0x1;
	_ =	sdelay $0x4  }
0xb5: {  	(v2sf) =	vpush v1, $0x0;
	_ =	sdelay $0xa  }
0xb6: {  	p0 =	por $0x0, $0x0;
	s16 =	simm.s32 $0x1  }
0xb7: {  	s16 =	simm.s32 @!p0 $0x2  }
0xb8: {  	v1 =	vmov s16  }
0xb9: {  	vm15 =	vgt.u32 v1, v0  }
0xba: {  	s29 =	spop (v2sf)  }
0xbb: {  	s16 =	sshll.u32 s29, $0x4  }
0xbc: {  	s16 =	sand.u32 $0x1FFFFFF0, s16  }
0xbd: {  	s30 =	sadd.s32 $0x0, s14;
	s31 =	sadd.s32 $0x0, s13;
	s16 =	sadd.s32 s7, s16  }
0xbe: {  	[hbm:s16] =	stream.strided.scatter [tilespmem:s30], [sflag:$0x3], $0x80, s11, s11, $0x38;
	[tilespmem:$0x19640] =	vst v63  }
0xbf: {  	s17 =	simm.s32 $0x1;
	s18 =	simm.s32 $0x4;
	v1 =	vld.msk [tilespmem:s31+$0x0 ss:$0x1], vm15  }
0xc0: {  	s19 =	simm.s32 $0x8;
	p0 =	por p0, p0;
	s16 =	simm.s32 $0x0  }
.LBB2_5:
0xc1: {  	p1 =	sne.s32 s19, $0x63C;
	s20 =	sadd.s32 s17, s15  }
0xc2: {  	v2 =	vld.msk [tilespmem:s20+$0x0 ss:$0x1], $0x1;
	_ =	sdelay $0x1  }
0xc3: {  	(v2sf) =	vpush v1, $0x1  }
0xc4: {  	(v2sf) =	vpush v1, $0x0;
	_ =	sdelay $0x2  }
0xc5: {  	(v2sf) =	vpush v2, $0x0;
	_ =	sdelay $0x9  }
0xc6: {  	p2 =	seq.s32 s18, $0x63C;
	s18 =	smov.u32 s19;
	s20 =	simm.s32 $0x1  }
0xc7: {  	s20 =	simm.s32 @!p2 $0x2;
	s21 =	spop (v2sf)  }
0xc8: {  	s21 =	simm.s32 @p0 $0xFFFFFFFF;
	s22 =	spop (v2sf);
	p0 =	por p2, p2  }
0xc9: {  	v1 =	vmov s20;
	s20 =	simm.s32 $0x1;
	p2 =	sne.s32 s22, s21  }
0xca: {  	vm0 =	vgt.u32 v1, v0;
	s20 =	simm.s32 @!p2 $0x0  }
0xcb: {  	s21 =	spop (v2sf);
	s16 =	sadd.s32 s20, s16  }
0xcc: {  	s20 =	sshll.u32 s21, $0x4;
	s21 =	sshll.u32 s16, $0x9  }
0xcd: {  	s17 =	sadd.s32 s17, s13;
	s20 =	sand.u32 $0x1FFFFFF0, s20;
	s21 =	sshra.s32 s21, $0x2  }
.Ltmp4:
0xce: {  	s21 =	sadd.s32 s21, s14;
	s20 =	sadd.s32 s7, s20;
	(pc) =	sbr.rel @p1 .LBB2_5-.Ltmp4, $3  }
0xcf: {  	[hbm:s20] =	stream.strided.scatter [tilespmem:s21], [sflag:$0x3], $0x80, s11, s11, $0x38;
	[tilespmem:$0x19640] =	vst v63  }
0xd0: {  	v1 =	vld.msk [tilespmem:s17+$0x0 ss:$0x1], vm0;
	_ =	sdelay $0x1  }
0xd1: {  	s19 =	sadd.s32 $0x4, s19;
	s17 =	sshra.s32 s18, $0x2  }
.Ltmp5:
0xd2: {  	_ = 	snop;
	(pc) =	sbr.rel .LBB2_6-.Ltmp5, $1  }
0xd3: {  	_ =	sdelay $0x3  }
.LBB2_8:
0xd4: {  	_ =	sfence.sel $0x180000  }
0xd5: {  	s2 =	simm.s32 $0x2;
	[bflag:$0x0] =	sbarrier.arrive $0xFFFF  }
0xd6: {  	s30 =	simm.s32 $0x3;
	[sflag:s2] =	ssyncpa.u1 $0x1  }
0xd7: {  	s31 =	simm.s32 $0x1;
	[sflag:s30] =	ssyncpa.u1 $0x1  }
0xd8: {  	[sflag:s31] =	ssyncpa.u1 $0x1  }
0xd9: {  	p0 =	sne.s32 s1, $0x0;
	_ =	strace $0x90000056  }
0xda: {  	s0 =	sadd.s32 @!p0 $0x100000, s0;
	[bflag:$0x2] =	sbarrier.arrive $0xFFFF  }
0xdb: {  	[sflag:s0] =	ssyncadd.tile.s32 @!p0 $0x1;
	_ =	shalt  }
.Lfunc_end2:
_tile_overlayer_lowered:
.L_overlay_start_2:
0xdc: {  	(tag) =	ssettag $0x2  }
0xdd: {  	s0 =	rddreg [dreg:$0x0];
	s2 =	stileid.u32  }
0xde: {  	s1 =	rddreg [dreg:$0x1];
	p0 =	sne.s32 s2, $0x0  }
0xdf: {  	s3 =	rddreg [dreg:$0x2];
	[bflag:$0x3] =	sbarrier.arrive $0xFFFF;
	s2 =	simm.s32 @!p0 $0x1C01  }
0xe0: {  	[timem:s3], [sflag:s2] =	dma.local @!p0 [hbm:s0], s1  }
0xe1: {  	s0 =	simm.s32 @!p0 $0x1  }
0xe2: {  	_ =	swait.ge @!p0 [sflag:s0], s1  }
0xe3: {  	s1 =	ssub.s32 @!p0 $0x0, s1;
	[sflag:s0] =	ssyncset.done @!p0 $0x0  }
0xe4: {  	[sflag:s0] =	ssyncadd.s32 @!p0 s1  }
0xe5: {  	[bflag:$0x3] =	sbarrier.arrive $0xFFFF  }
0xe6: {  	_ =	shalt  }

// kernel: gather_offload_async_start
scs
__scs_entry_jumppad:
0x0: {  	(pc) =	sbr.rel $0x88, $3  }
0x1: {  	(tag) =	ssettag $0x0;
	lr =	simm.s32 $0x1  }
0x2: {  	[smem:$0x3F84] =	sst lr;
	_ =	strace $0xD0000000  }
0x3: {  	_ = 	snop  }
0x4: {  	_ = 	snop  }
0x5: {  	_ = 	snop  }
0x6: {  	_ = 	snop  }
0x7: {  	_ = 	snop  }
__scs_overlays_trampoline_lowered:
0x8: {  	[smem:$0x3F93] =	sst s0  }
0x9: {  	[smem:$0x3F94] =	sst s1  }
0xa: {  	[smem:$0x3F95] =	sst s2  }
0xb: {  	[smem:$0x3F96] =	sst s3  }
0xc: {  	[smem:$0x3F97] =	sst s4  }
0xd: {  	[smem:$0x3F98] =	sst s5  }
0xe: {  	[smem:$0x3F99] =	sst s6  }
0xf: {  	[smem:$0x3F9A] =	sst s7  }
0x10: {  	[smem:$0x3F9B] =	sst s8  }
0x11: {  	[smem:$0x3F9C] =	sst s9;
	s0 =	simm.s32 @!p0 $0x0  }
0x12: {  	s1 =	sld [smem:$0x3F82];
	s0 =	simm.s32 @p0 $0x1  }
0x13: {  	[smem:$0x3F9D] =	sst s0;
	s0 =	simm.s32 @!p1 $0x0  }
0x14: {  	s2 =	sld [smem:$0x3F81];
	s0 =	simm.s32 @p1 $0x1  }
0x15: {  	[smem:$0x3F9E] =	sst s0;
	s0 =	simm.s32 @!p2 $0x0  }
0x16: {  	s3 =	sld [smem:$0x3FDB];
	s0 =	simm.s32 @p2 $0x1  }
0x17: {  	s4 =	simm.s32 $0x1BF5;
	[smem:$0x3FA0] =	sst s0  }
0x18: {  	s0 =	sld [smem:$0x3F83];
	_ =	swait.ge [sflag:s4], $0x0  }
0x19: {  	s7 =	sld [smem:$0x3F84]  }
0x1a: {  	s8 =	sadd.s32 $0xFFFFE003, lr  }
0x1b: {  	s9 =	sadd.s32 $0xFFFFFEF7, lr;
	s5 =	simm.s32 $0xFFFFFFFF;
	p2 =	slt.u32 s8, $0xFFFFF086  }
0x1c: {  	p1 =	slt.u32 s9, $0xF7A;
	s5 =	simm.s32 @!p2 $0x0  }
0x1d: {  	s5 =	simm.s32 @p1 $0x1;
	p0 =	seq.s32 s7, s2  }
0x1e: {  	s7 =	smul.u32 @!p0 $0xF7A, s2;
	p2 =	seq.s32 @!p0 s5, $0x0  }
0x1f: {  	s9 =	smul.u32 $0xF7A, s1;
	s8 =	simm.s32 @!p0 $0x1BF5;
	p2 =	por !p2, p0  }
0x20: {  	[sflag:s8] =	ssyncset.s32 @!p0 $0xFFFFF086;
	s6 =	sadd.s32 @!p0 s3, s7;
	s7 =	simm.s32 @!p0 $0x108  }
0x21: {  	s3 =	sadd.s32 s3, s9;
	s6 =	sadd.s32 @!p0 $0x88, s6;
	s7 =	simm.s32 @p2 $0x1082  }
0x22: {  	[simem:s7], [sflag:s8] =	dma.local @!p0 [hbm:s6], $0xF7A  }
0x23: {  	s9 =	sor.u32 $0xD0000000, s2;
	s6 =	simm.s32 $0x108;
	_ =	swait.ge @!p0 [sflag:s8], $0x0  }
0x24: {  	s3 =	sadd.s32 $0x88, s3;
	s6 =	simm.s32 @!p1 $0x1082;
	[sflag:s4] =	ssyncset.s32 $0xFFFFF086  }
0x25: {  	[simem:s6], [sflag:s4] =	dma.local [hbm:s3], $0xF7A  }
0x26: {  	[smem:$0x3F84] =	sst s1;
	(tag) =	ssettag s2;
	_ =	strace s9  }
0x27: {  	s1 =	sld [smem:$0x3F94]  }
0x28: {  	s2 =	sld [smem:$0x3F95]  }
0x29: {  	s4 =	sld [smem:$0x3F97]  }
0x2a: {  	p0 =	seq.s32 s5, $0x0;
	s5 =	sld [smem:$0x3F98]  }
0x2b: {  	s6 =	sld [smem:$0x3F99]  }
0x2c: {  	s7 =	sld [smem:$0x3F9A]  }
0x2d: {  	s3 =	simm.s32 $0x108;
	s8 =	sld [smem:$0x3F9B]  }
0x2e: {  	s3 =	simm.s32 @!p0 $0x1082;
	s9 =	sld [smem:$0x3F9C]  }
0x2f: {  	lr =	sadd.s32 s0, s3;
	s0 =	sld [smem:$0x3F93]  }
0x30: {  	s3 =	sld [smem:$0x3F96]  }
0x31: {  	[smem:$0x3F9F] =	sst s10  }
0x32: {  	s10 =	sld [smem:$0x3F9D];
	_ =	sdelay $0x3  }
0x33: {  	p0 =	seq.s32 s10, $0x1;
	s10 =	sld [smem:$0x3F9F];
	_ =	sdelay $0x3  }
0x34: {  	[smem:$0x3F9F] =	sst s10  }
0x35: {  	s10 =	sld [smem:$0x3F9E];
	_ =	sdelay $0x3  }
0x36: {  	p1 =	seq.s32 s10, $0x1;
	s10 =	sld [smem:$0x3F9F];
	_ =	sdelay $0x3  }
0x37: {  	[smem:$0x3F9F] =	sst s10  }
0x38: {  	s10 =	sld [smem:$0x3FA0]  }
0x39: {  	_ = 	snop;
	(pc) =	sbr.ind lr, $3  }
0x3a: {  	_ = 	snop  }
0x3b: {  	_ = 	snop  }
0x3c: {  	p2 =	seq.s32 s10, $0x1;
	s10 =	sld [smem:$0x3F9F]  }
0x3d: {  	_ =	shalt  }
0x3e: {  	_ =	shalt  }
0x3f: {  	_ =	shalt  }
0x40: {  	_ =	shalt  }
0x41: {  	_ =	shalt  }
0x42: {  	_ =	shalt  }
0x43: {  	_ =	shalt  }
0x44: {  	_ =	shalt  }
0x45: {  	_ =	shalt  }
0x46: {  	_ =	shalt  }
0x47: {  	_ =	shalt  }
0x48: {  	_ =	shalt  }
0x49: {  	_ =	shalt  }
0x4a: {  	_ =	shalt  }
0x4b: {  	_ =	shalt  }
0x4c: {  	_ =	shalt  }
0x4d: {  	_ =	shalt  }
0x4e: {  	_ =	shalt  }
0x4f: {  	_ =	shalt  }
0x50: {  	_ =	shalt  }
0x51: {  	_ =	shalt  }
0x52: {  	_ =	shalt  }
0x53: {  	_ =	shalt  }
0x54: {  	_ =	shalt  }
0x55: {  	_ =	shalt  }
0x56: {  	_ =	shalt  }
0x57: {  	_ =	shalt  }
0x58: {  	_ =	shalt  }
0x59: {  	_ =	shalt  }
0x5a: {  	_ =	shalt  }
0x5b: {  	_ =	shalt  }
0x5c: {  	_ =	shalt  }
0x5d: {  	_ =	shalt  }
0x5e: {  	_ =	shalt  }
0x5f: {  	_ =	shalt  }
0x60: {  	_ =	shalt  }
0x61: {  	_ =	shalt  }
0x62: {  	_ =	shalt  }
0x63: {  	_ =	shalt  }
0x64: {  	_ =	shalt  }
0x65: {  	_ =	shalt  }
0x66: {  	_ =	shalt  }
0x67: {  	_ =	shalt  }
0x68: {  	_ =	shalt  }
0x69: {  	_ =	shalt  }
0x6a: {  	_ =	shalt  }
0x6b: {  	_ =	shalt  }
0x6c: {  	_ =	shalt  }
0x6d: {  	_ =	shalt  }
0x6e: {  	_ =	shalt  }
0x6f: {  	_ =	shalt  }
0x70: {  	_ =	shalt  }
0x71: {  	_ =	shalt  }
0x72: {  	_ =	shalt  }
0x73: {  	_ =	shalt  }
0x74: {  	_ =	shalt  }
0x75: {  	_ =	shalt  }
0x76: {  	_ =	shalt  }
0x77: {  	_ =	shalt  }
0x78: {  	_ =	shalt  }
0x79: {  	_ =	shalt  }
0x7a: {  	_ =	shalt  }
0x7b: {  	_ =	shalt  }
0x7c: {  	_ =	shalt  }
0x7d: {  	_ =	shalt  }
0x7e: {  	_ =	shalt  }
0x7f: {  	_ =	shalt  }
0x80: {  	_ =	shalt  }
0x81: {  	_ =	shalt  }
0x82: {  	_ =	shalt  }
0x83: {  	_ =	shalt  }
0x84: {  	_ =	shalt  }
0x85: {  	_ =	shalt  }
0x86: {  	_ =	shalt  }
0x87: {  	_ =	shalt  }
.Lfunc_end0:
.L_simem_size_0:
called_computation.4_lowered:
.L_overlay_start_0:
0x88: {  	s2 =	sld [smem:$0x3FD9]  }
0x89: {  	s3 =	sld [smem:$0x3FFE];
	_ =	sdelay $0x1  }
0x8a: {  	s1 =	srdreg.scid  }
0x8b: {  	s0 =	sand.u32 $0x1, s1  }
0x8c: {  	s16 =	sshll.u32 s0, $0xA;
	s2 =	sadd.s32 s3, s2  }
0x8d: {  	s2 =	sadd.s32 s2, s16  }
0x8e: {  	[smem:$0x3FAB] =	sst s2  }
0x8f: {  	_ = 	snop  }
0x90: {  	(tm) =	ssettm $0x1  }
0x91: {  	s17 =	sld [smem:$0x3FFB];
	_ =	sdelay $0x3  }
0x92: {  	_ =	strace s17  }
0x93: {  	s2 =	sld [smem:$0x3FFC];
	_ =	sdelay $0x3  }
0x94: {  	_ =	strace s2  }
0x95: {  	s2 =	sld [smem:$0x3FFD];
	_ =	sdelay $0x3  }
0x96: {  	_ =	strace s2  }
0x97: {  	_ =	strace $0x8FFFFFFF  }
0x98: {  	s18 =	sld [smem:$0x3FDB];
	_ =	sdelay $0x1  }
0x99: {  	s19 =	simm.s32 $_scs_section_size  }
0x9a: {  	s4 =	simm.s32 $_size__tile_overlayer_lowered;
	s5 =	simm.s32 $_tile_overlayer_lowered  }
0x9b: {  	s22 =	simm.s32 $0x1BFF;
	s21 =	sshll.u32 s5, $0x1;
	s2 =	sadd.s32 s19, s18  }
0x9c: {  	s6 =	simm.s32 $0x0;
	s20 =	sshll.u32 s4, $0x1;
	s4 =	sadd.s32 s21, s2  }
0x9d: {  	[timem:s6], [sflag:s22] =	dma.local [hbm:s4], s20  }
0x9e: {  	_ =	swait.ge [sflag:s22], s20  }
0x9f: {  	s3 =	ssub.s32 $0x0, s20;
	[sflag:s22] =	ssyncset.done $0x0  }
0xa0: {  	[sflag:s22] =	ssyncadd.s32 s3;
	_ =	sdelay $0x1  }
0xa1: {  	s23 =	simm.s32 $0x1B8B  }
0xa2: {  	_ =	swait.ge [sflag:s23], $0x1  }
0xa3: {  	[sflag:s23] =	ssyncset.done $0x0  }
0xa4: {  	s25 =	simm.s32 $0x1B8E;
	s24 =	sld [smem:$0x3FFE];
	[sflag:s23] =	ssyncadd.s32 $0xFFFFFFFF  }
0xa5: {  	s26 =	simm.s32 $execute0_lowered;
	[smem:$0x3FD2] =	sst s25  }
0xa6: {  	s4 =	sshll.u32 s26, $0x1;
	_ =	strace $0x80000046;
	[dreg:$0x1] =	wrdreg $0xFFFFFFFF  }
0xa7: {  	s28 =	simm.s32 $_size_execute0_lowered;
	s2 =	sadd.s32 s2, s4;
	[dreg:$0x0] =	wrdreg $0x0  }
0xa8: {  	s4 =	sshll.u32 s28, $0x1;
	[dreg:$0x2] =	wrdreg s2  }
0xa9: {  	[dreg:$0x3] =	wrdreg s4  }
0xaa: {  	[dreg:$0x4] =	wrdreg $0xC0  }
0xab: {  	_ =	task [dreg:s6], $0x5FFFF  }
0xac: {  	[dreg:$0x1] =	wrdreg $0xFFFFFFFF  }
0xad: {  	[dreg:$0x0] =	wrdreg $0x60  }
0xae: {  	[dreg:$0x2] =	wrdreg s24  }
0xaf: {  	[dreg:$0x3] =	wrdreg $0x9  }
0xb0: {  	_ =	task.clear_ibuf [dreg:s6], $0x4FFFF;
	_ =	strace $0x90000046  }
0xb1: {  	s29 =	simm.s32 $0x9;
	_ =	strace $0x80000048  }
0xb2: {  	_ =	swait.ge [sflag:s29], $0x1  }
0xb3: {  	[sflag:s29] =	ssyncadd.s32 $0xFFFFFFFF  }
0xb4: {  	_ =	strace $0x90000048  }
0xb5: {  	_ =	sfence  }
0xb6: {  	s30 =	sld [smem:$0x0];
	_ =	sdelay $0x2  }
0xb7: {  	s31 =	sshll.u32 s1, $0xD;
	s1 =	sshrl.u32 s1, $0x2  }
0xb8: {  	s3 =	sand.u32 $0x4000, s31;
	s1 =	sadd.s32 s1, s30  }
0xb9: {  	s0 =	sor.u32 s3, s0;
	s1 =	sshll.u32 s1, $0x11  }
0xba: {  	s0 =	sor.u32 s1, s0  }
0xbb: {  	s0 =	sadd.s32 $0x8F2B, s0  }
0xbc: {  	[sflag:s0] =	ssyncadd.remote.s32 $0x1  }
0xbd: {  	_ =	sfence.sel $0xFFFF  }
0xbe: {  	[dreg:$0x0] =	wrdreg $0xFFFFFFFF;
	(pc) =	sbr.abs _section_cstart, $3  }
0xbf: {  	[dreg:$0x1] =	wrdreg $0xFFFFFFFF  }
0xc0: {  	_ =	task.clear_ibuf [dreg:s6], $0x2FFFF;
	_ =	strace $0x9FFFFFFF  }
0xc1: {  	(tm) =	ssettm $0x7FFFFFFF  }
tec
execute0_lowered:
.L_overlay_start_1:
0x0: {  	(tag) =	ssettag $0x1  }
0x1: {  	s0 =	srdreg.scid  }
0x2: {  	s1 =	sshll.u32 s0, $0x4  }
0x3: {  	s0 =	stileid.u32;
	s1 =	sand.u32 $0x10, s1  }
0x4: {  	s1 =	sor.u32 s0, s1  }
0x5: {  	s2 =	smul.u32 $0x1F, s1  }
0x6: {  	s3 =	smin.u32 s1, $0x8  }
0x7: {  	s2 =	sadd.s32 s3, s2  }
0x8: {  	p0 =	slt.u32 s1, $0x8;
	s1 =	simm.s32 $0x2800;
	s2 =	smul.u32 $0x140, s2  }
0x9: {  	s1 =	simm.s32 @!p0 $0x26C0  }
0xa: {  	s1 =	sadd.s32 s1, s2  }
0xb: {  	s3 =	smin.u32 s1, $0x4E200  }
0xc: {  	s7 =	ssub.s32 s3, s2  }
0xd: {  	p0 =	sgt.s32 s7, $0x0  }
0xe: {  	s7 =	simm.s32 @!p0 $0x0  }
0xf: {  	s31 =	smulhi.u32 $0x66666667, s7  }
0x10: {  	s4 =	rddreg [dreg:$0x0];
	s6 =	simm.s32 $0x1  }
0x11: {  	s10 =	simm.s32 $0x3;
	s13 =	simm.s32 $0x0;
	s8 =	sshrl.u32 s31, $0x7  }
0x12: {  	s12 =	simm.s32 $0x0;
	s5 =	sadd.s32 $0x13C00, s4;
	s9 =	smul.u32 $0x140, s8  }
.Ltmp0:
0x13: {  	s11 =	smov.u32 s2;
	s1 =	rddreg [dreg:$0x1];
	(pc) =	sbr.rel .LBB2_1-.Ltmp0, $4  }
0x14: {  	_ =	strace $0x80000047;
	p0 =	sne.s32 s7, s9;
	s9 =	simm.s32 $0x1  }
0x15: {  	[sflag:s6] =	ssyncpa.u1 $0x0;
	s7 =	simm.s32 $0x2;
	s9 =	simm.s32 @!p0 $0x0  }
0x16: {  	[sflag:s7] =	ssyncpa.u1 $0x0;
	p0 =	por $0x0, $0x0;
	s8 =	sadd.s32 s9, s8  }
0x17: {  	vm0 =	vmmov $0xff;
	vm1 =	vcmask $0x3F20;
	s9 =	sadd.s32 $0x284C00, s4;
	[sflag:s10] =	ssyncpa.u1 $0x0;
	s10 =	sadd.s32 $0x1, s8  }
.LBB2_6:
0x18: {  	[hbm:s17] =	stream.linear.scatter [tilespmem:s14], [sflag:$0x3], $0x400, $0x38;
	[tilespmem:$0x14280] =	vst v63  }
.LBB2_7:
0x19: {  	s13 =	sadd.s32 $0x140, s11  }
0x1a: {  	s15 =	smov.u32 s2;
	p2 =	slt.s32 s13, s3  }
0x1b: {  	s15 =	smov.u32 @p2 s13;
	p2 =	sne.s32 s12, s10  }
.Ltmp1:
0x1c: {  	p1 =	slt.u32 s12, $0x2;
	(pc) =	sbr.rel @!p2 .LBB2_8-.Ltmp1, $4  }
0x1d: {  	s14 =	simm.s32 @!p1 $0x3  }
0x1e: {  	s16 =	sadd.s32 $0x1, s12;
	_ =	swait.ge @!p1 [sflag:s14], $0xA000  }
0x1f: {  	p0 =	por !p0, !p0;
	s13 =	smov.u32 s11;
	[sflag:s14] =	ssyncset.done @!p1 $0x0  }
0x20: {  	s12 =	smov.u32 s16;
	s11 =	smov.u32 s15;
	[sflag:s14] =	ssyncadd.s32 @!p1 $0xFFFF6000  }
.LBB2_1:
0x21: {  	p1 =	sge.u32 s12, s8  }
0x22: {  	s14 =	sxor.u32 @!p1 $0xFFFFFFFF, s12  }
0x23: {  	s14 =	sand.u32 @!p1 $0x1, s14  }
0x24: {  	s14 =	smul.u32 @!p1 $0x500, s14  }
0x25: {  	s31 =	sadd.s32 $0xFFFFFFFF, s12;
	s15 =	sshrl.u32 @!p1 s11, $0x3  }
0x26: {  	s16 =	sand.u32 @!p1 $0x7, s11;
	s15 =	sadd.s32 @!p1 s4, s15;
	s14 =	sshrl.u32 @!p1 s14, $0x2  }
0x27: {  	[tilespmem:s14], [sflag:$0x2] =	stream.linear.gather @!p1 [hbm4b:s15+s16], $0x140, $0x38;
	[tilespmem:$0x14280] =	vst v63  }
0x28: {  	p1 =	sge.u32 s31, s8  }
.Ltmp2:
0x29: {  	_ = 	snop;
	(pc) =	sbr.rel @p1 .LBB2_7-.Ltmp2, $1  }
0x2a: {  	_ =	sdelay $0x3  }
0x2b: {  	s14 =	simm.s32 $0x1  }
0x2c: {  	s14 =	simm.s32 @!p0 $0x0  }
0x2d: {  	s15 =	smul.u32 $0x500, s14  }
0x2e: {  	_ =	swait.ge [sflag:s7], $0x140  }
0x2f: {  	[sflag:s7] =	ssyncset.done $0x0;
	s16 =	sshrl.u32 s15, $0x2  }
0x30: {  	[sflag:s7] =	ssyncadd.s32 $0xFFFFFEC0;
	s15 =	sadd.s32 $0x0, s16  }
0x31: {  	v0 =	vld.msk [tilespmem:s15+$0x0 ss:$0x1], $0xffff;
	_ =	sdelay $0x4  }
0x32: {  	v1 =	vand.u32 $0xF, v0;
	v2 =	vshll.u32 v0, $0x3  }
0x33: {  	vm2 =	veq.s32 v0, $0x80000000;
	v0 =	vmul.u32 $0x138800, v1;
	v1 =	vand.u32 $0x1FFF80, v2  }
0x34: {  	v1 =	vsel vm2, $0xFFFFFF80, v1  }
0x35: {  	v0 =	vsel vm2, $0xFFEC7800, v0;
	v2 =	vand.u32 $0xFFFFFC00, v1  }
0x36: {  	v1 =	vand.u32 $0x380, v1;
	v0 =	vadd.s32 v0, v2  }
0x37: {  	v0 =	vor.u32 v1, v0  }
0x38: {  	v0 =	vshrl.u32 v0, $0x3  }
0x39: {  	s14 =	smul.u32 $0x28000, s14;
	_ =	sdelay $0x1  }
0x3a: {  	s14 =	sshrl.u32 s14, $0x2  }
0x3b: {  	s14 =	sor.u32 $0x280, s14  }
0x3c: {  	[tilespmem:s14], [sflag:$0x1] =	stream.indirect_vreg.gather [hbm:s5], $0x80, v0, vm0, $0x38;
	[tilespmem:$0x14280] =	vst v63  }
0x3d: {  	s17 =	sadd.s32 $0x10, s16;
	s15 =	sadd.s32 $0x400, s14  }
0x3e: {  	[tilespmem:s15], [sflag:$0x1] =	stream.indirect_vreg.gather [hbm:s5], $0x80, v0, vm1, $0x38;
	[tilespmem:$0x14280] =	vst v63  }
0x3f: {  	s18 =	simm.s32 $0x80;
	v0 =	vld.msk [tilespmem:s17+$0x0 ss:$0x1], $0xffff;
	s17 =	smov.u32 s14  }
.LBB2_3:
0x40: {  	p1 =	sne.s32 s18, $0x4C0;
	_ =	sdelay $0x4  }
0x41: {  	v1 =	vand.u32 $0xF, v0;
	v2 =	vshll.u32 v0, $0x3  }
0x42: {  	vm2 =	veq.s32 v0, $0x80000000;
	v0 =	vmul.u32 $0x138800, v1;
	v1 =	vand.u32 $0x1FFF80, v2  }
0x43: {  	v1 =	vsel vm2, $0xFFFFFF80, v1  }
0x44: {  	v0 =	vsel vm2, $0xFFEC7800, v0;
	v2 =	vand.u32 $0xFFFFFC00, v1  }
0x45: {  	v1 =	vand.u32 $0x380, v1;
	v0 =	vadd.s32 v0, v2  }
0x46: {  	v0 =	vor.u32 v1, v0  }
0x47: {  	v0 =	vshrl.u32 v0, $0x3;
	_ =	sdelay $0x3  }
.Ltmp3:
0x48: {  	s19 =	sshra.s32 s18, $0x2;
	s17 =	sadd.s32 $0x800, s17;
	(pc) =	sbr.rel @p1 .LBB2_3-.Ltmp3, $4  }
0x49: {  	[tilespmem:s17], [sflag:$0x1] =	stream.indirect_vreg.gather [hbm:s5], $0x80, v0, vm0, $0x38;
	[tilespmem:$0x14280] =	vst v63  }
0x4a: {  	s19 =	sadd.s32 s19, s16;
	s20 =	sadd.s32 $0x400, s17  }
0x4b: {  	[tilespmem:s20], [sflag:$0x1] =	stream.indirect_vreg.gather [hbm:s5], $0x80, v0, vm1, $0x38;
	[tilespmem:$0x14280] =	vst v63  }
0x4c: {  	s18 =	sadd.s32 $0x40, s18;
	v0 =	vld.msk [tilespmem:s19+$0x0 ss:$0x1], $0xffff  }
0x4d: {  	_ =	sdelay $0x3  }
0x4e: {  	v1 =	vand.u32 $0xF, v0;
	v2 =	vshll.u32 v0, $0x3  }
0x4f: {  	vm2 =	veq.s32 v0, $0x80000000;
	v61 =	vmul.u32 $0x138800, v1;
	v62 =	vand.u32 $0x1FFF80, v2  }
0x50: {  	v1 =	vsel vm2, $0xFFFFFF80, v62  }
0x51: {  	v0 =	vsel vm2, $0xFFEC7800, v61;
	v63 =	vand.u32 $0xFFFFFC00, v1  }
0x52: {  	v1 =	vand.u32 $0x380, v1;
	v0 =	vadd.s32 v0, v63  }
0x53: {  	v0 =	vor.u32 v1, v0  }
0x54: {  	v0 =	vshrl.u32 v0, $0x3;
	_ =	sdelay $0x3  }
0x55: {  	s16 =	sadd.s32 $0x800, s17  }
0x56: {  	[tilespmem:s16], [sflag:$0x1] =	stream.indirect_vreg.gather [hbm:s5], $0x80, v0, vm0, $0x38;
	[tilespmem:$0x14280] =	vst v63  }
0x57: {  	s16 =	sadd.s32 $0x400, s16  }
0x58: {  	[tilespmem:s16], [sflag:$0x1] =	stream.indirect_vreg.gather [hbm:s5], $0x80, v0, vm1, $0x38;
	[tilespmem:$0x14280] =	vst v63  }
0x59: {  	s13 =	sshll.u32 s13, $0x4;
	_ =	swait.ge [sflag:s6], $0xA000  }
0x5a: {  	s13 =	sadd.s32 s13, s9;
	[sflag:s6] =	ssyncset.done $0x0  }
0x5b: {  	s17 =	sadd.s32 $0x0, s13;
	s16 =	simm.s32 $0x80;
	[sflag:s6] =	ssyncadd.s32 $0xFFFF6000  }
.LBB2_5:
0x5c: {  	[hbm:s17] =	stream.linear.scatter [tilespmem:s14], [sflag:$0x3], $0x400, $0x38;
	[tilespmem:$0x14280] =	vst v63  }
0x5d: {  	s17 =	smov.u32 s16;
	s14 =	smov.u32 s15;
	p1 =	sne.s32 s16, $0x1380  }
.Ltmp4:
0x5e: {  	s16 =	sadd.s32 $0x80, s16;
	(pc) =	sbr.rel @p1 .LBB2_5-.Ltmp4, $2  }
0x5f: {  	_ =	sdelay $0x2  }
0x60: {  	s15 =	sadd.s32 $0x400, s15;
	s17 =	sadd.s32 s17, s13  }
.Ltmp5:
0x61: {  	_ = 	snop;
	(pc) =	sbr.rel .LBB2_6-.Ltmp5, $1  }
0x62: {  	_ =	sdelay $0x3  }
.LBB2_8:
0x63: {  	_ =	sfence.sel $0x180000  }
0x64: {  	s2 =	simm.s32 $0x2;
	[bflag:$0x0] =	sbarrier.arrive $0xFFFF  }
0x65: {  	s30 =	simm.s32 $0x3;
	[sflag:s2] =	ssyncpa.u1 $0x1  }
0x66: {  	s31 =	simm.s32 $0x1;
	[sflag:s30] =	ssyncpa.u1 $0x1  }
0x67: {  	[sflag:s31] =	ssyncpa.u1 $0x1  }
0x68: {  	p0 =	sne.s32 s0, $0x0;
	_ =	strace $0x90000047  }
0x69: {  	s0 =	sadd.s32 @!p0 $0x100000, s1;
	[bflag:$0x2] =	sbarrier.arrive $0xFFFF  }
0x6a: {  	[sflag:s0] =	ssyncadd.tile.s32 @!p0 $0x1;
	_ =	shalt  }
.Lfunc_end2:
_tile_overlayer_lowered:
.L_overlay_start_2:
0x6b: {  	(tag) =	ssettag $0x2  }
0x6c: {  	s0 =	rddreg [dreg:$0x0];
	s2 =	stileid.u32  }
0x6d: {  	s1 =	rddreg [dreg:$0x1];
	p0 =	sne.s32 s2, $0x0  }
0x6e: {  	s3 =	rddreg [dreg:$0x2];
	[bflag:$0x3] =	sbarrier.arrive $0xFFFF;
	s2 =	simm.s32 @!p0 $0x1C01  }
0x6f: {  	[timem:s3], [sflag:s2] =	dma.local @!p0 [hbm:s0], s1  }
0x70: {  	s0 =	simm.s32 @!p0 $0x1  }
0x71: {  	_ =	swait.ge @!p0 [sflag:s0], s1  }
0x72: {  	s1 =	ssub.s32 @!p0 $0x0, s1;
	[sflag:s0] =	ssyncset.done @!p0 $0x0  }
0x73: {  	[sflag:s0] =	ssyncadd.s32 @!p0 s1  }
0x74: {  	[bflag:$0x3] =	sbarrier.arrive $0xFFFF  }
0x75: {  	_ =	shalt  }

// kernel: scatter_offload_async_start.1
scs
__scs_entry_jumppad:
0x0: {  	(pc) =	sbr.rel $0x88, $3  }
0x1: {  	(tag) =	ssettag $0x0;
	lr =	simm.s32 $0x1  }
0x2: {  	[smem:$0x3F84] =	sst lr;
	_ =	strace $0xD0000000  }
0x3: {  	_ = 	snop  }
0x4: {  	_ = 	snop  }
0x5: {  	_ = 	snop  }
0x6: {  	_ = 	snop  }
0x7: {  	_ = 	snop  }
__scs_overlays_trampoline_lowered:
0x8: {  	[smem:$0x3F93] =	sst s0  }
0x9: {  	[smem:$0x3F94] =	sst s1  }
0xa: {  	[smem:$0x3F95] =	sst s2  }
0xb: {  	[smem:$0x3F96] =	sst s3  }
0xc: {  	[smem:$0x3F97] =	sst s4  }
0xd: {  	[smem:$0x3F98] =	sst s5  }
0xe: {  	[smem:$0x3F99] =	sst s6  }
0xf: {  	[smem:$0x3F9A] =	sst s7  }
0x10: {  	[smem:$0x3F9B] =	sst s8  }
0x11: {  	[smem:$0x3F9C] =	sst s9;
	s0 =	simm.s32 @!p0 $0x0  }
0x12: {  	s1 =	sld [smem:$0x3F82];
	s0 =	simm.s32 @p0 $0x1  }
0x13: {  	[smem:$0x3F9D] =	sst s0;
	s0 =	simm.s32 @!p1 $0x0  }
0x14: {  	s2 =	sld [smem:$0x3F81];
	s0 =	simm.s32 @p1 $0x1  }
0x15: {  	[smem:$0x3F9E] =	sst s0;
	s0 =	simm.s32 @!p2 $0x0  }
0x16: {  	s3 =	sld [smem:$0x3FDB];
	s0 =	simm.s32 @p2 $0x1  }
0x17: {  	s4 =	simm.s32 $0x1BF5;
	[smem:$0x3FA0] =	sst s0  }
0x18: {  	s0 =	sld [smem:$0x3F83];
	_ =	swait.ge [sflag:s4], $0x0  }
0x19: {  	s7 =	sld [smem:$0x3F84]  }
0x1a: {  	s8 =	sadd.s32 $0xFFFFE003, lr  }
0x1b: {  	s9 =	sadd.s32 $0xFFFFFEF7, lr;
	s5 =	simm.s32 $0xFFFFFFFF;
	p2 =	slt.u32 s8, $0xFFFFF086  }
0x1c: {  	p1 =	slt.u32 s9, $0xF7A;
	s5 =	simm.s32 @!p2 $0x0  }
0x1d: {  	s5 =	simm.s32 @p1 $0x1;
	p0 =	seq.s32 s7, s2  }
0x1e: {  	s7 =	smul.u32 @!p0 $0xF7A, s2;
	p2 =	seq.s32 @!p0 s5, $0x0  }
0x1f: {  	s9 =	smul.u32 $0xF7A, s1;
	s8 =	simm.s32 @!p0 $0x1BF5;
	p2 =	por !p2, p0  }
0x20: {  	[sflag:s8] =	ssyncset.s32 @!p0 $0xFFFFF086;
	s6 =	sadd.s32 @!p0 s3, s7;
	s7 =	simm.s32 @!p0 $0x108  }
0x21: {  	s3 =	sadd.s32 s3, s9;
	s6 =	sadd.s32 @!p0 $0x88, s6;
	s7 =	simm.s32 @p2 $0x1082  }
0x22: {  	[simem:s7], [sflag:s8] =	dma.local @!p0 [hbm:s6], $0xF7A  }
0x23: {  	s9 =	sor.u32 $0xD0000000, s2;
	s6 =	simm.s32 $0x108;
	_ =	swait.ge @!p0 [sflag:s8], $0x0  }
0x24: {  	s3 =	sadd.s32 $0x88, s3;
	s6 =	simm.s32 @!p1 $0x1082;
	[sflag:s4] =	ssyncset.s32 $0xFFFFF086  }
0x25: {  	[simem:s6], [sflag:s4] =	dma.local [hbm:s3], $0xF7A  }
0x26: {  	[smem:$0x3F84] =	sst s1;
	(tag) =	ssettag s2;
	_ =	strace s9  }
0x27: {  	s1 =	sld [smem:$0x3F94]  }
0x28: {  	s2 =	sld [smem:$0x3F95]  }
0x29: {  	s4 =	sld [smem:$0x3F97]  }
0x2a: {  	p0 =	seq.s32 s5, $0x0;
	s5 =	sld [smem:$0x3F98]  }
0x2b: {  	s6 =	sld [smem:$0x3F99]  }
0x2c: {  	s7 =	sld [smem:$0x3F9A]  }
0x2d: {  	s3 =	simm.s32 $0x108;
	s8 =	sld [smem:$0x3F9B]  }
0x2e: {  	s3 =	simm.s32 @!p0 $0x1082;
	s9 =	sld [smem:$0x3F9C]  }
0x2f: {  	lr =	sadd.s32 s0, s3;
	s0 =	sld [smem:$0x3F93]  }
0x30: {  	s3 =	sld [smem:$0x3F96]  }
0x31: {  	[smem:$0x3F9F] =	sst s10  }
0x32: {  	s10 =	sld [smem:$0x3F9D];
	_ =	sdelay $0x3  }
0x33: {  	p0 =	seq.s32 s10, $0x1;
	s10 =	sld [smem:$0x3F9F];
	_ =	sdelay $0x3  }
0x34: {  	[smem:$0x3F9F] =	sst s10  }
0x35: {  	s10 =	sld [smem:$0x3F9E];
	_ =	sdelay $0x3  }
0x36: {  	p1 =	seq.s32 s10, $0x1;
	s10 =	sld [smem:$0x3F9F];
	_ =	sdelay $0x3  }
0x37: {  	[smem:$0x3F9F] =	sst s10  }
0x38: {  	s10 =	sld [smem:$0x3FA0]  }
0x39: {  	_ = 	snop;
	(pc) =	sbr.ind lr, $3  }
0x3a: {  	_ = 	snop  }
0x3b: {  	_ = 	snop  }
0x3c: {  	p2 =	seq.s32 s10, $0x1;
	s10 =	sld [smem:$0x3F9F]  }
0x3d: {  	_ =	shalt  }
0x3e: {  	_ =	shalt  }
0x3f: {  	_ =	shalt  }
0x40: {  	_ =	shalt  }
0x41: {  	_ =	shalt  }
0x42: {  	_ =	shalt  }
0x43: {  	_ =	shalt  }
0x44: {  	_ =	shalt  }
0x45: {  	_ =	shalt  }
0x46: {  	_ =	shalt  }
0x47: {  	_ =	shalt  }
0x48: {  	_ =	shalt  }
0x49: {  	_ =	shalt  }
0x4a: {  	_ =	shalt  }
0x4b: {  	_ =	shalt  }
0x4c: {  	_ =	shalt  }
0x4d: {  	_ =	shalt  }
0x4e: {  	_ =	shalt  }
0x4f: {  	_ =	shalt  }
0x50: {  	_ =	shalt  }
0x51: {  	_ =	shalt  }
0x52: {  	_ =	shalt  }
0x53: {  	_ =	shalt  }
0x54: {  	_ =	shalt  }
0x55: {  	_ =	shalt  }
0x56: {  	_ =	shalt  }
0x57: {  	_ =	shalt  }
0x58: {  	_ =	shalt  }
0x59: {  	_ =	shalt  }
0x5a: {  	_ =	shalt  }
0x5b: {  	_ =	shalt  }
0x5c: {  	_ =	shalt  }
0x5d: {  	_ =	shalt  }
0x5e: {  	_ =	shalt  }
0x5f: {  	_ =	shalt  }
0x60: {  	_ =	shalt  }
0x61: {  	_ =	shalt  }
0x62: {  	_ =	shalt  }
0x63: {  	_ =	shalt  }
0x64: {  	_ =	shalt  }
0x65: {  	_ =	shalt  }
0x66: {  	_ =	shalt  }
0x67: {  	_ =	shalt  }
0x68: {  	_ =	shalt  }
0x69: {  	_ =	shalt  }
0x6a: {  	_ =	shalt  }
0x6b: {  	_ =	shalt  }
0x6c: {  	_ =	shalt  }
0x6d: {  	_ =	shalt  }
0x6e: {  	_ =	shalt  }
0x6f: {  	_ =	shalt  }
0x70: {  	_ =	shalt  }
0x71: {  	_ =	shalt  }
0x72: {  	_ =	shalt  }
0x73: {  	_ =	shalt  }
0x74: {  	_ =	shalt  }
0x75: {  	_ =	shalt  }
0x76: {  	_ =	shalt  }
0x77: {  	_ =	shalt  }
0x78: {  	_ =	shalt  }
0x79: {  	_ =	shalt  }
0x7a: {  	_ =	shalt  }
0x7b: {  	_ =	shalt  }
0x7c: {  	_ =	shalt  }
0x7d: {  	_ =	shalt  }
0x7e: {  	_ =	shalt  }
0x7f: {  	_ =	shalt  }
0x80: {  	_ =	shalt  }
0x81: {  	_ =	shalt  }
0x82: {  	_ =	shalt  }
0x83: {  	_ =	shalt  }
0x84: {  	_ =	shalt  }
0x85: {  	_ =	shalt  }
0x86: {  	_ =	shalt  }
0x87: {  	_ =	shalt  }
.Lfunc_end0:
.L_simem_size_0:
called_computation.1_lowered:
.L_overlay_start_0:
0x88: {  	s0 =	sld [smem:$0x3FD9]  }
0x89: {  	s1 =	sld [smem:$0x3FFE];
	_ =	sdelay $0x3  }
0x8a: {  	s0 =	sadd.s32 s1, s0  }
0x8b: {  	[smem:$0x3FAB] =	sst s0  }
0x8c: {  	_ = 	snop  }
0x8d: {  	s0 =	sld [smem:$0x3FD0];
	_ =	sdelay $0x2  }
0x8e: {  	s13 =	simm.s32 $0xB;
	s2 =	simm.s32 $0x10  }
0x8f: {  	[smem:s2], [sflag:s13] =	dma.local [hbm:s0], $0x1  }
0x90: {  	_ =	swait.eq [sflag:s13], $0x1  }
0x91: {  	[sflag:s13] =	ssyncset.done $0x0  }
0x92: {  	[sflag:s13] =	ssyncadd.s32 $0xFFFFFFFF  }
0x93: {  	s14 =	sld [smem:$0x14];
	(tm) =	ssettm $0x1  }
0x94: {  	s15 =	sld [smem:$0x3FFB];
	_ =	sdelay $0x3  }
0x95: {  	_ =	strace s15  }
0x96: {  	s1 =	sld [smem:$0x3FFC];
	_ =	sdelay $0x3  }
0x97: {  	_ =	strace s1  }
0x98: {  	s1 =	sld [smem:$0x3FFD];
	_ =	sdelay $0x3  }
0x99: {  	_ =	strace s1  }
0x9a: {  	_ =	strace $0x8FFFFFFF  }
0x9b: {  	s16 =	sld [smem:$0x3FDB];
	_ =	sdelay $0x1  }
0x9c: {  	s17 =	simm.s32 $_scs_section_size  }
0x9d: {  	s3 =	simm.s32 $_size__tile_overlayer_lowered;
	s4 =	simm.s32 $_tile_overlayer_lowered  }
0x9e: {  	s20 =	simm.s32 $0x1BFF;
	s19 =	sshll.u32 s4, $0x1;
	s1 =	sadd.s32 s17, s16  }
0x9f: {  	s5 =	simm.s32 $0x0;
	s18 =	sshll.u32 s3, $0x1;
	s3 =	sadd.s32 s19, s1  }
0xa0: {  	[timem:s5], [sflag:s20] =	dma.local [hbm:s3], s18  }
0xa1: {  	_ =	swait.ge [sflag:s20], s18  }
0xa2: {  	s2 =	ssub.s32 $0x0, s18;
	[sflag:s20] =	ssyncset.done $0x0  }
0xa3: {  	[sflag:s20] =	ssyncadd.s32 s2;
	_ =	sdelay $0x1  }
0xa4: {  	s21 =	simm.s32 $0x1B8B  }
0xa5: {  	_ =	swait.ge [sflag:s21], $0x1  }
0xa6: {  	[sflag:s21] =	ssyncset.done $0x0  }
0xa7: {  	s23 =	simm.s32 $0x1B8E;
	s22 =	sld [smem:$0x3FFE];
	[sflag:s21] =	ssyncadd.s32 $0xFFFFFFFF  }
0xa8: {  	s24 =	simm.s32 $execute0_lowered;
	[smem:$0x3FD2] =	sst s23  }
0xa9: {  	s3 =	sshll.u32 s24, $0x1;
	_ =	strace $0x80000049;
	[dreg:$0x1] =	wrdreg $0xFFFFFFFF  }
0xaa: {  	s25 =	simm.s32 $_size_execute0_lowered;
	s1 =	sadd.s32 s1, s3;
	[dreg:$0x0] =	wrdreg $0x0  }
0xab: {  	s3 =	sshll.u32 s25, $0x1;
	[dreg:$0x2] =	wrdreg s1  }
0xac: {  	[dreg:$0x3] =	wrdreg s3  }
0xad: {  	[dreg:$0x4] =	wrdreg $0xC0  }
0xae: {  	_ =	task [dreg:s5], $0x5FFFF  }
0xaf: {  	[dreg:$0x1] =	wrdreg $0xFFFFFFFF  }
0xb0: {  	[dreg:$0x0] =	wrdreg $0x60  }
0xb1: {  	[dreg:$0x2] =	wrdreg s14  }
0xb2: {  	[dreg:$0x3] =	wrdreg s22  }
0xb3: {  	[dreg:$0x4] =	wrdreg $0xA  }
0xb4: {  	_ =	task.clear_ibuf [dreg:s5], $0x5FFFF;
	_ =	strace $0x90000049  }
0xb5: {  	s26 =	simm.s32 $0xA;
	_ =	strace $0x8000004B  }
0xb6: {  	_ =	swait.ge [sflag:s26], $0x1  }
0xb7: {  	[sflag:s26] =	ssyncadd.s32 $0xFFFFFFFF  }
0xb8: {  	_ =	strace $0x9000004B  }
0xb9: {  	_ =	sfence  }
0xba: {  	s28 =	sld [smem:$0x0];
	_ =	sdelay $0x1  }
0xbb: {  	s29 =	srdreg.scid  }
0xbc: {  	s30 =	sshll.u32 s29, $0xD;
	s31 =	sshrl.u32 s29, $0x2  }
0xbd: {  	s2 =	sand.u32 $0x4000, s30;
	s1 =	sand.u32 $0x1, s29;
	s0 =	sadd.s32 s31, s28  }
0xbe: {  	s1 =	sor.u32 s2, s1;
	s0 =	sshll.u32 s0, $0x11  }
0xbf: {  	s0 =	sor.u32 s0, s1  }
0xc0: {  	s0 =	sadd.s32 $0x8F2B, s0  }
0xc1: {  	[sflag:s0] =	ssyncadd.remote.s32 $0x1  }
0xc2: {  	_ =	sfence.sel $0xFFFF  }
0xc3: {  	[dreg:$0x0] =	wrdreg $0xFFFFFFFF;
	(pc) =	sbr.abs _section_cstart, $3  }
0xc4: {  	[dreg:$0x1] =	wrdreg $0xFFFFFFFF  }
0xc5: {  	_ =	task.clear_ibuf [dreg:s5], $0x2FFFF;
	_ =	strace $0x9FFFFFFF  }
0xc6: {  	(tm) =	ssettm $0x7FFFFFFF  }
0xc7: {  	_ =	shalt  }
tec
execute0_lowered:
.L_overlay_start_1:
0x0: {  	(tag) =	ssettag $0x1  }
0x1: {  	s1 =	rddreg [dreg:$0x0]  }
0x2: {  	s0 =	rddreg [dreg:$0x1];
	_ =	strace $0x8000004A;
	s15 =	stileid.u32  }
0x3: {  	s2 =	simm.s32 $0x1;
	s4 =	smin.u32 s15, $0x8;
	s3 =	sshll.u32 s15, $0x1  }
0x4: {  	v1 =	vimm.s32 $0xFFFFFFFF;
	[sflag:s2] =	ssyncpa.u1 $0x0;
	s4 =	sadd.s32 s4, s3  }
0x5: {  	s5 =	simm.s32 $0x5DC0;
	p0 =	slt.u32 s15, $0x8;
	[tilespmem:$0x10] =	vst v1;
	s4 =	smul.u32 $0x1F40, s4  }
0x6: {  	v0 =	vimm.f32 $0.0e+00;
	[tilespmem:$0x20] =	vst v1;
	s5 =	simm.s32 @!p0 $0x3E80  }
0x7: {  	[tilespmem:$0x30] =	vst v0;
	s5 =	sadd.s32 s5, s4  }
0x8: {  	[tilespmem:$0x40] =	vst v0;
	s5 =	smin.u32 s5, $0x4E200  }
0x9: {  	s7 =	simm.s32 $0x2;
	[tilespmem:$0x50] =	vst v0;
	s9 =	ssub.s32 s5, s4  }
0xa: {  	s8 =	simm.s32 $0x8;
	s31 =	simm.s32 $0x9;
	[tilespmem:$0x60] =	vst v1;
	p0 =	sgt.s32 s9, $0x0  }
0xb: {  	s16 =	simm.s32 $0x0;
	s17 =	simm.s32 $0xF0;
	[tilespmem:$0x70] =	vst v1;
	s9 =	simm.s32 @!p0 $0x0  }
0xc: {  	s18 =	simm.s32 $0xFFFFFFFF;
	s19 =	simm.s32 $0xFFFFC280;
	[tilespmem:$0x80] =	vst v1;
	s6 =	smulhi.u32 $0x10624DD3, s9  }
0xd: {  	s20 =	simm.s32 $0xFFFFFFFE;
	s21 =	simm.s32 $0xF;
	s25 =	simm.s32 $0x0;
	v1 =	vimm.s32 $0x0;
	[tilespmem:$0xB0] =	vst v0  }
0xe: {  	s24 =	simm.s32 $0x0;
	s15 =	sshllo.u32 s15, $0x1;
	[tilespmem:$0x90] =	vst v1;
	s10 =	sshrl.u32 s6, $0x9  }
0xf: {  	[tilespmem:$0xA0] =	vst v1;
	[sflag:s7] =	ssyncpa.u1 $0x0;
	s7 =	simm.s32 $0x7;
	s11 =	smul.u32 $0x1F40, s10  }
.Ltmp0:
0x10: {  	s13 =	sor.u32 $0x80, s3;
	[sflag:s7] =	ssyncpa.u1 $0x0;
	(pc) =	sbr.rel .LBB2_1-.Ltmp0, $4  }
0x11: {  	s14 =	sor.u32 $0x81, s3;
	[sflag:s8] =	ssyncpa.u1 $0x0;
	p0 =	sne.s32 s9, s11  }
0x12: {  	s23 =	smov.u32 s4;
	[sflag:s31] =	ssyncpa.u1 $0x0;
	s2 =	simm.s32 @!p0 $0x0  }
0x13: {  	vm0 =	vmmov $0xffff;
	v2 =	vlaneseq.u32;
	s6 =	sadd.s32 $0x766C00, s0;
	s9 =	sadd.s32 $0x770A00, s0;
	s10 =	sadd.s32 s2, s10  }
0x14: {  	vm1 =	vmxor vm1, vm1;
	vm2 =	vmmov $0x1;
	vm3 =	vcmask $0x3F3C;
	p0 =	por $0x0, $0x0;
	s11 =	sadd.s32 $0x1, s10;
	s12 =	sadd.s32 $0x2, s10  }
.LBB2_9:
0x15: {  	p1 =	slt.u32 s24, $0x3  }
0x16: {  	s0 =	simm.s32 @!p1 $0x2  }
0x17: {  	_ =	swait.ge @!p1 [sflag:s0], $0x1F40  }
0x18: {  	[sflag:s0] =	ssyncset.done @!p1 $0x0  }
0x19: {  	[sflag:s0] =	ssyncadd.s32 @!p1 $0xFFFFE0C0;
	s0 =	simm.s32 @!p1 $0x9  }
0x1a: {  	_ =	swait.ge @!p1 [sflag:s0], $0x10  }
0x1b: {  	[sflag:s0] =	ssyncset.done @!p1 $0x0  }
0x1c: {  	[sflag:s0] =	ssyncadd.s32 @!p1 $0xFFFFFFF0;
	p1 =	sne.s32 s24, s12  }
.Ltmp1:
0x1d: {  	s2 =	sadd.s32 $0x1F40, s23;
	(pc) =	sbr.rel @!p1 .LBB2_10-.Ltmp1, $4  }
0x1e: {  	s22 =	smov.u32 s4;
	s31 =	sadd.s32 $0x1, s24;
	s17 =	sadd.s32 $0x1F40, s17  }
0x1f: {  	s18 =	sadd.s32 $0x1, s18;
	s25 =	smov.u32 s23;
	p2 =	slt.s32 s2, s5  }
0x20: {  	p0 =	por !p0, !p0;
	s19 =	sadd.s32 $0x1F40, s19;
	s22 =	smov.u32 @p2 s2  }
0x21: {  	s20 =	sadd.s32 $0x1, s20;
	s23 =	smov.u32 s22;
	s24 =	smov.u32 s31  }
.LBB2_1:
0x22: {  	p1 =	sge.u32 s24, s10  }
0x23: {  	s0 =	smulhi.u32 @!p1 $0xAAAAAAAB, s24;
	_ =	sdelay $0x1  }
0x24: {  	s0 =	sshrl.u32 @!p1 s0, $0x1  }
0x25: {  	s0 =	smul.u32 @!p1 $0x3, s0;
	_ =	sdelay $0x1  }
0x26: {  	s0 =	ssub.s32 @!p1 s24, s0  }
0x27: {  	s0 =	smul.u32 @!p1 $0x7D00, s0;
	_ =	sdelay $0x1  }
0x28: {  	s2 =	sshrl.u32 @!p1 s23, $0x3;
	s0 =	sshrl.u32 @!p1 s0, $0x2  }
0x29: {  	s22 =	sand.u32 @!p1 $0x7, s23;
	s2 =	sadd.s32 @!p1 s6, s2;
	s0 =	sadd.s32 @!p1 $0x100, s0  }
0x2a: {  	[tilespmem:s0], [sflag:$0x7] =	stream.linear.gather @!p1 [hbm4b:s2+s22], $0x1F40, $0x38;
	[tilespmem:$0x11A60] =	vst v63  }
0x2b: {  	s0 =	sadd.s32 $0xFFFFFFFF, s24  }
0x2c: {  	p1 =	sge.u32 s0, s10  }
.Ltmp2:
0x2d: {  	_ = 	snop;
	(pc) =	sbr.rel @p1 .LBB2_5-.Ltmp2, $1  }
0x2e: {  	_ =	sdelay $0x3  }
0x2f: {  	s2 =	smulhi.u32 $0xAAAAAAAB, s0;
	_ =	sdelay $0x1  }
0x30: {  	s2 =	sshrl.u32 s2, $0x1  }
0x31: {  	s2 =	smul.u32 $0x3, s2;
	_ =	sdelay $0x1  }
0x32: {  	s2 =	ssub.s32 s0, s2  }
0x33: {  	s2 =	smul.u32 $0x7D00, s2  }
0x34: {  	_ =	swait.ge [sflag:s7], $0x1F40  }
0x35: {  	[sflag:s7] =	ssyncset.done $0x0;
	s2 =	sshrl.u32 s2, $0x2  }
0x36: {  	[sflag:s7] =	ssyncadd.s32 $0xFFFFE0C0;
	(ifvalue) =	ssetifvalue $0xFFFFFFFF;
	v3 =	vld.msk [tilespmem:s2+$0x100 ss:$0x1], $0xffff;
	_ =	sdelay $0x2  }
0x37: {  	s30 =	smulhi.u32 $0xAAAAAAAB, s18;
	p1 =	sne.s32 s24, $0x1  }
0x38: {  	v4 =	vimm.s32 @!p1 $0x0  }
0x39: {  	s2 =	sshrl.u32 s30, $0x1;
	v4 =	vperm.xlane @!p1 v3, v4  }
0x3a: {  	s22 =	sshll.u32 s24, $0x4;
	s2 =	smul.u32 $0xFFFE8900, s2;
	vm4 =	vlt.u32 v3, $0x2800  }
0x3b: {  	s22 =	sand.u32 $0x10, s22;
	v3 =	vnsel vm4, $0xFFFFFFFE, v3;
	vm4 =	vlt.u32 @!p1 v4, $0x2800  }
0x3c: {  	s2 =	sshra.s32 s2, $0x2;
	[tilespmem:s22+$0x60] =	vst v3;
	v3 =	vnsel @!p1 vm4, $0xFFFFFFFE, v4  }
0x3d: {  	s28 =	sadd.s32 s2, s17;
	[tilespmem:$0x80] =	vst @!p1 v3  }
0x3e: {  	v3 =	vld.msk [tilespmem:s28+$0x0 ss:$0x1], $0xffff;
	_ =	sdelay $0x4  }
0x3f: {  	(xrf1) =	vunique.msk.u32 $0xffff, v3;
	_ =	sdelay $0xd  }
0x40: {  	v4 =	vimm.s32 $0xFFFFFFFF;
	v5, _, _ =	vpop (xrf1)  }
0x41: {  	vm5 =	vne.s32 v3, v4;
	vm4 =	veq.s32 v5, v2  }
0x42: {  	vm6 =	vlt.u32 v3, $0x2800;
	vm4 =	vmand vm5, vm4  }
0x43: {  	vm4 =	vmand vm6, vm4  }
0x44: {  	v4 =	vnsel vm4, $0xFFFFFFFF, v3  }
0x45: {  	s31 =	sand.u32 $0x1, s0  }
0x46: {  	s0 =	simm.s32 $0x1F40;
	p1 =	seq.s32 s31, $0x1  }
0x47: {  	s0 =	simm.s32 @!p1 $0x0  }
0x48: {  	s26 =	sadd.s32 $0x7DF0, s0;
	(ifvalue) =	ssetifvalue $0xFFFFFFFF  }
0x49: {  	v3 =	vperm.xlane v3, v1;
	[tilespmem:s26], [sflag:$0x8] =	stream.indirect_vreg.gather [hbm4b:s1+s16], $0x1, v4, vm0, $0x4038;
	v4 =	vnsel vm6, $0xFFFFFFFE, v4;
	[tilespmem:$0x11A60] =	vst v63  }
0x4a: {  	s2 =	simm.s32 $0x0;
	s22 =	sadd.s32 $0xFFFFFFF0, s28;
	[tilespmem:s28+$0x0] =	vst v4  }
.LBB2_3:
0x4b: {  	v4 =	vld.msk [tilespmem:s22+$0x0 ss:$0x1], $0xffff;
	s2 =	sadd.s32 $0x10, s2;
	v5 =	vmov v3;
	s28 =	smov.u32 s22  }
0x4c: {  	p1 =	slt.u32 s2, $0x1F30;
	_ =	sdelay $0x4  }
0x4d: {  	v3 =	vperm.xlane v4, v1;
	(xrf1) =	vunique.msk.u32 $0xffff, v4;
	_ =	sdelay $0xd  }
0x4e: {  	v6, _, _ =	vpop (xrf1)  }
0x4f: {  	vm5 =	vne.s32 v4, v5;
	vm4 =	veq.s32 v6, v2  }
0x50: {  	vm6 =	vlt.u32 v4, $0x2800;
	vm4 =	vmand vm5, vm4  }
0x51: {  	vm4 =	vmand vm6, vm4  }
0x52: {  	v4 =	vnsel vm4, $0xFFFFFFFF, v4  }
.Ltmp3:
0x53: {  	v5 =	vnsel vm6, $0xFFFFFFFE, v4;
	(pc) =	sbr.rel @p1 .LBB2_3-.Ltmp3, $3  }
0x54: {  	_ =	sdelay $0x1  }
0x55: {  	s22 =	sadd.s32 $0xFFFFFFF0, s22;
	s26 =	sadd.s32 $0xFFFFFFF0, s26;
	(ifvalue) =	ssetifvalue $0xFFFFFFFF  }
0x56: {  	[tilespmem:s26], [sflag:$0x8] =	stream.indirect_vreg.gather [hbm4b:s1+s16], $0x1, v4, vm0, $0x4038;
	[tilespmem:s28+$0x0] =	vst v5  }
0x57: {  	s2 =	sshrl.u32 s25, $0x3  }
0x58: {  	s0 =	sadd.s32 $0x9D40, s0;
	s2 =	sadd.s32 s9, s2  }
0x59: {  	[tilespmem:s0], [sflag:$0x8] =	stream.linear.gather [hbm:s2], $0x1F40, $0x38;
	[tilespmem:$0x11A60] =	vst v63  }
.LBB2_5:
0x5a: {  	p1 =	slt.u32 s24, $0x2  }
0x5b: {  	p2 =	sge.u32 @!p1 s24, s12  }
0x5c: {  	p1 =	por p1, p2  }
.Ltmp4:
0x5d: {  	_ = 	snop;
	(pc) =	sbr.rel @p1 .LBB2_9-.Ltmp4, $1  }
0x5e: {  	_ =	sdelay $0x3  }
0x5f: {  	s0 =	sadd.s32 $0xFFFFFFFE, s24  }
0x60: {  	s2 =	smulhi.u32 $0xAAAAAAAB, s0;
	_ =	sdelay $0x1  }
0x61: {  	s2 =	sshrl.u32 s2, $0x1  }
0x62: {  	s2 =	smul.u32 $0x3, s2;
	_ =	sdelay $0x1  }
0x63: {  	s0 =	ssub.s32 s0, s2  }
0x64: {  	_ =	swait.ge [sflag:s8], $0x3E80;
	s0 =	smul.u32 $0x1F40, s0  }
0x65: {  	p1 =	sne.s32 s24, s11;
	[sflag:s8] =	ssyncset.done $0x0  }
0x66: {  	[sflag:s8] =	ssyncadd.s32 $0xFFFFC180;
	s2 =	sadd.s32 @!p1 $0x203F, s0  }
0x67: {  	[spmem:s14] =	stream.linear.scatter @!p1 [tilespmem:s2], [sflag:$0x1], $0x1, $0x38;
	[tilespmem:$0x11A60] =	vst v63  }
0x68: {  	s2 =	simm.s32 @!p1 $0x1  }
0x69: {  	_ =	swait.ge @!p1 [sflag:s2], $0x1  }
0x6a: {  	s22 =	sshll.u32 s24, $0x4;
	[sflag:s2] =	ssyncset.done @!p1 $0x0  }
0x6b: {  	s25 =	sand.u32 $0x10, s22;
	[sflag:s2] =	ssyncadd.s32 @!p1 $0xFFFFFFFF  }
0x6c: {  	s2 =	sxor.u32 $0x10, s25;
	v4 =	vld [tilespmem:s25+$0x10]  }
0x6d: {  	v5 =	vld [tilespmem:s2+$0x60]  }
0x6e: {  	v3 =	vld [tilespmem:$0x80];
	_ =	sdelay $0x2  }
0x6f: {  	(v2sf) =	vpush v4, $0x0  }
0x70: {  	(v2sf) =	vpush v5, $0x0  }
0x71: {  	(v2sf) =	vpush v3, $0x0;
	_ =	sdelay $0xc  }
0x72: {  	s22 =	spop (v2sf)  }
0x73: {  	s26 =	spop (v2sf)  }
0x74: {  	s28 =	spop (v2sf)  }
0x75: {  	p2 =	seq.s32 s22, s26;
	p3 =	seq.s32 s28, s22  }
0x76: {  	p3 =	por p2, p3  }
0x77: {  	s26 =	sand.u32 $0x1, s24;
	v4 =	vpsel p3, $0xFFFFFFFF, v4  }
0x78: {  	s29 =	smul.u32 $0x1F40, s26;
	[tilespmem:s25+$0x10] =	vst.msk $0x1, v4  }
0x79: {  	v4 =	vld [tilespmem:$0x30]  }
0x7a: {  	v5 =	vld [tilespmem:s29+$0x9D40]  }
0x7b: {  	v6 =	vld [tilespmem:s25+$0x40];
	_ =	sdelay $0x3  }
0x7c: {  	vm4 =	vmmov vm1;
	v5 =	vadd.f32 v5, v4  }
0x7d: {  	vm5 =	vmmov vm2;
	vm4 =	vmmov @p2 vm2;
	s22 =	sshll.u32 s26, $0x4;
	v4 =	vadd.f32 v6, v4  }
0x7e: {  	s26 =	sor.u32 $0x11A40, s22;
	vm5 =	vmmov @p3 vm1;
	[tilespmem:s29+$0x9D40] =	vst.msk vm4, v5  }
0x7f: {  	[tilespmem:s26+$0x0] =	vst.msk vm5, v4  }
0x80: {  	v4 =	vld [tilespmem:s29+$0x7DF0];
	_ =	sdelay $0x3  }
0x81: {  	v5 =	vimm.f32 $0.0e+00  }
0x82: {  	v4 =	vshift.insert v4, v5, s21  }
0x83: {  	s22 =	sor.u32 $0x40, s2  }
0x84: {  	[tilespmem:s22+$0x0] =	vst.msk $0x1, v4  }
0x85: {  	[tilespmem:s29+$0x7DFF] =	vst.msk $0x1, v5  }
0x86: {  	v4 =	vld [tilespmem:s0+$0x2030];
	_ =	sdelay $0x1  }
0x87: {  	s22 =	smulhi.u32 $0xAAAAAAAB, s20;
	s0 =	simm.s32 $0x1  }
0x88: {  	s0 =	simm.s32 @!p0 $0x0  }
0x89: {  	s22 =	sshrl.u32 s22, $0x1;
	s0 =	smul.u32 $0x7D00, s0  }
0x8a: {  	s22 =	smul.u32 $0xFFFE8900, s22;
	v4 =	vshift.insert v4, v1, s21  }
0x8b: {  	s0 =	sshrl.u32 s0, $0x2  }
0x8c: {  	s22 =	sshra.s32 s22, $0x2;
	s30 =	sadd.s32 $0x9D40, s0;
	[tilespmem:s2+$0x10] =	vst.msk $0x1, v4  }
0x8d: {  	s22 =	sadd.s32 s22, s19;
	v6 =	vld [tilespmem:s30+$0x0]  }
0x8e: {  	v7 =	vld [tilespmem:s22+$0x0];
	_ =	sdelay $0x3  }
0x8f: {  	v5 =	vadd.f32 v6, v5  }
0x90: {  	vm4 =	vne.s32 v7, $0xFFFFFFFF  }
0x91: {  	(xrf2) =	vadd.seg.scan.f32 vm4, v5;
	_ =	sdelay $0x3  }
0x92: {  	s31 =	sadd.s32 $0x5EC0, s0;
	v5 =	vperm.xlane v4, v1  }
0x93: {  	v6 =	vld [tilespmem:s31+$0x0]  }
0x94: {  	vm5 =	veq.s32 v7, v3;
	vm6 =	veq.s32 v7, v5  }
0x95: {  	vm7 =	vgt.u32 v7, $0xFFFFFFFD;
	vm6 =	vmor vm6, vm5  }
0x96: {  	vm6 =	vmor vm6, vm7  }
0x97: {  	v9 =	vld [tilespmem:$0xA0];
	v7 =	vsel vm6, $0xFFFFFFFF, v7  }
0x98: {  	v10 =	vld [tilespmem:$0x90];
	v6 =	vsel vm5, $0x0, v6;
	v8, _, _ =	vpop (xrf2)  }
0x99: {  	v6 =	vadd.f32 v8, v6  }
0x9a: {  	s0 =	sadd.s32 $0xDBC0, s0  }
0x9b: {  	vm4 =	vmand vm4, vm3;
	[tilespmem:s0+$0x0] =	vst v6;
	(ifvalue) =	ssetifvalue $0xFFFFFFFF  }
0x9c: {  	vm6 =	veq.s32 v9, $0x1;
	[hbm4b:s1+s16] =	stream.indirect_vreg.scatter [tilespmem:s0], [sflag:$0x2], $0x1, v7, vm0, $0x4038;
	v7 =	vsel vm4, $0x0, v8;
	[tilespmem:$0x11A60] =	vst v63  }
0x9d: {  	s2 =	simm.s32 $0x0;
	s22 =	sadd.s32 $0x10, s22;
	vm4 =	vmor vm6, vm5;
	v6 =	vsel vm5, v8, v10;
	v7 =	vshift.insert v7, v0, s21  }
.LBB2_7:
0x9e: {  	v8 =	vld [tilespmem:s22+$0x0];
	s30 =	sadd.s32 $0x10, s30  }
0x9f: {  	s31 =	sadd.s32 $0x10, s31;
	v9 =	vld [tilespmem:s30+$0x0]  }
0xa0: {  	s2 =	sadd.s32 $0x10, s2;
	v10 =	vld [tilespmem:s31+$0x0]  }
0xa1: {  	p2 =	slt.u32 s2, $0x1F30;
	_ =	sdelay $0x2  }
0xa2: {  	v7 =	vadd.f32 v9, v7  }
0xa3: {  	vm5 =	vne.s32 v8, $0xFFFFFFFF  }
0xa4: {  	vm6 =	vmand vm5, vm3;
	(xrf2) =	vadd.seg.scan.f32 vm5, v7;
	_ =	sdelay $0x5  }
0xa5: {  	vm7 =	veq.s32 v8, v5;
	vm5 =	veq.s32 v8, v3  }
0xa6: {  	vm8 =	vgt.u32 v8, $0xFFFFFFFD;
	vm4 =	vmor vm4, vm5;
	vm7 =	vmor vm7, vm5  }
0xa7: {  	vm7 =	vmor vm7, vm8  }
0xa8: {  	v8 =	vsel vm7, $0xFFFFFFFF, v8  }
.Ltmp5:
0xa9: {  	v7 =	vsel vm5, $0x0, v10;
	v9, _, _ =	vpop (xrf2);
	(pc) =	sbr.rel @p2 .LBB2_7-.Ltmp5, $4  }
0xaa: {  	v6 =	vsel vm5, v9, v6;
	v10 =	vadd.f32 v9, v7;
	v7 =	vsel vm6, $0x0, v9  }
0xab: {  	s0 =	sadd.s32 $0x10, s0;
	v7 =	vshift.insert v7, v0, s21  }
0xac: {  	s22 =	sadd.s32 $0x10, s22;
	[tilespmem:s0+$0x0] =	vst v10;
	(ifvalue) =	ssetifvalue $0xFFFFFFFF  }
0xad: {  	[hbm4b:s1+s16] =	stream.indirect_vreg.scatter [tilespmem:s0], [sflag:$0x2], $0x1, v8, vm0, $0x4038;
	[tilespmem:$0x11A60] =	vst v63  }
0xae: {  	v3 =	vld [tilespmem:s29+$0xFAF0];
	_ =	sdelay $0x4  }
0xaf: {  	v3 =	vshift.insert v3, v0, s21  }
0xb0: {  	s0 =	simm.s32 $0x30  }
0xb1: {  	[tilespmem:s0+$0x0] =	vst.msk $0x1, v3  }
0xb2: {  	v3 =	vsel vm4, $0x1, v1;
	[tilespmem:$0x90] =	vst v6  }
0xb3: {  	s0 =	sadd.s32 @!p1 $0xFAFF, s29;
	[tilespmem:$0xA0] =	vst v3  }
0xb4: {  	[spmem:s15] =	stream.linear.scatter @!p1 [tilespmem:s0], [sflag:$0x1], $0x1, $0x38;
	[tilespmem:$0x11A60] =	vst v63  }
0xb5: {  	s0 =	simm.s32 @!p1 $0x1  }
0xb6: {  	v3 =	vmctz.xlane @!p1 vm4;
	_ =	swait.ge @!p1 [sflag:s0], $0x1  }
0xb7: {  	(v2sf) =	vpush @!p1 v4, $0x0  }
0xb8: {  	(v2sf) =	vpush @!p1 v3, $0x0;
	_ =	sdelay $0xd  }
0xb9: {  	s2 =	spop @!p1 (v2sf)  }
0xba: {  	s22 =	spop @!p1 (v2sf)  }
0xbb: {  	p2 =	sne.s32 @!p1 s28, s2;
	p3 =	slt.s32 @!p1 s22, $0xF  }
0xbc: {  	[sflag:s0] =	ssyncset.done @!p1 $0x0;
	p2 =	por p2, p1;
	p3 =	por !p3, p1  }
0xbd: {  	[sflag:s0] =	ssyncadd.s32 @!p1 $0xFFFFFFFF;
	v3 =	vimm.s32 @!p2 $0xFFFFFFFF;
	s22 =	simm.s32 @p3 $0xF  }
0xbe: {  	[tilespmem:$0x80] =	vst @!p2 v3;
	s2 =	sadd.s32 @!p1 $0x90, s22  }
0xbf: {  	[spmem:s3] =	stream.linear.scatter @!p1 [tilespmem:s2], [sflag:$0x1], $0x1, $0x38;
	[tilespmem:$0x11A60] =	vst v63  }
0xc0: {  	_ =	swait.ge @!p1 [sflag:s0], $0x1  }
0xc1: {  	[sflag:s0] =	ssyncset.done @!p1 $0x0  }
0xc2: {  	s2 =	simm.s32 @!p1 $0x80;
	[sflag:s0] =	ssyncadd.s32 @!p1 $0xFFFFFFFF  }
0xc3: {  	[spmem:s13] =	stream.linear.scatter @!p1 [tilespmem:s2], [sflag:$0x1], $0x1, $0x38;
	[tilespmem:$0x11A60] =	vst v63  }
0xc4: {  	_ =	swait.ge @!p1 [sflag:s0], $0x1  }
0xc5: {  	[sflag:s0] =	ssyncset.done @!p1 $0x0  }
0xc6: {  	[sflag:s0] =	ssyncadd.s32 @!p1 $0xFFFFFFFF;
	(ifvalue) =	ssetifvalue $0xFFFFFFFF;
	v3 =	vld [tilespmem:s25+$0x10];
	_ =	sdelay $0x3  }
.Ltmp6:
0xc7: {  	_ = 	snop;
	(pc) =	sbr.rel .LBB2_9-.Ltmp6, $3  }
0xc8: {  	_ =	sdelay $0x1  }
0xc9: {  	(ifvalue) =	ssetifvalue $0xFFFFFFFF  }
0xca: {  	[hbm4b:s1+s16] =	stream.indirect_vreg.scatter [tilespmem:s26], [sflag:$0x9], $0x1, v3, vm0, $0x4038;
	[tilespmem:$0x11A60] =	vst v63  }
.LBB2_10:
0xcb: {  	_ =	sfence.sel $0x180000  }
0xcc: {  	s0 =	simm.s32 $0x7;
	[bflag:$0x0] =	sbarrier.arrive $0xFFFF  }
0xcd: {  	s26 =	simm.s32 $0x8;
	[sflag:s0] =	ssyncpa.u1 $0x1  }
0xce: {  	s28 =	simm.s32 $0x9;
	[sflag:s26] =	ssyncpa.u1 $0x1  }
0xcf: {  	[sflag:s28] =	ssyncpa.u1 $0x1  }
0xd0: {  	_ =	sfence.stream.spmem  }
0xd1: {  	s29 =	simm.s32 $0x3;
	[bflag:$0x0] =	sbarrier.arrive $0xFFFF  }
0xd2: {  	s30 =	simm.s32 $0x4;
	[sflag:s29] =	ssyncpa.u1 $0x1  }
0xd3: {  	s31 =	simm.s32 $0x3C;
	s2 =	stileid.u32;
	[sflag:s30] =	ssyncpa.u1 $0x1  }
0xd4: {  	p0 =	sne.s32 s2, $0x0;
	[sflag:s31] =	ssyncpa.u1 $0x1  }
0xd5: {  	s0 =	simm.s32 @p0 $0x1;
	_ =	sfence @p0  }
0xd6: {  	[sflag:s0] =	ssyncpa.u1 @p0 $0x1;
	s0 =	simm.s32 @p0 $0x2  }
0xd7: {  	[sflag:s0] =	ssyncpa.u1 @p0 $0x1  }
0xd8: {  	_ =	strace @p0 $0x9000004A  }
0xd9: {  	[bflag:$0x2] =	sbarrier.arrive @p0 $0xFFFF  }
0xda: {  	_ =	shalt @p0  }
.LBB2_11:
0xdb: {  	_ =	sfence.stream.spmem;
	s0 =	simm.s32 $0x5  }
0xdc: {  	s2 =	simm.s32 $0x80;
	s3 =	simm.s32 $0xC0;
	[sflag:s0] =	ssyncpa.u1 $0x0  }
0xdd: {  	[tilespmem:s3], [sflag:$0x5] =	stream.linear.gather [spmem:s2], $0x20, $0x38;
	[tilespmem:$0x11A60] =	vst v63  }
0xde: {  	s2 =	simm.s32 $0x0;
	s3 =	simm.s32 $0xE0  }
0xdf: {  	[tilespmem:s3], [sflag:$0x5] =	stream.linear.gather [spmem:s2], $0x20, $0x38;
	[tilespmem:$0x11A60] =	vst v63  }
.Ltmp7:
0xe0: {  	_ = 	snop;
	(pc) =	sbr.rel .LBB2_12-.Ltmp7, $4  }
0xe1: {  	_ =	swait.ge [sflag:s0], $0x40  }
0xe2: {  	[sflag:s0] =	ssyncset.done $0x0  }
0xe3: {  	s31 =	simm.s32 $0x6;
	[sflag:s0] =	ssyncadd.s32 $0xFFFFFFC0  }
0xe4: {  	s4 =	simm.s32 $0x0;
	[sflag:s31] =	ssyncpa.u1 $0x0  }
.LBB2_17:
0xe5: {  	p0 =	sgt.u32 s5, $0x27FF  }
0xe6: {  	s0 =	sshrl.u32 @!p0 s5, $0x3  }
0xe7: {  	s5 =	sand.u32 @!p0 $0x7, s5;
	s6 =	simm.s32 @!p0 $0xB0;
	s0 =	sadd.s32 @!p0 s1, s0  }
0xe8: {  	[tilespmem:s6], [sflag:$0x6] =	stream.linear.gather @!p0 [hbm4b:s0+s5], $0x1, $0x38;
	[tilespmem:$0x11A60] =	vst v63  }
0xe9: {  	s0 =	simm.s32 @!p0 $0x6  }
0xea: {  	_ =	swait.ge @!p0 [sflag:s0], $0x1  }
0xeb: {  	[sflag:s0] =	ssyncset.done @!p0 $0x0  }
0xec: {  	[sflag:s0] =	ssyncadd.s32 @!p0 $0xFFFFFFFF  }
0xed: {  	v2 =	vmov @!p0 s4;
	v1 =	vld.msk @!p0 [tilespmem:$0xB0], $0x1;
	_ =	sdelay $0x3  }
0xee: {  	s0 =	simm.s32 @!p0 $0xE0  }
0xef: {  	[tilespmem:v2+s0+$0x0], v1 =	vst.idx.ret.add.f32.msk @!p0 $0x1, v1  }
0xf0: {  	[tilespmem:s2+$0xC0] =	vst.msk $0x1, v0  }
0xf1: {  	v0 =	vld.msk [tilespmem:s4+$0xE0], $0x1;
	_ =	sdelay $0x4  }
0xf2: {  	[tilespmem:s2+$0xE0] =	vst.msk $0x1, v0;
	s2 =	sadd.s32 $0x1, s2  }
.LBB2_19:
0xf3: {  	s4 =	sadd.s32 $0x1, s4  }
0xf4: {  	p0 =	sne.s32 s4, $0x20  }
.Ltmp8:
0xf5: {  	_ = 	snop;
	(pc) =	sbr.rel @!p0 .LBB2_20-.Ltmp8, $1  }
0xf6: {  	_ =	sdelay $0x3  }
.LBB2_12:
0xf7: {  	v0 =	vld.msk [tilespmem:s4+$0xC0], $0x1;
	_ =	sdelay $0x4  }
0xf8: {  	(v2sf) =	vpush v0, $0x0;
	_ =	sdelay $0xe  }
0xf9: {  	s5 =	spop (v2sf)  }
0xfa: {  	p0 =	seq.s32 s5, $0xFFFFFFFF  }
.Ltmp9:
0xfb: {  	_ = 	snop;
	(pc) =	sbr.rel @p0 .LBB2_19-.Ltmp9, $1  }
0xfc: {  	_ =	sdelay $0x3  }
0xfd: {  	p0 =	slt.s32 s2, $0x1  }
.Ltmp10:
0xfe: {  	_ = 	snop;
	(pc) =	sbr.rel @p0 .LBB2_17-.Ltmp10, $1  }
0xff: {  	_ =	sdelay $0x3  }
0x100: {  	s0 =	simm.s32 $0xC0;
	p0 =	por $0x0, $0x0  }
0x101: {  	v1 =	vld.msk @!p0 [tilespmem:s0+$0x0], $0x1;
	_ =	sdelay $0x4  }
0x102: {  	(v2sf) =	vpush @!p0 v1, $0x0;
	_ =	sdelay $0xd  }
0x103: {  	p2 =	sne.s32 s2, $0x1  }
.Ltmp11:
0x104: {  	s6 =	spop @!p0 (v2sf);
	(pc) =	sbr.rel @!p2 .LBB2_16-.Ltmp11, $4  }
0x105: {  	p1 =	seq.s32 @!p0 s5, s6  }
0x106: {  	s6 =	simm.s32 $0x0;
	p1 =	por !p1, p0  }
0x107: {  	s8 =	simm.s32 $0xFFFFFFFF;
	s6 =	simm.s32 @p1 $0xFFFFFFFF  }
0x108: {  	s7 =	simm.s32 $0x1;
	s6 =	smov.u32 @p0 s8  }
.LBB2_15:
0x109: {  	s8 =	smov.u32 s6;
	p0 =	sne.s32 s6, $0xFFFFFFFF  }
0x10a: {  	s0 =	sadd.s32 $0x1, s0;
	s6 =	smov.u32 s7;
	s7 =	sadd.s32 $0x1, s7  }
0x10b: {  	p1 =	sne.s32 s2, s7;
	v1 =	vld.msk @!p0 [tilespmem:s0+$0x0], $0x1;
	_ =	sdelay $0x4  }
0x10c: {  	(v2sf) =	vpush @!p0 v1, $0x0;
	_ =	sdelay $0xe  }
.Ltmp12:
0x10d: {  	s9 =	spop @!p0 (v2sf);
	(pc) =	sbr.rel @p1 .LBB2_15-.Ltmp12, $4  }
0x10e: {  	p2 =	seq.s32 @!p0 s5, s9  }
0x10f: {  	p2 =	por !p2, p0  }
0x110: {  	s6 =	simm.s32 @p2 $0xFFFFFFFF  }
0x111: {  	s6 =	smov.u32 @p0 s8  }
.LBB2_16:
0x112: {  	p0 =	sne.s32 s6, $0xFFFFFFFF  }
.Ltmp13:
0x113: {  	_ = 	snop;
	(pc) =	sbr.rel @!p0 .LBB2_17-.Ltmp13, $1  }
0x114: {  	_ =	sdelay $0x3  }
0x115: {  	v0 =	vld.msk [tilespmem:s4+$0xE0], $0x1;
	v1 =	vmov s6  }
.Ltmp14:
0x116: {  	_ = 	snop;
	(pc) =	sbr.rel .LBB2_19-.Ltmp14, $2  }
0x117: {  	_ =	sdelay $0x2  }
0x118: {  	[tilespmem:v1+s3+$0x0], v0 =	vst.idx.ret.add.f32.msk $0x1, v0  }
.LBB2_20:
0x119: {  	p0 =	slt.s32 s2, $0x1  }
.Ltmp15:
0x11a: {  	_ = 	snop;
	(pc) =	sbr.rel @p0 .LBB2_24-.Ltmp15, $3  }
0x11b: {  	_ =	sdelay $0x1  }
0x11c: {  	s0 =	simm.s32 $0x6  }
0x11d: {  	s3 =	simm.s32 $0x0;
	[sflag:s0] =	ssyncpa.u1 $0x1  }
0x11e: {  	s0 =	simm.s32 $0xC0  }
0x11f: {  	v0 =	vld.msk [tilespmem:s0+$0x0], $0x1;
	_ =	sdelay $0x4  }
0x120: {  	(v2sf) =	vpush v0, $0x0;
	_ =	sdelay $0xe  }
0x121: {  	s2 =	sadd.s32 $0xFFFFFFFF, s2;
	s4 =	spop (v2sf)  }
0x122: {  	p1 =	sne.s32 s2, $0x0;
	p0 =	sgt.u32 s4, $0x27FF  }
.Ltmp16:
0x123: {  	s5 =	sshrl.u32 @!p0 s4, $0x3;
	(pc) =	sbr.rel @!p1 .LBB2_23-.Ltmp16, $4  }
0x124: {  	s0 =	simm.s32 $0xE0;
	s4 =	sand.u32 @!p0 $0x7, s4;
	s5 =	sadd.s32 @!p0 s1, s5  }
0x125: {  	[hbm4b:s5+s4] =	stream.linear.scatter @!p0 [tilespmem:s0], [sflag:$0x5], $0x1, $0x38;
	[tilespmem:$0x11A60] =	vst v63  }
0x126: {  	s5 =	simm.s32 $0x0  }
0x127: {  	s4 =	simm.s32 $0xC1;
	s5 =	simm.s32 @!p0 $0x4  }
.LBB2_22:
0x128: {  	v0 =	vld.msk [tilespmem:s4+$0x0], $0x1;
	s2 =	sadd.s32 $0xFFFFFFFF, s2;
	s3 =	sadd.s32 s3, s5  }
0x129: {  	p0 =	sne.s32 s2, $0x0;
	_ =	sdelay $0x3  }
0x12a: {  	(v2sf) =	vpush v0, $0x0;
	_ =	sdelay $0xe  }
.Ltmp17:
0x12b: {  	s6 =	spop (v2sf);
	(pc) =	sbr.rel @p0 .LBB2_22-.Ltmp17, $4  }
0x12c: {  	s5 =	simm.s32 $0x0;
	p1 =	sgt.u32 s6, $0x27FF  }
0x12d: {  	s0 =	sadd.s32 $0x1, s0;
	s5 =	simm.s32 @!p1 $0x4;
	s7 =	sshrl.u32 @!p1 s6, $0x3  }
0x12e: {  	s4 =	sadd.s32 $0x1, s4;
	s6 =	sand.u32 @!p1 $0x7, s6;
	s7 =	sadd.s32 @!p1 s1, s7  }
0x12f: {  	[hbm4b:s7+s6] =	stream.linear.scatter @!p1 [tilespmem:s0], [sflag:$0x5], $0x1, $0x38;
	[tilespmem:$0x11A60] =	vst v63  }
.LBB2_23:
0x130: {  	s0 =	sadd.s32 s3, s5  }
0x131: {  	s3 =	sshrl.u32 s0, $0x2  }
.LBB2_24:
0x132: {  	s0 =	simm.s32 $0x5  }
0x133: {  	_ =	swait.ge [sflag:s0], s3  }
0x134: {  	s1 =	ssub.s32 $0x0, s3;
	[sflag:s0] =	ssyncset.done $0x0  }
0x135: {  	[sflag:s0] =	ssyncadd.s32 s1  }
0x136: {  	[sflag:s0] =	ssyncpa.u1 $0x1  }
0x137: {  	s29 =	simm.s32 $0x1;
	_ =	sfence  }
0x138: {  	s30 =	simm.s32 $0x2;
	[sflag:s29] =	ssyncpa.u1 $0x1  }
0x139: {  	[sflag:s30] =	ssyncpa.u1 $0x1  }
0x13a: {  	_ =	strace $0x9000004A  }
0x13b: {  	[bflag:$0x2] =	sbarrier.arrive $0xFFFF  }
0x13c: {  	s31 =	rddreg [dreg:$0x2]  }
0x13d: {  	s0 =	sadd.s32 $0x100000, s31  }
0x13e: {  	[sflag:s0] =	ssyncadd.tile.s32 $0x1;
	_ =	shalt  }
.Lfunc_end2:
_tile_overlayer_lowered:
.L_overlay_start_2:
0x13f: {  	(tag) =	ssettag $0x2  }
0x140: {  	s0 =	rddreg [dreg:$0x0];
	s2 =	stileid.u32  }
0x141: {  	s1 =	rddreg [dreg:$0x1];
	p0 =	sne.s32 s2, $0x0  }
0x142: {  	s3 =	rddreg [dreg:$0x2];
	[bflag:$0x3] =	sbarrier.arrive $0xFFFF;
	s2 =	simm.s32 @!p0 $0x1C01  }
0x143: {  	[timem:s3], [sflag:s2] =	dma.local @!p0 [hbm:s0], s1  }
0x144: {  	s0 =	simm.s32 @!p0 $0x1  }
0x145: {  	_ =	swait.ge @!p0 [sflag:s0], s1  }
0x146: {  	s1 =	ssub.s32 @!p0 $0x0, s1;
	[sflag:s0] =	ssyncset.done @!p0 $0x0  }
0x147: {  	[sflag:s0] =	ssyncadd.s32 @!p0 s1  }
0x148: {  	[bflag:$0x3] =	sbarrier.arrive $0xFFFF  }
0x149: {  	_ =	shalt  }

// kernel: scatter_offload_async_start.2
scs
__scs_entry_jumppad:
0x0: {  	(pc) =	sbr.rel $0x88, $3  }
0x1: {  	(tag) =	ssettag $0x0;
	lr =	simm.s32 $0x1  }
0x2: {  	[smem:$0x3F84] =	sst lr;
	_ =	strace $0xD0000000  }
0x3: {  	_ = 	snop  }
0x4: {  	_ = 	snop  }
0x5: {  	_ = 	snop  }
0x6: {  	_ = 	snop  }
0x7: {  	_ = 	snop  }
__scs_overlays_trampoline_lowered:
0x8: {  	[smem:$0x3F93] =	sst s0  }
0x9: {  	[smem:$0x3F94] =	sst s1  }
0xa: {  	[smem:$0x3F95] =	sst s2  }
0xb: {  	[smem:$0x3F96] =	sst s3  }
0xc: {  	[smem:$0x3F97] =	sst s4  }
0xd: {  	[smem:$0x3F98] =	sst s5  }
0xe: {  	[smem:$0x3F99] =	sst s6  }
0xf: {  	[smem:$0x3F9A] =	sst s7  }
0x10: {  	[smem:$0x3F9B] =	sst s8  }
0x11: {  	[smem:$0x3F9C] =	sst s9;
	s0 =	simm.s32 @!p0 $0x0  }
0x12: {  	s1 =	sld [smem:$0x3F82];
	s0 =	simm.s32 @p0 $0x1  }
0x13: {  	[smem:$0x3F9D] =	sst s0;
	s0 =	simm.s32 @!p1 $0x0  }
0x14: {  	s2 =	sld [smem:$0x3F81];
	s0 =	simm.s32 @p1 $0x1  }
0x15: {  	[smem:$0x3F9E] =	sst s0;
	s0 =	simm.s32 @!p2 $0x0  }
0x16: {  	s3 =	sld [smem:$0x3FDB];
	s0 =	simm.s32 @p2 $0x1  }
0x17: {  	s4 =	simm.s32 $0x1BF5;
	[smem:$0x3FA0] =	sst s0  }
0x18: {  	s0 =	sld [smem:$0x3F83];
	_ =	swait.ge [sflag:s4], $0x0  }
0x19: {  	s7 =	sld [smem:$0x3F84]  }
0x1a: {  	s8 =	sadd.s32 $0xFFFFE003, lr  }
0x1b: {  	s9 =	sadd.s32 $0xFFFFFEF7, lr;
	s5 =	simm.s32 $0xFFFFFFFF;
	p2 =	slt.u32 s8, $0xFFFFF086  }
0x1c: {  	p1 =	slt.u32 s9, $0xF7A;
	s5 =	simm.s32 @!p2 $0x0  }
0x1d: {  	s5 =	simm.s32 @p1 $0x1;
	p0 =	seq.s32 s7, s2  }
0x1e: {  	s7 =	smul.u32 @!p0 $0xF7A, s2;
	p2 =	seq.s32 @!p0 s5, $0x0  }
0x1f: {  	s9 =	smul.u32 $0xF7A, s1;
	s8 =	simm.s32 @!p0 $0x1BF5;
	p2 =	por !p2, p0  }
0x20: {  	[sflag:s8] =	ssyncset.s32 @!p0 $0xFFFFF086;
	s6 =	sadd.s32 @!p0 s3, s7;
	s7 =	simm.s32 @!p0 $0x108  }
0x21: {  	s3 =	sadd.s32 s3, s9;
	s6 =	sadd.s32 @!p0 $0x88, s6;
	s7 =	simm.s32 @p2 $0x1082  }
0x22: {  	[simem:s7], [sflag:s8] =	dma.local @!p0 [hbm:s6], $0xF7A  }
0x23: {  	s9 =	sor.u32 $0xD0000000, s2;
	s6 =	simm.s32 $0x108;
	_ =	swait.ge @!p0 [sflag:s8], $0x0  }
0x24: {  	s3 =	sadd.s32 $0x88, s3;
	s6 =	simm.s32 @!p1 $0x1082;
	[sflag:s4] =	ssyncset.s32 $0xFFFFF086  }
0x25: {  	[simem:s6], [sflag:s4] =	dma.local [hbm:s3], $0xF7A  }
0x26: {  	[smem:$0x3F84] =	sst s1;
	(tag) =	ssettag s2;
	_ =	strace s9  }
0x27: {  	s1 =	sld [smem:$0x3F94]  }
0x28: {  	s2 =	sld [smem:$0x3F95]  }
0x29: {  	s4 =	sld [smem:$0x3F97]  }
0x2a: {  	p0 =	seq.s32 s5, $0x0;
	s5 =	sld [smem:$0x3F98]  }
0x2b: {  	s6 =	sld [smem:$0x3F99]  }
0x2c: {  	s7 =	sld [smem:$0x3F9A]  }
0x2d: {  	s3 =	simm.s32 $0x108;
	s8 =	sld [smem:$0x3F9B]  }
0x2e: {  	s3 =	simm.s32 @!p0 $0x1082;
	s9 =	sld [smem:$0x3F9C]  }
0x2f: {  	lr =	sadd.s32 s0, s3;
	s0 =	sld [smem:$0x3F93]  }
0x30: {  	s3 =	sld [smem:$0x3F96]  }
0x31: {  	[smem:$0x3F9F] =	sst s10  }
0x32: {  	s10 =	sld [smem:$0x3F9D];
	_ =	sdelay $0x3  }
0x33: {  	p0 =	seq.s32 s10, $0x1;
	s10 =	sld [smem:$0x3F9F];
	_ =	sdelay $0x3  }
0x34: {  	[smem:$0x3F9F] =	sst s10  }
0x35: {  	s10 =	sld [smem:$0x3F9E];
	_ =	sdelay $0x3  }
0x36: {  	p1 =	seq.s32 s10, $0x1;
	s10 =	sld [smem:$0x3F9F];
	_ =	sdelay $0x3  }
0x37: {  	[smem:$0x3F9F] =	sst s10  }
0x38: {  	s10 =	sld [smem:$0x3FA0]  }
0x39: {  	_ = 	snop;
	(pc) =	sbr.ind lr, $3  }
0x3a: {  	_ = 	snop  }
0x3b: {  	_ = 	snop  }
0x3c: {  	p2 =	seq.s32 s10, $0x1;
	s10 =	sld [smem:$0x3F9F]  }
0x3d: {  	_ =	shalt  }
0x3e: {  	_ =	shalt  }
0x3f: {  	_ =	shalt  }
0x40: {  	_ =	shalt  }
0x41: {  	_ =	shalt  }
0x42: {  	_ =	shalt  }
0x43: {  	_ =	shalt  }
0x44: {  	_ =	shalt  }
0x45: {  	_ =	shalt  }
0x46: {  	_ =	shalt  }
0x47: {  	_ =	shalt  }
0x48: {  	_ =	shalt  }
0x49: {  	_ =	shalt  }
0x4a: {  	_ =	shalt  }
0x4b: {  	_ =	shalt  }
0x4c: {  	_ =	shalt  }
0x4d: {  	_ =	shalt  }
0x4e: {  	_ =	shalt  }
0x4f: {  	_ =	shalt  }
0x50: {  	_ =	shalt  }
0x51: {  	_ =	shalt  }
0x52: {  	_ =	shalt  }
0x53: {  	_ =	shalt  }
0x54: {  	_ =	shalt  }
0x55: {  	_ =	shalt  }
0x56: {  	_ =	shalt  }
0x57: {  	_ =	shalt  }
0x58: {  	_ =	shalt  }
0x59: {  	_ =	shalt  }
0x5a: {  	_ =	shalt  }
0x5b: {  	_ =	shalt  }
0x5c: {  	_ =	shalt  }
0x5d: {  	_ =	shalt  }
0x5e: {  	_ =	shalt  }
0x5f: {  	_ =	shalt  }
0x60: {  	_ =	shalt  }
0x61: {  	_ =	shalt  }
0x62: {  	_ =	shalt  }
0x63: {  	_ =	shalt  }
0x64: {  	_ =	shalt  }
0x65: {  	_ =	shalt  }
0x66: {  	_ =	shalt  }
0x67: {  	_ =	shalt  }
0x68: {  	_ =	shalt  }
0x69: {  	_ =	shalt  }
0x6a: {  	_ =	shalt  }
0x6b: {  	_ =	shalt  }
0x6c: {  	_ =	shalt  }
0x6d: {  	_ =	shalt  }
0x6e: {  	_ =	shalt  }
0x6f: {  	_ =	shalt  }
0x70: {  	_ =	shalt  }
0x71: {  	_ =	shalt  }
0x72: {  	_ =	shalt  }
0x73: {  	_ =	shalt  }
0x74: {  	_ =	shalt  }
0x75: {  	_ =	shalt  }
0x76: {  	_ =	shalt  }
0x77: {  	_ =	shalt  }
0x78: {  	_ =	shalt  }
0x79: {  	_ =	shalt  }
0x7a: {  	_ =	shalt  }
0x7b: {  	_ =	shalt  }
0x7c: {  	_ =	shalt  }
0x7d: {  	_ =	shalt  }
0x7e: {  	_ =	shalt  }
0x7f: {  	_ =	shalt  }
0x80: {  	_ =	shalt  }
0x81: {  	_ =	shalt  }
0x82: {  	_ =	shalt  }
0x83: {  	_ =	shalt  }
0x84: {  	_ =	shalt  }
0x85: {  	_ =	shalt  }
0x86: {  	_ =	shalt  }
0x87: {  	_ =	shalt  }
.Lfunc_end0:
.L_simem_size_0:
called_computation.2_lowered:
.L_overlay_start_0:
0x88: {  	s2 =	sld [smem:$0x3FD9]  }
0x89: {  	s3 =	sld [smem:$0x3FFE];
	_ =	sdelay $0x1  }
0x8a: {  	s1 =	srdreg.scid  }
0x8b: {  	s0 =	sand.u32 $0x1, s1  }
0x8c: {  	s15 =	sshll.u32 s0, $0xA;
	s2 =	sadd.s32 s3, s2  }
0x8d: {  	s2 =	sadd.s32 s2, s15  }
0x8e: {  	[smem:$0x3FAB] =	sst s2  }
0x8f: {  	_ = 	snop  }
0x90: {  	s2 =	sld [smem:$0x3FD0];
	_ =	sdelay $0x2  }
0x91: {  	s16 =	simm.s32 $0xB;
	s4 =	simm.s32 $0x10  }
0x92: {  	[smem:s4], [sflag:s16] =	dma.local [hbm:s2], $0x1  }
0x93: {  	_ =	swait.eq [sflag:s16], $0x1  }
0x94: {  	[sflag:s16] =	ssyncset.done $0x0  }
0x95: {  	[sflag:s16] =	ssyncadd.s32 $0xFFFFFFFF  }
0x96: {  	s17 =	sld [smem:$0x10];
	(tm) =	ssettm $0x1  }
0x97: {  	s18 =	sld [smem:$0x3FFB];
	_ =	sdelay $0x3  }
0x98: {  	_ =	strace s18  }
0x99: {  	s2 =	sld [smem:$0x3FFC];
	_ =	sdelay $0x3  }
0x9a: {  	_ =	strace s2  }
0x9b: {  	s2 =	sld [smem:$0x3FFD];
	_ =	sdelay $0x3  }
0x9c: {  	_ =	strace s2  }
0x9d: {  	_ =	strace $0x8FFFFFFF  }
0x9e: {  	s19 =	sld [smem:$0x3FDB];
	_ =	sdelay $0x1  }
0x9f: {  	s20 =	simm.s32 $_scs_section_size  }
0xa0: {  	s5 =	simm.s32 $_size__tile_overlayer_lowered;
	s6 =	simm.s32 $_tile_overlayer_lowered  }
0xa1: {  	s7 =	simm.s32 $0x1BFF;
	s21 =	sshll.u32 s6, $0x1;
	s4 =	sadd.s32 s20, s19  }
0xa2: {  	s22 =	simm.s32 $0x0;
	s5 =	sshll.u32 s5, $0x1;
	s6 =	sadd.s32 s21, s4  }
0xa3: {  	[timem:s22], [sflag:s7] =	dma.local [hbm:s6], s5  }
0xa4: {  	_ =	swait.ge [sflag:s7], s5  }
0xa5: {  	s5 =	ssub.s32 $0x0, s5;
	[sflag:s7] =	ssyncset.done $0x0  }
0xa6: {  	[sflag:s7] =	ssyncadd.s32 s5;
	_ =	sdelay $0x1  }
0xa7: {  	s23 =	simm.s32 $0x1B8B  }
0xa8: {  	_ =	swait.ge [sflag:s23], $0x1  }
0xa9: {  	[sflag:s23] =	ssyncset.done $0x0  }
0xaa: {  	[sflag:s23] =	ssyncadd.s32 $0xFFFFFFFF  }
0xab: {  	s5 =	sld [smem:$0x0]  }
0xac: {  	s6 =	sand.u32 $0xFFFFFFFE, s1  }
0xad: {  	p0 =	sne.s32 s1, s6  }
0xae: {  	s6 =	sshll.u32 @p0 s6, $0xE  }
0xaf: {  	s6 =	sadd.s32 @p0 $0x11B8D, s6;
	s7 =	sshll.u32 @p0 s5, $0x11  }
0xb0: {  	s6 =	sor.u32 @p0 s7, s6  }
0xb1: {  	[sflag:s6] =	ssyncadd.remote.s32 @p0 $0x1;
	_ =	sdelay $0x1  }
0xb2: {  	s6 =	simm.s32 @p0 $0x1B8D  }
0xb3: {  	_ =	swait.eq @p0 [sflag:s6], $0x1  }
0xb4: {  	[sflag:s6] =	ssyncadd.s32 @p0 $0xFFFFFFFF  }
0xb5: {  	s7 =	sshll.u32 @!p0 s1, $0xE  }
0xb6: {  	s7 =	sor.u32 @!p0 $0x4000, s7;
	s6 =	simm.s32 @!p0 $0x1B8D  }
0xb7: {  	s8 =	sshll.u32 @!p0 s5, $0x11;
	s7 =	sadd.s32 @!p0 $0x11B8D, s7;
	_ =	swait.eq @!p0 [sflag:s6], $0x1  }
0xb8: {  	[sflag:s6] =	ssyncadd.s32 @!p0 $0xFFFFFFFF;
	s6 =	sor.u32 @!p0 s8, s7  }
0xb9: {  	s25 =	simm.s32 $0x1B8E;
	s24 =	sld [smem:$0x3FFE];
	[sflag:s6] =	ssyncadd.remote.s32 @!p0 $0x1  }
0xba: {  	s26 =	simm.s32 $execute0_lowered;
	[smem:$0x3FD2] =	sst s25  }
0xbb: {  	s7 =	sshll.u32 s26, $0x1;
	_ =	strace $0x8000005B;
	[dreg:$0x1] =	wrdreg $0xFFFFFFFF  }
0xbc: {  	s28 =	simm.s32 $_size_execute0_lowered;
	s4 =	sadd.s32 s4, s7;
	[dreg:$0x0] =	wrdreg $0x0  }
0xbd: {  	s7 =	sshll.u32 s28, $0x1;
	[dreg:$0x2] =	wrdreg s4  }
0xbe: {  	[dreg:$0x3] =	wrdreg s7  }
0xbf: {  	[dreg:$0x4] =	wrdreg $0xC0  }
0xc0: {  	_ =	task [dreg:s22], $0x5FFFF  }
0xc1: {  	[dreg:$0x1] =	wrdreg $0xFFFFFFFF  }
0xc2: {  	[dreg:$0x0] =	wrdreg $0x60  }
0xc3: {  	[dreg:$0x2] =	wrdreg s17  }
0xc4: {  	[dreg:$0x3] =	wrdreg s24  }
0xc5: {  	[dreg:$0x4] =	wrdreg s1  }
0xc6: {  	[dreg:$0x5] =	wrdreg s5  }
0xc7: {  	[dreg:$0x6] =	wrdreg $0x9  }
0xc8: {  	_ =	task.clear_ibuf [dreg:s22], $0x7FFFF;
	_ =	strace $0x9000005B  }
0xc9: {  	s29 =	simm.s32 $0x9;
	_ =	strace $0x8000005D  }
0xca: {  	_ =	swait.ge [sflag:s29], $0x1  }
0xcb: {  	[sflag:s29] =	ssyncadd.s32 $0xFFFFFFFF  }
0xcc: {  	_ =	strace $0x9000005D  }
0xcd: {  	_ =	sfence  }
0xce: {  	s30 =	sld [smem:$0x0];
	_ =	sdelay $0x2  }
0xcf: {  	s31 =	sshll.u32 s1, $0xD;
	s1 =	sshrl.u32 s1, $0x2  }
0xd0: {  	s4 =	sand.u32 $0x4000, s31;
	s1 =	sadd.s32 s1, s30  }
0xd1: {  	s0 =	sor.u32 s4, s0;
	s1 =	sshll.u32 s1, $0x11  }
0xd2: {  	s0 =	sor.u32 s1, s0  }
0xd3: {  	s0 =	sadd.s32 $0x8F2B, s0  }
0xd4: {  	[sflag:s0] =	ssyncadd.remote.s32 $0x1  }
0xd5: {  	_ =	sfence.sel $0xFFFF  }
0xd6: {  	[dreg:$0x0] =	wrdreg $0xFFFFFFFF;
	(pc) =	sbr.abs _section_cstart, $3  }
0xd7: {  	[dreg:$0x1] =	wrdreg $0xFFFFFFFF  }
0xd8: {  	_ =	task.clear_ibuf [dreg:s22], $0x2FFFF;
	_ =	strace $0x9FFFFFFF  }
0xd9: {  	(tm) =	ssettm $0x7FFFFFFF  }
tec
execute0_lowered:
.L_overlay_start_1:
0x0: {  	(tag) =	ssettag $0x1  }
0x1: {  	s1 =	rddreg [dreg:$0x0]  }
0x2: {  	s2 =	rddreg [dreg:$0x1]  }
0x3: {  	s3 =	rddreg [dreg:$0x2];
	_ =	strace $0x8000005C;
	s0 =	simm.s32 $0x1  }
0x4: {  	v0 =	vimm.s32 $0x0;
	[sflag:s0] =	ssyncpa.u1 $0x0;
	s0 =	simm.s32 $0x108  }
0x5: {  	[tilespmem:s0+$0x70] =	vst v0  }
0x6: {  	[tilespmem:s0+$0x60] =	vst v0  }
0x7: {  	[tilespmem:s0+$0x50] =	vst v0  }
0x8: {  	[tilespmem:s0+$0x40] =	vst v0  }
0x9: {  	[tilespmem:s0+$0x30] =	vst v0  }
0xa: {  	s15 =	sadd.s32 $0x13C00, s2;
	s6 =	sadd.s32 $0x545000, s2;
	[tilespmem:s0+$0x20] =	vst v0  }
0xb: {  	s14 =	sadd.s32 $0x1DA00, s2;
	s5 =	sand.u32 $0x1, s3;
	s3 =	simm.s32 $0x40;
	[tilespmem:s0+$0x10] =	vst v0  }
.LBB2_1:
0xc: {  	s3 =	sadd.s32 $0x40, s3;
	[tilespmem:s0+$0x0] =	vst v0;
	s0 =	sadd.s32 $0x80, s0  }
0xd: {  	p0 =	slt.u32 s3, $0x3C40;
	[tilespmem:s0+$0x70] =	vst v0  }
0xe: {  	[tilespmem:s0+$0x60] =	vst v0  }
.Ltmp0:
0xf: {  	[tilespmem:s0+$0x50] =	vst v0;
	(pc) =	sbr.rel @p0 .LBB2_1-.Ltmp0, $4  }
0x10: {  	[tilespmem:s0+$0x40] =	vst v0  }
0x11: {  	[tilespmem:s0+$0x30] =	vst v0  }
0x12: {  	[tilespmem:s0+$0x20] =	vst v0  }
0x13: {  	[tilespmem:s0+$0x10] =	vst v0  }
0x14: {  	s9 =	stileid.u32  }
0x15: {  	s2 =	smul.u32 $0x29, s9  }
0x16: {  	s3 =	smin.u32 s9, $0xB  }
0x17: {  	s2 =	sadd.s32 s3, s2  }
0x18: {  	p0 =	slt.u32 s9, $0xB;
	s7 =	smul.u32 $0xF0, s2;
	s2 =	simm.s32 $0x2760  }
0x19: {  	s2 =	simm.s32 @!p0 $0x2670  }
0x1a: {  	s2 =	sadd.s32 s2, s7  }
0x1b: {  	s8 =	smin.u32 s2, $0x27100  }
0x1c: {  	s2 =	ssub.s32 s8, s7  }
0x1d: {  	p0 =	sgt.s32 s2, $0x0  }
0x1e: {  	s29 =	simm.s32 $0x2;
	s10 =	simm.s32 $0x9;
	s2 =	simm.s32 @!p0 $0x0  }
0x1f: {  	s4 =	simm.s32 $0xA;
	s11 =	simm.s32 $0xB;
	s28 =	smulhi.u32 $0x88888889, s2  }
0x20: {  	[dreg:$0x5] =	wrdreg s5;
	s31 =	smul.u32 $0x4E20, s5;
	s12 =	simm.s32 $0x1  }
0x21: {  	s22 =	simm.s32 $0x0;
	s18 =	simm.s32 $0xC;
	s30 =	sshrl.u32 s28, $0x7  }
0x22: {  	s20 =	simm.s32 $0x0;
	s21 =	simm.s32 $0x0;
	s3 =	smul.u32 $0xF0, s30  }
.Ltmp1:
0x23: {  	[tilespmem:s0+$0x0] =	vst v0;
	v0 =	vimm.s32 $0xFFFFFFFF;
	[sflag:s29] =	ssyncpa.u1 $0x0;
	s16 =	sshll.u32 s9, $0x8;
	(pc) =	sbr.rel .LBB2_3-.Ltmp1, $4  }
0x24: {  	[tilespmem:$0xF208] =	vst v0;
	[sflag:s10] =	ssyncpa.u1 $0x0;
	p0 =	sne.s32 s2, s3;
	s2 =	simm.s32 $0x1  }
0x25: {  	s14 =	sadd.s32 s31, s14;
	[sflag:s4] =	ssyncpa.u1 $0x0;
	s2 =	simm.s32 @!p0 $0x0  }
0x26: {  	s15 =	sadd.s32 s31, s15;
	[sflag:s11] =	ssyncpa.u1 $0x0;
	s13 =	sadd.s32 s2, s30  }
0x27: {  	v0 =	vlaneseq.u32;
	s19 =	smov.u32 s7;
	p0 =	por $0x0, $0x0;
	s17 =	sadd.s32 $0x1, s13  }
.LBB2_18:
0x28: {  	s0 =	sshrl.u32 s31, $0x2  }
.LBB2_20:
0x29: {  	_ =	swait.ge [sflag:s18], s0  }
0x2a: {  	s31 =	ssub.s32 $0x0, s0;
	v1 =	vmov s24;
	vm0 =	veq.s32 v0, $0x0;
	[sflag:s18] =	ssyncset.done $0x0  }
0x2b: {  	vm15 =	veq.s32 v0, $0x2;
	v1 =	vsel vm0, s30, v1;
	[sflag:s18] =	ssyncadd.s32 s31  }
0x2c: {  	v1 =	vsel vm15, s22, v1;
	[sflag:s18] =	ssyncpa.u1 $0x1  }
0x2d: {  	[tilespmem:$0xF208] =	vst v1  }
.LBB2_21:
0x2e: {  	s0 =	sadd.s32 $0xF0, s19  }
0x2f: {  	s2 =	smov.u32 s7;
	p1 =	slt.s32 s0, s8  }
0x30: {  	s2 =	smov.u32 @p1 s0;
	p1 =	sne.s32 s21, s17  }
.Ltmp2:
0x31: {  	_ = 	snop;
	(pc) =	sbr.rel @!p1 .LBB2_22-.Ltmp2, $3  }
0x32: {  	_ =	sdelay $0x1  }
0x33: {  	s22 =	smov.u32 s20;
	s31 =	sadd.s32 $0x1, s21;
	s20 =	smov.u32 s19  }
0x34: {  	p0 =	por !p0, !p0;
	s21 =	smov.u32 s31;
	s19 =	smov.u32 s2  }
.LBB2_3:
0x35: {  	p1 =	sge.u32 s21, s13  }
0x36: {  	s0 =	smulhi.u32 @!p1 $0xAAAAAAAB, s21  }
0x37: {  	s2 =	smov.u32 s19;
	p2 =	sgt.s32 @!p1 s19, $0x27010  }
0x38: {  	s3 =	sshra.s32 @!p1 s19, $0x1F;
	p2 =	por !p2, p1;
	s0 =	sshrl.u32 @!p1 s0, $0x1  }
0x39: {  	s3 =	sand.u32 @!p1 s3, s19;
	s2 =	simm.s32 @p2 $0x27010;
	s0 =	smul.u32 @!p1 $0x3, s0  }
0x3a: {  	s2 =	ssub.s32 @!p1 s2, s3  }
0x3b: {  	s2 =	sadd.s32 @!p1 $0xFFFD8FF0, s2;
	s0 =	ssub.s32 @!p1 s21, s0  }
0x3c: {  	s3 =	sshll.u32 @!p1 s2, $0x2;
	p2 =	sgt.s32 @!p1 s2, $0xEF;
	s0 =	smul.u32 @!p1 $0x3C0, s0  }
0x3d: {  	s4 =	sand.u32 @!p1 $0x7, s19;
	s2 =	ssub.s32 @!p1 $0x3C0, s3;
	p2 =	por !p2, p1  }
0x3e: {  	s3 =	sshrl.u32 @!p1 s19, $0x3;
	s2 =	sshrl.u32 @!p1 s2, $0x2;
	s0 =	sshrl.u32 @!p1 s0, $0x2  }
0x3f: {  	s3 =	sadd.s32 @!p1 s3, s14;
	s2 =	simm.s32 @!p2 $0x0;
	s0 =	sadd.s32 @!p1 $0x10248, s0  }
0x40: {  	[tilespmem:s0], [sflag:$0xA] =	stream.linear.gather @!p1 [hbm4b:s3+s4], s2, $0x38;
	[tilespmem:$0x1F6F8] =	vst v63  }
0x41: {  	s0 =	sadd.s32 $0xFFFFFFFF, s21  }
0x42: {  	p1 =	sge.u32 s0, s13  }
0x43: {  	p2 =	sgt.s32 @!p1 s20, $0x27010  }
0x44: {  	s2 =	smov.u32 s20;
	s3 =	sshra.s32 @!p1 s20, $0x1F;
	p2 =	por !p2, p1  }
0x45: {  	s3 =	sand.u32 @!p1 s3, s20;
	s2 =	simm.s32 @p2 $0x27010  }
0x46: {  	s2 =	ssub.s32 @!p1 s2, s3  }
0x47: {  	s2 =	sadd.s32 @!p1 $0xFFFD8FF0, s2  }
0x48: {  	s4 =	sand.u32 @!p1 $0x1, s0;
	s3 =	sshll.u32 @!p1 s2, $0x2  }
0x49: {  	p2 =	sgt.s32 @!p1 s2, $0xEF;
	s2 =	ssub.s32 @!p1 $0x3C0, s3;
	s3 =	smulhi.u32 @!p1 $0xAAAAAAAB, s0  }
0x4a: {  	s23 =	smul.u32 @!p1 $0x3C0, s4;
	p2 =	por !p2, p1;
	s2 =	sshrl.u32 @!p1 s2, $0x2  }
0x4b: {  	s5 =	simm.s32 @!p1 $0xA;
	s2 =	simm.s32 @!p2 $0x0;
	s3 =	sshrl.u32 @!p1 s3, $0x1  }
0x4c: {  	s23 =	sshrl.u32 @!p1 s23, $0x2;
	_ =	swait.ge @!p1 [sflag:s5], s2;
	s3 =	smul.u32 @!p1 $0x3, s3  }
0x4d: {  	s23 =	sadd.s32 @!p1 $0x10518, s23;
	s24 =	ssub.s32 @!p1 $0x0, s2;
	[sflag:s5] =	ssyncset.done @!p1 $0x0  }
0x4e: {  	[sflag:s5] =	ssyncadd.s32 @!p1 s24;
	s5 =	sshrl.u32 @!p1 s20, $0x3;
	s0 =	ssub.s32 @!p1 s0, s3  }
0x4f: {  	s24 =	sand.u32 @!p1 $0x7, s20;
	s5 =	sadd.s32 @!p1 s5, s15;
	s0 =	smul.u32 @!p1 $0x3C0, s0  }
0x50: {  	[tilespmem:s23], [sflag:$0xB] =	stream.linear.gather @!p1 [hbm4b:s5+s24], s2, $0x38;
	[tilespmem:$0x1F6F8] =	vst v63  }
0x51: {  	s3 =	ssub.s32 @!p1 $0x27100, s20;
	s2 =	smul.u32 @!p1 $0x1E000, s4  }
0x52: {  	p2 =	slt.s32 @!p1 s3, $0xF0  }
0x53: {  	p2 =	por !p2, p1;
	s0 =	sshrl.u32 @!p1 s0, $0x2;
	s2 =	sshrl.u32 @!p1 s2, $0x2  }
0x54: {  	s3 =	simm.s32 @p2 $0xF0;
	s0 =	sadd.s32 @!p1 $0x10248, s0;
	s2 =	sor.u32 @!p1 $0x106F8, s2  }
0x55: {  	[tilespmem:s2], [sflag:$0x9] =	stream.indirect.gather @!p1 [hbm4b:s6+s3], $0x80, s0, s3, $0xb8;
	[tilespmem:$0x1F6F8] =	vst v63  }
0x56: {  	p1 =	slt.u32 s21, $0x2  }
.Ltmp3:
0x57: {  	_ = 	snop;
	(pc) =	sbr.rel @p1 .LBB2_21-.Ltmp3, $1  }
0x58: {  	_ =	sdelay $0x3  }
0x59: {  	p1 =	sgt.s32 s22, $0x27010  }
0x5a: {  	s0 =	smov.u32 s22;
	s2 =	sshra.s32 s22, $0x1F;
	s3 =	ssub.s32 $0x27100, s22  }
0x5b: {  	s0 =	simm.s32 @!p1 $0x27010;
	s2 =	sand.u32 s2, s22;
	p1 =	slt.s32 s3, $0xF0  }
0x5c: {  	s0 =	ssub.s32 s0, s2;
	s3 =	simm.s32 @!p1 $0xF0  }
0x5d: {  	s0 =	sadd.s32 $0xFFFD8FF0, s0;
	s25 =	sshll.u32 s3, $0x7  }
0x5e: {  	s26 =	sshll.u32 s0, $0x2;
	s2 =	sand.u32 $0x3FFFFF80, s25  }
0x5f: {  	p1 =	sgt.s32 s0, $0xEF;
	s29 =	ssub.s32 $0x3C0, s26;
	_ =	swait.ge [sflag:s10], s2  }
0x60: {  	s2 =	ssub.s32 $0x0, s2;
	[sflag:s10] =	ssyncset.done $0x0;
	s0 =	sshrl.u32 s29, $0x2  }
0x61: {  	[sflag:s10] =	ssyncadd.s32 s2;
	s0 =	simm.s32 @p1 $0x0  }
0x62: {  	_ =	swait.ge [sflag:s11], s0  }
0x63: {  	s0 =	ssub.s32 $0x0, s0;
	[sflag:s11] =	ssyncset.done $0x0  }
0x64: {  	[sflag:s11] =	ssyncadd.s32 s0  }
0x65: {  	v1 =	vld [tilespmem:$0xF208];
	_ =	sdelay $0x4  }
0x66: {  	(v2sf) =	vpush v1, $0x0  }
0x67: {  	(v2sf) =	vpush v1, $0x1  }
0x68: {  	(v2sf) =	vpush v1, $0x2;
	_ =	sdelay $0x3  }
0x69: {  	s0 =	sadd.s32 $0xF0, s22  }
0x6a: {  	s2 =	ssub.s32 $0x4E200, s22;
	p1 =	slt.s32 s8, s0  }
0x6b: {  	s0 =	smov.u32 @p1 s8;
	p1 =	sgt.s32 s2, $0x0  }
0x6c: {  	s26 =	ssub.s32 s0, s22;
	s2 =	simm.s32 @!p1 $0x0  }
0x6d: {  	p1 =	slt.s32 s2, s26  }
0x6e: {  	s26 =	smov.u32 @p1 s2  }
0x6f: {  	s25 =	simm.s32 $0x1;
	p1 =	slt.s32 s26, $0x1  }
.Ltmp4:
0x70: {  	s25 =	simm.s32 @!p0 $0x0;
	(pc) =	sbr.rel @p1 .LBB2_8-.Ltmp4, $4  }
0x71: {  	s31 =	smul.u32 $0x3C0, s25  }
0x72: {  	s28 =	spop (v2sf)  }
0x73: {  	s0 =	sshrl.u32 s31, $0x2;
	s30 =	spop (v2sf)  }
0x74: {  	s23 =	sadd.s32 $0x10518, s0;
	s22 =	spop (v2sf)  }
0x75: {  	s0 =	smin.u32 s26, $0x10  }
0x76: {  	v1 =	vmov s0  }
0x77: {  	p2 =	sgt.s32 s26, $0x10;
	vm1 =	vgt.u32 v1, v0  }
.Ltmp5:
0x78: {  	_ = 	snop;
	(pc) =	sbr.rel @!p2 .LBB2_7-.Ltmp5, $2  }
0x79: {  	_ =	sdelay $0x2  }
0x7a: {  	s4 =	simm.s32 $0x10;
	s24 =	sadd.s32 $0xFFFFFFF0, s26;
	s0 =	smov.u32 s23;
	vm0 =	vmmov vm1  }
.LBB2_6:
0x7b: {  	s2 =	smin.u32 s24, $0x10;
	s4 =	sadd.s32 $0x10, s4;
	v1 =	vld.msk [tilespmem:s0+$0x0 ss:$0x1], vm1  }
0x7c: {  	v2 =	vmov s2;
	p2 =	slt.s32 s4, s26  }
0x7d: {  	vm1 =	vgt.u32 v2, v0  }
.Ltmp6:
0x7e: {  	(pc) =	sbr.rel @p2 .LBB2_6-.Ltmp6, $3  }
0x7f: {  	_ =	sdelay $0x1  }
0x80: {  	v1 =	vshll.u32 v1, $0x4  }
0x81: {  	s24 =	sadd.s32 $0xFFFFFFF0, s24;
	[tilespmem:s0+$0x0] =	vst.msk vm0, v1;
	s0 =	sadd.s32 $0x10, s0;
	vm0 =	vmmov vm1  }
.LBB2_7:
0x82: {  	_ =	sdelay $0x4  }
0x83: {  	v1 =	vld.msk [tilespmem:s0+$0x0 ss:$0x1], vm1;
	_ =	sdelay $0x4  }
0x84: {  	v1 =	vshll.u32 v1, $0x4  }
0x85: {  	[tilespmem:s0+$0x0] =	vst.msk vm0, v1  }
.LBB2_8:
0x86: {  	s0 =	sand.u32 $0x1, s21  }
0x87: {  	s0 =	smul.u32 $0xF0, s0  }
0x88: {  	p2 =	sne.s32 s30, $0xFFFFFFFF  }
0x89: {  	v1 =	vld.msk @!p2 [tilespmem:s0+$0x10518], $0x1;
	_ =	sdelay $0x4  }
0x8a: {  	(v2sf) =	vpush @!p2 v1, $0x0;
	_ =	sdelay $0xc  }
.Ltmp7:
0x8b: {  	_ = 	snop;
	(pc) =	sbr.rel @p1 .LBB2_19-.Ltmp7, $4  }
0x8c: {  	_ = 	snop  }
0x8d: {  	s29 =	spop @!p2 (v2sf)  }
0x8e: {  	s22 =	simm.s32 @!p2 $0x0;
	s24 =	smov.u32 s29  }
0x8f: {  	[sflag:s18] =	ssyncpa.u1 $0x0;
	s29 =	smov.u32 @p2 s28;
	s24 =	smov.u32 @p2 s30  }
0x90: {  	v1 =	vld.msk [tilespmem:s23+$0x0], $0x1;
	_ =	sdelay $0x4  }
0x91: {  	(v2sf) =	vpush v1, $0x0;
	_ =	sdelay $0xe  }
0x92: {  	s2 =	smul.u32 $0x1E000, s25;
	s0 =	spop (v2sf)  }
0x93: {  	s26 =	ssub.s32 $0x0, s26;
	p1 =	seq.s32 s29, s0  }
0x94: {  	s30 =	sadd.s32 $0x1, s26;
	s2 =	sshrl.u32 s2, $0x2;
	p2 =	sgt.s32 @!p1 s29, $0x0  }
0x95: {  	s25 =	sor.u32 $0x10738, s2;
	s2 =	smov.u32 s29;
	p2 =	por !p2, p1  }
0x96: {  	s2 =	simm.s32 @p2 $0x0;
	p2 =	seq.s32 s30, $0x0  }
.Ltmp8:
0x97: {  	_ = 	snop;
	(pc) =	sbr.rel @p2 .LBB2_11-.Ltmp8, $4  }
0x98: {  	_ = 	snop  }
0x99: {  	s28 =	simm.s32 $0x0;
	s31 =	sadd.s32 $0x1, s23;
	s2 =	smin.u32 @!p1 s2, $0x13870  }
0x9a: {  	s4 =	simm.s32 @!p1 $0x1;
	s5 =	simm.s32 @!p1 $0x7988;
	s3 =	sand.u32 @!p1 $0x1FFF8, s2  }
0x9b: {  	s4 =	smov.u32 @p1 s28;
	s2 =	sand.u32 @!p1 $0x7, s2;
	s3 =	sadd.s32 @!p1 s1, s3  }
.LBB2_10:
0x9c: {  	s9 =	smov.u32 s4  }
0x9d: {  	[tilespmem:s5], [sflag:$0x2] =	stream.linear.gather @!p1 [hbm4b:s3+s2], $0x80, $0x38;
	[tilespmem:$0x1F6F8] =	vst v63  }
0x9e: {  	s30 =	sadd.s32 $0x1, s30;
	s2 =	smov.u32 s0;
	v1 =	vld.msk [tilespmem:s31+$0x0], $0x1  }
0x9f: {  	p2 =	seq.s32 s30, $0x0;
	_ =	sdelay $0x3  }
0xa0: {  	(v2sf) =	vpush v1, $0x0;
	_ =	sdelay $0xe  }
0xa1: {  	s0 =	spop (v2sf)  }
0xa2: {  	p1 =	seq.s32 s2, s0  }
0xa3: {  	p3 =	sgt.s32 @!p1 s2, $0x0;
	s3 =	sshll.u32 @!p1 s4, $0x9;
	s4 =	sadd.s32 @!p1 $0x1, s4  }
.Ltmp9:
0xa4: {  	p3 =	por !p3, p1;
	s3 =	sshra.s32 @!p1 s3, $0x2;
	(pc) =	sbr.rel @!p2 .LBB2_10-.Ltmp9, $4  }
0xa5: {  	s4 =	smov.u32 @p1 s9;
	s2 =	simm.s32 @p3 $0x0;
	s5 =	sadd.s32 @!p1 $0x7988, s3  }
0xa6: {  	s2 =	smin.u32 @!p1 s2, $0x13870  }
0xa7: {  	s3 =	sand.u32 @!p1 $0x1FFF8, s2;
	s2 =	sand.u32 @!p1 $0x7, s2  }
0xa8: {  	s31 =	sadd.s32 $0x1, s31;
	s3 =	sadd.s32 @!p1 s1, s3  }
.LBB2_11:
0xa9: {  	[tilespmem:s5], [sflag:$0x2] =	stream.linear.gather @!p1 [hbm4b:s3+s2], $0x80, $0x38;
	[tilespmem:$0x1F6F8] =	vst v63  }
.Ltmp10:
0xaa: {  	s0 =	sshll.u32 s4, $0x7;
	(pc) =	sbr.rel .LBB2_12-.Ltmp10, $4  }
0xab: {  	s30 =	simm.s32 $0x2;
	s0 =	sand.u32 $0x3FFFFF80, s0  }
0xac: {  	_ =	swait.ge [sflag:s30], s0  }
0xad: {  	s0 =	ssub.s32 $0x0, s0;
	[sflag:s30] =	ssyncset.done $0x0  }
0xae: {  	s31 =	simm.s32 $0x0;
	[sflag:s30] =	ssyncadd.s32 s0  }
.LBB2_13:
0xaf: {  	v1 =	vld [tilespmem:s25+$0xFFFFFFC0];
	_ =	sdelay $0x3  }
0xb0: {  	s0 =	sshra.s32 s0, $0x2  }
0xb1: {  	[tilespmem:s0+$0x108] =	vst.add.f32.msk $0xffff, v1  }
0xb2: {  	v1 =	vld [tilespmem:s25+$0xFFFFFFD0];
	_ =	sdelay $0x4  }
0xb3: {  	[tilespmem:s0+$0x118] =	vst.add.f32.msk $0xffff, v1  }
0xb4: {  	v1 =	vld [tilespmem:s25+$0xFFFFFFE0];
	_ =	sdelay $0x4  }
0xb5: {  	[tilespmem:s0+$0x128] =	vst.add.f32.msk $0xffff, v1  }
0xb6: {  	v1 =	vld [tilespmem:s25+$0xFFFFFFF0];
	_ =	sdelay $0x4  }
0xb7: {  	[tilespmem:s0+$0x138] =	vst.add.f32.msk $0xffff, v1  }
0xb8: {  	v1 =	vld [tilespmem:s25+$0x0];
	_ =	sdelay $0x4  }
0xb9: {  	[tilespmem:s0+$0x148] =	vst.add.f32.msk $0xffff, v1  }
0xba: {  	v1 =	vld [tilespmem:s25+$0x10];
	_ =	sdelay $0x4  }
0xbb: {  	[tilespmem:s0+$0x158] =	vst.add.f32.msk $0xffff, v1  }
0xbc: {  	v1 =	vld [tilespmem:s25+$0x20];
	_ =	sdelay $0x4  }
0xbd: {  	[tilespmem:s0+$0x168] =	vst.add.f32.msk $0xffff, v1  }
0xbe: {  	v1 =	vld [tilespmem:s25+$0x30];
	_ =	sdelay $0x4  }
0xbf: {  	[tilespmem:s0+$0x178] =	vst.add.f32.msk $0xffff, v1  }
.LBB2_17:
0xc0: {  	s26 =	sadd.s32 $0x1, s26  }
0xc1: {  	p1 =	seq.s32 s26, $0x0  }
.Ltmp11:
0xc2: {  	_ = 	snop;
	(pc) =	sbr.rel @p1 .LBB2_18-.Ltmp11, $2  }
0xc3: {  	_ =	sdelay $0x2  }
0xc4: {  	s23 =	sadd.s32 $0x1, s23;
	s25 =	sadd.s32 $0x80, s25;
	s29 =	smov.u32 s30  }
.LBB2_12:
0xc5: {  	v1 =	vld.msk [tilespmem:s23+$0x0], $0x1;
	_ =	sdelay $0x4  }
0xc6: {  	(v2sf) =	vpush v1, $0x0;
	_ =	sdelay $0xe  }
0xc7: {  	s30 =	spop (v2sf)  }
0xc8: {  	p1 =	sne.s32 s29, s30  }
.Ltmp12:
0xc9: {  	_ = 	snop;
	(pc) =	sbr.rel @!p1 .LBB2_13-.Ltmp12, $2  }
0xca: {  	_ =	sdelay $0x2  }
0xcb: {  	s0 =	sshll.u32 s22, $0x9  }
0xcc: {  	p1 =	seq.s32 s29, s24  }
.Ltmp13:
0xcd: {  	_ = 	snop;
	(pc) =	sbr.rel @!p1 .LBB2_15-.Ltmp13, $1  }
0xce: {  	_ =	sdelay $0x3  }
0xcf: {  	s0 =	sshra.s32 s0, $0x2  }
.Ltmp14:
0xd0: {  	s0 =	sadd.s32 $0x108, s0;
	(pc) =	sbr.rel .LBB2_16-.Ltmp14, $4  }
0xd1: {  	[spmem:s16] =	stream.linear.scatter [tilespmem:s0], [sflag:$0x1], $0x80, $0x38;
	[tilespmem:$0x1F6F8] =	vst v63  }
0xd2: {  	_ =	swait.ge [sflag:s12], $0x80  }
0xd3: {  	[sflag:s12] =	ssyncset.done $0x0  }
0xd4: {  	[sflag:s12] =	ssyncadd.s32 $0xFFFFFF80  }
.LBB2_15:
0xd5: {  	s2 =	sshll.u32 s28, $0x9  }
0xd6: {  	s2 =	sshra.s32 s2, $0x2  }
0xd7: {  	v1 =	vld [tilespmem:s2+$0x7988];
	_ =	sdelay $0x3  }
0xd8: {  	s0 =	sshra.s32 s0, $0x2  }
0xd9: {  	[tilespmem:s0+$0x108] =	vst.add.f32.msk $0xffff, v1  }
0xda: {  	v1 =	vld [tilespmem:s2+$0x7998];
	_ =	sdelay $0x4  }
0xdb: {  	[tilespmem:s0+$0x118] =	vst.add.f32.msk $0xffff, v1  }
0xdc: {  	v1 =	vld [tilespmem:s2+$0x79A8];
	_ =	sdelay $0x4  }
0xdd: {  	[tilespmem:s0+$0x128] =	vst.add.f32.msk $0xffff, v1  }
0xde: {  	v1 =	vld [tilespmem:s2+$0x79B8];
	_ =	sdelay $0x4  }
0xdf: {  	[tilespmem:s0+$0x138] =	vst.add.f32.msk $0xffff, v1  }
0xe0: {  	v1 =	vld [tilespmem:s2+$0x79C8];
	_ =	sdelay $0x4  }
0xe1: {  	[tilespmem:s0+$0x148] =	vst.add.f32.msk $0xffff, v1  }
0xe2: {  	v1 =	vld [tilespmem:s2+$0x79D8];
	_ =	sdelay $0x4  }
0xe3: {  	[tilespmem:s0+$0x158] =	vst.add.f32.msk $0xffff, v1  }
0xe4: {  	v1 =	vld [tilespmem:s2+$0x79E8];
	_ =	sdelay $0x4  }
0xe5: {  	[tilespmem:s0+$0x168] =	vst.add.f32.msk $0xffff, v1  }
0xe6: {  	v1 =	vld [tilespmem:s2+$0x79F8];
	_ =	sdelay $0x2  }
0xe7: {  	p1 =	sgt.u32 s29, $0x13870  }
0xe8: {  	s2 =	sand.u32 @!p1 $0x1FFF8, s29  }
0xe9: {  	s3 =	sadd.s32 $0x108, s0;
	[tilespmem:s0+$0x178] =	vst.add.f32.msk $0xffff, v1;
	s0 =	sadd.s32 @!p1 s1, s2;
	s2 =	sand.u32 @!p1 $0x7, s29  }
0xea: {  	[hbm4b:s0+s2] =	stream.linear.scatter @!p1 [tilespmem:s3], [sflag:$0xC], $0x80, $0x38;
	[tilespmem:$0x1F6F8] =	vst v63  }
0xeb: {  	s0 =	simm.s32 $0x0  }
0xec: {  	s0 =	simm.s32 @!p1 $0x200  }
0xed: {  	s31 =	sadd.s32 s0, s31  }
.LBB2_16:
0xee: {  	s0 =	sadd.s32 $0x1, s22  }
0xef: {  	s2 =	smulhi.u32 $0x88888889, s0;
	_ =	sdelay $0x1  }
0xf0: {  	v1 =	vld [tilespmem:s25+$0xFFFFFFC0];
	s2 =	sshrl.u32 s2, $0x7  }
0xf1: {  	s2 =	smul.u32 $0xF0, s2;
	_ =	sdelay $0x1  }
0xf2: {  	s22 =	ssub.s32 s0, s2  }
0xf3: {  	s0 =	sshll.u32 s22, $0x7  }
0xf4: {  	[tilespmem:s0+$0x108] =	vst v1  }
0xf5: {  	v1 =	vld [tilespmem:s25+$0xFFFFFFD0];
	_ =	sdelay $0x4  }
0xf6: {  	[tilespmem:s0+$0x118] =	vst v1  }
0xf7: {  	v1 =	vld [tilespmem:s25+$0xFFFFFFE0];
	_ =	sdelay $0x4  }
0xf8: {  	[tilespmem:s0+$0x128] =	vst v1  }
0xf9: {  	v1 =	vld [tilespmem:s25+$0xFFFFFFF0];
	_ =	sdelay $0x4  }
0xfa: {  	[tilespmem:s0+$0x138] =	vst v1  }
0xfb: {  	v1 =	vld [tilespmem:s25+$0x0];
	_ =	sdelay $0x4  }
0xfc: {  	[tilespmem:s0+$0x148] =	vst v1  }
0xfd: {  	v1 =	vld [tilespmem:s25+$0x10];
	_ =	sdelay $0x4  }
0xfe: {  	[tilespmem:s0+$0x158] =	vst v1  }
0xff: {  	v1 =	vld [tilespmem:s25+$0x20];
	_ =	sdelay $0x4  }
0x100: {  	[tilespmem:s0+$0x168] =	vst v1  }
0x101: {  	v1 =	vld [tilespmem:s25+$0x30]  }
.Ltmp15:
0x102: {  	_ = 	snop;
	(pc) =	sbr.rel .LBB2_17-.Ltmp15, $2  }
0x103: {  	_ =	sdelay $0x2  }
0x104: {  	s28 =	sadd.s32 $0x1, s28;
	[tilespmem:s0+$0x178] =	vst v1  }
.LBB2_19:
.Ltmp16:
0x105: {  	(pc) =	sbr.rel .LBB2_20-.Ltmp16, $4  }
0x106: {  	_ = 	snop  }
0x107: {  	s0 =	simm.s32 $0x2  }
0x108: {  	_ =	swait.ge [sflag:s0], $0x0  }
0x109: {  	s30 =	smov.u32 s29;
	[sflag:s0] =	ssyncset.done $0x0;
	s0 =	simm.s32 $0x0  }
.LBB2_22:
0x10a: {  	_ =	sfence.sel $0x180000  }
0x10b: {  	s0 =	simm.s32 $0x9;
	[bflag:$0x0] =	sbarrier.arrive $0xFFFF  }
0x10c: {  	s24 =	simm.s32 $0xA;
	[sflag:s0] =	ssyncpa.u1 $0x1  }
0x10d: {  	s25 =	simm.s32 $0xB;
	[sflag:s24] =	ssyncpa.u1 $0x1  }
0x10e: {  	s26 =	simm.s32 $0x2;
	[sflag:s25] =	ssyncpa.u1 $0x1  }
0x10f: {  	[sflag:s26] =	ssyncpa.u1 $0x1  }
0x110: {  	v0 =	vld [tilespmem:$0xF208];
	_ =	sdelay $0x4  }
0x111: {  	(v2sf) =	vpush v0, $0x0  }
0x112: {  	(v2sf) =	vpush v0, $0x1;
	_ =	sdelay $0x1  }
0x113: {  	(v2sf) =	vpush v0, $0x2;
	_ =	sdelay $0xb  }
0x114: {  	s0 =	spop (v2sf)  }
0x115: {  	s2 =	spop (v2sf)  }
0x116: {  	s3 =	smov.u32 s0;
	p0 =	sne.s32 s0, s2  }
0x117: {  	s4 =	spop (v2sf);
	s3 =	simm.s32 @!p0 $0xFFFFFFFF  }
0x118: {  	v2 =	vimm.s32 $0x1;
	v3 =	vlaneseq.u32;
	p0 =	seq.s32 s4, $0xFFFFFFFF;
	v1 =	vmov s3  }
0x119: {  	s16 =	stileid.u32;
	v0 =	vperm.xlane v0, v2;
	p1 =	sne.s32 @!p0 s0, s2;
	v1 =	vperm.xlane v1, v3  }
0x11a: {  	vm0 =	vcmask $0x3F04;
	s6 =	simm.s32 $0xF208;
	s0 =	simm.s32 @!p0 $0x1;
	p1 =	por !p1, p0  }
0x11b: {  	s3 =	sshll.u32 s16, $0x1;
	s2 =	sshll.u32 @!p0 s4, $0x9;
	s0 =	simm.s32 @p1 $0x0;
	v0 =	vsel vm0, v1, v0  }
0x11c: {  	s5 =	sor.u32 $0x1000, s3;
	s2 =	sshra.s32 @!p0 s2, $0x2;
	s0 =	sor.u32 @!p0 s0, s3;
	[tilespmem:$0xF208] =	vst v0  }
0x11d: {  	[spmem:s5] =	stream.linear.scatter [tilespmem:s6], [sflag:$0x1], $0x2, $0x38;
	[tilespmem:$0x1F6F8] =	vst v63  }
0x11e: {  	s2 =	sadd.s32 @!p0 $0x108, s2;
	s0 =	sshll.u32 @!p0 s0, $0x7  }
0x11f: {  	[spmem:s0] =	stream.linear.scatter @!p0 [tilespmem:s2], [sflag:$0x1], $0x80, $0x38;
	[tilespmem:$0x1F6F8] =	vst v63  }
0x120: {  	s0 =	simm.s32 @!p0 $0x82  }
0x121: {  	s28 =	simm.s32 $0x1;
	s0 =	simm.s32 @p0 $0x2  }
0x122: {  	_ =	swait.ge [sflag:s28], s0  }
0x123: {  	s0 =	ssub.s32 $0x0, s0;
	[sflag:s28] =	ssyncset.done $0x0  }
0x124: {  	p0 =	sne.s32 s16, $0x0;
	[sflag:s28] =	ssyncadd.s32 s0  }
.Ltmp17:
0x125: {  	_ =	sfence.stream.spmem;
	(pc) =	sbr.rel @p0 .LBB2_39-.Ltmp17, $4  }
0x126: {  	s29 =	simm.s32 $0x3;
	[bflag:$0x0] =	sbarrier.arrive $0xFFFF  }
0x127: {  	s30 =	simm.s32 $0x4;
	[sflag:s29] =	ssyncpa.u1 $0x1  }
0x128: {  	s31 =	simm.s32 $0x3C;
	[sflag:s30] =	ssyncpa.u1 $0x1  }
0x129: {  	s15 =	rddreg [dreg:$0x5];
	[sflag:s31] =	ssyncpa.u1 $0x1  }
0x12a: {  	_ =	sfence.stream.spmem;
	s0 =	simm.s32 $0x5  }
0x12b: {  	s2 =	simm.s32 $0x1000;
	s3 =	simm.s32 $0xF218;
	[sflag:s0] =	ssyncpa.u1 $0x0  }
0x12c: {  	[tilespmem:s3], [sflag:$0x5] =	stream.linear.gather [spmem:s2], $0x20, $0x38;
	[tilespmem:$0x1F6F8] =	vst v63  }
0x12d: {  	s26 =	simm.s32 $0x0;
	s28 =	simm.s32 $0xF238  }
0x12e: {  	[tilespmem:s28], [sflag:$0x5] =	stream.linear.gather [spmem:s26], $0x1000, $0x38;
	[tilespmem:$0x1F6F8] =	vst v63  }
0x12f: {  	_ =	swait.ge [sflag:s0], $0x1020  }
0x130: {  	[sflag:s0] =	ssyncset.done $0x0  }
0x131: {  	s29 =	simm.s32 $0x0;
	[sflag:s0] =	ssyncadd.s32 $0xFFFFEFE0  }
0x132: {  	v0 =	vld.msk [tilespmem:s29+$0xF218], $0x1;
	_ =	sdelay $0x1  }
0x133: {  	s30 =	simm.s32 $0x1  }
0x134: {  	v1 =	vld.msk [tilespmem:s30+$0xF218], $0x1;
	_ =	sdelay $0x1  }
0x135: {  	(v2sf) =	vpush v0, $0x0;
	_ =	sdelay $0x2  }
0x136: {  	(v2sf) =	vpush v1, $0x0;
	_ =	sdelay $0x2  }
0x137: {  	s31 =	simm.s32 $0x2  }
0x138: {  	v0 =	vld.msk [tilespmem:s31+$0xF218], $0x1;
	_ =	sdelay $0x2  }
0x139: {  	s4 =	simm.s32 $0xFFFFFFFF;
	s5 =	simm.s32 $0xFFFFFFFF;
	s0 =	simm.s32 $0xC  }
.LBB2_24:
0x13a: {  	s2 =	smov.u32 s5;
	s3 =	smov.u32 s4  }
0x13b: {  	s4 =	sshra.s32 s0, $0x2;
	p1 =	sne.s32 s0, $0x7C;
	s0 =	sadd.s32 $0x4, s0;
	(v2sf) =	vpush v0, $0x0  }
0x13c: {  	v0 =	vld.msk [tilespmem:s4+$0xF218], $0x1  }
.Ltmp18:
0x13d: {  	(pc) =	sbr.rel @p1 .LBB2_24-.Ltmp18, $4  }
0x13e: {  	s5 =	spop (v2sf)  }
0x13f: {  	p2 =	sne.s32 s3, $0xFFFFFFFF;
	s4 =	smov.u32 s5  }
0x140: {  	p3 =	seq.s32 s5, $0xFFFFFFFF;
	s4 =	smov.u32 @p2 s3  }
0x141: {  	s5 =	smov.u32 @p3 s2;
	s4 =	smov.u32 @p3 s3  }
0x142: {  	(v2sf) =	vpush v0, $0x0;
	_ =	sdelay $0x8  }
0x143: {  	s0 =	spop (v2sf)  }
0x144: {  	p1 =	sne.s32 s4, $0xFFFFFFFF;
	s2 =	smov.u32 s0  }
0x145: {  	s9 =	simm.s32 $0x6;
	p2 =	seq.s32 s0, $0xFFFFFFFF;
	s2 =	smov.u32 @p1 s4  }
0x146: {  	s6 =	simm.s32 $0x0;
	s2 =	smov.u32 @p2 s4;
	s3 =	spop (v2sf)  }
0x147: {  	s0 =	smov.u32 @p2 s5;
	p1 =	sne.s32 s2, $0xFFFFFFFF;
	s4 =	smov.u32 s3  }
.Ltmp19:
0x148: {  	p2 =	seq.s32 s3, $0xFFFFFFFF;
	s4 =	smov.u32 @p1 s2;
	(pc) =	sbr.rel .LBB2_26-.Ltmp19, $4  }
0x149: {  	s10 =	simm.s32 $0xF188;
	s4 =	smov.u32 @p2 s2;
	s7 =	spop (v2sf)  }
0x14a: {  	s11 =	simm.s32 $0x0;
	p1 =	sne.s32 s4, $0xFFFFFFFF;
	s8 =	smov.u32 s7  }
0x14b: {  	s3 =	smov.u32 @p2 s0;
	p2 =	seq.s32 s7, $0xFFFFFFFF;
	s8 =	smov.u32 @p1 s4  }
0x14c: {  	[sflag:s9] =	ssyncpa.u1 $0x0;
	s7 =	smov.u32 @p2 s3;
	s8 =	smov.u32 @p2 s4  }
.LBB2_32:
0x14d: {  	p1 =	sgt.u32 s12, $0x13870  }
0x14e: {  	p2 =	seq.s32 @!p1 s12, s8  }
0x14f: {  	p1 =	por p1, p2  }
0x150: {  	p2 =	sne.s32 @!p1 s12, s7  }
0x151: {  	p1 =	por p1, !p2  }
0x152: {  	s0 =	sshll.u32 @p1 s11, $0x9  }
0x153: {  	s0 =	sand.u32 @!p1 $0x1FFF8, s12  }
0x154: {  	s2 =	sand.u32 @!p1 $0x7, s12;
	s0 =	sadd.s32 @!p1 s1, s0  }
0x155: {  	[tilespmem:s10], [sflag:$0x6] =	stream.linear.gather @!p1 [hbm4b:s0+s2], $0x80, $0x38;
	[tilespmem:$0x1F6F8] =	vst v63  }
0x156: {  	_ =	swait.ge @!p1 [sflag:s9], $0x80  }
0x157: {  	[sflag:s9] =	ssyncset.done @!p1 $0x0  }
0x158: {  	[sflag:s9] =	ssyncadd.s32 @!p1 $0xFFFFFF80  }
0x159: {  	v1 =	vld @!p1 [tilespmem:$0xF188];
	_ =	sdelay $0x2  }
0x15a: {  	s0 =	sshll.u32 @!p1 s11, $0x9  }
0x15b: {  	s2 =	sshrl.u32 @!p1 s0, $0x2  }
0x15c: {  	[tilespmem:s2+$0xF238] =	vst.add.f32.msk @!p1 $0xffff, v1  }
0x15d: {  	v1 =	vld @!p1 [tilespmem:$0xF198];
	_ =	sdelay $0x4  }
0x15e: {  	[tilespmem:s2+$0xF248] =	vst.add.f32.msk @!p1 $0xffff, v1  }
0x15f: {  	v1 =	vld @!p1 [tilespmem:$0xF1A8];
	_ =	sdelay $0x4  }
0x160: {  	[tilespmem:s2+$0xF258] =	vst.add.f32.msk @!p1 $0xffff, v1  }
0x161: {  	v1 =	vld @!p1 [tilespmem:$0xF1B8];
	_ =	sdelay $0x4  }
0x162: {  	[tilespmem:s2+$0xF268] =	vst.add.f32.msk @!p1 $0xffff, v1  }
0x163: {  	v1 =	vld @!p1 [tilespmem:$0xF1C8];
	_ =	sdelay $0x4  }
0x164: {  	[tilespmem:s2+$0xF278] =	vst.add.f32.msk @!p1 $0xffff, v1  }
0x165: {  	v1 =	vld @!p1 [tilespmem:$0xF1D8];
	_ =	sdelay $0x4  }
0x166: {  	[tilespmem:s2+$0xF288] =	vst.add.f32.msk @!p1 $0xffff, v1  }
0x167: {  	v1 =	vld @!p1 [tilespmem:$0xF1E8];
	_ =	sdelay $0x4  }
0x168: {  	[tilespmem:s2+$0xF298] =	vst.add.f32.msk @!p1 $0xffff, v1  }
0x169: {  	v1 =	vld @!p1 [tilespmem:$0xF1F8];
	_ =	sdelay $0x4  }
0x16a: {  	[tilespmem:s2+$0xF2A8] =	vst.add.f32.msk @!p1 $0xffff, v1  }
0x16b: {  	s0 =	sshrl.u32 s0, $0x2;
	[tilespmem:s6+$0xF218] =	vst.msk $0x1, v0  }
0x16c: {  	v0 =	vld [tilespmem:s0+$0xF238];
	_ =	sdelay $0x2  }
0x16d: {  	s31 =	sshll.u32 s6, $0x9  }
0x16e: {  	s2 =	sshra.s32 s31, $0x2  }
0x16f: {  	[tilespmem:s2+$0xF238] =	vst v0  }
0x170: {  	v0 =	vld [tilespmem:s0+$0xF248];
	_ =	sdelay $0x4  }
0x171: {  	[tilespmem:s2+$0xF248] =	vst v0  }
0x172: {  	v0 =	vld [tilespmem:s0+$0xF258];
	_ =	sdelay $0x4  }
0x173: {  	[tilespmem:s2+$0xF258] =	vst v0  }
0x174: {  	v0 =	vld [tilespmem:s0+$0xF268];
	_ =	sdelay $0x4  }
0x175: {  	[tilespmem:s2+$0xF268] =	vst v0  }
0x176: {  	v0 =	vld [tilespmem:s0+$0xF278];
	_ =	sdelay $0x4  }
0x177: {  	[tilespmem:s2+$0xF278] =	vst v0  }
0x178: {  	v0 =	vld [tilespmem:s0+$0xF288];
	_ =	sdelay $0x4  }
0x179: {  	[tilespmem:s2+$0xF288] =	vst v0  }
0x17a: {  	v0 =	vld [tilespmem:s0+$0xF298];
	_ =	sdelay $0x4  }
0x17b: {  	[tilespmem:s2+$0xF298] =	vst v0  }
0x17c: {  	v0 =	vld [tilespmem:s0+$0xF2A8];
	_ =	sdelay $0x4  }
0x17d: {  	s6 =	sadd.s32 $0x1, s6;
	[tilespmem:s2+$0xF2A8] =	vst v0  }
.LBB2_33:
0x17e: {  	s11 =	sadd.s32 $0x1, s11  }
0x17f: {  	p1 =	sne.s32 s11, $0x20  }
.Ltmp20:
0x180: {  	_ = 	snop;
	(pc) =	sbr.rel @!p1 .LBB2_34-.Ltmp20, $1  }
0x181: {  	_ =	sdelay $0x3  }
.LBB2_26:
0x182: {  	v0 =	vld.msk [tilespmem:s11+$0xF218], $0x1;
	_ =	sdelay $0x4  }
0x183: {  	(v2sf) =	vpush v0, $0x0;
	_ =	sdelay $0xe  }
0x184: {  	s12 =	spop (v2sf)  }
0x185: {  	p1 =	seq.s32 s12, $0xFFFFFFFF  }
.Ltmp21:
0x186: {  	_ = 	snop;
	(pc) =	sbr.rel @p1 .LBB2_33-.Ltmp21, $1  }
0x187: {  	_ =	sdelay $0x3  }
0x188: {  	p1 =	slt.s32 s6, $0x1  }
.Ltmp22:
0x189: {  	_ = 	snop;
	(pc) =	sbr.rel @p1 .LBB2_32-.Ltmp22, $1  }
0x18a: {  	_ =	sdelay $0x3  }
0x18b: {  	s13 =	simm.s32 $0xF218;
	p1 =	por $0x0, $0x0  }
0x18c: {  	v1 =	vld.msk @!p1 [tilespmem:s13+$0x0], $0x1;
	_ =	sdelay $0x4  }
0x18d: {  	(v2sf) =	vpush @!p1 v1, $0x0;
	_ =	sdelay $0xd  }
0x18e: {  	p3 =	sne.s32 s6, $0x1  }
.Ltmp23:
0x18f: {  	s0 =	spop @!p1 (v2sf);
	(pc) =	sbr.rel @!p3 .LBB2_30-.Ltmp23, $4  }
0x190: {  	p2 =	seq.s32 @!p1 s12, s0  }
0x191: {  	s14 =	simm.s32 $0x0;
	p2 =	por !p2, p1  }
0x192: {  	s2 =	simm.s32 $0xFFFFFFFF;
	s14 =	simm.s32 @p2 $0xFFFFFFFF  }
0x193: {  	s0 =	simm.s32 $0x1;
	s14 =	smov.u32 @p1 s2  }
.LBB2_29:
0x194: {  	s2 =	smov.u32 s14;
	p1 =	sne.s32 s14, $0xFFFFFFFF  }
0x195: {  	s13 =	sadd.s32 $0x1, s13;
	s14 =	smov.u32 s0;
	s0 =	sadd.s32 $0x1, s0  }
0x196: {  	p2 =	sne.s32 s6, s0;
	v1 =	vld.msk @!p1 [tilespmem:s13+$0x0], $0x1;
	_ =	sdelay $0x4  }
0x197: {  	(v2sf) =	vpush @!p1 v1, $0x0;
	_ =	sdelay $0xe  }
.Ltmp24:
0x198: {  	s3 =	spop @!p1 (v2sf);
	(pc) =	sbr.rel @p2 .LBB2_29-.Ltmp24, $4  }
0x199: {  	p3 =	seq.s32 @!p1 s12, s3  }
0x19a: {  	p3 =	por !p3, p1  }
0x19b: {  	s14 =	simm.s32 @p3 $0xFFFFFFFF  }
0x19c: {  	s14 =	smov.u32 @p1 s2  }
.LBB2_30:
0x19d: {  	p1 =	seq.s32 s14, $0xFFFFFFFF  }
.Ltmp25:
0x19e: {  	_ = 	snop;
	(pc) =	sbr.rel @p1 .LBB2_32-.Ltmp25, $1  }
0x19f: {  	_ =	sdelay $0x3  }
0x1a0: {  	s0 =	sshll.u32 s11, $0x7  }
0x1a1: {  	s0 =	sand.u32 $0x3FFFFF80, s0  }
0x1a2: {  	v0 =	vld [tilespmem:s0+$0xF238];
	_ =	sdelay $0x2  }
0x1a3: {  	s2 =	sshll.u32 s14, $0x9  }
0x1a4: {  	s2 =	sshra.s32 s2, $0x2  }
0x1a5: {  	[tilespmem:s2+$0xF238] =	vst.add.f32.msk $0xffff, v0  }
0x1a6: {  	v0 =	vld [tilespmem:s0+$0xF248];
	_ =	sdelay $0x4  }
0x1a7: {  	[tilespmem:s2+$0xF248] =	vst.add.f32.msk $0xffff, v0  }
0x1a8: {  	v0 =	vld [tilespmem:s0+$0xF258];
	_ =	sdelay $0x4  }
0x1a9: {  	[tilespmem:s2+$0xF258] =	vst.add.f32.msk $0xffff, v0  }
0x1aa: {  	v0 =	vld [tilespmem:s0+$0xF268];
	_ =	sdelay $0x4  }
0x1ab: {  	[tilespmem:s2+$0xF268] =	vst.add.f32.msk $0xffff, v0  }
0x1ac: {  	v0 =	vld [tilespmem:s0+$0xF278];
	_ =	sdelay $0x4  }
0x1ad: {  	[tilespmem:s2+$0xF278] =	vst.add.f32.msk $0xffff, v0  }
0x1ae: {  	v0 =	vld [tilespmem:s0+$0xF288];
	_ =	sdelay $0x4  }
0x1af: {  	[tilespmem:s2+$0xF288] =	vst.add.f32.msk $0xffff, v0  }
0x1b0: {  	v0 =	vld [tilespmem:s0+$0xF298];
	_ =	sdelay $0x4  }
0x1b1: {  	[tilespmem:s2+$0xF298] =	vst.add.f32.msk $0xffff, v0  }
0x1b2: {  	v0 =	vld [tilespmem:s0+$0xF2A8]  }
.Ltmp26:
0x1b3: {  	_ = 	snop;
	(pc) =	sbr.rel .LBB2_33-.Ltmp26, $2  }
0x1b4: {  	_ =	sdelay $0x2  }
0x1b5: {  	[tilespmem:s2+$0xF2A8] =	vst.add.f32.msk $0xffff, v0  }
.LBB2_34:
0x1b6: {  	s0 =	simm.s32 $0x6;
	p1 =	seq.s32 s6, $0x0  }
0x1b7: {  	[sflag:s0] =	ssyncpa.u1 $0x1;
	v0 =	vimm.s32 @p1 $0xFFFFFFFF  }
0x1b8: {  	s9 =	sadd.s32 $0xFFFFFFFF, s6;
	[tilespmem:$0x10238] =	vst @p1 v0  }
0x1b9: {  	v0 =	vld.msk @!p1 [tilespmem:s9+$0xF218], $0x1;
	_ =	sdelay $0x1  }
0x1ba: {  	v1 =	vld.msk @!p1 [tilespmem:$0xF218], $0x1;
	_ =	sdelay $0x2  }
0x1bb: {  	p2 =	seq.s32 @!p1 s9, $0x0;
	v0 =	vbroadcast @!p1 v0, $0x0  }
0x1bc: {  	vm0 =	vmmov @!p1 $0x1;
	p2 =	por !p2, p1  }
0x1bd: {  	v1 =	vnsel @!p1 vm0, $0xFFFFFFFF, v1;
	vm0 =	vcmask @!p1 $0x308;
	v0 =	vpsel !p2, $0xFFFFFFFF, v0  }
0x1be: {  	p2 =	sne.s32 @!p1 s8, s7;
	v0 =	vsel @!p1 vm0, v1, v0  }
0x1bf: {  	s0 =	simm.s32 @!p1 $0xF238;
	s2 =	simm.s32 @!p1 $0x0;
	p3 =	por !p2, p1;
	[tilespmem:$0x10238] =	vst @!p1 v0  }
0x1c0: {  	[spmem:s2] =	stream.linear.scatter @!p1 [tilespmem:s0], [sflag:$0x1], $0x80, $0x38;
	[tilespmem:$0x1F6F8] =	vst v63  }
0x1c1: {  	s0 =	sshll.u32 @!p3 s9, $0x9  }
0x1c2: {  	s0 =	sshra.s32 @!p3 s0, $0x2  }
0x1c3: {  	s2 =	simm.s32 @!p3 $0x80;
	s0 =	sadd.s32 @!p3 $0xF238, s0  }
0x1c4: {  	[spmem:s2] =	stream.linear.scatter @!p3 [tilespmem:s0], [sflag:$0x1], $0x80, $0x38;
	[tilespmem:$0x1F6F8] =	vst v63  }
0x1c5: {  	s0 =	simm.s32 @!p3 $0x1  }
0x1c6: {  	_ =	swait.ge @!p3 [sflag:s0], $0x100  }
0x1c7: {  	p1 =	por p2, p1;
	[sflag:s0] =	ssyncset.done @!p3 $0x0  }
0x1c8: {  	[sflag:s0] =	ssyncadd.s32 @!p3 $0xFFFFFF00;
	s0 =	simm.s32 @!p1 $0x1  }
0x1c9: {  	_ =	swait.ge @!p1 [sflag:s0], $0x80  }
0x1ca: {  	s29 =	simm.s32 $0x10238;
	[sflag:s0] =	ssyncset.done @!p1 $0x0  }
0x1cb: {  	s30 =	simm.s32 $0x1000;
	s31 =	simm.s32 $0x1;
	[sflag:s0] =	ssyncadd.s32 @!p1 $0xFFFFFF80  }
0x1cc: {  	[spmem:s30] =	stream.linear.scatter [tilespmem:s29], [sflag:$0x1], $0x10, $0x38;
	[tilespmem:$0x1F6F8] =	vst v63  }
0x1cd: {  	_ =	swait.ge [sflag:s31], $0x10  }
0x1ce: {  	[sflag:s31] =	ssyncset.done $0x0  }
0x1cf: {  	p1 =	seq.s32 s15, $0x0;
	s8 =	rddreg [dreg:$0x2];
	[sflag:s31] =	ssyncadd.s32 $0xFFFFFFF0  }
0x1d0: {  	s2 =	sshll.u32 @p1 s8, $0xE;
	s7 =	rddreg [dreg:$0x3]  }
0x1d1: {  	s0 =	sadd.s32 @p1 $0x15C3C, s2;
	s2 =	sshll.u32 @p1 s7, $0x11  }
0x1d2: {  	_ =	sfence.stream.spmem;
	s0 =	sor.u32 @p1 s2, s0  }
0x1d3: {  	[sflag:s0] =	ssyncadd.remote.s32 @p1 $0x1;
	s0 =	simm.s32 @p1 $0x4  }
0x1d4: {  	s3 =	simm.s32 @!p1 $0x3C;
	s2 =	sand.u32 $0xFFFFFFFE, s8;
	_ =	swait.ge @p1 [sflag:s0], $0x22  }
0x1d5: {  	s4 =	simm.s32 @!p1 $0x0;
	s2 =	sadd.s32 @!p1 $0x4, s2;
	[sflag:s0] =	ssyncset.done @p1 $0x0  }
0x1d6: {  	s5 =	simm.s32 @!p1 $0x100;
	[sflag:s0] =	ssyncadd.s32 @p1 $0xFFFFFFDE;
	s0 =	sshll.u32 @!p1 s2, $0x1A  }
0x1d7: {  	s2 =	sshll.u32 @!p1 s2, $0xD;
	s0 =	sor.u32 @!p1 s0, s7;
	_ =	swait.eq @!p1 [sflag:s3], $0x1  }
0x1d8: {  	s2 =	sor.u32 @!p1 $0x1C04, s2;
	s3 =	simm.s32 @!p1 $0x1C03;
	s0 =	sor.u32 @!p1 $0x80004000, s0  }
0x1d9: {  	[spmem:s5], [sflag:s2] =	dma.general @!p1 [spmem:s4], [sflag:s3], length:$0x20, [dreg:$0x0], stride_count:$0x0, ici_dest:s0, dma_misc:DstOpCode:WRITE  }
0x1da: {  	p2 =	slt.s32 s9, $0x2;
	s4 =	simm.s32 @!p1 $0x200;
	s5 =	simm.s32 @!p1 $0x202  }
0x1db: {  	[spmem:s5], [sflag:s2] =	dma.general @!p1 [spmem:s4], [sflag:s3], length:$0x2, [dreg:$0x0], stride_count:$0x0, ici_dest:s0, dma_misc:DstOpCode:WRITE  }
.Ltmp27:
0x1dc: {  	s0 =	simm.s32 @!p1 $0x3;
	(pc) =	sbr.rel @p2 .LBB2_38-.Ltmp27, $4  }
0x1dd: {  	s2 =	sshll.u32 @!p1 s8, $0xE;
	_ =	swait.ge @!p1 [sflag:s0], $0x22  }
0x1de: {  	s3 =	sshll.u32 @!p1 s7, $0x11;
	s2 =	sadd.s32 @!p1 $0x11C3C, s2;
	[sflag:s0] =	ssyncset.done @!p1 $0x0  }
0x1df: {  	[sflag:s0] =	ssyncadd.s32 @!p1 $0xFFFFFFDE;
	s0 =	sor.u32 @!p1 s3, s2  }
0x1e0: {  	[sflag:s0] =	ssyncadd.remote.s32 @!p1 $0xFFFFFFFF;
	s0 =	simm.s32 $0x0  }
0x1e1: {  	s0 =	simm.s32 $0xF219  }
0x1e2: {  	v0 =	vld.msk [tilespmem:s0+$0x0], $0x1;
	_ =	sdelay $0x4  }
0x1e3: {  	(v2sf) =	vpush v0, $0x0;
	_ =	sdelay $0xb  }
0x1e4: {  	s31 =	sadd.s32 $0xFFFFFFFE, s6  }
0x1e5: {  	s0 =	sadd.s32 $0xFFFFFFFF, s31  }
0x1e6: {  	p2 =	sne.s32 s0, $0x0  }
.Ltmp28:
0x1e7: {  	s2 =	spop (v2sf);
	(pc) =	sbr.rel @!p2 .LBB2_37-.Ltmp28, $4  }
0x1e8: {  	s4 =	simm.s32 $0xF2B8;
	s7 =	simm.s32 $0x0;
	p1 =	sgt.u32 s2, $0x13870  }
0x1e9: {  	s5 =	simm.s32 $0x0;
	s6 =	simm.s32 $0xF21A;
	s3 =	sand.u32 @!p1 $0x1FFF8, s2  }
0x1ea: {  	s2 =	sand.u32 @!p1 $0x7, s2;
	s7 =	simm.s32 @!p1 $0x200;
	s3 =	sadd.s32 @!p1 s1, s3  }
0x1eb: {  	[hbm4b:s3+s2] =	stream.linear.scatter @!p1 [tilespmem:s4], [sflag:$0x5], $0x80, $0x38;
	[tilespmem:$0x1F6F8] =	vst v63  }
.LBB2_36:
0x1ec: {  	v0 =	vld.msk [tilespmem:s6+$0x0], $0x1;
	s0 =	sadd.s32 $0xFFFFFFFF, s0;
	s5 =	sadd.s32 s5, s7  }
0x1ed: {  	p1 =	sne.s32 s0, $0x0;
	_ =	sdelay $0x3  }
0x1ee: {  	(v2sf) =	vpush v0, $0x0;
	_ =	sdelay $0xe  }
.Ltmp29:
0x1ef: {  	s2 =	spop (v2sf);
	(pc) =	sbr.rel @p1 .LBB2_36-.Ltmp29, $4  }
0x1f0: {  	s7 =	simm.s32 $0x0;
	p2 =	sgt.u32 s2, $0x13870  }
0x1f1: {  	s4 =	sadd.s32 $0x80, s4;
	s7 =	simm.s32 @!p2 $0x200;
	s3 =	sand.u32 @!p2 $0x1FFF8, s2  }
0x1f2: {  	s6 =	sadd.s32 $0x1, s6;
	s2 =	sand.u32 @!p2 $0x7, s2;
	s3 =	sadd.s32 @!p2 s1, s3  }
0x1f3: {  	[hbm4b:s3+s2] =	stream.linear.scatter @!p2 [tilespmem:s4], [sflag:$0x5], $0x80, $0x38;
	[tilespmem:$0x1F6F8] =	vst v63  }
.LBB2_37:
0x1f4: {  	s0 =	sadd.s32 s5, s7  }
0x1f5: {  	s0 =	sshrl.u32 s0, $0x2  }
.LBB2_38:
0x1f6: {  	s2 =	simm.s32 $0x5  }
0x1f7: {  	_ =	swait.ge [sflag:s2], s0  }
0x1f8: {  	s31 =	ssub.s32 $0x0, s0;
	[sflag:s2] =	ssyncset.done $0x0  }
0x1f9: {  	[sflag:s2] =	ssyncadd.s32 s31  }
0x1fa: {  	[sflag:s2] =	ssyncpa.u1 $0x1  }
.LBB2_39:
0x1fb: {  	s0 =	sor.u32 s15, s16  }
0x1fc: {  	p1 =	sne.s32 s0, $0x0  }
.Ltmp30:
0x1fd: {  	_ = 	snop;
	(pc) =	sbr.rel @p1 .LBB2_54-.Ltmp30, $3  }
0x1fe: {  	_ =	sdelay $0x1  }
0x1ff: {  	[bflag:$0x0] =	sbarrier.arrive $0xFFFF  }
0x200: {  	_ =	sfence  }
0x201: {  	s0 =	simm.s32 $0x7  }
0x202: {  	s2 =	simm.s32 $0x1000;
	s3 =	simm.s32 $0xF218;
	[sflag:s0] =	ssyncpa.u1 $0x0  }
0x203: {  	[tilespmem:s3], [sflag:$0x7] =	stream.linear.gather [spmem:s2], $0x20, $0x38;
	[tilespmem:$0x1F6F8] =	vst v63  }
0x204: {  	s30 =	simm.s32 $0xF238;
	s2 =	simm.s32 $0x0  }
0x205: {  	[tilespmem:s30], [sflag:$0x7] =	stream.linear.gather [spmem:s2], $0x1000, $0x38;
	[tilespmem:$0x1F6F8] =	vst v63  }
.Ltmp31:
0x206: {  	_ = 	snop;
	(pc) =	sbr.rel .LBB2_41-.Ltmp31, $4  }
0x207: {  	_ =	swait.ge [sflag:s0], $0x1020  }
0x208: {  	[sflag:s0] =	ssyncset.done $0x0  }
0x209: {  	s31 =	simm.s32 $0x8;
	[sflag:s0] =	ssyncadd.s32 $0xFFFFEFE0  }
0x20a: {  	s3 =	simm.s32 $0x0;
	[sflag:s31] =	ssyncpa.u1 $0x0  }
.LBB2_47:
0x20b: {  	p1 =	slt.u32 s4, $0x13871  }
0x20c: {  	s0 =	sand.u32 @p1 $0x1FFF8, s4  }
0x20d: {  	s4 =	sand.u32 @p1 $0x7, s4;
	s5 =	simm.s32 @p1 $0xF188;
	s0 =	sadd.s32 @p1 s1, s0  }
0x20e: {  	[tilespmem:s5], [sflag:$0x8] =	stream.linear.gather @p1 [hbm4b:s0+s4], $0x80, $0x38;
	[tilespmem:$0x1F6F8] =	vst v63  }
0x20f: {  	s0 =	simm.s32 @p1 $0x8  }
0x210: {  	_ =	swait.ge @p1 [sflag:s0], $0x80  }
0x211: {  	[sflag:s0] =	ssyncset.done @p1 $0x0  }
0x212: {  	[sflag:s0] =	ssyncadd.s32 @p1 $0xFFFFFF80  }
0x213: {  	v1 =	vld @p1 [tilespmem:$0xF188];
	_ =	sdelay $0x2  }
0x214: {  	s0 =	sshll.u32 @p1 s3, $0x9  }
0x215: {  	s4 =	sshrl.u32 @p1 s0, $0x2  }
0x216: {  	[tilespmem:s4+$0xF238] =	vst.add.f32.msk @p1 $0xffff, v1  }
0x217: {  	v1 =	vld @p1 [tilespmem:$0xF198];
	_ =	sdelay $0x4  }
0x218: {  	[tilespmem:s4+$0xF248] =	vst.add.f32.msk @p1 $0xffff, v1  }
0x219: {  	v1 =	vld @p1 [tilespmem:$0xF1A8];
	_ =	sdelay $0x4  }
0x21a: {  	[tilespmem:s4+$0xF258] =	vst.add.f32.msk @p1 $0xffff, v1  }
0x21b: {  	v1 =	vld @p1 [tilespmem:$0xF1B8];
	_ =	sdelay $0x4  }
0x21c: {  	[tilespmem:s4+$0xF268] =	vst.add.f32.msk @p1 $0xffff, v1  }
0x21d: {  	v1 =	vld @p1 [tilespmem:$0xF1C8];
	_ =	sdelay $0x4  }
0x21e: {  	[tilespmem:s4+$0xF278] =	vst.add.f32.msk @p1 $0xffff, v1  }
0x21f: {  	v1 =	vld @p1 [tilespmem:$0xF1D8];
	_ =	sdelay $0x4  }
0x220: {  	[tilespmem:s4+$0xF288] =	vst.add.f32.msk @p1 $0xffff, v1  }
0x221: {  	v1 =	vld @p1 [tilespmem:$0xF1E8];
	_ =	sdelay $0x4  }
0x222: {  	[tilespmem:s4+$0xF298] =	vst.add.f32.msk @p1 $0xffff, v1  }
0x223: {  	v1 =	vld @p1 [tilespmem:$0xF1F8];
	_ =	sdelay $0x3  }
0x224: {  	s5 =	sshll.u32 @!p1 s3, $0x9  }
0x225: {  	s5 =	smov.u32 @p1 s0;
	[tilespmem:s4+$0xF2A8] =	vst.add.f32.msk @p1 $0xffff, v1  }
0x226: {  	s0 =	sshrl.u32 s5, $0x2;
	[tilespmem:s2+$0xF218] =	vst.msk $0x1, v0  }
0x227: {  	v0 =	vld [tilespmem:s0+$0xF238];
	_ =	sdelay $0x2  }
0x228: {  	s31 =	sshll.u32 s2, $0x9  }
0x229: {  	s4 =	sshra.s32 s31, $0x2  }
0x22a: {  	[tilespmem:s4+$0xF238] =	vst v0  }
0x22b: {  	v0 =	vld [tilespmem:s0+$0xF248];
	_ =	sdelay $0x4  }
0x22c: {  	[tilespmem:s4+$0xF248] =	vst v0  }
0x22d: {  	v0 =	vld [tilespmem:s0+$0xF258];
	_ =	sdelay $0x4  }
0x22e: {  	[tilespmem:s4+$0xF258] =	vst v0  }
0x22f: {  	v0 =	vld [tilespmem:s0+$0xF268];
	_ =	sdelay $0x4  }
0x230: {  	[tilespmem:s4+$0xF268] =	vst v0  }
0x231: {  	v0 =	vld [tilespmem:s0+$0xF278];
	_ =	sdelay $0x4  }
0x232: {  	[tilespmem:s4+$0xF278] =	vst v0  }
0x233: {  	v0 =	vld [tilespmem:s0+$0xF288];
	_ =	sdelay $0x4  }
0x234: {  	[tilespmem:s4+$0xF288] =	vst v0  }
0x235: {  	v0 =	vld [tilespmem:s0+$0xF298];
	_ =	sdelay $0x4  }
0x236: {  	[tilespmem:s4+$0xF298] =	vst v0  }
0x237: {  	v0 =	vld [tilespmem:s0+$0xF2A8];
	_ =	sdelay $0x4  }
0x238: {  	s2 =	sadd.s32 $0x1, s2;
	[tilespmem:s4+$0xF2A8] =	vst v0  }
.LBB2_48:
0x239: {  	s3 =	sadd.s32 $0x1, s3  }
0x23a: {  	p1 =	sne.s32 s3, $0x20  }
.Ltmp32:
0x23b: {  	_ = 	snop;
	(pc) =	sbr.rel @!p1 .LBB2_49-.Ltmp32, $1  }
0x23c: {  	_ =	sdelay $0x3  }
.LBB2_41:
0x23d: {  	v0 =	vld.msk [tilespmem:s3+$0xF218], $0x1;
	_ =	sdelay $0x4  }
0x23e: {  	(v2sf) =	vpush v0, $0x0;
	_ =	sdelay $0xe  }
0x23f: {  	s4 =	spop (v2sf)  }
0x240: {  	p1 =	seq.s32 s4, $0xFFFFFFFF  }
.Ltmp33:
0x241: {  	_ = 	snop;
	(pc) =	sbr.rel @p1 .LBB2_48-.Ltmp33, $1  }
0x242: {  	_ =	sdelay $0x3  }
0x243: {  	p1 =	slt.s32 s2, $0x1  }
.Ltmp34:
0x244: {  	_ = 	snop;
	(pc) =	sbr.rel @p1 .LBB2_47-.Ltmp34, $1  }
0x245: {  	_ =	sdelay $0x3  }
0x246: {  	s5 =	simm.s32 $0xF218;
	p1 =	por $0x0, $0x0  }
0x247: {  	v1 =	vld.msk @!p1 [tilespmem:s5+$0x0], $0x1;
	_ =	sdelay $0x4  }
0x248: {  	(v2sf) =	vpush @!p1 v1, $0x0;
	_ =	sdelay $0xd  }
0x249: {  	p3 =	sne.s32 s2, $0x1  }
.Ltmp35:
0x24a: {  	s0 =	spop @!p1 (v2sf);
	(pc) =	sbr.rel @!p3 .LBB2_45-.Ltmp35, $4  }
0x24b: {  	p2 =	seq.s32 @!p1 s4, s0  }
0x24c: {  	s6 =	simm.s32 $0x0;
	p2 =	por !p2, p1  }
0x24d: {  	s7 =	simm.s32 $0xFFFFFFFF;
	s6 =	simm.s32 @p2 $0xFFFFFFFF  }
0x24e: {  	s0 =	simm.s32 $0x1;
	s6 =	smov.u32 @p1 s7  }
.LBB2_44:
0x24f: {  	s7 =	smov.u32 s6;
	p1 =	sne.s32 s6, $0xFFFFFFFF  }
0x250: {  	s5 =	sadd.s32 $0x1, s5;
	s6 =	smov.u32 s0;
	s0 =	sadd.s32 $0x1, s0  }
0x251: {  	p2 =	sne.s32 s2, s0;
	v1 =	vld.msk @!p1 [tilespmem:s5+$0x0], $0x1;
	_ =	sdelay $0x4  }
0x252: {  	(v2sf) =	vpush @!p1 v1, $0x0;
	_ =	sdelay $0xe  }
.Ltmp36:
0x253: {  	s8 =	spop @!p1 (v2sf);
	(pc) =	sbr.rel @p2 .LBB2_44-.Ltmp36, $4  }
0x254: {  	p3 =	seq.s32 @!p1 s4, s8  }
0x255: {  	p3 =	por !p3, p1  }
0x256: {  	s6 =	simm.s32 @p3 $0xFFFFFFFF  }
0x257: {  	s6 =	smov.u32 @p1 s7  }
.LBB2_45:
0x258: {  	p1 =	seq.s32 s6, $0xFFFFFFFF  }
.Ltmp37:
0x259: {  	_ = 	snop;
	(pc) =	sbr.rel @p1 .LBB2_47-.Ltmp37, $1  }
0x25a: {  	_ =	sdelay $0x3  }
0x25b: {  	s0 =	sshll.u32 s3, $0x7  }
0x25c: {  	s0 =	sand.u32 $0x3FFFFF80, s0  }
0x25d: {  	v0 =	vld [tilespmem:s0+$0xF238];
	_ =	sdelay $0x2  }
0x25e: {  	s4 =	sshll.u32 s6, $0x9  }
0x25f: {  	s4 =	sshra.s32 s4, $0x2  }
0x260: {  	[tilespmem:s4+$0xF238] =	vst.add.f32.msk $0xffff, v0  }
0x261: {  	v0 =	vld [tilespmem:s0+$0xF248];
	_ =	sdelay $0x4  }
0x262: {  	[tilespmem:s4+$0xF248] =	vst.add.f32.msk $0xffff, v0  }
0x263: {  	v0 =	vld [tilespmem:s0+$0xF258];
	_ =	sdelay $0x4  }
0x264: {  	[tilespmem:s4+$0xF258] =	vst.add.f32.msk $0xffff, v0  }
0x265: {  	v0 =	vld [tilespmem:s0+$0xF268];
	_ =	sdelay $0x4  }
0x266: {  	[tilespmem:s4+$0xF268] =	vst.add.f32.msk $0xffff, v0  }
0x267: {  	v0 =	vld [tilespmem:s0+$0xF278];
	_ =	sdelay $0x4  }
0x268: {  	[tilespmem:s4+$0xF278] =	vst.add.f32.msk $0xffff, v0  }
0x269: {  	v0 =	vld [tilespmem:s0+$0xF288];
	_ =	sdelay $0x4  }
0x26a: {  	[tilespmem:s4+$0xF288] =	vst.add.f32.msk $0xffff, v0  }
0x26b: {  	v0 =	vld [tilespmem:s0+$0xF298];
	_ =	sdelay $0x4  }
0x26c: {  	[tilespmem:s4+$0xF298] =	vst.add.f32.msk $0xffff, v0  }
0x26d: {  	v0 =	vld [tilespmem:s0+$0xF2A8]  }
.Ltmp38:
0x26e: {  	_ = 	snop;
	(pc) =	sbr.rel .LBB2_48-.Ltmp38, $2  }
0x26f: {  	_ =	sdelay $0x2  }
0x270: {  	[tilespmem:s4+$0xF2A8] =	vst.add.f32.msk $0xffff, v0  }
.LBB2_49:
0x271: {  	p1 =	slt.s32 s2, $0x1  }
.Ltmp39:
0x272: {  	_ = 	snop;
	(pc) =	sbr.rel @p1 .LBB2_53-.Ltmp39, $3  }
0x273: {  	_ =	sdelay $0x1  }
0x274: {  	s0 =	simm.s32 $0x8  }
0x275: {  	s3 =	simm.s32 $0x0;
	[sflag:s0] =	ssyncpa.u1 $0x1  }
0x276: {  	s0 =	simm.s32 $0xF218  }
0x277: {  	v0 =	vld.msk [tilespmem:s0+$0x0], $0x1;
	_ =	sdelay $0x4  }
0x278: {  	(v2sf) =	vpush v0, $0x0;
	_ =	sdelay $0xe  }
0x279: {  	s0 =	sadd.s32 $0xFFFFFFFF, s2;
	s5 =	spop (v2sf)  }
0x27a: {  	p2 =	sne.s32 s0, $0x0;
	p1 =	sgt.u32 s5, $0x13870  }
.Ltmp40:
0x27b: {  	s6 =	sand.u32 @!p1 $0x1FFF8, s5;
	(pc) =	sbr.rel @!p2 .LBB2_52-.Ltmp40, $4  }
0x27c: {  	s4 =	simm.s32 $0xF238;
	s5 =	sand.u32 @!p1 $0x7, s5;
	s2 =	sadd.s32 @!p1 s1, s6  }
0x27d: {  	[hbm4b:s2+s5] =	stream.linear.scatter @!p1 [tilespmem:s4], [sflag:$0x7], $0x80, $0x38;
	[tilespmem:$0x1F6F8] =	vst v63  }
0x27e: {  	s5 =	simm.s32 $0x0  }
0x27f: {  	s2 =	simm.s32 $0xF219;
	s5 =	simm.s32 @!p1 $0x200  }
.LBB2_51:
0x280: {  	v0 =	vld.msk [tilespmem:s2+$0x0], $0x1;
	s0 =	sadd.s32 $0xFFFFFFFF, s0;
	s3 =	sadd.s32 s3, s5  }
0x281: {  	p1 =	sne.s32 s0, $0x0;
	_ =	sdelay $0x3  }
0x282: {  	(v2sf) =	vpush v0, $0x0;
	_ =	sdelay $0xe  }
.Ltmp41:
0x283: {  	s6 =	spop (v2sf);
	(pc) =	sbr.rel @p1 .LBB2_51-.Ltmp41, $4  }
0x284: {  	s5 =	simm.s32 $0x0;
	p2 =	sgt.u32 s6, $0x13870  }
0x285: {  	s4 =	sadd.s32 $0x80, s4;
	s5 =	simm.s32 @!p2 $0x200;
	s7 =	sand.u32 @!p2 $0x1FFF8, s6  }
0x286: {  	s2 =	sadd.s32 $0x1, s2;
	s6 =	sand.u32 @!p2 $0x7, s6;
	s7 =	sadd.s32 @!p2 s1, s7  }
0x287: {  	[hbm4b:s7+s6] =	stream.linear.scatter @!p2 [tilespmem:s4], [sflag:$0x7], $0x80, $0x38;
	[tilespmem:$0x1F6F8] =	vst v63  }
.LBB2_52:
0x288: {  	s0 =	sadd.s32 s3, s5  }
0x289: {  	s3 =	sshrl.u32 s0, $0x2  }
.LBB2_53:
0x28a: {  	s0 =	simm.s32 $0x7  }
0x28b: {  	_ =	swait.ge [sflag:s0], s3  }
0x28c: {  	s1 =	ssub.s32 $0x0, s3;
	[sflag:s0] =	ssyncset.done $0x0  }
0x28d: {  	[sflag:s0] =	ssyncadd.s32 s1  }
0x28e: {  	[sflag:s0] =	ssyncpa.u1 $0x1  }
.LBB2_54:
0x28f: {  	_ =	sfence;
	s0 =	simm.s32 $0x1  }
0x290: {  	[sflag:s0] =	ssyncpa.u1 $0x1  }
0x291: {  	_ =	strace $0x9000005C  }
0x292: {  	[bflag:$0x2] =	sbarrier.arrive $0xFFFF  }
0x293: {  	s0 =	rddreg [dreg:$0x4]  }
0x294: {  	s0 =	sadd.s32 @!p0 $0x100000, s0  }
0x295: {  	[sflag:s0] =	ssyncadd.tile.s32 @!p0 $0x1;
	_ =	shalt  }
.Lfunc_end2:
_tile_overlayer_lowered:
.L_overlay_start_2:
0x296: {  	(tag) =	ssettag $0x2  }
0x297: {  	s0 =	rddreg [dreg:$0x0];
	s2 =	stileid.u32  }
0x298: {  	s1 =	rddreg [dreg:$0x1];
	p0 =	sne.s32 s2, $0x0  }
0x299: {  	s3 =	rddreg [dreg:$0x2];
	[bflag:$0x3] =	sbarrier.arrive $0xFFFF;
	s2 =	simm.s32 @!p0 $0x1C01  }
0x29a: {  	[timem:s3], [sflag:s2] =	dma.local @!p0 [hbm:s0], s1  }
0x29b: {  	s0 =	simm.s32 @!p0 $0x1  }
0x29c: {  	_ =	swait.ge @!p0 [sflag:s0], s1  }
0x29d: {  	s1 =	ssub.s32 @!p0 $0x0, s1;
	[sflag:s0] =	ssyncset.done @!p0 $0x0  }
0x29e: {  	[sflag:s0] =	ssyncadd.s32 @!p0 s1  }
0x29f: {  	[bflag:$0x3] =	sbarrier.arrive $0xFFFF  }
0x2a0: {  	_ =	shalt  }

// kernel: scatter_offload_async_start.3
scs
__scs_entry_jumppad:
0x0: {  	(pc) =	sbr.rel $0x88, $3  }
0x1: {  	(tag) =	ssettag $0x0;
	lr =	simm.s32 $0x1  }
0x2: {  	[smem:$0x3F84] =	sst lr;
	_ =	strace $0xD0000000  }
0x3: {  	_ = 	snop  }
0x4: {  	_ = 	snop  }
0x5: {  	_ = 	snop  }
0x6: {  	_ = 	snop  }
0x7: {  	_ = 	snop  }
__scs_overlays_trampoline_lowered:
0x8: {  	[smem:$0x3F93] =	sst s0  }
0x9: {  	[smem:$0x3F94] =	sst s1  }
0xa: {  	[smem:$0x3F95] =	sst s2  }
0xb: {  	[smem:$0x3F96] =	sst s3  }
0xc: {  	[smem:$0x3F97] =	sst s4  }
0xd: {  	[smem:$0x3F98] =	sst s5  }
0xe: {  	[smem:$0x3F99] =	sst s6  }
0xf: {  	[smem:$0x3F9A] =	sst s7  }
0x10: {  	[smem:$0x3F9B] =	sst s8  }
0x11: {  	[smem:$0x3F9C] =	sst s9;
	s0 =	simm.s32 @!p0 $0x0  }
0x12: {  	s1 =	sld [smem:$0x3F82];
	s0 =	simm.s32 @p0 $0x1  }
0x13: {  	[smem:$0x3F9D] =	sst s0;
	s0 =	simm.s32 @!p1 $0x0  }
0x14: {  	s2 =	sld [smem:$0x3F81];
	s0 =	simm.s32 @p1 $0x1  }
0x15: {  	[smem:$0x3F9E] =	sst s0;
	s0 =	simm.s32 @!p2 $0x0  }
0x16: {  	s3 =	sld [smem:$0x3FDB];
	s0 =	simm.s32 @p2 $0x1  }
0x17: {  	s4 =	simm.s32 $0x1BF5;
	[smem:$0x3FA0] =	sst s0  }
0x18: {  	s0 =	sld [smem:$0x3F83];
	_ =	swait.ge [sflag:s4], $0x0  }
0x19: {  	s7 =	sld [smem:$0x3F84]  }
0x1a: {  	s8 =	sadd.s32 $0xFFFFE003, lr  }
0x1b: {  	s9 =	sadd.s32 $0xFFFFFEF7, lr;
	s5 =	simm.s32 $0xFFFFFFFF;
	p2 =	slt.u32 s8, $0xFFFFF086  }
0x1c: {  	p1 =	slt.u32 s9, $0xF7A;
	s5 =	simm.s32 @!p2 $0x0  }
0x1d: {  	s5 =	simm.s32 @p1 $0x1;
	p0 =	seq.s32 s7, s2  }
0x1e: {  	s7 =	smul.u32 @!p0 $0xF7A, s2;
	p2 =	seq.s32 @!p0 s5, $0x0  }
0x1f: {  	s9 =	smul.u32 $0xF7A, s1;
	s8 =	simm.s32 @!p0 $0x1BF5;
	p2 =	por !p2, p0  }
0x20: {  	[sflag:s8] =	ssyncset.s32 @!p0 $0xFFFFF086;
	s6 =	sadd.s32 @!p0 s3, s7;
	s7 =	simm.s32 @!p0 $0x108  }
0x21: {  	s3 =	sadd.s32 s3, s9;
	s6 =	sadd.s32 @!p0 $0x88, s6;
	s7 =	simm.s32 @p2 $0x1082  }
0x22: {  	[simem:s7], [sflag:s8] =	dma.local @!p0 [hbm:s6], $0xF7A  }
0x23: {  	s9 =	sor.u32 $0xD0000000, s2;
	s6 =	simm.s32 $0x108;
	_ =	swait.ge @!p0 [sflag:s8], $0x0  }
0x24: {  	s3 =	sadd.s32 $0x88, s3;
	s6 =	simm.s32 @!p1 $0x1082;
	[sflag:s4] =	ssyncset.s32 $0xFFFFF086  }
0x25: {  	[simem:s6], [sflag:s4] =	dma.local [hbm:s3], $0xF7A  }
0x26: {  	[smem:$0x3F84] =	sst s1;
	(tag) =	ssettag s2;
	_ =	strace s9  }
0x27: {  	s1 =	sld [smem:$0x3F94]  }
0x28: {  	s2 =	sld [smem:$0x3F95]  }
0x29: {  	s4 =	sld [smem:$0x3F97]  }
0x2a: {  	p0 =	seq.s32 s5, $0x0;
	s5 =	sld [smem:$0x3F98]  }
0x2b: {  	s6 =	sld [smem:$0x3F99]  }
0x2c: {  	s7 =	sld [smem:$0x3F9A]  }
0x2d: {  	s3 =	simm.s32 $0x108;
	s8 =	sld [smem:$0x3F9B]  }
0x2e: {  	s3 =	simm.s32 @!p0 $0x1082;
	s9 =	sld [smem:$0x3F9C]  }
0x2f: {  	lr =	sadd.s32 s0, s3;
	s0 =	sld [smem:$0x3F93]  }
0x30: {  	s3 =	sld [smem:$0x3F96]  }
0x31: {  	[smem:$0x3F9F] =	sst s10  }
0x32: {  	s10 =	sld [smem:$0x3F9D];
	_ =	sdelay $0x3  }
0x33: {  	p0 =	seq.s32 s10, $0x1;
	s10 =	sld [smem:$0x3F9F];
	_ =	sdelay $0x3  }
0x34: {  	[smem:$0x3F9F] =	sst s10  }
0x35: {  	s10 =	sld [smem:$0x3F9E];
	_ =	sdelay $0x3  }
0x36: {  	p1 =	seq.s32 s10, $0x1;
	s10 =	sld [smem:$0x3F9F];
	_ =	sdelay $0x3  }
0x37: {  	[smem:$0x3F9F] =	sst s10  }
0x38: {  	s10 =	sld [smem:$0x3FA0]  }
0x39: {  	_ = 	snop;
	(pc) =	sbr.ind lr, $3  }
0x3a: {  	_ = 	snop  }
0x3b: {  	_ = 	snop  }
0x3c: {  	p2 =	seq.s32 s10, $0x1;
	s10 =	sld [smem:$0x3F9F]  }
0x3d: {  	_ =	shalt  }
0x3e: {  	_ =	shalt  }
0x3f: {  	_ =	shalt  }
0x40: {  	_ =	shalt  }
0x41: {  	_ =	shalt  }
0x42: {  	_ =	shalt  }
0x43: {  	_ =	shalt  }
0x44: {  	_ =	shalt  }
0x45: {  	_ =	shalt  }
0x46: {  	_ =	shalt  }
0x47: {  	_ =	shalt  }
0x48: {  	_ =	shalt  }
0x49: {  	_ =	shalt  }
0x4a: {  	_ =	shalt  }
0x4b: {  	_ =	shalt  }
0x4c: {  	_ =	shalt  }
0x4d: {  	_ =	shalt  }
0x4e: {  	_ =	shalt  }
0x4f: {  	_ =	shalt  }
0x50: {  	_ =	shalt  }
0x51: {  	_ =	shalt  }
0x52: {  	_ =	shalt  }
0x53: {  	_ =	shalt  }
0x54: {  	_ =	shalt  }
0x55: {  	_ =	shalt  }
0x56: {  	_ =	shalt  }
0x57: {  	_ =	shalt  }
0x58: {  	_ =	shalt  }
0x59: {  	_ =	shalt  }
0x5a: {  	_ =	shalt  }
0x5b: {  	_ =	shalt  }
0x5c: {  	_ =	shalt  }
0x5d: {  	_ =	shalt  }
0x5e: {  	_ =	shalt  }
0x5f: {  	_ =	shalt  }
0x60: {  	_ =	shalt  }
0x61: {  	_ =	shalt  }
0x62: {  	_ =	shalt  }
0x63: {  	_ =	shalt  }
0x64: {  	_ =	shalt  }
0x65: {  	_ =	shalt  }
0x66: {  	_ =	shalt  }
0x67: {  	_ =	shalt  }
0x68: {  	_ =	shalt  }
0x69: {  	_ =	shalt  }
0x6a: {  	_ =	shalt  }
0x6b: {  	_ =	shalt  }
0x6c: {  	_ =	shalt  }
0x6d: {  	_ =	shalt  }
0x6e: {  	_ =	shalt  }
0x6f: {  	_ =	shalt  }
0x70: {  	_ =	shalt  }
0x71: {  	_ =	shalt  }
0x72: {  	_ =	shalt  }
0x73: {  	_ =	shalt  }
0x74: {  	_ =	shalt  }
0x75: {  	_ =	shalt  }
0x76: {  	_ =	shalt  }
0x77: {  	_ =	shalt  }
0x78: {  	_ =	shalt  }
0x79: {  	_ =	shalt  }
0x7a: {  	_ =	shalt  }
0x7b: {  	_ =	shalt  }
0x7c: {  	_ =	shalt  }
0x7d: {  	_ =	shalt  }
0x7e: {  	_ =	shalt  }
0x7f: {  	_ =	shalt  }
0x80: {  	_ =	shalt  }
0x81: {  	_ =	shalt  }
0x82: {  	_ =	shalt  }
0x83: {  	_ =	shalt  }
0x84: {  	_ =	shalt  }
0x85: {  	_ =	shalt  }
0x86: {  	_ =	shalt  }
0x87: {  	_ =	shalt  }
.Lfunc_end0:
.L_simem_size_0:
called_computation.3_lowered:
.L_overlay_start_0:
0x88: {  	s0 =	sld [smem:$0x3FD9]  }
0x89: {  	s1 =	sld [smem:$0x3FFE];
	_ =	sdelay $0x3  }
0x8a: {  	s0 =	sadd.s32 s1, s0  }
0x8b: {  	[smem:$0x3FAB] =	sst s0  }
0x8c: {  	_ = 	snop  }
0x8d: {  	(tm) =	ssettm $0x1  }
0x8e: {  	s15 =	sld [smem:$0x3FFB];
	_ =	sdelay $0x3  }
0x8f: {  	_ =	strace s15  }
0x90: {  	s0 =	sld [smem:$0x3FFC];
	_ =	sdelay $0x3  }
0x91: {  	_ =	strace s0  }
0x92: {  	s0 =	sld [smem:$0x3FFD];
	_ =	sdelay $0x3  }
0x93: {  	_ =	strace s0  }
0x94: {  	_ =	strace $0x8FFFFFFF  }
0x95: {  	s16 =	sld [smem:$0x3FDB];
	_ =	sdelay $0x1  }
0x96: {  	s17 =	simm.s32 $_scs_section_size  }
0x97: {  	s2 =	simm.s32 $_size__tile_overlayer_lowered;
	s3 =	simm.s32 $_tile_overlayer_lowered  }
0x98: {  	s20 =	simm.s32 $0x1BFF;
	s19 =	sshll.u32 s3, $0x1;
	s0 =	sadd.s32 s17, s16  }
0x99: {  	s4 =	simm.s32 $0x0;
	s18 =	sshll.u32 s2, $0x1;
	s2 =	sadd.s32 s19, s0  }
0x9a: {  	[timem:s4], [sflag:s20] =	dma.local [hbm:s2], s18  }
0x9b: {  	_ =	swait.ge [sflag:s20], s18  }
0x9c: {  	s1 =	ssub.s32 $0x0, s18;
	[sflag:s20] =	ssyncset.done $0x0  }
0x9d: {  	[sflag:s20] =	ssyncadd.s32 s1;
	_ =	sdelay $0x1  }
0x9e: {  	s21 =	simm.s32 $0x1B8B  }
0x9f: {  	_ =	swait.ge [sflag:s21], $0x1  }
0xa0: {  	[sflag:s21] =	ssyncset.done $0x0  }
0xa1: {  	s23 =	simm.s32 $0x1B8E;
	s22 =	sld [smem:$0x3FFE];
	[sflag:s21] =	ssyncadd.s32 $0xFFFFFFFF  }
0xa2: {  	s24 =	simm.s32 $execute0_lowered;
	[smem:$0x3FD2] =	sst s23  }
0xa3: {  	s2 =	sshll.u32 s24, $0x1;
	_ =	strace $0x80000058;
	[dreg:$0x1] =	wrdreg $0xFFFFFFFF  }
0xa4: {  	s25 =	simm.s32 $_size_execute0_lowered;
	s0 =	sadd.s32 s0, s2;
	[dreg:$0x0] =	wrdreg $0x0  }
0xa5: {  	s2 =	sshll.u32 s25, $0x1;
	[dreg:$0x2] =	wrdreg s0  }
0xa6: {  	[dreg:$0x3] =	wrdreg s2  }
0xa7: {  	[dreg:$0x4] =	wrdreg $0xC0  }
0xa8: {  	_ =	task [dreg:s4], $0x5FFFF  }
0xa9: {  	[dreg:$0x1] =	wrdreg $0xFFFFFFFF  }
0xaa: {  	[dreg:$0x0] =	wrdreg $0x60  }
0xab: {  	[dreg:$0x2] =	wrdreg s22  }
0xac: {  	[dreg:$0x3] =	wrdreg $0xA  }
0xad: {  	_ =	task.clear_ibuf [dreg:s4], $0x4FFFF;
	_ =	strace $0x90000058  }
0xae: {  	s26 =	simm.s32 $0xA;
	_ =	strace $0x8000005A  }
0xaf: {  	_ =	swait.ge [sflag:s26], $0x1  }
0xb0: {  	[sflag:s26] =	ssyncadd.s32 $0xFFFFFFFF  }
0xb1: {  	_ =	strace $0x9000005A  }
0xb2: {  	_ =	sfence  }
0xb3: {  	s28 =	sld [smem:$0x0];
	_ =	sdelay $0x1  }
0xb4: {  	s29 =	srdreg.scid  }
0xb5: {  	s30 =	sshll.u32 s29, $0xD;
	s31 =	sshrl.u32 s29, $0x2  }
0xb6: {  	s1 =	sand.u32 $0x1, s29;
	s2 =	sand.u32 $0x4000, s30;
	s0 =	sadd.s32 s31, s28  }
0xb7: {  	s1 =	sor.u32 s2, s1;
	s0 =	sshll.u32 s0, $0x11  }
0xb8: {  	s0 =	sor.u32 s0, s1  }
0xb9: {  	s0 =	sadd.s32 $0x8F2B, s0  }
0xba: {  	[sflag:s0] =	ssyncadd.remote.s32 $0x1  }
0xbb: {  	_ =	sfence.sel $0xFFFF  }
0xbc: {  	[dreg:$0x0] =	wrdreg $0xFFFFFFFF;
	(pc) =	sbr.abs _section_cstart, $3  }
0xbd: {  	[dreg:$0x1] =	wrdreg $0xFFFFFFFF  }
0xbe: {  	_ =	task.clear_ibuf [dreg:s4], $0x2FFFF;
	_ =	strace $0x9FFFFFFF  }
0xbf: {  	(tm) =	ssettm $0x7FFFFFFF  }
tec
execute0_lowered:
.L_overlay_start_1:
0x0: {  	(tag) =	ssettag $0x1  }
0x1: {  	s3 =	rddreg [dreg:$0x0];
	_ =	strace $0x80000059;
	s15 =	stileid.u32  }
0x2: {  	s0 =	simm.s32 $0x1;
	s1 =	smin.u32 s15, $0x8;
	s4 =	sshll.u32 s15, $0x1  }
0x3: {  	v1 =	vimm.s32 $0xFFFFFFFF;
	[sflag:s0] =	ssyncpa.u1 $0x0;
	s1 =	sadd.s32 s1, s4  }
0x4: {  	p0 =	slt.u32 s15, $0x8;
	[tilespmem:$0x10] =	vst v1;
	s5 =	smul.u32 $0x1F40, s1;
	s1 =	simm.s32 $0x5DC0  }
0x5: {  	v0 =	vimm.f32 $0.0e+00;
	[tilespmem:$0x20] =	vst v1;
	s1 =	simm.s32 @!p0 $0x3E80  }
0x6: {  	[tilespmem:$0x30] =	vst v0;
	s1 =	sadd.s32 s1, s5  }
0x7: {  	[tilespmem:$0x40] =	vst v0;
	s6 =	smin.u32 s1, $0x4E200  }
0x8: {  	s7 =	simm.s32 $0x2;
	[tilespmem:$0x50] =	vst v0;
	s2 =	ssub.s32 s6, s5  }
0x9: {  	s8 =	simm.s32 $0x8;
	s31 =	simm.s32 $0x9;
	[tilespmem:$0x60] =	vst v1;
	p0 =	sgt.s32 s2, $0x0  }
0xa: {  	s16 =	simm.s32 $0x0;
	s17 =	simm.s32 $0xF0;
	[tilespmem:$0x70] =	vst v1;
	s2 =	simm.s32 @!p0 $0x0  }
0xb: {  	s18 =	simm.s32 $0xFFFFFFFF;
	s19 =	simm.s32 $0xFFFFC280;
	[tilespmem:$0x80] =	vst v1;
	s30 =	smulhi.u32 $0x10624DD3, s2  }
0xc: {  	s20 =	simm.s32 $0xFFFFFFFE;
	s21 =	simm.s32 $0xF;
	s25 =	simm.s32 $0x0;
	v1 =	vimm.s32 $0x0;
	[tilespmem:$0xB0] =	vst v0  }
0xd: {  	s24 =	simm.s32 $0x0;
	s15 =	sshllo.u32 s15, $0x1;
	[tilespmem:$0x90] =	vst v1;
	s10 =	sshrl.u32 s30, $0x9  }
0xe: {  	[tilespmem:$0xA0] =	vst v1;
	[sflag:s7] =	ssyncpa.u1 $0x0;
	s7 =	simm.s32 $0x7;
	s9 =	smul.u32 $0x1F40, s10  }
.Ltmp0:
0xf: {  	s13 =	sor.u32 $0x80, s4;
	[sflag:s7] =	ssyncpa.u1 $0x0;
	(pc) =	sbr.rel .LBB2_1-.Ltmp0, $4  }
0x10: {  	s14 =	sor.u32 $0x81, s4;
	[sflag:s8] =	ssyncpa.u1 $0x0;
	p0 =	sne.s32 s2, s9  }
0x11: {  	s23 =	smov.u32 s5;
	s1 =	sadd.s32 $0x4F000, s3;
	s0 =	simm.s32 @!p0 $0x0  }
0x12: {  	vm0 =	vmmov $0xffff;
	v2 =	vlaneseq.u32;
	[sflag:s31] =	ssyncpa.u1 $0x0;
	s9 =	sadd.s32 $0x9E00, s3;
	s10 =	sadd.s32 s0, s10  }
0x13: {  	vm1 =	vmxor vm1, vm1;
	vm2 =	vmmov $0x1;
	vm3 =	vcmask $0x3F3C;
	p0 =	por $0x0, $0x0;
	s11 =	sadd.s32 $0x1, s10;
	s12 =	sadd.s32 $0x2, s10  }
.LBB2_9:
0x14: {  	p1 =	slt.u32 s24, $0x3  }
0x15: {  	s0 =	simm.s32 @!p1 $0x2  }
0x16: {  	_ =	swait.ge @!p1 [sflag:s0], $0x1F40  }
0x17: {  	[sflag:s0] =	ssyncset.done @!p1 $0x0  }
0x18: {  	[sflag:s0] =	ssyncadd.s32 @!p1 $0xFFFFE0C0;
	s0 =	simm.s32 @!p1 $0x9  }
0x19: {  	_ =	swait.ge @!p1 [sflag:s0], $0x10  }
0x1a: {  	[sflag:s0] =	ssyncset.done @!p1 $0x0  }
0x1b: {  	[sflag:s0] =	ssyncadd.s32 @!p1 $0xFFFFFFF0;
	p1 =	sne.s32 s24, s12  }
.Ltmp1:
0x1c: {  	s2 =	sadd.s32 $0x1F40, s23;
	(pc) =	sbr.rel @!p1 .LBB2_10-.Ltmp1, $4  }
0x1d: {  	s22 =	smov.u32 s5;
	s31 =	sadd.s32 $0x1, s24;
	s17 =	sadd.s32 $0x1F40, s17  }
0x1e: {  	s18 =	sadd.s32 $0x1, s18;
	s25 =	smov.u32 s23;
	p2 =	slt.s32 s2, s6  }
0x1f: {  	p0 =	por !p0, !p0;
	s19 =	sadd.s32 $0x1F40, s19;
	s22 =	smov.u32 @p2 s2  }
0x20: {  	s20 =	sadd.s32 $0x1, s20;
	s23 =	smov.u32 s22;
	s24 =	smov.u32 s31  }
.LBB2_1:
0x21: {  	p1 =	sge.u32 s24, s10  }
0x22: {  	s0 =	smulhi.u32 @!p1 $0xAAAAAAAB, s24;
	_ =	sdelay $0x1  }
0x23: {  	s0 =	sshrl.u32 @!p1 s0, $0x1  }
0x24: {  	s0 =	smul.u32 @!p1 $0x3, s0;
	_ =	sdelay $0x1  }
0x25: {  	s0 =	ssub.s32 @!p1 s24, s0  }
0x26: {  	s0 =	smul.u32 @!p1 $0x7D00, s0;
	_ =	sdelay $0x1  }
0x27: {  	s2 =	sshrl.u32 @!p1 s23, $0x3;
	s0 =	sshrl.u32 @!p1 s0, $0x2  }
0x28: {  	s22 =	sand.u32 @!p1 $0x7, s23;
	s2 =	sadd.s32 @!p1 s3, s2;
	s0 =	sadd.s32 @!p1 $0x100, s0  }
0x29: {  	[tilespmem:s0], [sflag:$0x7] =	stream.linear.gather @!p1 [hbm4b:s2+s22], $0x1F40, $0x38;
	[tilespmem:$0x11A60] =	vst v63  }
0x2a: {  	s0 =	sadd.s32 $0xFFFFFFFF, s24  }
0x2b: {  	p1 =	sge.u32 s0, s10  }
.Ltmp2:
0x2c: {  	_ = 	snop;
	(pc) =	sbr.rel @p1 .LBB2_5-.Ltmp2, $1  }
0x2d: {  	_ =	sdelay $0x3  }
0x2e: {  	s2 =	smulhi.u32 $0xAAAAAAAB, s0;
	_ =	sdelay $0x1  }
0x2f: {  	s2 =	sshrl.u32 s2, $0x1  }
0x30: {  	s2 =	smul.u32 $0x3, s2;
	_ =	sdelay $0x1  }
0x31: {  	s2 =	ssub.s32 s0, s2  }
0x32: {  	s2 =	smul.u32 $0x7D00, s2  }
0x33: {  	_ =	swait.ge [sflag:s7], $0x1F40  }
0x34: {  	[sflag:s7] =	ssyncset.done $0x0;
	s2 =	sshrl.u32 s2, $0x2  }
0x35: {  	[sflag:s7] =	ssyncadd.s32 $0xFFFFE0C0;
	(ifvalue) =	ssetifvalue $0xFFFFFFFF;
	v3 =	vld.msk [tilespmem:s2+$0x100 ss:$0x1], $0xffff;
	_ =	sdelay $0x2  }
0x36: {  	s30 =	smulhi.u32 $0xAAAAAAAB, s18;
	p1 =	sne.s32 s24, $0x1  }
0x37: {  	v4 =	vimm.s32 @!p1 $0x0  }
0x38: {  	s2 =	sshrl.u32 s30, $0x1;
	v4 =	vperm.xlane @!p1 v3, v4  }
0x39: {  	s22 =	sshll.u32 s24, $0x4;
	s2 =	smul.u32 $0xFFFE8900, s2;
	vm4 =	vlt.u32 v3, $0x1400  }
0x3a: {  	s22 =	sand.u32 $0x10, s22;
	v3 =	vnsel vm4, $0xFFFFFFFE, v3;
	vm4 =	vlt.u32 @!p1 v4, $0x1400  }
0x3b: {  	s2 =	sshra.s32 s2, $0x2;
	[tilespmem:s22+$0x60] =	vst v3;
	v3 =	vnsel @!p1 vm4, $0xFFFFFFFE, v4  }
0x3c: {  	s28 =	sadd.s32 s2, s17;
	[tilespmem:$0x80] =	vst @!p1 v3  }
0x3d: {  	v3 =	vld.msk [tilespmem:s28+$0x0 ss:$0x1], $0xffff;
	_ =	sdelay $0x4  }
0x3e: {  	(xrf1) =	vunique.msk.u32 $0xffff, v3;
	_ =	sdelay $0xd  }
0x3f: {  	v4 =	vimm.s32 $0xFFFFFFFF;
	v5, _, _ =	vpop (xrf1)  }
0x40: {  	vm5 =	vne.s32 v3, v4;
	vm4 =	veq.s32 v5, v2  }
0x41: {  	vm6 =	vlt.u32 v3, $0x1400;
	vm4 =	vmand vm5, vm4  }
0x42: {  	vm4 =	vmand vm6, vm4  }
0x43: {  	v4 =	vnsel vm4, $0xFFFFFFFF, v3  }
0x44: {  	s31 =	sand.u32 $0x1, s0  }
0x45: {  	s0 =	simm.s32 $0x1F40;
	p1 =	seq.s32 s31, $0x1  }
0x46: {  	s0 =	simm.s32 @!p1 $0x0  }
0x47: {  	s26 =	sadd.s32 $0x7DF0, s0;
	(ifvalue) =	ssetifvalue $0xFFFFFFFF  }
0x48: {  	v3 =	vperm.xlane v3, v1;
	[tilespmem:s26], [sflag:$0x8] =	stream.indirect_vreg.gather [hbm4b:s1+s16], $0x1, v4, vm0, $0x4038;
	v4 =	vnsel vm6, $0xFFFFFFFE, v4;
	[tilespmem:$0x11A60] =	vst v63  }
0x49: {  	s2 =	simm.s32 $0x0;
	s22 =	sadd.s32 $0xFFFFFFF0, s28;
	[tilespmem:s28+$0x0] =	vst v4  }
.LBB2_3:
0x4a: {  	v4 =	vld.msk [tilespmem:s22+$0x0 ss:$0x1], $0xffff;
	s2 =	sadd.s32 $0x10, s2;
	v5 =	vmov v3;
	s28 =	smov.u32 s22  }
0x4b: {  	p1 =	slt.u32 s2, $0x1F30;
	_ =	sdelay $0x4  }
0x4c: {  	v3 =	vperm.xlane v4, v1;
	(xrf1) =	vunique.msk.u32 $0xffff, v4;
	_ =	sdelay $0xd  }
0x4d: {  	v6, _, _ =	vpop (xrf1)  }
0x4e: {  	vm5 =	vne.s32 v4, v5;
	vm4 =	veq.s32 v6, v2  }
0x4f: {  	vm6 =	vlt.u32 v4, $0x1400;
	vm4 =	vmand vm5, vm4  }
0x50: {  	vm4 =	vmand vm6, vm4  }
0x51: {  	v4 =	vnsel vm4, $0xFFFFFFFF, v4  }
.Ltmp3:
0x52: {  	v5 =	vnsel vm6, $0xFFFFFFFE, v4;
	(pc) =	sbr.rel @p1 .LBB2_3-.Ltmp3, $3  }
0x53: {  	_ =	sdelay $0x1  }
0x54: {  	s22 =	sadd.s32 $0xFFFFFFF0, s22;
	s26 =	sadd.s32 $0xFFFFFFF0, s26;
	(ifvalue) =	ssetifvalue $0xFFFFFFFF  }
0x55: {  	[tilespmem:s26], [sflag:$0x8] =	stream.indirect_vreg.gather [hbm4b:s1+s16], $0x1, v4, vm0, $0x4038;
	[tilespmem:s28+$0x0] =	vst v5  }
0x56: {  	s2 =	sshrl.u32 s25, $0x3  }
0x57: {  	s0 =	sadd.s32 $0x9D40, s0;
	s2 =	sadd.s32 s9, s2  }
0x58: {  	[tilespmem:s0], [sflag:$0x8] =	stream.linear.gather [hbm:s2], $0x1F40, $0x38;
	[tilespmem:$0x11A60] =	vst v63  }
.LBB2_5:
0x59: {  	p1 =	slt.u32 s24, $0x2  }
0x5a: {  	p2 =	sge.u32 @!p1 s24, s12  }
0x5b: {  	p1 =	por p1, p2  }
.Ltmp4:
0x5c: {  	_ = 	snop;
	(pc) =	sbr.rel @p1 .LBB2_9-.Ltmp4, $1  }
0x5d: {  	_ =	sdelay $0x3  }
0x5e: {  	s0 =	sadd.s32 $0xFFFFFFFE, s24  }
0x5f: {  	s2 =	smulhi.u32 $0xAAAAAAAB, s0;
	_ =	sdelay $0x1  }
0x60: {  	s2 =	sshrl.u32 s2, $0x1  }
0x61: {  	s2 =	smul.u32 $0x3, s2;
	_ =	sdelay $0x1  }
0x62: {  	s0 =	ssub.s32 s0, s2  }
0x63: {  	_ =	swait.ge [sflag:s8], $0x3E80;
	s0 =	smul.u32 $0x1F40, s0  }
0x64: {  	p1 =	sne.s32 s24, s11;
	[sflag:s8] =	ssyncset.done $0x0  }
0x65: {  	[sflag:s8] =	ssyncadd.s32 $0xFFFFC180;
	s2 =	sadd.s32 @!p1 $0x203F, s0  }
0x66: {  	[spmem:s14] =	stream.linear.scatter @!p1 [tilespmem:s2], [sflag:$0x1], $0x1, $0x38;
	[tilespmem:$0x11A60] =	vst v63  }
0x67: {  	s2 =	simm.s32 @!p1 $0x1  }
0x68: {  	_ =	swait.ge @!p1 [sflag:s2], $0x1  }
0x69: {  	s22 =	sshll.u32 s24, $0x4;
	[sflag:s2] =	ssyncset.done @!p1 $0x0  }
0x6a: {  	s25 =	sand.u32 $0x10, s22;
	[sflag:s2] =	ssyncadd.s32 @!p1 $0xFFFFFFFF  }
0x6b: {  	s2 =	sxor.u32 $0x10, s25;
	v4 =	vld [tilespmem:s25+$0x10]  }
0x6c: {  	v5 =	vld [tilespmem:s2+$0x60]  }
0x6d: {  	v3 =	vld [tilespmem:$0x80];
	_ =	sdelay $0x2  }
0x6e: {  	(v2sf) =	vpush v4, $0x0  }
0x6f: {  	(v2sf) =	vpush v5, $0x0  }
0x70: {  	(v2sf) =	vpush v3, $0x0;
	_ =	sdelay $0xc  }
0x71: {  	s22 =	spop (v2sf)  }
0x72: {  	s26 =	spop (v2sf)  }
0x73: {  	s28 =	spop (v2sf)  }
0x74: {  	p2 =	seq.s32 s22, s26;
	p3 =	seq.s32 s28, s22  }
0x75: {  	p3 =	por p2, p3  }
0x76: {  	s26 =	sand.u32 $0x1, s24;
	v4 =	vpsel p3, $0xFFFFFFFF, v4  }
0x77: {  	s29 =	smul.u32 $0x1F40, s26;
	[tilespmem:s25+$0x10] =	vst.msk $0x1, v4  }
0x78: {  	v4 =	vld [tilespmem:$0x30]  }
0x79: {  	v5 =	vld [tilespmem:s29+$0x9D40]  }
0x7a: {  	v6 =	vld [tilespmem:s25+$0x40];
	_ =	sdelay $0x3  }
0x7b: {  	vm4 =	vmmov vm1;
	v5 =	vadd.f32 v5, v4  }
0x7c: {  	vm5 =	vmmov vm2;
	vm4 =	vmmov @p2 vm2;
	s22 =	sshll.u32 s26, $0x4;
	v4 =	vadd.f32 v6, v4  }
0x7d: {  	s26 =	sor.u32 $0x11A40, s22;
	vm5 =	vmmov @p3 vm1;
	[tilespmem:s29+$0x9D40] =	vst.msk vm4, v5  }
0x7e: {  	[tilespmem:s26+$0x0] =	vst.msk vm5, v4  }
0x7f: {  	v4 =	vld [tilespmem:s29+$0x7DF0];
	_ =	sdelay $0x3  }
0x80: {  	v5 =	vimm.f32 $0.0e+00  }
0x81: {  	v4 =	vshift.insert v4, v5, s21  }
0x82: {  	s22 =	sor.u32 $0x40, s2  }
0x83: {  	[tilespmem:s22+$0x0] =	vst.msk $0x1, v4  }
0x84: {  	[tilespmem:s29+$0x7DFF] =	vst.msk $0x1, v5  }
0x85: {  	v4 =	vld [tilespmem:s0+$0x2030];
	_ =	sdelay $0x1  }
0x86: {  	s22 =	smulhi.u32 $0xAAAAAAAB, s20;
	s0 =	simm.s32 $0x1  }
0x87: {  	s0 =	simm.s32 @!p0 $0x0  }
0x88: {  	s22 =	sshrl.u32 s22, $0x1;
	s0 =	smul.u32 $0x7D00, s0  }
0x89: {  	s22 =	smul.u32 $0xFFFE8900, s22;
	v4 =	vshift.insert v4, v1, s21  }
0x8a: {  	s0 =	sshrl.u32 s0, $0x2  }
0x8b: {  	s22 =	sshra.s32 s22, $0x2;
	s30 =	sadd.s32 $0x9D40, s0;
	[tilespmem:s2+$0x10] =	vst.msk $0x1, v4  }
0x8c: {  	s22 =	sadd.s32 s22, s19;
	v6 =	vld [tilespmem:s30+$0x0]  }
0x8d: {  	v7 =	vld [tilespmem:s22+$0x0];
	_ =	sdelay $0x3  }
0x8e: {  	v5 =	vadd.f32 v6, v5  }
0x8f: {  	vm4 =	vne.s32 v7, $0xFFFFFFFF  }
0x90: {  	(xrf2) =	vadd.seg.scan.f32 vm4, v5;
	_ =	sdelay $0x3  }
0x91: {  	s31 =	sadd.s32 $0x5EC0, s0;
	v5 =	vperm.xlane v4, v1  }
0x92: {  	v6 =	vld [tilespmem:s31+$0x0]  }
0x93: {  	vm5 =	veq.s32 v7, v3;
	vm6 =	veq.s32 v7, v5  }
0x94: {  	vm7 =	vgt.u32 v7, $0xFFFFFFFD;
	vm6 =	vmor vm6, vm5  }
0x95: {  	vm6 =	vmor vm6, vm7  }
0x96: {  	v9 =	vld [tilespmem:$0xA0];
	v7 =	vsel vm6, $0xFFFFFFFF, v7  }
0x97: {  	v10 =	vld [tilespmem:$0x90];
	v6 =	vsel vm5, $0x0, v6;
	v8, _, _ =	vpop (xrf2)  }
0x98: {  	v6 =	vadd.f32 v8, v6  }
0x99: {  	s0 =	sadd.s32 $0xDBC0, s0  }
0x9a: {  	vm4 =	vmand vm4, vm3;
	[tilespmem:s0+$0x0] =	vst v6;
	(ifvalue) =	ssetifvalue $0xFFFFFFFF  }
0x9b: {  	vm6 =	veq.s32 v9, $0x1;
	[hbm4b:s1+s16] =	stream.indirect_vreg.scatter [tilespmem:s0], [sflag:$0x2], $0x1, v7, vm0, $0x4038;
	v7 =	vsel vm4, $0x0, v8;
	[tilespmem:$0x11A60] =	vst v63  }
0x9c: {  	s2 =	simm.s32 $0x0;
	s22 =	sadd.s32 $0x10, s22;
	vm4 =	vmor vm6, vm5;
	v6 =	vsel vm5, v8, v10;
	v7 =	vshift.insert v7, v0, s21  }
.LBB2_7:
0x9d: {  	v8 =	vld [tilespmem:s22+$0x0];
	s30 =	sadd.s32 $0x10, s30  }
0x9e: {  	s31 =	sadd.s32 $0x10, s31;
	v9 =	vld [tilespmem:s30+$0x0]  }
0x9f: {  	s2 =	sadd.s32 $0x10, s2;
	v10 =	vld [tilespmem:s31+$0x0]  }
0xa0: {  	p2 =	slt.u32 s2, $0x1F30;
	_ =	sdelay $0x2  }
0xa1: {  	v7 =	vadd.f32 v9, v7  }
0xa2: {  	vm5 =	vne.s32 v8, $0xFFFFFFFF  }
0xa3: {  	vm6 =	vmand vm5, vm3;
	(xrf2) =	vadd.seg.scan.f32 vm5, v7;
	_ =	sdelay $0x5  }
0xa4: {  	vm7 =	veq.s32 v8, v5;
	vm5 =	veq.s32 v8, v3  }
0xa5: {  	vm8 =	vgt.u32 v8, $0xFFFFFFFD;
	vm4 =	vmor vm4, vm5;
	vm7 =	vmor vm7, vm5  }
0xa6: {  	vm7 =	vmor vm7, vm8  }
0xa7: {  	v8 =	vsel vm7, $0xFFFFFFFF, v8  }
.Ltmp5:
0xa8: {  	v7 =	vsel vm5, $0x0, v10;
	v9, _, _ =	vpop (xrf2);
	(pc) =	sbr.rel @p2 .LBB2_7-.Ltmp5, $4  }
0xa9: {  	v6 =	vsel vm5, v9, v6;
	v10 =	vadd.f32 v9, v7;
	v7 =	vsel vm6, $0x0, v9  }
0xaa: {  	s0 =	sadd.s32 $0x10, s0;
	v7 =	vshift.insert v7, v0, s21  }
0xab: {  	s22 =	sadd.s32 $0x10, s22;
	[tilespmem:s0+$0x0] =	vst v10;
	(ifvalue) =	ssetifvalue $0xFFFFFFFF  }
0xac: {  	[hbm4b:s1+s16] =	stream.indirect_vreg.scatter [tilespmem:s0], [sflag:$0x2], $0x1, v8, vm0, $0x4038;
	[tilespmem:$0x11A60] =	vst v63  }
0xad: {  	v3 =	vld [tilespmem:s29+$0xFAF0];
	_ =	sdelay $0x4  }
0xae: {  	v3 =	vshift.insert v3, v0, s21  }
0xaf: {  	s0 =	simm.s32 $0x30  }
0xb0: {  	[tilespmem:s0+$0x0] =	vst.msk $0x1, v3  }
0xb1: {  	v3 =	vsel vm4, $0x1, v1;
	[tilespmem:$0x90] =	vst v6  }
0xb2: {  	s0 =	sadd.s32 @!p1 $0xFAFF, s29;
	[tilespmem:$0xA0] =	vst v3  }
0xb3: {  	[spmem:s15] =	stream.linear.scatter @!p1 [tilespmem:s0], [sflag:$0x1], $0x1, $0x38;
	[tilespmem:$0x11A60] =	vst v63  }
0xb4: {  	s0 =	simm.s32 @!p1 $0x1  }
0xb5: {  	v3 =	vmctz.xlane @!p1 vm4;
	_ =	swait.ge @!p1 [sflag:s0], $0x1  }
0xb6: {  	(v2sf) =	vpush @!p1 v4, $0x0  }
0xb7: {  	(v2sf) =	vpush @!p1 v3, $0x0;
	_ =	sdelay $0xd  }
0xb8: {  	s2 =	spop @!p1 (v2sf)  }
0xb9: {  	s22 =	spop @!p1 (v2sf)  }
0xba: {  	p2 =	sne.s32 @!p1 s28, s2;
	p3 =	slt.s32 @!p1 s22, $0xF  }
0xbb: {  	[sflag:s0] =	ssyncset.done @!p1 $0x0;
	p2 =	por p2, p1;
	p3 =	por !p3, p1  }
0xbc: {  	[sflag:s0] =	ssyncadd.s32 @!p1 $0xFFFFFFFF;
	v3 =	vimm.s32 @!p2 $0xFFFFFFFF;
	s22 =	simm.s32 @p3 $0xF  }
0xbd: {  	[tilespmem:$0x80] =	vst @!p2 v3;
	s2 =	sadd.s32 @!p1 $0x90, s22  }
0xbe: {  	[spmem:s4] =	stream.linear.scatter @!p1 [tilespmem:s2], [sflag:$0x1], $0x1, $0x38;
	[tilespmem:$0x11A60] =	vst v63  }
0xbf: {  	_ =	swait.ge @!p1 [sflag:s0], $0x1  }
0xc0: {  	[sflag:s0] =	ssyncset.done @!p1 $0x0  }
0xc1: {  	s2 =	simm.s32 @!p1 $0x80;
	[sflag:s0] =	ssyncadd.s32 @!p1 $0xFFFFFFFF  }
0xc2: {  	[spmem:s13] =	stream.linear.scatter @!p1 [tilespmem:s2], [sflag:$0x1], $0x1, $0x38;
	[tilespmem:$0x11A60] =	vst v63  }
0xc3: {  	_ =	swait.ge @!p1 [sflag:s0], $0x1  }
0xc4: {  	[sflag:s0] =	ssyncset.done @!p1 $0x0  }
0xc5: {  	[sflag:s0] =	ssyncadd.s32 @!p1 $0xFFFFFFFF;
	(ifvalue) =	ssetifvalue $0xFFFFFFFF;
	v3 =	vld [tilespmem:s25+$0x10];
	_ =	sdelay $0x3  }
.Ltmp6:
0xc6: {  	_ = 	snop;
	(pc) =	sbr.rel .LBB2_9-.Ltmp6, $3  }
0xc7: {  	_ =	sdelay $0x1  }
0xc8: {  	(ifvalue) =	ssetifvalue $0xFFFFFFFF  }
0xc9: {  	[hbm4b:s1+s16] =	stream.indirect_vreg.scatter [tilespmem:s26], [sflag:$0x9], $0x1, v3, vm0, $0x4038;
	[tilespmem:$0x11A60] =	vst v63  }
.LBB2_10:
0xca: {  	_ =	sfence.sel $0x180000  }
0xcb: {  	s0 =	simm.s32 $0x7;
	[bflag:$0x0] =	sbarrier.arrive $0xFFFF  }
0xcc: {  	s26 =	simm.s32 $0x8;
	[sflag:s0] =	ssyncpa.u1 $0x1  }
0xcd: {  	s28 =	simm.s32 $0x9;
	[sflag:s26] =	ssyncpa.u1 $0x1  }
0xce: {  	[sflag:s28] =	ssyncpa.u1 $0x1  }
0xcf: {  	_ =	sfence.stream.spmem  }
0xd0: {  	s29 =	simm.s32 $0x3;
	[bflag:$0x0] =	sbarrier.arrive $0xFFFF  }
0xd1: {  	s30 =	simm.s32 $0x4;
	[sflag:s29] =	ssyncpa.u1 $0x1  }
0xd2: {  	s31 =	simm.s32 $0x3C;
	s2 =	stileid.u32;
	[sflag:s30] =	ssyncpa.u1 $0x1  }
0xd3: {  	p0 =	sne.s32 s2, $0x0;
	[sflag:s31] =	ssyncpa.u1 $0x1  }
0xd4: {  	s0 =	simm.s32 @p0 $0x1;
	_ =	sfence @p0  }
0xd5: {  	[sflag:s0] =	ssyncpa.u1 @p0 $0x1;
	s0 =	simm.s32 @p0 $0x2  }
0xd6: {  	[sflag:s0] =	ssyncpa.u1 @p0 $0x1  }
0xd7: {  	_ =	strace @p0 $0x90000059  }
0xd8: {  	[bflag:$0x2] =	sbarrier.arrive @p0 $0xFFFF  }
0xd9: {  	_ =	shalt @p0  }
.LBB2_11:
0xda: {  	_ =	sfence.stream.spmem;
	s0 =	simm.s32 $0x5  }
0xdb: {  	s2 =	simm.s32 $0x80;
	s3 =	simm.s32 $0xC0;
	[sflag:s0] =	ssyncpa.u1 $0x0  }
0xdc: {  	[tilespmem:s3], [sflag:$0x5] =	stream.linear.gather [spmem:s2], $0x20, $0x38;
	[tilespmem:$0x11A60] =	vst v63  }
0xdd: {  	s2 =	simm.s32 $0x0;
	s3 =	simm.s32 $0xE0  }
0xde: {  	[tilespmem:s3], [sflag:$0x5] =	stream.linear.gather [spmem:s2], $0x20, $0x38;
	[tilespmem:$0x11A60] =	vst v63  }
.Ltmp7:
0xdf: {  	_ = 	snop;
	(pc) =	sbr.rel .LBB2_12-.Ltmp7, $4  }
0xe0: {  	_ =	swait.ge [sflag:s0], $0x40  }
0xe1: {  	[sflag:s0] =	ssyncset.done $0x0  }
0xe2: {  	s31 =	simm.s32 $0x6;
	[sflag:s0] =	ssyncadd.s32 $0xFFFFFFC0  }
0xe3: {  	s4 =	simm.s32 $0x0;
	[sflag:s31] =	ssyncpa.u1 $0x0  }
.LBB2_17:
0xe4: {  	p0 =	sgt.u32 s5, $0x13FF  }
0xe5: {  	s0 =	sshrl.u32 @!p0 s5, $0x3  }
0xe6: {  	s5 =	sand.u32 @!p0 $0x7, s5;
	s6 =	simm.s32 @!p0 $0xB0;
	s0 =	sadd.s32 @!p0 s1, s0  }
0xe7: {  	[tilespmem:s6], [sflag:$0x6] =	stream.linear.gather @!p0 [hbm4b:s0+s5], $0x1, $0x38;
	[tilespmem:$0x11A60] =	vst v63  }
0xe8: {  	s0 =	simm.s32 @!p0 $0x6  }
0xe9: {  	_ =	swait.ge @!p0 [sflag:s0], $0x1  }
0xea: {  	[sflag:s0] =	ssyncset.done @!p0 $0x0  }
0xeb: {  	[sflag:s0] =	ssyncadd.s32 @!p0 $0xFFFFFFFF  }
0xec: {  	v2 =	vmov @!p0 s4;
	v1 =	vld.msk @!p0 [tilespmem:$0xB0], $0x1;
	_ =	sdelay $0x3  }
0xed: {  	s0 =	simm.s32 @!p0 $0xE0  }
0xee: {  	[tilespmem:v2+s0+$0x0], v1 =	vst.idx.ret.add.f32.msk @!p0 $0x1, v1  }
0xef: {  	[tilespmem:s2+$0xC0] =	vst.msk $0x1, v0  }
0xf0: {  	v0 =	vld.msk [tilespmem:s4+$0xE0], $0x1;
	_ =	sdelay $0x4  }
0xf1: {  	[tilespmem:s2+$0xE0] =	vst.msk $0x1, v0;
	s2 =	sadd.s32 $0x1, s2  }
.LBB2_19:
0xf2: {  	s4 =	sadd.s32 $0x1, s4  }
0xf3: {  	p0 =	sne.s32 s4, $0x20  }
.Ltmp8:
0xf4: {  	_ = 	snop;
	(pc) =	sbr.rel @!p0 .LBB2_20-.Ltmp8, $1  }
0xf5: {  	_ =	sdelay $0x3  }
.LBB2_12:
0xf6: {  	v0 =	vld.msk [tilespmem:s4+$0xC0], $0x1;
	_ =	sdelay $0x4  }
0xf7: {  	(v2sf) =	vpush v0, $0x0;
	_ =	sdelay $0xe  }
0xf8: {  	s5 =	spop (v2sf)  }
0xf9: {  	p0 =	seq.s32 s5, $0xFFFFFFFF  }
.Ltmp9:
0xfa: {  	_ = 	snop;
	(pc) =	sbr.rel @p0 .LBB2_19-.Ltmp9, $1  }
0xfb: {  	_ =	sdelay $0x3  }
0xfc: {  	p0 =	slt.s32 s2, $0x1  }
.Ltmp10:
0xfd: {  	_ = 	snop;
	(pc) =	sbr.rel @p0 .LBB2_17-.Ltmp10, $1  }
0xfe: {  	_ =	sdelay $0x3  }
0xff: {  	s0 =	simm.s32 $0xC0;
	p0 =	por $0x0, $0x0  }
0x100: {  	v1 =	vld.msk @!p0 [tilespmem:s0+$0x0], $0x1;
	_ =	sdelay $0x4  }
0x101: {  	(v2sf) =	vpush @!p0 v1, $0x0;
	_ =	sdelay $0xd  }
0x102: {  	p2 =	sne.s32 s2, $0x1  }
.Ltmp11:
0x103: {  	s6 =	spop @!p0 (v2sf);
	(pc) =	sbr.rel @!p2 .LBB2_16-.Ltmp11, $4  }
0x104: {  	p1 =	seq.s32 @!p0 s5, s6  }
0x105: {  	s6 =	simm.s32 $0x0;
	p1 =	por !p1, p0  }
0x106: {  	s8 =	simm.s32 $0xFFFFFFFF;
	s6 =	simm.s32 @p1 $0xFFFFFFFF  }
0x107: {  	s7 =	simm.s32 $0x1;
	s6 =	smov.u32 @p0 s8  }
.LBB2_15:
0x108: {  	s8 =	smov.u32 s6;
	p0 =	sne.s32 s6, $0xFFFFFFFF  }
0x109: {  	s0 =	sadd.s32 $0x1, s0;
	s6 =	smov.u32 s7;
	s7 =	sadd.s32 $0x1, s7  }
0x10a: {  	p1 =	sne.s32 s2, s7;
	v1 =	vld.msk @!p0 [tilespmem:s0+$0x0], $0x1;
	_ =	sdelay $0x4  }
0x10b: {  	(v2sf) =	vpush @!p0 v1, $0x0;
	_ =	sdelay $0xe  }
.Ltmp12:
0x10c: {  	s9 =	spop @!p0 (v2sf);
	(pc) =	sbr.rel @p1 .LBB2_15-.Ltmp12, $4  }
0x10d: {  	p2 =	seq.s32 @!p0 s5, s9  }
0x10e: {  	p2 =	por !p2, p0  }
0x10f: {  	s6 =	simm.s32 @p2 $0xFFFFFFFF  }
0x110: {  	s6 =	smov.u32 @p0 s8  }
.LBB2_16:
0x111: {  	p0 =	sne.s32 s6, $0xFFFFFFFF  }
.Ltmp13:
0x112: {  	_ = 	snop;
	(pc) =	sbr.rel @!p0 .LBB2_17-.Ltmp13, $1  }
0x113: {  	_ =	sdelay $0x3  }
0x114: {  	v0 =	vld.msk [tilespmem:s4+$0xE0], $0x1;
	v1 =	vmov s6  }
.Ltmp14:
0x115: {  	_ = 	snop;
	(pc) =	sbr.rel .LBB2_19-.Ltmp14, $2  }
0x116: {  	_ =	sdelay $0x2  }
0x117: {  	[tilespmem:v1+s3+$0x0], v0 =	vst.idx.ret.add.f32.msk $0x1, v0  }
.LBB2_20:
0x118: {  	p0 =	slt.s32 s2, $0x1  }
.Ltmp15:
0x119: {  	_ = 	snop;
	(pc) =	sbr.rel @p0 .LBB2_24-.Ltmp15, $3  }
0x11a: {  	_ =	sdelay $0x1  }
0x11b: {  	s0 =	simm.s32 $0x6  }
0x11c: {  	s3 =	simm.s32 $0x0;
	[sflag:s0] =	ssyncpa.u1 $0x1  }
0x11d: {  	s0 =	simm.s32 $0xC0  }
0x11e: {  	v0 =	vld.msk [tilespmem:s0+$0x0], $0x1;
	_ =	sdelay $0x4  }
0x11f: {  	(v2sf) =	vpush v0, $0x0;
	_ =	sdelay $0xe  }
0x120: {  	s2 =	sadd.s32 $0xFFFFFFFF, s2;
	s4 =	spop (v2sf)  }
0x121: {  	p1 =	sne.s32 s2, $0x0;
	p0 =	sgt.u32 s4, $0x13FF  }
.Ltmp16:
0x122: {  	s5 =	sshrl.u32 @!p0 s4, $0x3;
	(pc) =	sbr.rel @!p1 .LBB2_23-.Ltmp16, $4  }
0x123: {  	s0 =	simm.s32 $0xE0;
	s4 =	sand.u32 @!p0 $0x7, s4;
	s5 =	sadd.s32 @!p0 s1, s5  }
0x124: {  	[hbm4b:s5+s4] =	stream.linear.scatter @!p0 [tilespmem:s0], [sflag:$0x5], $0x1, $0x38;
	[tilespmem:$0x11A60] =	vst v63  }
0x125: {  	s5 =	simm.s32 $0x0  }
0x126: {  	s4 =	simm.s32 $0xC1;
	s5 =	simm.s32 @!p0 $0x4  }
.LBB2_22:
0x127: {  	v0 =	vld.msk [tilespmem:s4+$0x0], $0x1;
	s2 =	sadd.s32 $0xFFFFFFFF, s2;
	s3 =	sadd.s32 s3, s5  }
0x128: {  	p0 =	sne.s32 s2, $0x0;
	_ =	sdelay $0x3  }
0x129: {  	(v2sf) =	vpush v0, $0x0;
	_ =	sdelay $0xe  }
.Ltmp17:
0x12a: {  	s6 =	spop (v2sf);
	(pc) =	sbr.rel @p0 .LBB2_22-.Ltmp17, $4  }
0x12b: {  	s5 =	simm.s32 $0x0;
	p1 =	sgt.u32 s6, $0x13FF  }
0x12c: {  	s0 =	sadd.s32 $0x1, s0;
	s5 =	simm.s32 @!p1 $0x4;
	s7 =	sshrl.u32 @!p1 s6, $0x3  }
0x12d: {  	s4 =	sadd.s32 $0x1, s4;
	s6 =	sand.u32 @!p1 $0x7, s6;
	s7 =	sadd.s32 @!p1 s1, s7  }
0x12e: {  	[hbm4b:s7+s6] =	stream.linear.scatter @!p1 [tilespmem:s0], [sflag:$0x5], $0x1, $0x38;
	[tilespmem:$0x11A60] =	vst v63  }
.LBB2_23:
0x12f: {  	s0 =	sadd.s32 s3, s5  }
0x130: {  	s3 =	sshrl.u32 s0, $0x2  }
.LBB2_24:
0x131: {  	s0 =	simm.s32 $0x5  }
0x132: {  	_ =	swait.ge [sflag:s0], s3  }
0x133: {  	s1 =	ssub.s32 $0x0, s3;
	[sflag:s0] =	ssyncset.done $0x0  }
0x134: {  	[sflag:s0] =	ssyncadd.s32 s1  }
0x135: {  	[sflag:s0] =	ssyncpa.u1 $0x1  }
0x136: {  	s29 =	simm.s32 $0x1;
	_ =	sfence  }
0x137: {  	s30 =	simm.s32 $0x2;
	[sflag:s29] =	ssyncpa.u1 $0x1  }
0x138: {  	[sflag:s30] =	ssyncpa.u1 $0x1  }
0x139: {  	_ =	strace $0x90000059  }
0x13a: {  	[bflag:$0x2] =	sbarrier.arrive $0xFFFF  }
0x13b: {  	s31 =	rddreg [dreg:$0x1]  }
0x13c: {  	s0 =	sadd.s32 $0x100000, s31  }
0x13d: {  	[sflag:s0] =	ssyncadd.tile.s32 $0x1;
	_ =	shalt  }
.Lfunc_end2:
_tile_overlayer_lowered:
.L_overlay_start_2:
0x13e: {  	(tag) =	ssettag $0x2  }
0x13f: {  	s0 =	rddreg [dreg:$0x0];
	s2 =	stileid.u32  }
0x140: {  	s1 =	rddreg [dreg:$0x1];
	p0 =	sne.s32 s2, $0x0  }
0x141: {  	s3 =	rddreg [dreg:$0x2];
	[bflag:$0x3] =	sbarrier.arrive $0xFFFF;
	s2 =	simm.s32 @!p0 $0x1C01  }
0x142: {  	[timem:s3], [sflag:s2] =	dma.local @!p0 [hbm:s0], s1  }
0x143: {  	s0 =	simm.s32 @!p0 $0x1  }
0x144: {  	_ =	swait.ge @!p0 [sflag:s0], s1  }
0x145: {  	s1 =	ssub.s32 @!p0 $0x0, s1;
	[sflag:s0] =	ssyncset.done @!p0 $0x0  }
0x146: {  	[sflag:s0] =	ssyncadd.s32 @!p0 s1  }
0x147: {  	[bflag:$0x3] =	sbarrier.arrive $0xFFFF  }
0x148: {  	_ =	shalt  }

// kernel: scatter_offload_async_start
scs
__scs_entry_jumppad:
0x0: {  	(pc) =	sbr.rel $0x88, $3  }
0x1: {  	(tag) =	ssettag $0x0;
	lr =	simm.s32 $0x1  }
0x2: {  	[smem:$0x3F84] =	sst lr;
	_ =	strace $0xD0000000  }
0x3: {  	_ = 	snop  }
0x4: {  	_ = 	snop  }
0x5: {  	_ = 	snop  }
0x6: {  	_ = 	snop  }
0x7: {  	_ = 	snop  }
__scs_overlays_trampoline_lowered:
0x8: {  	[smem:$0x3F93] =	sst s0  }
0x9: {  	[smem:$0x3F94] =	sst s1  }
0xa: {  	[smem:$0x3F95] =	sst s2  }
0xb: {  	[smem:$0x3F96] =	sst s3  }
0xc: {  	[smem:$0x3F97] =	sst s4  }
0xd: {  	[smem:$0x3F98] =	sst s5  }
0xe: {  	[smem:$0x3F99] =	sst s6  }
0xf: {  	[smem:$0x3F9A] =	sst s7  }
0x10: {  	[smem:$0x3F9B] =	sst s8  }
0x11: {  	[smem:$0x3F9C] =	sst s9;
	s0 =	simm.s32 @!p0 $0x0  }
0x12: {  	s1 =	sld [smem:$0x3F82];
	s0 =	simm.s32 @p0 $0x1  }
0x13: {  	[smem:$0x3F9D] =	sst s0;
	s0 =	simm.s32 @!p1 $0x0  }
0x14: {  	s2 =	sld [smem:$0x3F81];
	s0 =	simm.s32 @p1 $0x1  }
0x15: {  	[smem:$0x3F9E] =	sst s0;
	s0 =	simm.s32 @!p2 $0x0  }
0x16: {  	s3 =	sld [smem:$0x3FDB];
	s0 =	simm.s32 @p2 $0x1  }
0x17: {  	s4 =	simm.s32 $0x1BF5;
	[smem:$0x3FA0] =	sst s0  }
0x18: {  	s0 =	sld [smem:$0x3F83];
	_ =	swait.ge [sflag:s4], $0x0  }
0x19: {  	s7 =	sld [smem:$0x3F84]  }
0x1a: {  	s8 =	sadd.s32 $0xFFFFE003, lr  }
0x1b: {  	s9 =	sadd.s32 $0xFFFFFEF7, lr;
	s5 =	simm.s32 $0xFFFFFFFF;
	p2 =	slt.u32 s8, $0xFFFFF086  }
0x1c: {  	p1 =	slt.u32 s9, $0xF7A;
	s5 =	simm.s32 @!p2 $0x0  }
0x1d: {  	s5 =	simm.s32 @p1 $0x1;
	p0 =	seq.s32 s7, s2  }
0x1e: {  	s7 =	smul.u32 @!p0 $0xF7A, s2;
	p2 =	seq.s32 @!p0 s5, $0x0  }
0x1f: {  	s9 =	smul.u32 $0xF7A, s1;
	s8 =	simm.s32 @!p0 $0x1BF5;
	p2 =	por !p2, p0  }
0x20: {  	[sflag:s8] =	ssyncset.s32 @!p0 $0xFFFFF086;
	s6 =	sadd.s32 @!p0 s3, s7;
	s7 =	simm.s32 @!p0 $0x108  }
0x21: {  	s3 =	sadd.s32 s3, s9;
	s6 =	sadd.s32 @!p0 $0x88, s6;
	s7 =	simm.s32 @p2 $0x1082  }
0x22: {  	[simem:s7], [sflag:s8] =	dma.local @!p0 [hbm:s6], $0xF7A  }
0x23: {  	s9 =	sor.u32 $0xD0000000, s2;
	s6 =	simm.s32 $0x108;
	_ =	swait.ge @!p0 [sflag:s8], $0x0  }
0x24: {  	s3 =	sadd.s32 $0x88, s3;
	s6 =	simm.s32 @!p1 $0x1082;
	[sflag:s4] =	ssyncset.s32 $0xFFFFF086  }
0x25: {  	[simem:s6], [sflag:s4] =	dma.local [hbm:s3], $0xF7A  }
0x26: {  	[smem:$0x3F84] =	sst s1;
	(tag) =	ssettag s2;
	_ =	strace s9  }
0x27: {  	s1 =	sld [smem:$0x3F94]  }
0x28: {  	s2 =	sld [smem:$0x3F95]  }
0x29: {  	s4 =	sld [smem:$0x3F97]  }
0x2a: {  	p0 =	seq.s32 s5, $0x0;
	s5 =	sld [smem:$0x3F98]  }
0x2b: {  	s6 =	sld [smem:$0x3F99]  }
0x2c: {  	s7 =	sld [smem:$0x3F9A]  }
0x2d: {  	s3 =	simm.s32 $0x108;
	s8 =	sld [smem:$0x3F9B]  }
0x2e: {  	s3 =	simm.s32 @!p0 $0x1082;
	s9 =	sld [smem:$0x3F9C]  }
0x2f: {  	lr =	sadd.s32 s0, s3;
	s0 =	sld [smem:$0x3F93]  }
0x30: {  	s3 =	sld [smem:$0x3F96]  }
0x31: {  	[smem:$0x3F9F] =	sst s10  }
0x32: {  	s10 =	sld [smem:$0x3F9D];
	_ =	sdelay $0x3  }
0x33: {  	p0 =	seq.s32 s10, $0x1;
	s10 =	sld [smem:$0x3F9F];
	_ =	sdelay $0x3  }
0x34: {  	[smem:$0x3F9F] =	sst s10  }
0x35: {  	s10 =	sld [smem:$0x3F9E];
	_ =	sdelay $0x3  }
0x36: {  	p1 =	seq.s32 s10, $0x1;
	s10 =	sld [smem:$0x3F9F];
	_ =	sdelay $0x3  }
0x37: {  	[smem:$0x3F9F] =	sst s10  }
0x38: {  	s10 =	sld [smem:$0x3FA0]  }
0x39: {  	_ = 	snop;
	(pc) =	sbr.ind lr, $3  }
0x3a: {  	_ = 	snop  }
0x3b: {  	_ = 	snop  }
0x3c: {  	p2 =	seq.s32 s10, $0x1;
	s10 =	sld [smem:$0x3F9F]  }
0x3d: {  	_ =	shalt  }
0x3e: {  	_ =	shalt  }
0x3f: {  	_ =	shalt  }
0x40: {  	_ =	shalt  }
0x41: {  	_ =	shalt  }
0x42: {  	_ =	shalt  }
0x43: {  	_ =	shalt  }
0x44: {  	_ =	shalt  }
0x45: {  	_ =	shalt  }
0x46: {  	_ =	shalt  }
0x47: {  	_ =	shalt  }
0x48: {  	_ =	shalt  }
0x49: {  	_ =	shalt  }
0x4a: {  	_ =	shalt  }
0x4b: {  	_ =	shalt  }
0x4c: {  	_ =	shalt  }
0x4d: {  	_ =	shalt  }
0x4e: {  	_ =	shalt  }
0x4f: {  	_ =	shalt  }
0x50: {  	_ =	shalt  }
0x51: {  	_ =	shalt  }
0x52: {  	_ =	shalt  }
0x53: {  	_ =	shalt  }
0x54: {  	_ =	shalt  }
0x55: {  	_ =	shalt  }
0x56: {  	_ =	shalt  }
0x57: {  	_ =	shalt  }
0x58: {  	_ =	shalt  }
0x59: {  	_ =	shalt  }
0x5a: {  	_ =	shalt  }
0x5b: {  	_ =	shalt  }
0x5c: {  	_ =	shalt  }
0x5d: {  	_ =	shalt  }
0x5e: {  	_ =	shalt  }
0x5f: {  	_ =	shalt  }
0x60: {  	_ =	shalt  }
0x61: {  	_ =	shalt  }
0x62: {  	_ =	shalt  }
0x63: {  	_ =	shalt  }
0x64: {  	_ =	shalt  }
0x65: {  	_ =	shalt  }
0x66: {  	_ =	shalt  }
0x67: {  	_ =	shalt  }
0x68: {  	_ =	shalt  }
0x69: {  	_ =	shalt  }
0x6a: {  	_ =	shalt  }
0x6b: {  	_ =	shalt  }
0x6c: {  	_ =	shalt  }
0x6d: {  	_ =	shalt  }
0x6e: {  	_ =	shalt  }
0x6f: {  	_ =	shalt  }
0x70: {  	_ =	shalt  }
0x71: {  	_ =	shalt  }
0x72: {  	_ =	shalt  }
0x73: {  	_ =	shalt  }
0x74: {  	_ =	shalt  }
0x75: {  	_ =	shalt  }
0x76: {  	_ =	shalt  }
0x77: {  	_ =	shalt  }
0x78: {  	_ =	shalt  }
0x79: {  	_ =	shalt  }
0x7a: {  	_ =	shalt  }
0x7b: {  	_ =	shalt  }
0x7c: {  	_ =	shalt  }
0x7d: {  	_ =	shalt  }
0x7e: {  	_ =	shalt  }
0x7f: {  	_ =	shalt  }
0x80: {  	_ =	shalt  }
0x81: {  	_ =	shalt  }
0x82: {  	_ =	shalt  }
0x83: {  	_ =	shalt  }
0x84: {  	_ =	shalt  }
0x85: {  	_ =	shalt  }
0x86: {  	_ =	shalt  }
0x87: {  	_ =	shalt  }
.Lfunc_end0:
.L_simem_size_0:
called_computation_lowered:
.L_overlay_start_0:
0x88: {  	s2 =	sld [smem:$0x3FD9]  }
0x89: {  	s3 =	sld [smem:$0x3FFE];
	_ =	sdelay $0x1  }
0x8a: {  	s1 =	srdreg.scid  }
0x8b: {  	s0 =	sand.u32 $0x1, s1  }
0x8c: {  	s15 =	sshll.u32 s0, $0xA;
	s2 =	sadd.s32 s3, s2  }
0x8d: {  	s2 =	sadd.s32 s2, s15  }
0x8e: {  	[smem:$0x3FAB] =	sst s2  }
0x8f: {  	_ = 	snop  }
0x90: {  	s2 =	sld [smem:$0x3FD0];
	_ =	sdelay $0x2  }
0x91: {  	s4 =	simm.s32 $0xB;
	s16 =	simm.s32 $0x10  }
0x92: {  	[smem:s16], [sflag:s4] =	dma.local [hbm:s2], $0x1  }
0x93: {  	_ =	swait.eq [sflag:s4], $0x1  }
0x94: {  	[sflag:s4] =	ssyncset.done $0x0  }
0x95: {  	s17 =	sld [smem:$0x11];
	[sflag:s4] =	ssyncadd.s32 $0xFFFFFFFF  }
0x96: {  	s18 =	sld [smem:$0x12];
	(tm) =	ssettm $0x1  }
0x97: {  	s19 =	sld [smem:$0x3FFB];
	_ =	sdelay $0x3  }
0x98: {  	_ =	strace s19  }
0x99: {  	s2 =	sld [smem:$0x3FFC];
	_ =	sdelay $0x3  }
0x9a: {  	_ =	strace s2  }
0x9b: {  	s2 =	sld [smem:$0x3FFD];
	_ =	sdelay $0x3  }
0x9c: {  	_ =	strace s2  }
0x9d: {  	_ =	strace $0x8FFFFFFF  }
0x9e: {  	s20 =	sld [smem:$0x3FDB];
	_ =	sdelay $0x1  }
0x9f: {  	s5 =	simm.s32 $_scs_section_size  }
0xa0: {  	s6 =	simm.s32 $_size__tile_overlayer_lowered;
	s7 =	simm.s32 $_tile_overlayer_lowered  }
0xa1: {  	s8 =	simm.s32 $0x1BFF;
	s21 =	sshll.u32 s7, $0x1;
	s5 =	sadd.s32 s5, s20  }
0xa2: {  	s22 =	simm.s32 $0x0;
	s6 =	sshll.u32 s6, $0x1;
	s7 =	sadd.s32 s21, s5  }
0xa3: {  	[timem:s22], [sflag:s8] =	dma.local [hbm:s7], s6  }
0xa4: {  	_ =	swait.ge [sflag:s8], s6  }
0xa5: {  	s6 =	ssub.s32 $0x0, s6;
	[sflag:s8] =	ssyncset.done $0x0  }
0xa6: {  	[sflag:s8] =	ssyncadd.s32 s6;
	_ =	sdelay $0x1  }
0xa7: {  	s23 =	simm.s32 $0x1B8B  }
0xa8: {  	_ =	swait.ge [sflag:s23], $0x1  }
0xa9: {  	[sflag:s23] =	ssyncset.done $0x0  }
0xaa: {  	[sflag:s23] =	ssyncadd.s32 $0xFFFFFFFF  }
0xab: {  	s6 =	sld [smem:$0x0]  }
0xac: {  	s7 =	sand.u32 $0xFFFFFFFE, s1  }
0xad: {  	p0 =	sne.s32 s1, s7  }
0xae: {  	s7 =	sshll.u32 @p0 s7, $0xE  }
0xaf: {  	s7 =	sadd.s32 @p0 $0x11B8D, s7;
	s8 =	sshll.u32 @p0 s6, $0x11  }
0xb0: {  	s7 =	sor.u32 @p0 s8, s7  }
0xb1: {  	[sflag:s7] =	ssyncadd.remote.s32 @p0 $0x1;
	_ =	sdelay $0x1  }
0xb2: {  	s7 =	simm.s32 @p0 $0x1B8D  }
0xb3: {  	_ =	swait.eq @p0 [sflag:s7], $0x1  }
0xb4: {  	[sflag:s7] =	ssyncadd.s32 @p0 $0xFFFFFFFF  }
0xb5: {  	s8 =	sshll.u32 @!p0 s1, $0xE  }
0xb6: {  	s8 =	sor.u32 @!p0 $0x4000, s8;
	s7 =	simm.s32 @!p0 $0x1B8D  }
0xb7: {  	s9 =	sshll.u32 @!p0 s6, $0x11;
	s8 =	sadd.s32 @!p0 $0x11B8D, s8;
	_ =	swait.eq @!p0 [sflag:s7], $0x1  }
0xb8: {  	[sflag:s7] =	ssyncadd.s32 @!p0 $0xFFFFFFFF;
	s7 =	sor.u32 @!p0 s9, s8  }
0xb9: {  	s25 =	simm.s32 $0x1B8E;
	s24 =	sld [smem:$0x3FFE];
	[sflag:s7] =	ssyncadd.remote.s32 @!p0 $0x1  }
0xba: {  	s26 =	simm.s32 $execute0_lowered;
	[smem:$0x3FD2] =	sst s25  }
0xbb: {  	s8 =	sshll.u32 s26, $0x1;
	_ =	strace $0x8000004C;
	[dreg:$0x1] =	wrdreg $0xFFFFFFFF  }
0xbc: {  	s28 =	simm.s32 $_size_execute0_lowered;
	s5 =	sadd.s32 s5, s8;
	[dreg:$0x0] =	wrdreg $0x0  }
0xbd: {  	s8 =	sshll.u32 s28, $0x1;
	[dreg:$0x2] =	wrdreg s5  }
0xbe: {  	[dreg:$0x3] =	wrdreg s8  }
0xbf: {  	[dreg:$0x4] =	wrdreg $0xC0  }
0xc0: {  	_ =	task [dreg:s22], $0x5FFFF  }
0xc1: {  	[dreg:$0x1] =	wrdreg $0xFFFFFFFF  }
0xc2: {  	[dreg:$0x0] =	wrdreg $0x60  }
0xc3: {  	[dreg:$0x2] =	wrdreg s24  }
0xc4: {  	[dreg:$0x3] =	wrdreg s18  }
0xc5: {  	[dreg:$0x4] =	wrdreg s17  }
0xc6: {  	[dreg:$0x5] =	wrdreg s1  }
0xc7: {  	[dreg:$0x6] =	wrdreg s6  }
0xc8: {  	[dreg:$0x7] =	wrdreg $0x9  }
0xc9: {  	_ =	task.clear_ibuf [dreg:s22], $0x8FFFF;
	_ =	strace $0x9000004C  }
0xca: {  	s29 =	simm.s32 $0x9;
	_ =	strace $0x8000004E  }
0xcb: {  	_ =	swait.ge [sflag:s29], $0x1  }
0xcc: {  	[sflag:s29] =	ssyncadd.s32 $0xFFFFFFFF  }
0xcd: {  	_ =	strace $0x9000004E  }
0xce: {  	_ =	sfence  }
0xcf: {  	s30 =	sld [smem:$0x0];
	_ =	sdelay $0x2  }
0xd0: {  	s31 =	sshll.u32 s1, $0xD;
	s1 =	sshrl.u32 s1, $0x2  }
0xd1: {  	s4 =	sand.u32 $0x4000, s31;
	s1 =	sadd.s32 s1, s30  }
0xd2: {  	s0 =	sor.u32 s4, s0;
	s1 =	sshll.u32 s1, $0x11  }
0xd3: {  	s0 =	sor.u32 s1, s0  }
0xd4: {  	s0 =	sadd.s32 $0x8F2B, s0  }
0xd5: {  	[sflag:s0] =	ssyncadd.remote.s32 $0x1  }
0xd6: {  	_ =	sfence.sel $0xFFFF  }
0xd7: {  	[dreg:$0x0] =	wrdreg $0xFFFFFFFF;
	(pc) =	sbr.abs _section_cstart, $3  }
0xd8: {  	[dreg:$0x1] =	wrdreg $0xFFFFFFFF  }
0xd9: {  	_ =	task.clear_ibuf [dreg:s22], $0x2FFFF;
	_ =	strace $0x9FFFFFFF  }
0xda: {  	(tm) =	ssettm $0x7FFFFFFF  }
0xdb: {  	_ =	shalt  }
tec
execute0_lowered:
.L_overlay_start_1:
0x0: {  	(tag) =	ssettag $0x1  }
0x1: {  	s2 =	rddreg [dreg:$0x0]  }
0x2: {  	s15 =	rddreg [dreg:$0x1]  }
0x3: {  	s14 =	rddreg [dreg:$0x2]  }
0x4: {  	s3 =	rddreg [dreg:$0x3];
	_ =	strace $0x8000004D;
	s0 =	simm.s32 $0x1  }
0x5: {  	v0 =	vimm.s32 $0x0;
	[sflag:s0] =	ssyncpa.u1 $0x0;
	s0 =	simm.s32 $0x108  }
0x6: {  	[tilespmem:s0+$0x70] =	vst v0  }
0x7: {  	[tilespmem:s0+$0x60] =	vst v0  }
0x8: {  	[tilespmem:s0+$0x50] =	vst v0  }
0x9: {  	[tilespmem:s0+$0x40] =	vst v0  }
0xa: {  	[tilespmem:s0+$0x30] =	vst v0  }
0xb: {  	s1 =	sadd.s32 $0x13C00, s2;
	[tilespmem:s0+$0x20] =	vst v0  }
0xc: {  	s6 =	sadd.s32 $0x77A800, s2;
	s5 =	sand.u32 $0x1, s3;
	s3 =	simm.s32 $0x40;
	[tilespmem:s0+$0x10] =	vst v0  }
.LBB2_1:
0xd: {  	s3 =	sadd.s32 $0x40, s3;
	[tilespmem:s0+$0x0] =	vst v0;
	s0 =	sadd.s32 $0x80, s0  }
0xe: {  	p0 =	slt.u32 s3, $0x3C40;
	[tilespmem:s0+$0x70] =	vst v0  }
0xf: {  	[tilespmem:s0+$0x60] =	vst v0  }
.Ltmp0:
0x10: {  	[tilespmem:s0+$0x50] =	vst v0;
	(pc) =	sbr.rel @p0 .LBB2_1-.Ltmp0, $4  }
0x11: {  	[tilespmem:s0+$0x40] =	vst v0  }
0x12: {  	[tilespmem:s0+$0x30] =	vst v0  }
0x13: {  	[tilespmem:s0+$0x20] =	vst v0  }
0x14: {  	[tilespmem:s0+$0x10] =	vst v0  }
0x15: {  	s9 =	stileid.u32  }
0x16: {  	s2 =	smul.u32 $0x29, s9  }
0x17: {  	s3 =	smin.u32 s9, $0xB  }
0x18: {  	s2 =	sadd.s32 s3, s2  }
0x19: {  	p0 =	slt.u32 s9, $0xB;
	s7 =	smul.u32 $0xF0, s2;
	s2 =	simm.s32 $0x2760  }
0x1a: {  	s2 =	simm.s32 @!p0 $0x2670  }
0x1b: {  	s2 =	sadd.s32 s2, s7  }
0x1c: {  	s8 =	smin.u32 s2, $0x27100  }
0x1d: {  	s2 =	ssub.s32 s8, s7  }
0x1e: {  	p0 =	sgt.s32 s2, $0x0  }
0x1f: {  	s29 =	simm.s32 $0x2;
	s10 =	simm.s32 $0x9;
	s2 =	simm.s32 @!p0 $0x0  }
0x20: {  	s4 =	simm.s32 $0xA;
	s11 =	simm.s32 $0xB;
	s28 =	smulhi.u32 $0x88888889, s2  }
0x21: {  	[dreg:$0x6] =	wrdreg s5;
	s31 =	smul.u32 $0x4E20, s5;
	s12 =	simm.s32 $0x1  }
0x22: {  	s22 =	simm.s32 $0x0;
	s18 =	simm.s32 $0xC;
	s30 =	sshrl.u32 s28, $0x7  }
0x23: {  	s20 =	simm.s32 $0x0;
	s21 =	simm.s32 $0x0;
	s3 =	smul.u32 $0xF0, s30  }
.Ltmp1:
0x24: {  	[tilespmem:s0+$0x0] =	vst v0;
	v0 =	vimm.s32 $0xFFFFFFFF;
	[sflag:s29] =	ssyncpa.u1 $0x0;
	s16 =	sshll.u32 s9, $0x8;
	(pc) =	sbr.rel .LBB2_3-.Ltmp1, $4  }
0x25: {  	[tilespmem:$0xF208] =	vst v0;
	[sflag:s10] =	ssyncpa.u1 $0x0;
	p0 =	sne.s32 s2, s3;
	s2 =	simm.s32 $0x1  }
0x26: {  	s14 =	sadd.s32 s31, s14;
	[sflag:s4] =	ssyncpa.u1 $0x0;
	s2 =	simm.s32 @!p0 $0x0  }
0x27: {  	s15 =	sadd.s32 s31, s15;
	[sflag:s11] =	ssyncpa.u1 $0x0;
	s13 =	sadd.s32 s2, s30  }
0x28: {  	v0 =	vlaneseq.u32;
	s19 =	smov.u32 s7;
	p0 =	por $0x0, $0x0;
	s17 =	sadd.s32 $0x1, s13  }
.LBB2_18:
0x29: {  	s0 =	sshrl.u32 s31, $0x2  }
.LBB2_20:
0x2a: {  	_ =	swait.ge [sflag:s18], s0  }
0x2b: {  	s31 =	ssub.s32 $0x0, s0;
	v1 =	vmov s24;
	vm0 =	veq.s32 v0, $0x0;
	[sflag:s18] =	ssyncset.done $0x0  }
0x2c: {  	vm15 =	veq.s32 v0, $0x2;
	v1 =	vsel vm0, s30, v1;
	[sflag:s18] =	ssyncadd.s32 s31  }
0x2d: {  	v1 =	vsel vm15, s22, v1;
	[sflag:s18] =	ssyncpa.u1 $0x1  }
0x2e: {  	[tilespmem:$0xF208] =	vst v1  }
.LBB2_21:
0x2f: {  	s0 =	sadd.s32 $0xF0, s19  }
0x30: {  	s2 =	smov.u32 s7;
	p1 =	slt.s32 s0, s8  }
0x31: {  	s2 =	smov.u32 @p1 s0;
	p1 =	sne.s32 s21, s17  }
.Ltmp2:
0x32: {  	_ = 	snop;
	(pc) =	sbr.rel @!p1 .LBB2_22-.Ltmp2, $3  }
0x33: {  	_ =	sdelay $0x1  }
0x34: {  	s22 =	smov.u32 s20;
	s31 =	sadd.s32 $0x1, s21;
	s20 =	smov.u32 s19  }
0x35: {  	p0 =	por !p0, !p0;
	s21 =	smov.u32 s31;
	s19 =	smov.u32 s2  }
.LBB2_3:
0x36: {  	p1 =	sge.u32 s21, s13  }
0x37: {  	s0 =	smulhi.u32 @!p1 $0xAAAAAAAB, s21  }
0x38: {  	s2 =	smov.u32 s19;
	p2 =	sgt.s32 @!p1 s19, $0x27010  }
0x39: {  	s3 =	sshra.s32 @!p1 s19, $0x1F;
	p2 =	por !p2, p1;
	s0 =	sshrl.u32 @!p1 s0, $0x1  }
0x3a: {  	s3 =	sand.u32 @!p1 s3, s19;
	s2 =	simm.s32 @p2 $0x27010;
	s0 =	smul.u32 @!p1 $0x3, s0  }
0x3b: {  	s2 =	ssub.s32 @!p1 s2, s3  }
0x3c: {  	s2 =	sadd.s32 @!p1 $0xFFFD8FF0, s2;
	s0 =	ssub.s32 @!p1 s21, s0  }
0x3d: {  	s3 =	sshll.u32 @!p1 s2, $0x2;
	p2 =	sgt.s32 @!p1 s2, $0xEF;
	s0 =	smul.u32 @!p1 $0x3C0, s0  }
0x3e: {  	s4 =	sand.u32 @!p1 $0x7, s19;
	s2 =	ssub.s32 @!p1 $0x3C0, s3;
	p2 =	por !p2, p1  }
0x3f: {  	s3 =	sshrl.u32 @!p1 s19, $0x3;
	s2 =	sshrl.u32 @!p1 s2, $0x2;
	s0 =	sshrl.u32 @!p1 s0, $0x2  }
0x40: {  	s3 =	sadd.s32 @!p1 s3, s14;
	s2 =	simm.s32 @!p2 $0x0;
	s0 =	sadd.s32 @!p1 $0x10248, s0  }
0x41: {  	[tilespmem:s0], [sflag:$0xA] =	stream.linear.gather @!p1 [hbm4b:s3+s4], s2, $0x38;
	[tilespmem:$0x1F6F8] =	vst v63  }
0x42: {  	s0 =	sadd.s32 $0xFFFFFFFF, s21  }
0x43: {  	p1 =	sge.u32 s0, s13  }
0x44: {  	p2 =	sgt.s32 @!p1 s20, $0x27010  }
0x45: {  	s2 =	smov.u32 s20;
	s3 =	sshra.s32 @!p1 s20, $0x1F;
	p2 =	por !p2, p1  }
0x46: {  	s3 =	sand.u32 @!p1 s3, s20;
	s2 =	simm.s32 @p2 $0x27010  }
0x47: {  	s2 =	ssub.s32 @!p1 s2, s3  }
0x48: {  	s2 =	sadd.s32 @!p1 $0xFFFD8FF0, s2  }
0x49: {  	s4 =	sand.u32 @!p1 $0x1, s0;
	s3 =	sshll.u32 @!p1 s2, $0x2  }
0x4a: {  	p2 =	sgt.s32 @!p1 s2, $0xEF;
	s2 =	ssub.s32 @!p1 $0x3C0, s3;
	s3 =	smulhi.u32 @!p1 $0xAAAAAAAB, s0  }
0x4b: {  	s23 =	smul.u32 @!p1 $0x3C0, s4;
	p2 =	por !p2, p1;
	s2 =	sshrl.u32 @!p1 s2, $0x2  }
0x4c: {  	s5 =	simm.s32 @!p1 $0xA;
	s2 =	simm.s32 @!p2 $0x0;
	s3 =	sshrl.u32 @!p1 s3, $0x1  }
0x4d: {  	s23 =	sshrl.u32 @!p1 s23, $0x2;
	_ =	swait.ge @!p1 [sflag:s5], s2;
	s3 =	smul.u32 @!p1 $0x3, s3  }
0x4e: {  	s23 =	sadd.s32 @!p1 $0x10518, s23;
	s24 =	ssub.s32 @!p1 $0x0, s2;
	[sflag:s5] =	ssyncset.done @!p1 $0x0  }
0x4f: {  	[sflag:s5] =	ssyncadd.s32 @!p1 s24;
	s5 =	sshrl.u32 @!p1 s20, $0x3;
	s0 =	ssub.s32 @!p1 s0, s3  }
0x50: {  	s24 =	sand.u32 @!p1 $0x7, s20;
	s5 =	sadd.s32 @!p1 s5, s15;
	s0 =	smul.u32 @!p1 $0x3C0, s0  }
0x51: {  	[tilespmem:s23], [sflag:$0xB] =	stream.linear.gather @!p1 [hbm4b:s5+s24], s2, $0x38;
	[tilespmem:$0x1F6F8] =	vst v63  }
0x52: {  	s3 =	ssub.s32 @!p1 $0x27100, s20;
	s2 =	smul.u32 @!p1 $0x1E000, s4  }
0x53: {  	p2 =	slt.s32 @!p1 s3, $0xF0  }
0x54: {  	p2 =	por !p2, p1;
	s0 =	sshrl.u32 @!p1 s0, $0x2;
	s2 =	sshrl.u32 @!p1 s2, $0x2  }
0x55: {  	s3 =	simm.s32 @p2 $0xF0;
	s0 =	sadd.s32 @!p1 $0x10248, s0;
	s2 =	sor.u32 @!p1 $0x106F8, s2  }
0x56: {  	[tilespmem:s2], [sflag:$0x9] =	stream.indirect.gather @!p1 [hbm4b:s6+s3], $0x80, s0, s3, $0xb8;
	[tilespmem:$0x1F6F8] =	vst v63  }
0x57: {  	p1 =	slt.u32 s21, $0x2  }
.Ltmp3:
0x58: {  	_ = 	snop;
	(pc) =	sbr.rel @p1 .LBB2_21-.Ltmp3, $1  }
0x59: {  	_ =	sdelay $0x3  }
0x5a: {  	p1 =	sgt.s32 s22, $0x27010  }
0x5b: {  	s0 =	smov.u32 s22;
	s2 =	sshra.s32 s22, $0x1F;
	s3 =	ssub.s32 $0x27100, s22  }
0x5c: {  	s0 =	simm.s32 @!p1 $0x27010;
	s2 =	sand.u32 s2, s22;
	p1 =	slt.s32 s3, $0xF0  }
0x5d: {  	s0 =	ssub.s32 s0, s2;
	s3 =	simm.s32 @!p1 $0xF0  }
0x5e: {  	s0 =	sadd.s32 $0xFFFD8FF0, s0;
	s25 =	sshll.u32 s3, $0x7  }
0x5f: {  	s26 =	sshll.u32 s0, $0x2;
	s2 =	sand.u32 $0x3FFFFF80, s25  }
0x60: {  	p1 =	sgt.s32 s0, $0xEF;
	s29 =	ssub.s32 $0x3C0, s26;
	_ =	swait.ge [sflag:s10], s2  }
0x61: {  	s2 =	ssub.s32 $0x0, s2;
	[sflag:s10] =	ssyncset.done $0x0;
	s0 =	sshrl.u32 s29, $0x2  }
0x62: {  	[sflag:s10] =	ssyncadd.s32 s2;
	s0 =	simm.s32 @p1 $0x0  }
0x63: {  	_ =	swait.ge [sflag:s11], s0  }
0x64: {  	s0 =	ssub.s32 $0x0, s0;
	[sflag:s11] =	ssyncset.done $0x0  }
0x65: {  	[sflag:s11] =	ssyncadd.s32 s0  }
0x66: {  	v1 =	vld [tilespmem:$0xF208];
	_ =	sdelay $0x4  }
0x67: {  	(v2sf) =	vpush v1, $0x0  }
0x68: {  	(v2sf) =	vpush v1, $0x1  }
0x69: {  	(v2sf) =	vpush v1, $0x2;
	_ =	sdelay $0x3  }
0x6a: {  	s0 =	sadd.s32 $0xF0, s22  }
0x6b: {  	s2 =	ssub.s32 $0x4E200, s22;
	p1 =	slt.s32 s8, s0  }
0x6c: {  	s0 =	smov.u32 @p1 s8;
	p1 =	sgt.s32 s2, $0x0  }
0x6d: {  	s26 =	ssub.s32 s0, s22;
	s2 =	simm.s32 @!p1 $0x0  }
0x6e: {  	p1 =	slt.s32 s2, s26  }
0x6f: {  	s26 =	smov.u32 @p1 s2  }
0x70: {  	s25 =	simm.s32 $0x1;
	p1 =	slt.s32 s26, $0x1  }
.Ltmp4:
0x71: {  	s25 =	simm.s32 @!p0 $0x0;
	(pc) =	sbr.rel @p1 .LBB2_8-.Ltmp4, $4  }
0x72: {  	s31 =	smul.u32 $0x3C0, s25  }
0x73: {  	s28 =	spop (v2sf)  }
0x74: {  	s0 =	sshrl.u32 s31, $0x2;
	s30 =	spop (v2sf)  }
0x75: {  	s23 =	sadd.s32 $0x10518, s0;
	s22 =	spop (v2sf)  }
0x76: {  	s0 =	smin.u32 s26, $0x10  }
0x77: {  	v1 =	vmov s0  }
0x78: {  	p2 =	sgt.s32 s26, $0x10;
	vm1 =	vgt.u32 v1, v0  }
.Ltmp5:
0x79: {  	_ = 	snop;
	(pc) =	sbr.rel @!p2 .LBB2_7-.Ltmp5, $2  }
0x7a: {  	_ =	sdelay $0x2  }
0x7b: {  	s4 =	simm.s32 $0x10;
	s24 =	sadd.s32 $0xFFFFFFF0, s26;
	s0 =	smov.u32 s23;
	vm0 =	vmmov vm1  }
.LBB2_6:
0x7c: {  	s2 =	smin.u32 s24, $0x10;
	s4 =	sadd.s32 $0x10, s4;
	v1 =	vld.msk [tilespmem:s0+$0x0 ss:$0x1], vm1  }
0x7d: {  	v2 =	vmov s2;
	p2 =	slt.s32 s4, s26  }
0x7e: {  	vm1 =	vgt.u32 v2, v0  }
.Ltmp6:
0x7f: {  	(pc) =	sbr.rel @p2 .LBB2_6-.Ltmp6, $3  }
0x80: {  	_ =	sdelay $0x1  }
0x81: {  	v1 =	vshll.u32 v1, $0x4  }
0x82: {  	s24 =	sadd.s32 $0xFFFFFFF0, s24;
	[tilespmem:s0+$0x0] =	vst.msk vm0, v1;
	s0 =	sadd.s32 $0x10, s0;
	vm0 =	vmmov vm1  }
.LBB2_7:
0x83: {  	_ =	sdelay $0x4  }
0x84: {  	v1 =	vld.msk [tilespmem:s0+$0x0 ss:$0x1], vm1;
	_ =	sdelay $0x4  }
0x85: {  	v1 =	vshll.u32 v1, $0x4  }
0x86: {  	[tilespmem:s0+$0x0] =	vst.msk vm0, v1  }
.LBB2_8:
0x87: {  	s0 =	sand.u32 $0x1, s21  }
0x88: {  	s0 =	smul.u32 $0xF0, s0  }
0x89: {  	p2 =	sne.s32 s30, $0xFFFFFFFF  }
0x8a: {  	v1 =	vld.msk @!p2 [tilespmem:s0+$0x10518], $0x1;
	_ =	sdelay $0x4  }
0x8b: {  	(v2sf) =	vpush @!p2 v1, $0x0;
	_ =	sdelay $0xc  }
.Ltmp7:
0x8c: {  	_ = 	snop;
	(pc) =	sbr.rel @p1 .LBB2_19-.Ltmp7, $4  }
0x8d: {  	_ = 	snop  }
0x8e: {  	s29 =	spop @!p2 (v2sf)  }
0x8f: {  	s22 =	simm.s32 @!p2 $0x0;
	s24 =	smov.u32 s29  }
0x90: {  	[sflag:s18] =	ssyncpa.u1 $0x0;
	s29 =	smov.u32 @p2 s28;
	s24 =	smov.u32 @p2 s30  }
0x91: {  	v1 =	vld.msk [tilespmem:s23+$0x0], $0x1;
	_ =	sdelay $0x4  }
0x92: {  	(v2sf) =	vpush v1, $0x0;
	_ =	sdelay $0xe  }
0x93: {  	s2 =	smul.u32 $0x1E000, s25;
	s0 =	spop (v2sf)  }
0x94: {  	s26 =	ssub.s32 $0x0, s26;
	p1 =	seq.s32 s29, s0  }
0x95: {  	s30 =	sadd.s32 $0x1, s26;
	s2 =	sshrl.u32 s2, $0x2;
	p2 =	sgt.s32 @!p1 s29, $0x0  }
0x96: {  	s25 =	sor.u32 $0x10738, s2;
	s2 =	smov.u32 s29;
	p2 =	por !p2, p1  }
0x97: {  	s2 =	simm.s32 @p2 $0x0;
	p2 =	seq.s32 s30, $0x0  }
.Ltmp8:
0x98: {  	_ = 	snop;
	(pc) =	sbr.rel @p2 .LBB2_11-.Ltmp8, $4  }
0x99: {  	_ = 	snop  }
0x9a: {  	s28 =	simm.s32 $0x0;
	s31 =	sadd.s32 $0x1, s23;
	s2 =	smin.u32 @!p1 s2, $0x270F0  }
0x9b: {  	s4 =	simm.s32 @!p1 $0x1;
	s5 =	simm.s32 @!p1 $0x7988;
	s3 =	sand.u32 @!p1 $0x3FFF8, s2  }
0x9c: {  	s4 =	smov.u32 @p1 s28;
	s2 =	sand.u32 @!p1 $0x7, s2;
	s3 =	sadd.s32 @!p1 s1, s3  }
.LBB2_10:
0x9d: {  	s9 =	smov.u32 s4  }
0x9e: {  	[tilespmem:s5], [sflag:$0x2] =	stream.linear.gather @!p1 [hbm4b:s3+s2], $0x80, $0x38;
	[tilespmem:$0x1F6F8] =	vst v63  }
0x9f: {  	s30 =	sadd.s32 $0x1, s30;
	s2 =	smov.u32 s0;
	v1 =	vld.msk [tilespmem:s31+$0x0], $0x1  }
0xa0: {  	p2 =	seq.s32 s30, $0x0;
	_ =	sdelay $0x3  }
0xa1: {  	(v2sf) =	vpush v1, $0x0;
	_ =	sdelay $0xe  }
0xa2: {  	s0 =	spop (v2sf)  }
0xa3: {  	p1 =	seq.s32 s2, s0  }
0xa4: {  	p3 =	sgt.s32 @!p1 s2, $0x0;
	s3 =	sshll.u32 @!p1 s4, $0x9;
	s4 =	sadd.s32 @!p1 $0x1, s4  }
.Ltmp9:
0xa5: {  	p3 =	por !p3, p1;
	s3 =	sshra.s32 @!p1 s3, $0x2;
	(pc) =	sbr.rel @!p2 .LBB2_10-.Ltmp9, $4  }
0xa6: {  	s4 =	smov.u32 @p1 s9;
	s2 =	simm.s32 @p3 $0x0;
	s5 =	sadd.s32 @!p1 $0x7988, s3  }
0xa7: {  	s2 =	smin.u32 @!p1 s2, $0x270F0  }
0xa8: {  	s3 =	sand.u32 @!p1 $0x3FFF8, s2;
	s2 =	sand.u32 @!p1 $0x7, s2  }
0xa9: {  	s31 =	sadd.s32 $0x1, s31;
	s3 =	sadd.s32 @!p1 s1, s3  }
.LBB2_11:
0xaa: {  	[tilespmem:s5], [sflag:$0x2] =	stream.linear.gather @!p1 [hbm4b:s3+s2], $0x80, $0x38;
	[tilespmem:$0x1F6F8] =	vst v63  }
.Ltmp10:
0xab: {  	s0 =	sshll.u32 s4, $0x7;
	(pc) =	sbr.rel .LBB2_12-.Ltmp10, $4  }
0xac: {  	s30 =	simm.s32 $0x2;
	s0 =	sand.u32 $0x3FFFFF80, s0  }
0xad: {  	_ =	swait.ge [sflag:s30], s0  }
0xae: {  	s0 =	ssub.s32 $0x0, s0;
	[sflag:s30] =	ssyncset.done $0x0  }
0xaf: {  	s31 =	simm.s32 $0x0;
	[sflag:s30] =	ssyncadd.s32 s0  }
.LBB2_13:
0xb0: {  	v1 =	vld [tilespmem:s25+$0xFFFFFFC0];
	_ =	sdelay $0x3  }
0xb1: {  	s0 =	sshra.s32 s0, $0x2  }
0xb2: {  	[tilespmem:s0+$0x108] =	vst.add.f32.msk $0xffff, v1  }
0xb3: {  	v1 =	vld [tilespmem:s25+$0xFFFFFFD0];
	_ =	sdelay $0x4  }
0xb4: {  	[tilespmem:s0+$0x118] =	vst.add.f32.msk $0xffff, v1  }
0xb5: {  	v1 =	vld [tilespmem:s25+$0xFFFFFFE0];
	_ =	sdelay $0x4  }
0xb6: {  	[tilespmem:s0+$0x128] =	vst.add.f32.msk $0xffff, v1  }
0xb7: {  	v1 =	vld [tilespmem:s25+$0xFFFFFFF0];
	_ =	sdelay $0x4  }
0xb8: {  	[tilespmem:s0+$0x138] =	vst.add.f32.msk $0xffff, v1  }
0xb9: {  	v1 =	vld [tilespmem:s25+$0x0];
	_ =	sdelay $0x4  }
0xba: {  	[tilespmem:s0+$0x148] =	vst.add.f32.msk $0xffff, v1  }
0xbb: {  	v1 =	vld [tilespmem:s25+$0x10];
	_ =	sdelay $0x4  }
0xbc: {  	[tilespmem:s0+$0x158] =	vst.add.f32.msk $0xffff, v1  }
0xbd: {  	v1 =	vld [tilespmem:s25+$0x20];
	_ =	sdelay $0x4  }
0xbe: {  	[tilespmem:s0+$0x168] =	vst.add.f32.msk $0xffff, v1  }
0xbf: {  	v1 =	vld [tilespmem:s25+$0x30];
	_ =	sdelay $0x4  }
0xc0: {  	[tilespmem:s0+$0x178] =	vst.add.f32.msk $0xffff, v1  }
.LBB2_17:
0xc1: {  	s26 =	sadd.s32 $0x1, s26  }
0xc2: {  	p1 =	seq.s32 s26, $0x0  }
.Ltmp11:
0xc3: {  	_ = 	snop;
	(pc) =	sbr.rel @p1 .LBB2_18-.Ltmp11, $2  }
0xc4: {  	_ =	sdelay $0x2  }
0xc5: {  	s23 =	sadd.s32 $0x1, s23;
	s25 =	sadd.s32 $0x80, s25;
	s29 =	smov.u32 s30  }
.LBB2_12:
0xc6: {  	v1 =	vld.msk [tilespmem:s23+$0x0], $0x1;
	_ =	sdelay $0x4  }
0xc7: {  	(v2sf) =	vpush v1, $0x0;
	_ =	sdelay $0xe  }
0xc8: {  	s30 =	spop (v2sf)  }
0xc9: {  	p1 =	sne.s32 s29, s30  }
.Ltmp12:
0xca: {  	_ = 	snop;
	(pc) =	sbr.rel @!p1 .LBB2_13-.Ltmp12, $2  }
0xcb: {  	_ =	sdelay $0x2  }
0xcc: {  	s0 =	sshll.u32 s22, $0x9  }
0xcd: {  	p1 =	seq.s32 s29, s24  }
.Ltmp13:
0xce: {  	_ = 	snop;
	(pc) =	sbr.rel @!p1 .LBB2_15-.Ltmp13, $1  }
0xcf: {  	_ =	sdelay $0x3  }
0xd0: {  	s0 =	sshra.s32 s0, $0x2  }
.Ltmp14:
0xd1: {  	s0 =	sadd.s32 $0x108, s0;
	(pc) =	sbr.rel .LBB2_16-.Ltmp14, $4  }
0xd2: {  	[spmem:s16] =	stream.linear.scatter [tilespmem:s0], [sflag:$0x1], $0x80, $0x38;
	[tilespmem:$0x1F6F8] =	vst v63  }
0xd3: {  	_ =	swait.ge [sflag:s12], $0x80  }
0xd4: {  	[sflag:s12] =	ssyncset.done $0x0  }
0xd5: {  	[sflag:s12] =	ssyncadd.s32 $0xFFFFFF80  }
.LBB2_15:
0xd6: {  	s2 =	sshll.u32 s28, $0x9  }
0xd7: {  	s2 =	sshra.s32 s2, $0x2  }
0xd8: {  	v1 =	vld [tilespmem:s2+$0x7988];
	_ =	sdelay $0x3  }
0xd9: {  	s0 =	sshra.s32 s0, $0x2  }
0xda: {  	[tilespmem:s0+$0x108] =	vst.add.f32.msk $0xffff, v1  }
0xdb: {  	v1 =	vld [tilespmem:s2+$0x7998];
	_ =	sdelay $0x4  }
0xdc: {  	[tilespmem:s0+$0x118] =	vst.add.f32.msk $0xffff, v1  }
0xdd: {  	v1 =	vld [tilespmem:s2+$0x79A8];
	_ =	sdelay $0x4  }
0xde: {  	[tilespmem:s0+$0x128] =	vst.add.f32.msk $0xffff, v1  }
0xdf: {  	v1 =	vld [tilespmem:s2+$0x79B8];
	_ =	sdelay $0x4  }
0xe0: {  	[tilespmem:s0+$0x138] =	vst.add.f32.msk $0xffff, v1  }
0xe1: {  	v1 =	vld [tilespmem:s2+$0x79C8];
	_ =	sdelay $0x4  }
0xe2: {  	[tilespmem:s0+$0x148] =	vst.add.f32.msk $0xffff, v1  }
0xe3: {  	v1 =	vld [tilespmem:s2+$0x79D8];
	_ =	sdelay $0x4  }
0xe4: {  	[tilespmem:s0+$0x158] =	vst.add.f32.msk $0xffff, v1  }
0xe5: {  	v1 =	vld [tilespmem:s2+$0x79E8];
	_ =	sdelay $0x4  }
0xe6: {  	[tilespmem:s0+$0x168] =	vst.add.f32.msk $0xffff, v1  }
0xe7: {  	v1 =	vld [tilespmem:s2+$0x79F8];
	_ =	sdelay $0x2  }
0xe8: {  	p1 =	sgt.u32 s29, $0x270F0  }
0xe9: {  	s2 =	sand.u32 @!p1 $0x3FFF8, s29  }
0xea: {  	s3 =	sadd.s32 $0x108, s0;
	[tilespmem:s0+$0x178] =	vst.add.f32.msk $0xffff, v1;
	s0 =	sadd.s32 @!p1 s1, s2;
	s2 =	sand.u32 @!p1 $0x7, s29  }
0xeb: {  	[hbm4b:s0+s2] =	stream.linear.scatter @!p1 [tilespmem:s3], [sflag:$0xC], $0x80, $0x38;
	[tilespmem:$0x1F6F8] =	vst v63  }
0xec: {  	s0 =	simm.s32 $0x0  }
0xed: {  	s0 =	simm.s32 @!p1 $0x200  }
0xee: {  	s31 =	sadd.s32 s0, s31  }
.LBB2_16:
0xef: {  	s0 =	sadd.s32 $0x1, s22  }
0xf0: {  	s2 =	smulhi.u32 $0x88888889, s0;
	_ =	sdelay $0x1  }
0xf1: {  	v1 =	vld [tilespmem:s25+$0xFFFFFFC0];
	s2 =	sshrl.u32 s2, $0x7  }
0xf2: {  	s2 =	smul.u32 $0xF0, s2;
	_ =	sdelay $0x1  }
0xf3: {  	s22 =	ssub.s32 s0, s2  }
0xf4: {  	s0 =	sshll.u32 s22, $0x7  }
0xf5: {  	[tilespmem:s0+$0x108] =	vst v1  }
0xf6: {  	v1 =	vld [tilespmem:s25+$0xFFFFFFD0];
	_ =	sdelay $0x4  }
0xf7: {  	[tilespmem:s0+$0x118] =	vst v1  }
0xf8: {  	v1 =	vld [tilespmem:s25+$0xFFFFFFE0];
	_ =	sdelay $0x4  }
0xf9: {  	[tilespmem:s0+$0x128] =	vst v1  }
0xfa: {  	v1 =	vld [tilespmem:s25+$0xFFFFFFF0];
	_ =	sdelay $0x4  }
0xfb: {  	[tilespmem:s0+$0x138] =	vst v1  }
0xfc: {  	v1 =	vld [tilespmem:s25+$0x0];
	_ =	sdelay $0x4  }
0xfd: {  	[tilespmem:s0+$0x148] =	vst v1  }
0xfe: {  	v1 =	vld [tilespmem:s25+$0x10];
	_ =	sdelay $0x4  }
0xff: {  	[tilespmem:s0+$0x158] =	vst v1  }
0x100: {  	v1 =	vld [tilespmem:s25+$0x20];
	_ =	sdelay $0x4  }
0x101: {  	[tilespmem:s0+$0x168] =	vst v1  }
0x102: {  	v1 =	vld [tilespmem:s25+$0x30]  }
.Ltmp15:
0x103: {  	_ = 	snop;
	(pc) =	sbr.rel .LBB2_17-.Ltmp15, $2  }
0x104: {  	_ =	sdelay $0x2  }
0x105: {  	s28 =	sadd.s32 $0x1, s28;
	[tilespmem:s0+$0x178] =	vst v1  }
.LBB2_19:
.Ltmp16:
0x106: {  	(pc) =	sbr.rel .LBB2_20-.Ltmp16, $4  }
0x107: {  	_ = 	snop  }
0x108: {  	s0 =	simm.s32 $0x2  }
0x109: {  	_ =	swait.ge [sflag:s0], $0x0  }
0x10a: {  	s30 =	smov.u32 s29;
	[sflag:s0] =	ssyncset.done $0x0;
	s0 =	simm.s32 $0x0  }
.LBB2_22:
0x10b: {  	_ =	sfence.sel $0x180000  }
0x10c: {  	s0 =	simm.s32 $0x9;
	[bflag:$0x0] =	sbarrier.arrive $0xFFFF  }
0x10d: {  	s24 =	simm.s32 $0xA;
	[sflag:s0] =	ssyncpa.u1 $0x1  }
0x10e: {  	s25 =	simm.s32 $0xB;
	[sflag:s24] =	ssyncpa.u1 $0x1  }
0x10f: {  	s26 =	simm.s32 $0x2;
	[sflag:s25] =	ssyncpa.u1 $0x1  }
0x110: {  	[sflag:s26] =	ssyncpa.u1 $0x1  }
0x111: {  	v0 =	vld [tilespmem:$0xF208];
	_ =	sdelay $0x4  }
0x112: {  	(v2sf) =	vpush v0, $0x0  }
0x113: {  	(v2sf) =	vpush v0, $0x1;
	_ =	sdelay $0x1  }
0x114: {  	(v2sf) =	vpush v0, $0x2;
	_ =	sdelay $0xb  }
0x115: {  	s0 =	spop (v2sf)  }
0x116: {  	s2 =	spop (v2sf)  }
0x117: {  	s3 =	smov.u32 s0;
	p0 =	sne.s32 s0, s2  }
0x118: {  	s4 =	spop (v2sf);
	s3 =	simm.s32 @!p0 $0xFFFFFFFF  }
0x119: {  	v2 =	vimm.s32 $0x1;
	v3 =	vlaneseq.u32;
	p0 =	seq.s32 s4, $0xFFFFFFFF;
	v1 =	vmov s3  }
0x11a: {  	s16 =	stileid.u32;
	v0 =	vperm.xlane v0, v2;
	p1 =	sne.s32 @!p0 s0, s2;
	v1 =	vperm.xlane v1, v3  }
0x11b: {  	vm0 =	vcmask $0x3F04;
	s6 =	simm.s32 $0xF208;
	s0 =	simm.s32 @!p0 $0x1;
	p1 =	por !p1, p0  }
0x11c: {  	s3 =	sshll.u32 s16, $0x1;
	s2 =	sshll.u32 @!p0 s4, $0x9;
	s0 =	simm.s32 @p1 $0x0;
	v0 =	vsel vm0, v1, v0  }
0x11d: {  	s5 =	sor.u32 $0x1000, s3;
	s2 =	sshra.s32 @!p0 s2, $0x2;
	s0 =	sor.u32 @!p0 s0, s3;
	[tilespmem:$0xF208] =	vst v0  }
0x11e: {  	[spmem:s5] =	stream.linear.scatter [tilespmem:s6], [sflag:$0x1], $0x2, $0x38;
	[tilespmem:$0x1F6F8] =	vst v63  }
0x11f: {  	s2 =	sadd.s32 @!p0 $0x108, s2;
	s0 =	sshll.u32 @!p0 s0, $0x7  }
0x120: {  	[spmem:s0] =	stream.linear.scatter @!p0 [tilespmem:s2], [sflag:$0x1], $0x80, $0x38;
	[tilespmem:$0x1F6F8] =	vst v63  }
0x121: {  	s0 =	simm.s32 @!p0 $0x82  }
0x122: {  	s28 =	simm.s32 $0x1;
	s0 =	simm.s32 @p0 $0x2  }
0x123: {  	_ =	swait.ge [sflag:s28], s0  }
0x124: {  	s0 =	ssub.s32 $0x0, s0;
	[sflag:s28] =	ssyncset.done $0x0  }
0x125: {  	p0 =	sne.s32 s16, $0x0;
	[sflag:s28] =	ssyncadd.s32 s0  }
.Ltmp17:
0x126: {  	_ =	sfence.stream.spmem;
	(pc) =	sbr.rel @p0 .LBB2_39-.Ltmp17, $4  }
0x127: {  	s29 =	simm.s32 $0x3;
	[bflag:$0x0] =	sbarrier.arrive $0xFFFF  }
0x128: {  	s30 =	simm.s32 $0x4;
	[sflag:s29] =	ssyncpa.u1 $0x1  }
0x129: {  	s31 =	simm.s32 $0x3C;
	[sflag:s30] =	ssyncpa.u1 $0x1  }
0x12a: {  	s15 =	rddreg [dreg:$0x6];
	[sflag:s31] =	ssyncpa.u1 $0x1  }
0x12b: {  	_ =	sfence.stream.spmem;
	s0 =	simm.s32 $0x5  }
0x12c: {  	s2 =	simm.s32 $0x1000;
	s3 =	simm.s32 $0xF218;
	[sflag:s0] =	ssyncpa.u1 $0x0  }
0x12d: {  	[tilespmem:s3], [sflag:$0x5] =	stream.linear.gather [spmem:s2], $0x20, $0x38;
	[tilespmem:$0x1F6F8] =	vst v63  }
0x12e: {  	s26 =	simm.s32 $0x0;
	s28 =	simm.s32 $0xF238  }
0x12f: {  	[tilespmem:s28], [sflag:$0x5] =	stream.linear.gather [spmem:s26], $0x1000, $0x38;
	[tilespmem:$0x1F6F8] =	vst v63  }
0x130: {  	_ =	swait.ge [sflag:s0], $0x1020  }
0x131: {  	[sflag:s0] =	ssyncset.done $0x0  }
0x132: {  	s29 =	simm.s32 $0x0;
	[sflag:s0] =	ssyncadd.s32 $0xFFFFEFE0  }
0x133: {  	v0 =	vld.msk [tilespmem:s29+$0xF218], $0x1;
	_ =	sdelay $0x1  }
0x134: {  	s30 =	simm.s32 $0x1  }
0x135: {  	v1 =	vld.msk [tilespmem:s30+$0xF218], $0x1;
	_ =	sdelay $0x1  }
0x136: {  	(v2sf) =	vpush v0, $0x0;
	_ =	sdelay $0x2  }
0x137: {  	(v2sf) =	vpush v1, $0x0;
	_ =	sdelay $0x2  }
0x138: {  	s31 =	simm.s32 $0x2  }
0x139: {  	v0 =	vld.msk [tilespmem:s31+$0xF218], $0x1;
	_ =	sdelay $0x2  }
0x13a: {  	s4 =	simm.s32 $0xFFFFFFFF;
	s5 =	simm.s32 $0xFFFFFFFF;
	s0 =	simm.s32 $0xC  }
.LBB2_24:
0x13b: {  	s2 =	smov.u32 s5;
	s3 =	smov.u32 s4  }
0x13c: {  	s4 =	sshra.s32 s0, $0x2;
	p1 =	sne.s32 s0, $0x7C;
	s0 =	sadd.s32 $0x4, s0;
	(v2sf) =	vpush v0, $0x0  }
0x13d: {  	v0 =	vld.msk [tilespmem:s4+$0xF218], $0x1  }
.Ltmp18:
0x13e: {  	(pc) =	sbr.rel @p1 .LBB2_24-.Ltmp18, $4  }
0x13f: {  	s5 =	spop (v2sf)  }
0x140: {  	p2 =	sne.s32 s3, $0xFFFFFFFF;
	s4 =	smov.u32 s5  }
0x141: {  	p3 =	seq.s32 s5, $0xFFFFFFFF;
	s4 =	smov.u32 @p2 s3  }
0x142: {  	s5 =	smov.u32 @p3 s2;
	s4 =	smov.u32 @p3 s3  }
0x143: {  	(v2sf) =	vpush v0, $0x0;
	_ =	sdelay $0x8  }
0x144: {  	s0 =	spop (v2sf)  }
0x145: {  	p1 =	sne.s32 s4, $0xFFFFFFFF;
	s2 =	smov.u32 s0  }
0x146: {  	s9 =	simm.s32 $0x6;
	p2 =	seq.s32 s0, $0xFFFFFFFF;
	s2 =	smov.u32 @p1 s4  }
0x147: {  	s6 =	simm.s32 $0x0;
	s2 =	smov.u32 @p2 s4;
	s3 =	spop (v2sf)  }
0x148: {  	s0 =	smov.u32 @p2 s5;
	p1 =	sne.s32 s2, $0xFFFFFFFF;
	s4 =	smov.u32 s3  }
.Ltmp19:
0x149: {  	p2 =	seq.s32 s3, $0xFFFFFFFF;
	s4 =	smov.u32 @p1 s2;
	(pc) =	sbr.rel .LBB2_26-.Ltmp19, $4  }
0x14a: {  	s10 =	simm.s32 $0xF188;
	s4 =	smov.u32 @p2 s2;
	s7 =	spop (v2sf)  }
0x14b: {  	s11 =	simm.s32 $0x0;
	p1 =	sne.s32 s4, $0xFFFFFFFF;
	s8 =	smov.u32 s7  }
0x14c: {  	s3 =	smov.u32 @p2 s0;
	p2 =	seq.s32 s7, $0xFFFFFFFF;
	s8 =	smov.u32 @p1 s4  }
0x14d: {  	[sflag:s9] =	ssyncpa.u1 $0x0;
	s7 =	smov.u32 @p2 s3;
	s8 =	smov.u32 @p2 s4  }
.LBB2_32:
0x14e: {  	p1 =	sgt.u32 s12, $0x270F0  }
0x14f: {  	p2 =	seq.s32 @!p1 s12, s8  }
0x150: {  	p1 =	por p1, p2  }
0x151: {  	p2 =	sne.s32 @!p1 s12, s7  }
0x152: {  	p1 =	por p1, !p2  }
0x153: {  	s0 =	sshll.u32 @p1 s11, $0x9  }
0x154: {  	s0 =	sand.u32 @!p1 $0x3FFF8, s12  }
0x155: {  	s2 =	sand.u32 @!p1 $0x7, s12;
	s0 =	sadd.s32 @!p1 s1, s0  }
0x156: {  	[tilespmem:s10], [sflag:$0x6] =	stream.linear.gather @!p1 [hbm4b:s0+s2], $0x80, $0x38;
	[tilespmem:$0x1F6F8] =	vst v63  }
0x157: {  	_ =	swait.ge @!p1 [sflag:s9], $0x80  }
0x158: {  	[sflag:s9] =	ssyncset.done @!p1 $0x0  }
0x159: {  	[sflag:s9] =	ssyncadd.s32 @!p1 $0xFFFFFF80  }
0x15a: {  	v1 =	vld @!p1 [tilespmem:$0xF188];
	_ =	sdelay $0x2  }
0x15b: {  	s0 =	sshll.u32 @!p1 s11, $0x9  }
0x15c: {  	s2 =	sshrl.u32 @!p1 s0, $0x2  }
0x15d: {  	[tilespmem:s2+$0xF238] =	vst.add.f32.msk @!p1 $0xffff, v1  }
0x15e: {  	v1 =	vld @!p1 [tilespmem:$0xF198];
	_ =	sdelay $0x4  }
0x15f: {  	[tilespmem:s2+$0xF248] =	vst.add.f32.msk @!p1 $0xffff, v1  }
0x160: {  	v1 =	vld @!p1 [tilespmem:$0xF1A8];
	_ =	sdelay $0x4  }
0x161: {  	[tilespmem:s2+$0xF258] =	vst.add.f32.msk @!p1 $0xffff, v1  }
0x162: {  	v1 =	vld @!p1 [tilespmem:$0xF1B8];
	_ =	sdelay $0x4  }
0x163: {  	[tilespmem:s2+$0xF268] =	vst.add.f32.msk @!p1 $0xffff, v1  }
0x164: {  	v1 =	vld @!p1 [tilespmem:$0xF1C8];
	_ =	sdelay $0x4  }
0x165: {  	[tilespmem:s2+$0xF278] =	vst.add.f32.msk @!p1 $0xffff, v1  }
0x166: {  	v1 =	vld @!p1 [tilespmem:$0xF1D8];
	_ =	sdelay $0x4  }
0x167: {  	[tilespmem:s2+$0xF288] =	vst.add.f32.msk @!p1 $0xffff, v1  }
0x168: {  	v1 =	vld @!p1 [tilespmem:$0xF1E8];
	_ =	sdelay $0x4  }
0x169: {  	[tilespmem:s2+$0xF298] =	vst.add.f32.msk @!p1 $0xffff, v1  }
0x16a: {  	v1 =	vld @!p1 [tilespmem:$0xF1F8];
	_ =	sdelay $0x4  }
0x16b: {  	[tilespmem:s2+$0xF2A8] =	vst.add.f32.msk @!p1 $0xffff, v1  }
0x16c: {  	s0 =	sshrl.u32 s0, $0x2;
	[tilespmem:s6+$0xF218] =	vst.msk $0x1, v0  }
0x16d: {  	v0 =	vld [tilespmem:s0+$0xF238];
	_ =	sdelay $0x2  }
0x16e: {  	s31 =	sshll.u32 s6, $0x9  }
0x16f: {  	s2 =	sshra.s32 s31, $0x2  }
0x170: {  	[tilespmem:s2+$0xF238] =	vst v0  }
0x171: {  	v0 =	vld [tilespmem:s0+$0xF248];
	_ =	sdelay $0x4  }
0x172: {  	[tilespmem:s2+$0xF248] =	vst v0  }
0x173: {  	v0 =	vld [tilespmem:s0+$0xF258];
	_ =	sdelay $0x4  }
0x174: {  	[tilespmem:s2+$0xF258] =	vst v0  }
0x175: {  	v0 =	vld [tilespmem:s0+$0xF268];
	_ =	sdelay $0x4  }
0x176: {  	[tilespmem:s2+$0xF268] =	vst v0  }
0x177: {  	v0 =	vld [tilespmem:s0+$0xF278];
	_ =	sdelay $0x4  }
0x178: {  	[tilespmem:s2+$0xF278] =	vst v0  }
0x179: {  	v0 =	vld [tilespmem:s0+$0xF288];
	_ =	sdelay $0x4  }
0x17a: {  	[tilespmem:s2+$0xF288] =	vst v0  }
0x17b: {  	v0 =	vld [tilespmem:s0+$0xF298];
	_ =	sdelay $0x4  }
0x17c: {  	[tilespmem:s2+$0xF298] =	vst v0  }
0x17d: {  	v0 =	vld [tilespmem:s0+$0xF2A8];
	_ =	sdelay $0x4  }
0x17e: {  	s6 =	sadd.s32 $0x1, s6;
	[tilespmem:s2+$0xF2A8] =	vst v0  }
.LBB2_33:
0x17f: {  	s11 =	sadd.s32 $0x1, s11  }
0x180: {  	p1 =	sne.s32 s11, $0x20  }
.Ltmp20:
0x181: {  	_ = 	snop;
	(pc) =	sbr.rel @!p1 .LBB2_34-.Ltmp20, $1  }
0x182: {  	_ =	sdelay $0x3  }
.LBB2_26:
0x183: {  	v0 =	vld.msk [tilespmem:s11+$0xF218], $0x1;
	_ =	sdelay $0x4  }
0x184: {  	(v2sf) =	vpush v0, $0x0;
	_ =	sdelay $0xe  }
0x185: {  	s12 =	spop (v2sf)  }
0x186: {  	p1 =	seq.s32 s12, $0xFFFFFFFF  }
.Ltmp21:
0x187: {  	_ = 	snop;
	(pc) =	sbr.rel @p1 .LBB2_33-.Ltmp21, $1  }
0x188: {  	_ =	sdelay $0x3  }
0x189: {  	p1 =	slt.s32 s6, $0x1  }
.Ltmp22:
0x18a: {  	_ = 	snop;
	(pc) =	sbr.rel @p1 .LBB2_32-.Ltmp22, $1  }
0x18b: {  	_ =	sdelay $0x3  }
0x18c: {  	s13 =	simm.s32 $0xF218;
	p1 =	por $0x0, $0x0  }
0x18d: {  	v1 =	vld.msk @!p1 [tilespmem:s13+$0x0], $0x1;
	_ =	sdelay $0x4  }
0x18e: {  	(v2sf) =	vpush @!p1 v1, $0x0;
	_ =	sdelay $0xd  }
0x18f: {  	p3 =	sne.s32 s6, $0x1  }
.Ltmp23:
0x190: {  	s0 =	spop @!p1 (v2sf);
	(pc) =	sbr.rel @!p3 .LBB2_30-.Ltmp23, $4  }
0x191: {  	p2 =	seq.s32 @!p1 s12, s0  }
0x192: {  	s14 =	simm.s32 $0x0;
	p2 =	por !p2, p1  }
0x193: {  	s2 =	simm.s32 $0xFFFFFFFF;
	s14 =	simm.s32 @p2 $0xFFFFFFFF  }
0x194: {  	s0 =	simm.s32 $0x1;
	s14 =	smov.u32 @p1 s2  }
.LBB2_29:
0x195: {  	s2 =	smov.u32 s14;
	p1 =	sne.s32 s14, $0xFFFFFFFF  }
0x196: {  	s13 =	sadd.s32 $0x1, s13;
	s14 =	smov.u32 s0;
	s0 =	sadd.s32 $0x1, s0  }
0x197: {  	p2 =	sne.s32 s6, s0;
	v1 =	vld.msk @!p1 [tilespmem:s13+$0x0], $0x1;
	_ =	sdelay $0x4  }
0x198: {  	(v2sf) =	vpush @!p1 v1, $0x0;
	_ =	sdelay $0xe  }
.Ltmp24:
0x199: {  	s3 =	spop @!p1 (v2sf);
	(pc) =	sbr.rel @p2 .LBB2_29-.Ltmp24, $4  }
0x19a: {  	p3 =	seq.s32 @!p1 s12, s3  }
0x19b: {  	p3 =	por !p3, p1  }
0x19c: {  	s14 =	simm.s32 @p3 $0xFFFFFFFF  }
0x19d: {  	s14 =	smov.u32 @p1 s2  }
.LBB2_30:
0x19e: {  	p1 =	seq.s32 s14, $0xFFFFFFFF  }
.Ltmp25:
0x19f: {  	_ = 	snop;
	(pc) =	sbr.rel @p1 .LBB2_32-.Ltmp25, $1  }
0x1a0: {  	_ =	sdelay $0x3  }
0x1a1: {  	s0 =	sshll.u32 s11, $0x7  }
0x1a2: {  	s0 =	sand.u32 $0x3FFFFF80, s0  }
0x1a3: {  	v0 =	vld [tilespmem:s0+$0xF238];
	_ =	sdelay $0x2  }
0x1a4: {  	s2 =	sshll.u32 s14, $0x9  }
0x1a5: {  	s2 =	sshra.s32 s2, $0x2  }
0x1a6: {  	[tilespmem:s2+$0xF238] =	vst.add.f32.msk $0xffff, v0  }
0x1a7: {  	v0 =	vld [tilespmem:s0+$0xF248];
	_ =	sdelay $0x4  }
0x1a8: {  	[tilespmem:s2+$0xF248] =	vst.add.f32.msk $0xffff, v0  }
0x1a9: {  	v0 =	vld [tilespmem:s0+$0xF258];
	_ =	sdelay $0x4  }
0x1aa: {  	[tilespmem:s2+$0xF258] =	vst.add.f32.msk $0xffff, v0  }
0x1ab: {  	v0 =	vld [tilespmem:s0+$0xF268];
	_ =	sdelay $0x4  }
0x1ac: {  	[tilespmem:s2+$0xF268] =	vst.add.f32.msk $0xffff, v0  }
0x1ad: {  	v0 =	vld [tilespmem:s0+$0xF278];
	_ =	sdelay $0x4  }
0x1ae: {  	[tilespmem:s2+$0xF278] =	vst.add.f32.msk $0xffff, v0  }
0x1af: {  	v0 =	vld [tilespmem:s0+$0xF288];
	_ =	sdelay $0x4  }
0x1b0: {  	[tilespmem:s2+$0xF288] =	vst.add.f32.msk $0xffff, v0  }
0x1b1: {  	v0 =	vld [tilespmem:s0+$0xF298];
	_ =	sdelay $0x4  }
0x1b2: {  	[tilespmem:s2+$0xF298] =	vst.add.f32.msk $0xffff, v0  }
0x1b3: {  	v0 =	vld [tilespmem:s0+$0xF2A8]  }
.Ltmp26:
0x1b4: {  	_ = 	snop;
	(pc) =	sbr.rel .LBB2_33-.Ltmp26, $2  }
0x1b5: {  	_ =	sdelay $0x2  }
0x1b6: {  	[tilespmem:s2+$0xF2A8] =	vst.add.f32.msk $0xffff, v0  }
.LBB2_34:
0x1b7: {  	s0 =	simm.s32 $0x6;
	p1 =	seq.s32 s6, $0x0  }
0x1b8: {  	[sflag:s0] =	ssyncpa.u1 $0x1;
	v0 =	vimm.s32 @p1 $0xFFFFFFFF  }
0x1b9: {  	s9 =	sadd.s32 $0xFFFFFFFF, s6;
	[tilespmem:$0x10238] =	vst @p1 v0  }
0x1ba: {  	v0 =	vld.msk @!p1 [tilespmem:s9+$0xF218], $0x1;
	_ =	sdelay $0x1  }
0x1bb: {  	v1 =	vld.msk @!p1 [tilespmem:$0xF218], $0x1;
	_ =	sdelay $0x2  }
0x1bc: {  	p2 =	seq.s32 @!p1 s9, $0x0;
	v0 =	vbroadcast @!p1 v0, $0x0  }
0x1bd: {  	vm0 =	vmmov @!p1 $0x1;
	p2 =	por !p2, p1  }
0x1be: {  	v1 =	vnsel @!p1 vm0, $0xFFFFFFFF, v1;
	vm0 =	vcmask @!p1 $0x308;
	v0 =	vpsel !p2, $0xFFFFFFFF, v0  }
0x1bf: {  	p2 =	sne.s32 @!p1 s8, s7;
	v0 =	vsel @!p1 vm0, v1, v0  }
0x1c0: {  	s0 =	simm.s32 @!p1 $0xF238;
	s2 =	simm.s32 @!p1 $0x0;
	p3 =	por !p2, p1;
	[tilespmem:$0x10238] =	vst @!p1 v0  }
0x1c1: {  	[spmem:s2] =	stream.linear.scatter @!p1 [tilespmem:s0], [sflag:$0x1], $0x80, $0x38;
	[tilespmem:$0x1F6F8] =	vst v63  }
0x1c2: {  	s0 =	sshll.u32 @!p3 s9, $0x9  }
0x1c3: {  	s0 =	sshra.s32 @!p3 s0, $0x2  }
0x1c4: {  	s2 =	simm.s32 @!p3 $0x80;
	s0 =	sadd.s32 @!p3 $0xF238, s0  }
0x1c5: {  	[spmem:s2] =	stream.linear.scatter @!p3 [tilespmem:s0], [sflag:$0x1], $0x80, $0x38;
	[tilespmem:$0x1F6F8] =	vst v63  }
0x1c6: {  	s0 =	simm.s32 @!p3 $0x1  }
0x1c7: {  	_ =	swait.ge @!p3 [sflag:s0], $0x100  }
0x1c8: {  	p1 =	por p2, p1;
	[sflag:s0] =	ssyncset.done @!p3 $0x0  }
0x1c9: {  	[sflag:s0] =	ssyncadd.s32 @!p3 $0xFFFFFF00;
	s0 =	simm.s32 @!p1 $0x1  }
0x1ca: {  	_ =	swait.ge @!p1 [sflag:s0], $0x80  }
0x1cb: {  	s29 =	simm.s32 $0x10238;
	[sflag:s0] =	ssyncset.done @!p1 $0x0  }
0x1cc: {  	s30 =	simm.s32 $0x1000;
	s31 =	simm.s32 $0x1;
	[sflag:s0] =	ssyncadd.s32 @!p1 $0xFFFFFF80  }
0x1cd: {  	[spmem:s30] =	stream.linear.scatter [tilespmem:s29], [sflag:$0x1], $0x10, $0x38;
	[tilespmem:$0x1F6F8] =	vst v63  }
0x1ce: {  	_ =	swait.ge [sflag:s31], $0x10  }
0x1cf: {  	[sflag:s31] =	ssyncset.done $0x0  }
0x1d0: {  	p1 =	seq.s32 s15, $0x0;
	s8 =	rddreg [dreg:$0x3];
	[sflag:s31] =	ssyncadd.s32 $0xFFFFFFF0  }
0x1d1: {  	s2 =	sshll.u32 @p1 s8, $0xE;
	s7 =	rddreg [dreg:$0x4]  }
0x1d2: {  	s0 =	sadd.s32 @p1 $0x15C3C, s2;
	s2 =	sshll.u32 @p1 s7, $0x11  }
0x1d3: {  	_ =	sfence.stream.spmem;
	s0 =	sor.u32 @p1 s2, s0  }
0x1d4: {  	[sflag:s0] =	ssyncadd.remote.s32 @p1 $0x1;
	s0 =	simm.s32 @p1 $0x4  }
0x1d5: {  	s3 =	simm.s32 @!p1 $0x3C;
	s2 =	sand.u32 $0xFFFFFFFE, s8;
	_ =	swait.ge @p1 [sflag:s0], $0x22  }
0x1d6: {  	s4 =	simm.s32 @!p1 $0x0;
	s2 =	sadd.s32 @!p1 $0x4, s2;
	[sflag:s0] =	ssyncset.done @p1 $0x0  }
0x1d7: {  	s5 =	simm.s32 @!p1 $0x100;
	[sflag:s0] =	ssyncadd.s32 @p1 $0xFFFFFFDE;
	s0 =	sshll.u32 @!p1 s2, $0x1A  }
0x1d8: {  	s2 =	sshll.u32 @!p1 s2, $0xD;
	s0 =	sor.u32 @!p1 s0, s7;
	_ =	swait.eq @!p1 [sflag:s3], $0x1  }
0x1d9: {  	s2 =	sor.u32 @!p1 $0x1C04, s2;
	s3 =	simm.s32 @!p1 $0x1C03;
	s0 =	sor.u32 @!p1 $0x80004000, s0  }
0x1da: {  	[spmem:s5], [sflag:s2] =	dma.general @!p1 [spmem:s4], [sflag:s3], length:$0x20, [dreg:$0x0], stride_count:$0x0, ici_dest:s0, dma_misc:DstOpCode:WRITE  }
0x1db: {  	p2 =	slt.s32 s9, $0x2;
	s4 =	simm.s32 @!p1 $0x200;
	s5 =	simm.s32 @!p1 $0x202  }
0x1dc: {  	[spmem:s5], [sflag:s2] =	dma.general @!p1 [spmem:s4], [sflag:s3], length:$0x2, [dreg:$0x0], stride_count:$0x0, ici_dest:s0, dma_misc:DstOpCode:WRITE  }
.Ltmp27:
0x1dd: {  	s0 =	simm.s32 @!p1 $0x3;
	(pc) =	sbr.rel @p2 .LBB2_38-.Ltmp27, $4  }
0x1de: {  	s2 =	sshll.u32 @!p1 s8, $0xE;
	_ =	swait.ge @!p1 [sflag:s0], $0x22  }
0x1df: {  	s3 =	sshll.u32 @!p1 s7, $0x11;
	s2 =	sadd.s32 @!p1 $0x11C3C, s2;
	[sflag:s0] =	ssyncset.done @!p1 $0x0  }
0x1e0: {  	[sflag:s0] =	ssyncadd.s32 @!p1 $0xFFFFFFDE;
	s0 =	sor.u32 @!p1 s3, s2  }
0x1e1: {  	[sflag:s0] =	ssyncadd.remote.s32 @!p1 $0xFFFFFFFF;
	s0 =	simm.s32 $0x0  }
0x1e2: {  	s0 =	simm.s32 $0xF219  }
0x1e3: {  	v0 =	vld.msk [tilespmem:s0+$0x0], $0x1;
	_ =	sdelay $0x4  }
0x1e4: {  	(v2sf) =	vpush v0, $0x0;
	_ =	sdelay $0xb  }
0x1e5: {  	s31 =	sadd.s32 $0xFFFFFFFE, s6  }
0x1e6: {  	s0 =	sadd.s32 $0xFFFFFFFF, s31  }
0x1e7: {  	p2 =	sne.s32 s0, $0x0  }
.Ltmp28:
0x1e8: {  	s2 =	spop (v2sf);
	(pc) =	sbr.rel @!p2 .LBB2_37-.Ltmp28, $4  }
0x1e9: {  	s4 =	simm.s32 $0xF2B8;
	s7 =	simm.s32 $0x0;
	p1 =	sgt.u32 s2, $0x270F0  }
0x1ea: {  	s5 =	simm.s32 $0x0;
	s6 =	simm.s32 $0xF21A;
	s3 =	sand.u32 @!p1 $0x3FFF8, s2  }
0x1eb: {  	s2 =	sand.u32 @!p1 $0x7, s2;
	s7 =	simm.s32 @!p1 $0x200;
	s3 =	sadd.s32 @!p1 s1, s3  }
0x1ec: {  	[hbm4b:s3+s2] =	stream.linear.scatter @!p1 [tilespmem:s4], [sflag:$0x5], $0x80, $0x38;
	[tilespmem:$0x1F6F8] =	vst v63  }
.LBB2_36:
0x1ed: {  	v0 =	vld.msk [tilespmem:s6+$0x0], $0x1;
	s0 =	sadd.s32 $0xFFFFFFFF, s0;
	s5 =	sadd.s32 s5, s7  }
0x1ee: {  	p1 =	sne.s32 s0, $0x0;
	_ =	sdelay $0x3  }
0x1ef: {  	(v2sf) =	vpush v0, $0x0;
	_ =	sdelay $0xe  }
.Ltmp29:
0x1f0: {  	s2 =	spop (v2sf);
	(pc) =	sbr.rel @p1 .LBB2_36-.Ltmp29, $4  }
0x1f1: {  	s7 =	simm.s32 $0x0;
	p2 =	sgt.u32 s2, $0x270F0  }
0x1f2: {  	s4 =	sadd.s32 $0x80, s4;
	s7 =	simm.s32 @!p2 $0x200;
	s3 =	sand.u32 @!p2 $0x3FFF8, s2  }
0x1f3: {  	s6 =	sadd.s32 $0x1, s6;
	s2 =	sand.u32 @!p2 $0x7, s2;
	s3 =	sadd.s32 @!p2 s1, s3  }
0x1f4: {  	[hbm4b:s3+s2] =	stream.linear.scatter @!p2 [tilespmem:s4], [sflag:$0x5], $0x80, $0x38;
	[tilespmem:$0x1F6F8] =	vst v63  }
.LBB2_37:
0x1f5: {  	s0 =	sadd.s32 s5, s7  }
0x1f6: {  	s0 =	sshrl.u32 s0, $0x2  }
.LBB2_38:
0x1f7: {  	s2 =	simm.s32 $0x5  }
0x1f8: {  	_ =	swait.ge [sflag:s2], s0  }
0x1f9: {  	s31 =	ssub.s32 $0x0, s0;
	[sflag:s2] =	ssyncset.done $0x0  }
0x1fa: {  	[sflag:s2] =	ssyncadd.s32 s31  }
0x1fb: {  	[sflag:s2] =	ssyncpa.u1 $0x1  }
.LBB2_39:
0x1fc: {  	s0 =	sor.u32 s15, s16  }
0x1fd: {  	p1 =	sne.s32 s0, $0x0  }
.Ltmp30:
0x1fe: {  	_ = 	snop;
	(pc) =	sbr.rel @p1 .LBB2_54-.Ltmp30, $3  }
0x1ff: {  	_ =	sdelay $0x1  }
0x200: {  	[bflag:$0x0] =	sbarrier.arrive $0xFFFF  }
0x201: {  	_ =	sfence  }
0x202: {  	s0 =	simm.s32 $0x7  }
0x203: {  	s2 =	simm.s32 $0x1000;
	s3 =	simm.s32 $0xF218;
	[sflag:s0] =	ssyncpa.u1 $0x0  }
0x204: {  	[tilespmem:s3], [sflag:$0x7] =	stream.linear.gather [spmem:s2], $0x20, $0x38;
	[tilespmem:$0x1F6F8] =	vst v63  }
0x205: {  	s30 =	simm.s32 $0xF238;
	s2 =	simm.s32 $0x0  }
0x206: {  	[tilespmem:s30], [sflag:$0x7] =	stream.linear.gather [spmem:s2], $0x1000, $0x38;
	[tilespmem:$0x1F6F8] =	vst v63  }
.Ltmp31:
0x207: {  	_ = 	snop;
	(pc) =	sbr.rel .LBB2_41-.Ltmp31, $4  }
0x208: {  	_ =	swait.ge [sflag:s0], $0x1020  }
0x209: {  	[sflag:s0] =	ssyncset.done $0x0  }
0x20a: {  	s31 =	simm.s32 $0x8;
	[sflag:s0] =	ssyncadd.s32 $0xFFFFEFE0  }
0x20b: {  	s3 =	simm.s32 $0x0;
	[sflag:s31] =	ssyncpa.u1 $0x0  }
.LBB2_47:
0x20c: {  	p1 =	slt.u32 s4, $0x270F1  }
0x20d: {  	s0 =	sand.u32 @p1 $0x3FFF8, s4  }
0x20e: {  	s4 =	sand.u32 @p1 $0x7, s4;
	s5 =	simm.s32 @p1 $0xF188;
	s0 =	sadd.s32 @p1 s1, s0  }
0x20f: {  	[tilespmem:s5], [sflag:$0x8] =	stream.linear.gather @p1 [hbm4b:s0+s4], $0x80, $0x38;
	[tilespmem:$0x1F6F8] =	vst v63  }
0x210: {  	s0 =	simm.s32 @p1 $0x8  }
0x211: {  	_ =	swait.ge @p1 [sflag:s0], $0x80  }
0x212: {  	[sflag:s0] =	ssyncset.done @p1 $0x0  }
0x213: {  	[sflag:s0] =	ssyncadd.s32 @p1 $0xFFFFFF80  }
0x214: {  	v1 =	vld @p1 [tilespmem:$0xF188];
	_ =	sdelay $0x2  }
0x215: {  	s0 =	sshll.u32 @p1 s3, $0x9  }
0x216: {  	s4 =	sshrl.u32 @p1 s0, $0x2  }
0x217: {  	[tilespmem:s4+$0xF238] =	vst.add.f32.msk @p1 $0xffff, v1  }
0x218: {  	v1 =	vld @p1 [tilespmem:$0xF198];
	_ =	sdelay $0x4  }
0x219: {  	[tilespmem:s4+$0xF248] =	vst.add.f32.msk @p1 $0xffff, v1  }
0x21a: {  	v1 =	vld @p1 [tilespmem:$0xF1A8];
	_ =	sdelay $0x4  }
0x21b: {  	[tilespmem:s4+$0xF258] =	vst.add.f32.msk @p1 $0xffff, v1  }
0x21c: {  	v1 =	vld @p1 [tilespmem:$0xF1B8];
	_ =	sdelay $0x4  }
0x21d: {  	[tilespmem:s4+$0xF268] =	vst.add.f32.msk @p1 $0xffff, v1  }
0x21e: {  	v1 =	vld @p1 [tilespmem:$0xF1C8];
	_ =	sdelay $0x4  }
0x21f: {  	[tilespmem:s4+$0xF278] =	vst.add.f32.msk @p1 $0xffff, v1  }
0x220: {  	v1 =	vld @p1 [tilespmem:$0xF1D8];
	_ =	sdelay $0x4  }
0x221: {  	[tilespmem:s4+$0xF288] =	vst.add.f32.msk @p1 $0xffff, v1  }
0x222: {  	v1 =	vld @p1 [tilespmem:$0xF1E8];
	_ =	sdelay $0x4  }
0x223: {  	[tilespmem:s4+$0xF298] =	vst.add.f32.msk @p1 $0xffff, v1  }
0x224: {  	v1 =	vld @p1 [tilespmem:$0xF1F8];
	_ =	sdelay $0x3  }
0x225: {  	s5 =	sshll.u32 @!p1 s3, $0x9  }
0x226: {  	s5 =	smov.u32 @p1 s0;
	[tilespmem:s4+$0xF2A8] =	vst.add.f32.msk @p1 $0xffff, v1  }
0x227: {  	s0 =	sshrl.u32 s5, $0x2;
	[tilespmem:s2+$0xF218] =	vst.msk $0x1, v0  }
0x228: {  	v0 =	vld [tilespmem:s0+$0xF238];
	_ =	sdelay $0x2  }
0x229: {  	s31 =	sshll.u32 s2, $0x9  }
0x22a: {  	s4 =	sshra.s32 s31, $0x2  }
0x22b: {  	[tilespmem:s4+$0xF238] =	vst v0  }
0x22c: {  	v0 =	vld [tilespmem:s0+$0xF248];
	_ =	sdelay $0x4  }
0x22d: {  	[tilespmem:s4+$0xF248] =	vst v0  }
0x22e: {  	v0 =	vld [tilespmem:s0+$0xF258];
	_ =	sdelay $0x4  }
0x22f: {  	[tilespmem:s4+$0xF258] =	vst v0  }
0x230: {  	v0 =	vld [tilespmem:s0+$0xF268];
	_ =	sdelay $0x4  }
0x231: {  	[tilespmem:s4+$0xF268] =	vst v0  }
0x232: {  	v0 =	vld [tilespmem:s0+$0xF278];
	_ =	sdelay $0x4  }
0x233: {  	[tilespmem:s4+$0xF278] =	vst v0  }
0x234: {  	v0 =	vld [tilespmem:s0+$0xF288];
	_ =	sdelay $0x4  }
0x235: {  	[tilespmem:s4+$0xF288] =	vst v0  }
0x236: {  	v0 =	vld [tilespmem:s0+$0xF298];
	_ =	sdelay $0x4  }
0x237: {  	[tilespmem:s4+$0xF298] =	vst v0  }
0x238: {  	v0 =	vld [tilespmem:s0+$0xF2A8];
	_ =	sdelay $0x4  }
0x239: {  	s2 =	sadd.s32 $0x1, s2;
	[tilespmem:s4+$0xF2A8] =	vst v0  }
.LBB2_48:
0x23a: {  	s3 =	sadd.s32 $0x1, s3  }
0x23b: {  	p1 =	sne.s32 s3, $0x20  }
.Ltmp32:
0x23c: {  	_ = 	snop;
	(pc) =	sbr.rel @!p1 .LBB2_49-.Ltmp32, $1  }
0x23d: {  	_ =	sdelay $0x3  }
.LBB2_41:
0x23e: {  	v0 =	vld.msk [tilespmem:s3+$0xF218], $0x1;
	_ =	sdelay $0x4  }
0x23f: {  	(v2sf) =	vpush v0, $0x0;
	_ =	sdelay $0xe  }
0x240: {  	s4 =	spop (v2sf)  }
0x241: {  	p1 =	seq.s32 s4, $0xFFFFFFFF  }
.Ltmp33:
0x242: {  	_ = 	snop;
	(pc) =	sbr.rel @p1 .LBB2_48-.Ltmp33, $1  }
0x243: {  	_ =	sdelay $0x3  }
0x244: {  	p1 =	slt.s32 s2, $0x1  }
.Ltmp34:
0x245: {  	_ = 	snop;
	(pc) =	sbr.rel @p1 .LBB2_47-.Ltmp34, $1  }
0x246: {  	_ =	sdelay $0x3  }
0x247: {  	s5 =	simm.s32 $0xF218;
	p1 =	por $0x0, $0x0  }
0x248: {  	v1 =	vld.msk @!p1 [tilespmem:s5+$0x0], $0x1;
	_ =	sdelay $0x4  }
0x249: {  	(v2sf) =	vpush @!p1 v1, $0x0;
	_ =	sdelay $0xd  }
0x24a: {  	p3 =	sne.s32 s2, $0x1  }
.Ltmp35:
0x24b: {  	s0 =	spop @!p1 (v2sf);
	(pc) =	sbr.rel @!p3 .LBB2_45-.Ltmp35, $4  }
0x24c: {  	p2 =	seq.s32 @!p1 s4, s0  }
0x24d: {  	s6 =	simm.s32 $0x0;
	p2 =	por !p2, p1  }
0x24e: {  	s7 =	simm.s32 $0xFFFFFFFF;
	s6 =	simm.s32 @p2 $0xFFFFFFFF  }
0x24f: {  	s0 =	simm.s32 $0x1;
	s6 =	smov.u32 @p1 s7  }
.LBB2_44:
0x250: {  	s7 =	smov.u32 s6;
	p1 =	sne.s32 s6, $0xFFFFFFFF  }
0x251: {  	s5 =	sadd.s32 $0x1, s5;
	s6 =	smov.u32 s0;
	s0 =	sadd.s32 $0x1, s0  }
0x252: {  	p2 =	sne.s32 s2, s0;
	v1 =	vld.msk @!p1 [tilespmem:s5+$0x0], $0x1;
	_ =	sdelay $0x4  }
0x253: {  	(v2sf) =	vpush @!p1 v1, $0x0;
	_ =	sdelay $0xe  }
.Ltmp36:
0x254: {  	s8 =	spop @!p1 (v2sf);
	(pc) =	sbr.rel @p2 .LBB2_44-.Ltmp36, $4  }
0x255: {  	p3 =	seq.s32 @!p1 s4, s8  }
0x256: {  	p3 =	por !p3, p1  }
0x257: {  	s6 =	simm.s32 @p3 $0xFFFFFFFF  }
0x258: {  	s6 =	smov.u32 @p1 s7  }
.LBB2_45:
0x259: {  	p1 =	seq.s32 s6, $0xFFFFFFFF  }
.Ltmp37:
0x25a: {  	_ = 	snop;
	(pc) =	sbr.rel @p1 .LBB2_47-.Ltmp37, $1  }
0x25b: {  	_ =	sdelay $0x3  }
0x25c: {  	s0 =	sshll.u32 s3, $0x7  }
0x25d: {  	s0 =	sand.u32 $0x3FFFFF80, s0  }
0x25e: {  	v0 =	vld [tilespmem:s0+$0xF238];
	_ =	sdelay $0x2  }
0x25f: {  	s4 =	sshll.u32 s6, $0x9  }
0x260: {  	s4 =	sshra.s32 s4, $0x2  }
0x261: {  	[tilespmem:s4+$0xF238] =	vst.add.f32.msk $0xffff, v0  }
0x262: {  	v0 =	vld [tilespmem:s0+$0xF248];
	_ =	sdelay $0x4  }
0x263: {  	[tilespmem:s4+$0xF248] =	vst.add.f32.msk $0xffff, v0  }
0x264: {  	v0 =	vld [tilespmem:s0+$0xF258];
	_ =	sdelay $0x4  }
0x265: {  	[tilespmem:s4+$0xF258] =	vst.add.f32.msk $0xffff, v0  }
0x266: {  	v0 =	vld [tilespmem:s0+$0xF268];
	_ =	sdelay $0x4  }
0x267: {  	[tilespmem:s4+$0xF268] =	vst.add.f32.msk $0xffff, v0  }
0x268: {  	v0 =	vld [tilespmem:s0+$0xF278];
	_ =	sdelay $0x4  }
0x269: {  	[tilespmem:s4+$0xF278] =	vst.add.f32.msk $0xffff, v0  }
0x26a: {  	v0 =	vld [tilespmem:s0+$0xF288];
	_ =	sdelay $0x4  }
0x26b: {  	[tilespmem:s4+$0xF288] =	vst.add.f32.msk $0xffff, v0  }
0x26c: {  	v0 =	vld [tilespmem:s0+$0xF298];
	_ =	sdelay $0x4  }
0x26d: {  	[tilespmem:s4+$0xF298] =	vst.add.f32.msk $0xffff, v0  }
0x26e: {  	v0 =	vld [tilespmem:s0+$0xF2A8]  }
.Ltmp38:
0x26f: {  	_ = 	snop;
	(pc) =	sbr.rel .LBB2_48-.Ltmp38, $2  }
0x270: {  	_ =	sdelay $0x2  }
0x271: {  	[tilespmem:s4+$0xF2A8] =	vst.add.f32.msk $0xffff, v0  }
.LBB2_49:
0x272: {  	p1 =	slt.s32 s2, $0x1  }
.Ltmp39:
0x273: {  	_ = 	snop;
	(pc) =	sbr.rel @p1 .LBB2_53-.Ltmp39, $3  }
0x274: {  	_ =	sdelay $0x1  }
0x275: {  	s0 =	simm.s32 $0x8  }
0x276: {  	s3 =	simm.s32 $0x0;
	[sflag:s0] =	ssyncpa.u1 $0x1  }
0x277: {  	s0 =	simm.s32 $0xF218  }
0x278: {  	v0 =	vld.msk [tilespmem:s0+$0x0], $0x1;
	_ =	sdelay $0x4  }
0x279: {  	(v2sf) =	vpush v0, $0x0;
	_ =	sdelay $0xe  }
0x27a: {  	s0 =	sadd.s32 $0xFFFFFFFF, s2;
	s5 =	spop (v2sf)  }
0x27b: {  	p2 =	sne.s32 s0, $0x0;
	p1 =	sgt.u32 s5, $0x270F0  }
.Ltmp40:
0x27c: {  	s6 =	sand.u32 @!p1 $0x3FFF8, s5;
	(pc) =	sbr.rel @!p2 .LBB2_52-.Ltmp40, $4  }
0x27d: {  	s4 =	simm.s32 $0xF238;
	s5 =	sand.u32 @!p1 $0x7, s5;
	s2 =	sadd.s32 @!p1 s1, s6  }
0x27e: {  	[hbm4b:s2+s5] =	stream.linear.scatter @!p1 [tilespmem:s4], [sflag:$0x7], $0x80, $0x38;
	[tilespmem:$0x1F6F8] =	vst v63  }
0x27f: {  	s5 =	simm.s32 $0x0  }
0x280: {  	s2 =	simm.s32 $0xF219;
	s5 =	simm.s32 @!p1 $0x200  }
.LBB2_51:
0x281: {  	v0 =	vld.msk [tilespmem:s2+$0x0], $0x1;
	s0 =	sadd.s32 $0xFFFFFFFF, s0;
	s3 =	sadd.s32 s3, s5  }
0x282: {  	p1 =	sne.s32 s0, $0x0;
	_ =	sdelay $0x3  }
0x283: {  	(v2sf) =	vpush v0, $0x0;
	_ =	sdelay $0xe  }
.Ltmp41:
0x284: {  	s6 =	spop (v2sf);
	(pc) =	sbr.rel @p1 .LBB2_51-.Ltmp41, $4  }
0x285: {  	s5 =	simm.s32 $0x0;
	p2 =	sgt.u32 s6, $0x270F0  }
0x286: {  	s4 =	sadd.s32 $0x80, s4;
	s5 =	simm.s32 @!p2 $0x200;
	s7 =	sand.u32 @!p2 $0x3FFF8, s6  }
0x287: {  	s2 =	sadd.s32 $0x1, s2;
	s6 =	sand.u32 @!p2 $0x7, s6;
	s7 =	sadd.s32 @!p2 s1, s7  }
0x288: {  	[hbm4b:s7+s6] =	stream.linear.scatter @!p2 [tilespmem:s4], [sflag:$0x7], $0x80, $0x38;
	[tilespmem:$0x1F6F8] =	vst v63  }
.LBB2_52:
0x289: {  	s0 =	sadd.s32 s3, s5  }
0x28a: {  	s3 =	sshrl.u32 s0, $0x2  }
.LBB2_53:
0x28b: {  	s0 =	simm.s32 $0x7  }
0x28c: {  	_ =	swait.ge [sflag:s0], s3  }
0x28d: {  	s1 =	ssub.s32 $0x0, s3;
	[sflag:s0] =	ssyncset.done $0x0  }
0x28e: {  	[sflag:s0] =	ssyncadd.s32 s1  }
0x28f: {  	[sflag:s0] =	ssyncpa.u1 $0x1  }
.LBB2_54:
0x290: {  	_ =	sfence;
	s0 =	simm.s32 $0x1  }
0x291: {  	[sflag:s0] =	ssyncpa.u1 $0x1  }
0x292: {  	_ =	strace $0x9000004D  }
0x293: {  	[bflag:$0x2] =	sbarrier.arrive $0xFFFF  }
0x294: {  	s0 =	rddreg [dreg:$0x5]  }
0x295: {  	s0 =	sadd.s32 @!p0 $0x100000, s0  }
0x296: {  	[sflag:s0] =	ssyncadd.tile.s32 @!p0 $0x1;
	_ =	shalt  }
.Lfunc_end2:
_tile_overlayer_lowered:
.L_overlay_start_2:
0x297: {  	(tag) =	ssettag $0x2  }
0x298: {  	s0 =	rddreg [dreg:$0x0];
	s2 =	stileid.u32  }
0x299: {  	s1 =	rddreg [dreg:$0x1];
	p0 =	sne.s32 s2, $0x0  }
0x29a: {  	s3 =	rddreg [dreg:$0x2];
	[bflag:$0x3] =	sbarrier.arrive $0xFFFF;
	s2 =	simm.s32 @!p0 $0x1C01  }
0x29b: {  	[timem:s3], [sflag:s2] =	dma.local @!p0 [hbm:s0], s1  }
0x29c: {  	s0 =	simm.s32 @!p0 $0x1  }
0x29d: {  	_ =	swait.ge @!p0 [sflag:s0], s1  }
0x29e: {  	s1 =	ssub.s32 @!p0 $0x0, s1;
	[sflag:s0] =	ssyncset.done @!p0 $0x0  }
0x29f: {  	[sflag:s0] =	ssyncadd.s32 @!p0 s1  }
0x2a0: {  	[bflag:$0x3] =	sbarrier.arrive $0xFFFF  }
0x2a1: {  	_ =	shalt  }

</sc_bundles>
